<compile_context>
chip_gen: v7x
topology: tpu7x:2x2x1
jax: 0.10.2.dev20260603
libtpu: 0.0.44.dev20260713+nightly
codegen_flags: <defaults>
</compile_context>

<pallas_src>
import jax
import jax.numpy as jnp
from jax import lax
from jax.experimental import pallas as pl
from jax.experimental.pallas import tpu as pltpu
from jax.experimental.pallas import tpu_sc as plsc

VOCAB = 1000000
EMBED_DIM = 64
MAX_SEQ_LEN = 200
SEQ_LEN = 200
BATCH = 4096

NC = 2
NS = 16
NW = NC * NS
L = 16
NV = EMBED_DIM // L
NT = EMBED_DIM // 8

SEQ_PER_W = BATCH // NW
SB = 2
OB_PITCH = 133
CHUNK = SB * SEQ_PER_W
N_CHUNKS = SEQ_LEN // SB

_EPS = 1e-5
_INV_D = 1.0 / EMBED_DIM

_GDN = lax.GatherDimensionNumbers(
    offset_dims=(), collapsed_slice_dims=(0,), start_index_map=(0,))


def _permute(v, perm):
    return lax.gather(v, perm[:, None], _GDN, (1,),
                      mode=lax.GatherScatterMode.PROMISE_IN_BOUNDS)


def _allsum(v, perms):
    for p in perms:
        v = v + _permute(v, p)
    return v


def _rsqrt(a):
    i = plsc.bitcast(a, jnp.int32)
    i = 0x5F3759DF - lax.shift_right_logical(i, 1)
    y = plsc.bitcast(i, jnp.float32)
    half_a = 0.5 * a
    for _ in range(2):
        y = y * (1.5 - half_a * y * y)
    return y


def _body(x_hbm, table_hbm, pos_hbm, gamma_hbm, beta_hbm, out_hbm,
          idx_v, idx_t, ib0, ib1, ob0, ob1, pb0, pb1, gb_v,
          gsem0, gsem1, wsem0, wsem1):
    wid = lax.axis_index("s") * NC + lax.axis_index("c")
    base_seq = wid * SEQ_PER_W

    pltpu.sync_copy(x_hbm.at[pl.ds(base_seq, SEQ_PER_W)], idx_v)
    pltpu.sync_copy(gamma_hbm, gb_v.at[0])
    pltpu.sync_copy(beta_hbm, gb_v.at[1])

    lanes = lax.iota(jnp.int32, L)
    perms = [lax.bitwise_xor(lanes, jnp.int32(1 << i)) for i in range(4)]
    g = [gb_v[0, pl.ds(i * L, L)] for i in range(NV)]
    b = [gb_v[1, pl.ds(i * L, L)] for i in range(NV)]
    sub_v = lax.bitwise_and(lanes, jnp.int32(7))
    td_v = [lax.shift_right_logical(lanes, 3) + jnp.int32(2 * i)
            for i in range(NV)]

    def tr_body(s, carry):
        for gi in range(SEQ_PER_W // L):
            col = lax.broadcast(s, (L,))
            v = plsc.load_gather(idx_v, [lanes + jnp.int32(gi * L), col])
            idx_t[s, pl.ds(gi * L, L)] = v
        return carry

    lax.fori_loop(0, SEQ_LEN, tr_body, 0)

    def fire_gather(k, ib, pb, gsem):
        s0 = k * SB
        for si in range(SB):
            pltpu.async_copy(table_hbm.at[idx_t.at[s0 + si]],
                             ib.at[pl.ds(si * SEQ_PER_W, SEQ_PER_W)], gsem)
        pltpu.async_copy(pos_hbm.at[0, pl.ds(s0, SB)], pb, gsem)

    def wait_gather(ib, pb, gsem):
        pltpu.make_async_copy(table_hbm.at[pl.ds(0, CHUNK)], ib, gsem).wait()
        pltpu.make_async_copy(pos_hbm.at[0, pl.ds(0, SB)], pb, gsem).wait()

    def fire_write(k, ob, wsem):
        pltpu.async_copy(ob.at[:, :, :, pl.ds(0, SEQ_PER_W)],
                         out_hbm.at[pl.ds(k * SB, SB), :, wid], wsem)

    def wait_write(ob, wsem):
        pltpu.make_async_copy(ob.at[:, :, :, pl.ds(0, SEQ_PER_W)],
                              out_hbm.at[pl.ds(0, SB), :, wid],
                              wsem).wait()

    def compute(ib, ob, pb):
        def row(r):
            sl = lax.shift_right_logical(r, 7)
            bl = lax.bitwise_and(r, jnp.int32(SEQ_PER_W - 1))
            sl_v = lax.broadcast(sl, (L,))
            bl_v = lax.broadcast(bl, (L,))
            h = [ib[r, pl.ds(i * L, L)] + pb[sl, pl.ds(i * L, L)]
                 for i in range(NV)]
            tot = (h[0] + h[1]) + (h[2] + h[3])
            sq = (h[0] * h[0] + h[1] * h[1]) + (h[2] * h[2] + h[3] * h[3])
            mean = _allsum(tot, perms) * _INV_D
            var = _allsum(sq, perms) * _INV_D - mean * mean
            rstd = _rsqrt(var + _EPS)
            off = mean * rstd
            for i in range(NV):
                res = (h[i] * rstd - off) * g[i] + b[i]
                plsc.store_scatter(ob, [sl_v, td_v[i], sub_v, bl_v], res)

        plsc.parallel_loop(0, CHUNK, unroll=8)(row)

    fire_gather(0, ib0, pb0, gsem0)
    fire_gather(1, ib1, pb1, gsem1)

    wait_gather(ib0, pb0, gsem0)
    compute(ib0, ob0, pb0)
    fire_write(0, ob0, wsem0)
    fire_gather(2, ib0, pb0, gsem0)

    wait_gather(ib1, pb1, gsem1)
    compute(ib1, ob1, pb1)
    fire_write(1, ob1, wsem1)
    fire_gather(3, ib1, pb1, gsem1)

    def pair_body(j, carry):
        k0 = 2 * j + 2
        wait_gather(ib0, pb0, gsem0)
        wait_write(ob0, wsem0)
        compute(ib0, ob0, pb0)
        fire_write(k0, ob0, wsem0)
        fire_gather(k0 + 2, ib0, pb0, gsem0)
        wait_gather(ib1, pb1, gsem1)
        wait_write(ob1, wsem1)
        compute(ib1, ob1, pb1)
        fire_write(k0 + 1, ob1, wsem1)
        fire_gather(k0 + 3, ib1, pb1, gsem1)
        return carry

    lax.fori_loop(0, (N_CHUNKS - 4) // 2, pair_body, 0)

    wait_gather(ib0, pb0, gsem0)
    wait_write(ob0, wsem0)
    compute(ib0, ob0, pb0)
    fire_write(N_CHUNKS - 2, ob0, wsem0)
    wait_gather(ib1, pb1, gsem1)
    wait_write(ob1, wsem1)
    compute(ib1, ob1, pb1)
    fire_write(N_CHUNKS - 1, ob1, wsem1)

    wait_write(ob0, wsem0)
    wait_write(ob1, wsem1)


@jax.jit
def _run(x, table, pos, gamma, beta):
    mesh = plsc.VectorSubcoreMesh(core_axis_name="c", subcore_axis_name="s",
                                  num_cores=NC, num_subcores=NS)
    f = pl.kernel(
        _body,
        out_type=jax.ShapeDtypeStruct((SEQ_LEN, NT, NW, 8, SEQ_PER_W),
                                      jnp.float32),
        mesh=mesh,
        compiler_params=pltpu.CompilerParams(needs_layout_passes=False,
                                             use_tc_tiling_on_sc=False),
        scratch_types=[
            pltpu.VMEM((SEQ_PER_W, SEQ_LEN), jnp.int32),
            pltpu.VMEM((SEQ_LEN, SEQ_PER_W), jnp.int32),
            pltpu.VMEM((CHUNK, EMBED_DIM), jnp.float32),
            pltpu.VMEM((CHUNK, EMBED_DIM), jnp.float32),
            pltpu.VMEM((SB, NT, 8, OB_PITCH), jnp.float32),
            pltpu.VMEM((SB, NT, 8, OB_PITCH), jnp.float32),
            pltpu.VMEM((SB, EMBED_DIM), jnp.float32),
            pltpu.VMEM((SB, EMBED_DIM), jnp.float32),
            pltpu.VMEM((2, EMBED_DIM), jnp.float32),
            pltpu.SemaphoreType.DMA,
            pltpu.SemaphoreType.DMA,
            pltpu.SemaphoreType.DMA,
            pltpu.SemaphoreType.DMA,
        ],
    )
    return f(x, table, pos, gamma, beta)


def kernel(x, token_table, pos_embed, gamma, beta):
    out5 = _run(x, token_table, pos_embed, gamma, beta)
    return out5.transpose(2, 4, 0, 1, 3).reshape(BATCH, SEQ_LEN, EMBED_DIM)

# --- scband reference (transcript-rebuilt; emitter-appended) ---
"""Pipeline reference for scband-token-embedding-38388417691793 (READ-ONLY COPY).

The authoritative reference and input builder live on the scoring server;
editing this copy changes nothing except your own understanding.
"""

import jax, jax.numpy as jnp
import numpy as np

VOCAB = 1000000
EMBED_DIM = 64
MAX_SEQ_LEN = 200
BATCH = 4096
SEQ_LEN = 200


def setup_inputs(seed: int = 0) -> dict:
    key = jax.random.key(seed)
    k1, k2, k3 = jax.random.split(key, 3)
    x = jax.random.randint(k1, (BATCH, SEQ_LEN), 0, VOCAB, dtype=jnp.int64 if jax.config.jax_enable_x64 else jnp.int32).astype(jnp.int32)
    token_table = jax.random.normal(k2, (VOCAB, EMBED_DIM), dtype=jnp.float32)
    pos_embed = jax.random.normal(k3, (1, MAX_SEQ_LEN, EMBED_DIM), dtype=jnp.float32) * 0.02
    gamma = jnp.ones((EMBED_DIM,), dtype=jnp.float32)
    beta = jnp.zeros((EMBED_DIM,), dtype=jnp.float32)
    return {"x": x, "token_table": token_table, "pos_embed": pos_embed, "gamma": gamma, "beta": beta}


def _layernorm(h, gamma, beta, eps=1e-5):
    mean = jnp.mean(h, axis=-1, keepdims=True)
    var = jnp.var(h, axis=-1, keepdims=True)
    return (h - mean) / jnp.sqrt(var + eps) * gamma + beta


def reference(x, token_table, pos_embed, gamma, beta):
    seq_len = x.shape[1]
    token_emb = jnp.take(token_table, x, axis=0)  # (B, S, D) gather
    pos = pos_embed[:, :seq_len, :]
    h = token_emb + pos
    return _layernorm(h, gamma, beta)

if __name__ == "__main__":
    import jax
    _d = setup_inputs()
    print(jax.jit(kernel)(*tuple(_d.values())))

</pallas_src>

<mosaic_0001>
#map = affine_map<(d0, d1) -> (0, 0)>
#map1 = affine_map<(d0, d1) -> (0, 0, 0)>
#map2 = affine_map<(d0, d1) -> (0)>
#map3 = affine_map<(d0, d1) -> (0, 0, 0, 0, 0)>
module attributes {stable_mosaic.version = 14 : i64} {
  func.func @_body(%arg0: i32, %arg1: i32, %arg2: memref<4096x200xi32, #tpu.memory_space<hbm>>, %arg3: memref<1000000x64xf32, #tpu.memory_space<hbm>>, %arg4: memref<1x200x64xf32, #tpu.memory_space<hbm>>, %arg5: memref<64xf32, #tpu.memory_space<hbm>>, %arg6: memref<64xf32, #tpu.memory_space<hbm>>, %arg7: memref<200x8x32x8x128xf32, #tpu.memory_space<hbm>>, %arg8: memref<128x200xi32, #tpu.memory_space<vmem>>, %arg9: memref<200x128xi32, #tpu.memory_space<vmem>>, %arg10: memref<256x64xf32, #tpu.memory_space<vmem>>, %arg11: memref<256x64xf32, #tpu.memory_space<vmem>>, %arg12: memref<2x8x8x133xf32, #tpu.memory_space<vmem>>, %arg13: memref<2x8x8x133xf32, #tpu.memory_space<vmem>>, %arg14: memref<2x64xf32, #tpu.memory_space<vmem>>, %arg15: memref<2x64xf32, #tpu.memory_space<vmem>>, %arg16: memref<2x64xf32, #tpu.memory_space<vmem>>, %arg17: memref<!tpu.dma_semaphore, #tpu.memory_space<semaphore_mem>>, %arg18: memref<!tpu.dma_semaphore, #tpu.memory_space<semaphore_mem>>, %arg19: memref<!tpu.dma_semaphore, #tpu.memory_space<semaphore_mem>>, %arg20: memref<!tpu.dma_semaphore, #tpu.memory_space<semaphore_mem>>) attributes {dimension_semantics = [#tpu.dimension_semantics<core_parallel>, #tpu.dimension_semantics<subcore_parallel>], iteration_bounds = array<i64: 2, 16>, scalar_prefetch = 0 : i64, scratch_operands = 13 : i64, tpu.core_type = #tpu.core_type<sc_vector_subcore>, window_params = [{transform_indices = #map}, {transform_indices = #map}, {transform_indices = #map1}, {transform_indices = #map2}, {transform_indices = #map2}, {transform_indices = #map3}]} {
    %mul3A = arith.constant 2 : i32
    %mul3A_0 = arith.muli %arg1, %mul3A : i32
    %add3A = arith.addi %mul3A_0, %arg0 : i32
    %mul3A_1 = arith.constant 128 : i32
    %mul3A_2 = arith.muli %add3A, %mul3A_1 : i32
    "tpu.region"() ({
      %run_scoped3A_443 = tpu.sem_alloc : memref<!tpu.dma_semaphore, #tpu.memory_space<semaphore_mem>>
      %dma_start3A_444 = arith.constant 0 : i32
      %dma_start3A_445 = tpu.memref_slice %arg2[%mul3A_2, %dma_start3A_444] : memref<4096x200xi32, #tpu.memory_space<hbm>> -> memref<128x200xi32, #tpu.memory_space<hbm>>
      %dma_start3A_446 = arith.constant 0 : i32
      %dma_start3A_447 = tpu.memref_slice %arg2[%mul3A_2, %dma_start3A_446] : memref<4096x200xi32, #tpu.memory_space<hbm>> -> memref<128x200xi32, #tpu.memory_space<hbm>>
      tpu.enqueue_dma source(%dma_start3A_447 : memref<128x200xi32, #tpu.memory_space<hbm>>) target(%arg8 : memref<128x200xi32, #tpu.memory_space<vmem>>) target_semaphore(%run_scoped3A_443 : memref<!tpu.dma_semaphore, #tpu.memory_space<semaphore_mem>>)
      %dma_wait3A_448 = arith.constant 0 : i32
      %dma_wait3A_449 = tpu.memref_slice %arg2[%mul3A_2, %dma_wait3A_448] : memref<4096x200xi32, #tpu.memory_space<hbm>> -> memref<128x200xi32, #tpu.memory_space<hbm>>
      %dma_wait3A_450 = arith.constant 0 : i32
      %dma_wait3A_451 = tpu.memref_slice %arg2[%mul3A_2, %dma_wait3A_450] : memref<4096x200xi32, #tpu.memory_space<hbm>> -> memref<128x200xi32, #tpu.memory_space<hbm>>
      tpu.wait_dma2 semaphore(%run_scoped3A_443 : memref<!tpu.dma_semaphore, #tpu.memory_space<semaphore_mem>>) src(%dma_wait3A_451 : memref<128x200xi32, #tpu.memory_space<hbm>>) dst(%arg8 : memref<128x200xi32, #tpu.memory_space<vmem>>)
      tpu.yield
    }) : () -> ()
    %run_scoped3A = arith.constant 0 : i32
    "tpu.region"() ({
      %run_scoped3A_443 = tpu.sem_alloc : memref<!tpu.dma_semaphore, #tpu.memory_space<semaphore_mem>>
      %dma_start3A_444 = arith.constant 0 : i32
      %dma_start3A_445 = tpu.memref_slice %arg16[%run_scoped3A, %dma_start3A_444] : memref<2x64xf32, #tpu.memory_space<vmem>> -> memref<1x64xf32, #tpu.memory_space<vmem>>
      %dma_start3A_446 = tpu.memref_squeeze %dma_start3A_445 : memref<1x64xf32, #tpu.memory_space<vmem>> -> memref<64xf32, #tpu.memory_space<vmem>>
      %dma_start3A_447 = arith.constant 0 : i32
      %dma_start3A_448 = tpu.memref_slice %arg16[%run_scoped3A, %dma_start3A_447] : memref<2x64xf32, #tpu.memory_space<vmem>> -> memref<1x64xf32, #tpu.memory_space<vmem>>
      %dma_start3A_449 = tpu.memref_squeeze %dma_start3A_448 : memref<1x64xf32, #tpu.memory_space<vmem>> -> memref<64xf32, #tpu.memory_space<vmem>>
      tpu.enqueue_dma source(%arg5 : memref<64xf32, #tpu.memory_space<hbm>>) target(%dma_start3A_449 : memref<64xf32, #tpu.memory_space<vmem>>) target_semaphore(%run_scoped3A_443 : memref<!tpu.dma_semaphore, #tpu.memory_space<semaphore_mem>>)
      %dma_wait3A_450 = arith.constant 0 : i32
      %dma_wait3A_451 = tpu.memref_slice %arg16[%run_scoped3A, %dma_wait3A_450] : memref<2x64xf32, #tpu.memory_space<vmem>> -> memref<1x64xf32, #tpu.memory_space<vmem>>
      %dma_wait3A_452 = tpu.memref_squeeze %dma_wait3A_451 : memref<1x64xf32, #tpu.memory_space<vmem>> -> memref<64xf32, #tpu.memory_space<vmem>>
      %dma_wait3A_453 = arith.constant 0 : i32
      %dma_wait3A_454 = tpu.memref_slice %arg16[%run_scoped3A, %dma_wait3A_453] : memref<2x64xf32, #tpu.memory_space<vmem>> -> memref<1x64xf32, #tpu.memory_space<vmem>>
      %dma_wait3A_455 = tpu.memref_squeeze %dma_wait3A_454 : memref<1x64xf32, #tpu.memory_space<vmem>> -> memref<64xf32, #tpu.memory_space<vmem>>
      tpu.wait_dma2 semaphore(%run_scoped3A_443 : memref<!tpu.dma_semaphore, #tpu.memory_space<semaphore_mem>>) src(%arg5 : memref<64xf32, #tpu.memory_space<hbm>>) dst(%dma_wait3A_455 : memref<64xf32, #tpu.memory_space<vmem>>)
      tpu.yield
    }) : () -> ()
    %run_scoped3A_3 = arith.constant 1 : i32
    "tpu.region"() ({
      %run_scoped3A_443 = tpu.sem_alloc : memref<!tpu.dma_semaphore, #tpu.memory_space<semaphore_mem>>
      %dma_start3A_444 = arith.constant 0 : i32
      %dma_start3A_445 = tpu.memref_slice %arg16[%run_scoped3A_3, %dma_start3A_444] : memref<2x64xf32, #tpu.memory_space<vmem>> -> memref<1x64xf32, #tpu.memory_space<vmem>>
      %dma_start3A_446 = tpu.memref_squeeze %dma_start3A_445 : memref<1x64xf32, #tpu.memory_space<vmem>> -> memref<64xf32, #tpu.memory_space<vmem>>
      %dma_start3A_447 = arith.constant 0 : i32
      %dma_start3A_448 = tpu.memref_slice %arg16[%run_scoped3A_3, %dma_start3A_447] : memref<2x64xf32, #tpu.memory_space<vmem>> -> memref<1x64xf32, #tpu.memory_space<vmem>>
      %dma_start3A_449 = tpu.memref_squeeze %dma_start3A_448 : memref<1x64xf32, #tpu.memory_space<vmem>> -> memref<64xf32, #tpu.memory_space<vmem>>
      tpu.enqueue_dma source(%arg6 : memref<64xf32, #tpu.memory_space<hbm>>) target(%dma_start3A_449 : memref<64xf32, #tpu.memory_space<vmem>>) target_semaphore(%run_scoped3A_443 : memref<!tpu.dma_semaphore, #tpu.memory_space<semaphore_mem>>)
      %dma_wait3A_450 = arith.constant 0 : i32
      %dma_wait3A_451 = tpu.memref_slice %arg16[%run_scoped3A_3, %dma_wait3A_450] : memref<2x64xf32, #tpu.memory_space<vmem>> -> memref<1x64xf32, #tpu.memory_space<vmem>>
      %dma_wait3A_452 = tpu.memref_squeeze %dma_wait3A_451 : memref<1x64xf32, #tpu.memory_space<vmem>> -> memref<64xf32, #tpu.memory_space<vmem>>
      %dma_wait3A_453 = arith.constant 0 : i32
      %dma_wait3A_454 = tpu.memref_slice %arg16[%run_scoped3A_3, %dma_wait3A_453] : memref<2x64xf32, #tpu.memory_space<vmem>> -> memref<1x64xf32, #tpu.memory_space<vmem>>
      %dma_wait3A_455 = tpu.memref_squeeze %dma_wait3A_454 : memref<1x64xf32, #tpu.memory_space<vmem>> -> memref<64xf32, #tpu.memory_space<vmem>>
      tpu.wait_dma2 semaphore(%run_scoped3A_443 : memref<!tpu.dma_semaphore, #tpu.memory_space<semaphore_mem>>) src(%arg6 : memref<64xf32, #tpu.memory_space<hbm>>) dst(%dma_wait3A_455 : memref<64xf32, #tpu.memory_space<vmem>>)
      tpu.yield
    }) : () -> ()
    %iota3A = tpu.iota {dimensions = array<i32: 0>} : vector<16xi32>
    %xor3A = arith.constant 1 : i32
    %xor3A_4 = vector.broadcast %xor3A : i32 to vector<16xi32>
    %xor3A_5 = arith.xori %iota3A, %xor3A_4 : vector<16xi32>
    %xor3A_6 = arith.constant 2 : i32
    %xor3A_7 = vector.broadcast %xor3A_6 : i32 to vector<16xi32>
    %xor3A_8 = arith.xori %iota3A, %xor3A_7 : vector<16xi32>
    %xor3A_9 = arith.constant 4 : i32
    %xor3A_10 = vector.broadcast %xor3A_9 : i32 to vector<16xi32>
    %xor3A_11 = arith.xori %iota3A, %xor3A_10 : vector<16xi32>
    %xor3A_12 = arith.constant 8 : i32
    %xor3A_13 = vector.broadcast %xor3A_12 : i32 to vector<16xi32>
    %xor3A_14 = arith.xori %iota3A, %xor3A_13 : vector<16xi32>
    %get3A = arith.constant 0 : i32
    %get3A_15 = arith.index_cast %get3A : i32 to index
    %get3A_16 = arith.constant 0 : index
    %get3A_17 = tpu.vector_load %arg16[%get3A_15, %get3A_16] {strides = array<i32>} : memref<2x64xf32, #tpu.memory_space<vmem>>, vector<16xf32>,
    %get3A_18 = arith.constant 0 : i32
    %get3A_19 = arith.index_cast %get3A_18 : i32 to index
    %get3A_20 = arith.constant 16 : index
    %get3A_21 = tpu.vector_load %arg16[%get3A_19, %get3A_20] {strides = array<i32>} : memref<2x64xf32, #tpu.memory_space<vmem>>, vector<16xf32>,
    %get3A_22 = arith.constant 0 : i32
    %get3A_23 = arith.index_cast %get3A_22 : i32 to index
    %get3A_24 = arith.constant 32 : index
    %get3A_25 = tpu.vector_load %arg16[%get3A_23, %get3A_24] {strides = array<i32>} : memref<2x64xf32, #tpu.memory_space<vmem>>, vector<16xf32>,
    %get3A_26 = arith.constant 0 : i32
    %get3A_27 = arith.index_cast %get3A_26 : i32 to index
    %get3A_28 = arith.constant 48 : index
    %get3A_29 = tpu.vector_load %arg16[%get3A_27, %get3A_28] {strides = array<i32>} : memref<2x64xf32, #tpu.memory_space<vmem>>, vector<16xf32>,
    %get3A_30 = arith.constant 1 : i32
    %get3A_31 = arith.index_cast %get3A_30 : i32 to index
    %get3A_32 = arith.constant 0 : index
    %get3A_33 = tpu.vector_load %arg16[%get3A_31, %get3A_32] {strides = array<i32>} : memref<2x64xf32, #tpu.memory_space<vmem>>, vector<16xf32>,
    %get3A_34 = arith.constant 1 : i32
    %get3A_35 = arith.index_cast %get3A_34 : i32 to index
    %get3A_36 = arith.constant 16 : index
    %get3A_37 = tpu.vector_load %arg16[%get3A_35, %get3A_36] {strides = array<i32>} : memref<2x64xf32, #tpu.memory_space<vmem>>, vector<16xf32>,
    %get3A_38 = arith.constant 1 : i32
    %get3A_39 = arith.index_cast %get3A_38 : i32 to index
    %get3A_40 = arith.constant 32 : index
    %get3A_41 = tpu.vector_load %arg16[%get3A_39, %get3A_40] {strides = array<i32>} : memref<2x64xf32, #tpu.memory_space<vmem>>, vector<16xf32>,
    %get3A_42 = arith.constant 1 : i32
    %get3A_43 = arith.index_cast %get3A_42 : i32 to index
    %get3A_44 = arith.constant 48 : index
    %get3A_45 = tpu.vector_load %arg16[%get3A_43, %get3A_44] {strides = array<i32>} : memref<2x64xf32, #tpu.memory_space<vmem>>, vector<16xf32>,
    %and3A = arith.constant 7 : i32
    %and3A_46 = vector.broadcast %and3A : i32 to vector<16xi32>
    %and3A_47 = arith.andi %iota3A, %and3A_46 : vector<16xi32>
    %shift_right_logical3A = arith.constant 3 : i32
    %shift_right_logical3A_48 = vector.broadcast %shift_right_logical3A : i32 to vector<16xi32>
    %shift_right_logical3A_49 = arith.shrui %iota3A, %shift_right_logical3A_48 : vector<16xi32>
    %add3A_50 = arith.constant 0 : i32
    %add3A_51 = vector.broadcast %add3A_50 : i32 to vector<16xi32>
    %add3A_52 = arith.addi %shift_right_logical3A_49, %add3A_51 : vector<16xi32>
    %shift_right_logical3A_53 = arith.constant 3 : i32
    %shift_right_logical3A_54 = vector.broadcast %shift_right_logical3A_53 : i32 to vector<16xi32>
    %shift_right_logical3A_55 = arith.shrui %iota3A, %shift_right_logical3A_54 : vector<16xi32>
    %add3A_56 = arith.constant 2 : i32
    %add3A_57 = vector.broadcast %add3A_56 : i32 to vector<16xi32>
    %add3A_58 = arith.addi %shift_right_logical3A_55, %add3A_57 : vector<16xi32>
    %shift_right_logical3A_59 = arith.constant 3 : i32
    %shift_right_logical3A_60 = vector.broadcast %shift_right_logical3A_59 : i32 to vector<16xi32>
    %shift_right_logical3A_61 = arith.shrui %iota3A, %shift_right_logical3A_60 : vector<16xi32>
    %add3A_62 = arith.constant 4 : i32
    %add3A_63 = vector.broadcast %add3A_62 : i32 to vector<16xi32>
    %add3A_64 = arith.addi %shift_right_logical3A_61, %add3A_63 : vector<16xi32>
    %shift_right_logical3A_65 = arith.constant 3 : i32
    %shift_right_logical3A_66 = vector.broadcast %shift_right_logical3A_65 : i32 to vector<16xi32>
    %shift_right_logical3A_67 = arith.shrui %iota3A, %shift_right_logical3A_66 : vector<16xi32>
    %add3A_68 = arith.constant 6 : i32
    %add3A_69 = vector.broadcast %add3A_68 : i32 to vector<16xi32>
    %add3A_70 = arith.addi %shift_right_logical3A_67, %add3A_69 : vector<16xi32>
    %scan3A = arith.constant 0 : i32
    %scan3A_71 = arith.constant 0 : i32
    %scan3A_72 = arith.constant 200 : i32
    %scan3A_73 = arith.addi %scan3A_71, %scan3A_72 : i32
    %scan3A_74 = arith.constant 1 : i32
    scf.for %scan3A_443 = %scan3A_71 to %scan3A_73 step %scan3A_74  : i32 {
      %broadcast_in_dim3A = vector.broadcast %scan3A_443 : i32 to vector<16xi32>
      %add3A_444 = arith.constant 0 : i32
      %add3A_445 = vector.broadcast %add3A_444 : i32 to vector<16xi32>
      %add3A_446 = arith.addi %iota3A, %add3A_445 : vector<16xi32>
      %gather3A = tpu.vector_load_idx %arg8[%add3A_446, %broadcast_in_dim3A] : memref<128x200xi32, #tpu.memory_space<vmem>>[vector<16xi32>, vector<16xi32>], vector<16xi32>,
      %swap3A = arith.index_cast %scan3A_443 : i32 to index
      %swap3A_447 = arith.constant 0 : index
      %swap3A_448 = tpu.vector_load %arg9[%swap3A, %swap3A_447] {strides = array<i32>} : memref<200x128xi32, #tpu.memory_space<vmem>>, vector<16xi32>,
      tpu.vector_store %arg9[%swap3A, %swap3A_447], %gather3A {strides = array<i32>} : memref<200x128xi32, #tpu.memory_space<vmem>>, vector<16xi32>,
      %broadcast_in_dim3A_449 = vector.broadcast %scan3A_443 : i32 to vector<16xi32>
      %add3A_450 = arith.constant 16 : i32
      %add3A_451 = vector.broadcast %add3A_450 : i32 to vector<16xi32>
      %add3A_452 = arith.addi %iota3A, %add3A_451 : vector<16xi32>
      %gather3A_453 = tpu.vector_load_idx %arg8[%add3A_452, %broadcast_in_dim3A_449] : memref<128x200xi32, #tpu.memory_space<vmem>>[vector<16xi32>, vector<16xi32>], vector<16xi32>,
      %swap3A_454 = arith.index_cast %scan3A_443 : i32 to index
      %swap3A_455 = arith.constant 16 : index
      %swap3A_456 = tpu.vector_load %arg9[%swap3A_454, %swap3A_455] {strides = array<i32>} : memref<200x128xi32, #tpu.memory_space<vmem>>, vector<16xi32>,
      tpu.vector_store %arg9[%swap3A_454, %swap3A_455], %gather3A_453 {strides = array<i32>} : memref<200x128xi32, #tpu.memory_space<vmem>>, vector<16xi32>,
      %broadcast_in_dim3A_457 = vector.broadcast %scan3A_443 : i32 to vector<16xi32>
      %add3A_458 = arith.constant 32 : i32
      %add3A_459 = vector.broadcast %add3A_458 : i32 to vector<16xi32>
      %add3A_460 = arith.addi %iota3A, %add3A_459 : vector<16xi32>
      %gather3A_461 = tpu.vector_load_idx %arg8[%add3A_460, %broadcast_in_dim3A_457] : memref<128x200xi32, #tpu.memory_space<vmem>>[vector<16xi32>, vector<16xi32>], vector<16xi32>,
      %swap3A_462 = arith.index_cast %scan3A_443 : i32 to index
      %swap3A_463 = arith.constant 32 : index
      %swap3A_464 = tpu.vector_load %arg9[%swap3A_462, %swap3A_463] {strides = array<i32>} : memref<200x128xi32, #tpu.memory_space<vmem>>, vector<16xi32>,
      tpu.vector_store %arg9[%swap3A_462, %swap3A_463], %gather3A_461 {strides = array<i32>} : memref<200x128xi32, #tpu.memory_space<vmem>>, vector<16xi32>,
      %broadcast_in_dim3A_465 = vector.broadcast %scan3A_443 : i32 to vector<16xi32>
      %add3A_466 = arith.constant 48 : i32
      %add3A_467 = vector.broadcast %add3A_466 : i32 to vector<16xi32>
      %add3A_468 = arith.addi %iota3A, %add3A_467 : vector<16xi32>
      %gather3A_469 = tpu.vector_load_idx %arg8[%add3A_468, %broadcast_in_dim3A_465] : memref<128x200xi32, #tpu.memory_space<vmem>>[vector<16xi32>, vector<16xi32>], vector<16xi32>,
      %swap3A_470 = arith.index_cast %scan3A_443 : i32 to index
      %swap3A_471 = arith.constant 48 : index
      %swap3A_472 = tpu.vector_load %arg9[%swap3A_470, %swap3A_471] {strides = array<i32>} : memref<200x128xi32, #tpu.memory_space<vmem>>, vector<16xi32>,
      tpu.vector_store %arg9[%swap3A_470, %swap3A_471], %gather3A_469 {strides = array<i32>} : memref<200x128xi32, #tpu.memory_space<vmem>>, vector<16xi32>,
      %broadcast_in_dim3A_473 = vector.broadcast %scan3A_443 : i32 to vector<16xi32>
      %add3A_474 = arith.constant 64 : i32
      %add3A_475 = vector.broadcast %add3A_474 : i32 to vector<16xi32>
      %add3A_476 = arith.addi %iota3A, %add3A_475 : vector<16xi32>
      %gather3A_477 = tpu.vector_load_idx %arg8[%add3A_476, %broadcast_in_dim3A_473] : memref<128x200xi32, #tpu.memory_space<vmem>>[vector<16xi32>, vector<16xi32>], vector<16xi32>,
      %swap3A_478 = arith.index_cast %scan3A_443 : i32 to index
      %swap3A_479 = arith.constant 64 : index
      %swap3A_480 = tpu.vector_load %arg9[%swap3A_478, %swap3A_479] {strides = array<i32>} : memref<200x128xi32, #tpu.memory_space<vmem>>, vector<16xi32>,
      tpu.vector_store %arg9[%swap3A_478, %swap3A_479], %gather3A_477 {strides = array<i32>} : memref<200x128xi32, #tpu.memory_space<vmem>>, vector<16xi32>,
      %broadcast_in_dim3A_481 = vector.broadcast %scan3A_443 : i32 to vector<16xi32>
      %add3A_482 = arith.constant 80 : i32
      %add3A_483 = vector.broadcast %add3A_482 : i32 to vector<16xi32>
      %add3A_484 = arith.addi %iota3A, %add3A_483 : vector<16xi32>
      %gather3A_485 = tpu.vector_load_idx %arg8[%add3A_484, %broadcast_in_dim3A_481] : memref<128x200xi32, #tpu.memory_space<vmem>>[vector<16xi32>, vector<16xi32>], vector<16xi32>,
      %swap3A_486 = arith.index_cast %scan3A_443 : i32 to index
      %swap3A_487 = arith.constant 80 : index
      %swap3A_488 = tpu.vector_load %arg9[%swap3A_486, %swap3A_487] {strides = array<i32>} : memref<200x128xi32, #tpu.memory_space<vmem>>, vector<16xi32>,
      tpu.vector_store %arg9[%swap3A_486, %swap3A_487], %gather3A_485 {strides = array<i32>} : memref<200x128xi32, #tpu.memory_space<vmem>>, vector<16xi32>,
      %broadcast_in_dim3A_489 = vector.broadcast %scan3A_443 : i32 to vector<16xi32>
      %add3A_490 = arith.constant 96 : i32
      %add3A_491 = vector.broadcast %add3A_490 : i32 to vector<16xi32>
      %add3A_492 = arith.addi %iota3A, %add3A_491 : vector<16xi32>
      %gather3A_493 = tpu.vector_load_idx %arg8[%add3A_492, %broadcast_in_dim3A_489] : memref<128x200xi32, #tpu.memory_space<vmem>>[vector<16xi32>, vector<16xi32>], vector<16xi32>,
      %swap3A_494 = arith.index_cast %scan3A_443 : i32 to index
      %swap3A_495 = arith.constant 96 : index
      %swap3A_496 = tpu.vector_load %arg9[%swap3A_494, %swap3A_495] {strides = array<i32>} : memref<200x128xi32, #tpu.memory_space<vmem>>, vector<16xi32>,
      tpu.vector_store %arg9[%swap3A_494, %swap3A_495], %gather3A_493 {strides = array<i32>} : memref<200x128xi32, #tpu.memory_space<vmem>>, vector<16xi32>,
      %broadcast_in_dim3A_497 = vector.broadcast %scan3A_443 : i32 to vector<16xi32>
      %add3A_498 = arith.constant 112 : i32
      %add3A_499 = vector.broadcast %add3A_498 : i32 to vector<16xi32>
      %add3A_500 = arith.addi %iota3A, %add3A_499 : vector<16xi32>
      %gather3A_501 = tpu.vector_load_idx %arg8[%add3A_500, %broadcast_in_dim3A_497] : memref<128x200xi32, #tpu.memory_space<vmem>>[vector<16xi32>, vector<16xi32>], vector<16xi32>,
      %swap3A_502 = arith.index_cast %scan3A_443 : i32 to index
      %swap3A_503 = arith.constant 112 : index
      %swap3A_504 = tpu.vector_load %arg9[%swap3A_502, %swap3A_503] {strides = array<i32>} : memref<200x128xi32, #tpu.memory_space<vmem>>, vector<16xi32>,
      tpu.vector_store %arg9[%swap3A_502, %swap3A_503], %gather3A_501 {strides = array<i32>} : memref<200x128xi32, #tpu.memory_space<vmem>>, vector<16xi32>,
    }
    %scan3A_75 = arith.constant 200 : i32
    %dma_start3A = arith.constant 0 : i32
    %dma_start3A_76 = arith.constant 0 : i32
    %dma_start3A_77 = arith.constant 0 : i32
    %dma_start3A_78 = tpu.memref_slice %arg10[%dma_start3A_76, %dma_start3A_77] : memref<256x64xf32, #tpu.memory_space<vmem>> -> memref<128x64xf32, #tpu.memory_space<vmem>>
    %dma_start3A_79 = arith.constant 0 : i32
    %dma_start3A_80 = tpu.memref_slice %arg9[%dma_start3A, %dma_start3A_79] : memref<200x128xi32, #tpu.memory_space<vmem>> -> memref<1x128xi32, #tpu.memory_space<vmem>>
    %dma_start3A_81 = tpu.memref_squeeze %dma_start3A_80 : memref<1x128xi32, #tpu.memory_space<vmem>> -> memref<128xi32, #tpu.memory_space<vmem>>
    %dma_start3A_82 = arith.constant 0 : i32
    %dma_start3A_83 = arith.constant 0 : i32
    %dma_start3A_84 = tpu.memref_slice %arg3[%dma_start3A_82, %dma_start3A_83] : memref<1000000x64xf32, #tpu.memory_space<hbm>> -> memref<1000000x64xf32, #tpu.memory_space<hbm>>
    tpu.enqueue_indirect_dma source(%dma_start3A_84 : memref<1000000x64xf32, #tpu.memory_space<hbm>>) target(%dma_start3A_78 : memref<128x64xf32, #tpu.memory_space<vmem>>) offsets(%dma_start3A_81 : memref<128xi32, #tpu.memory_space<vmem>>) semaphore(%arg17 : memref<!tpu.dma_semaphore, #tpu.memory_space<semaphore_mem>>)
    %dma_start3A_85 = arith.constant 1 : i32
    %dma_start3A_86 = arith.constant 128 : i32
    %dma_start3A_87 = arith.constant 0 : i32
    %dma_start3A_88 = tpu.memref_slice %arg10[%dma_start3A_86, %dma_start3A_87] : memref<256x64xf32, #tpu.memory_space<vmem>> -> memref<128x64xf32, #tpu.memory_space<vmem>>
    %dma_start3A_89 = arith.constant 0 : i32
    %dma_start3A_90 = tpu.memref_slice %arg9[%dma_start3A_85, %dma_start3A_89] : memref<200x128xi32, #tpu.memory_space<vmem>> -> memref<1x128xi32, #tpu.memory_space<vmem>>
    %dma_start3A_91 = tpu.memref_squeeze %dma_start3A_90 : memref<1x128xi32, #tpu.memory_space<vmem>> -> memref<128xi32, #tpu.memory_space<vmem>>
    %dma_start3A_92 = arith.constant 0 : i32
    %dma_start3A_93 = arith.constant 0 : i32
    %dma_start3A_94 = tpu.memref_slice %arg3[%dma_start3A_92, %dma_start3A_93] : memref<1000000x64xf32, #tpu.memory_space<hbm>> -> memref<1000000x64xf32, #tpu.memory_space<hbm>>
    tpu.enqueue_indirect_dma source(%dma_start3A_94 : memref<1000000x64xf32, #tpu.memory_space<hbm>>) target(%dma_start3A_88 : memref<128x64xf32, #tpu.memory_space<vmem>>) offsets(%dma_start3A_91 : memref<128xi32, #tpu.memory_space<vmem>>) semaphore(%arg17 : memref<!tpu.dma_semaphore, #tpu.memory_space<semaphore_mem>>)
    %dma_start3A_95 = arith.constant 0 : i32
    %dma_start3A_96 = arith.constant 0 : i32
    %dma_start3A_97 = arith.constant 0 : i32
    %dma_start3A_98 = tpu.memref_slice %arg4[%dma_start3A_95, %dma_start3A_96, %dma_start3A_97] : memref<1x200x64xf32, #tpu.memory_space<hbm>> -> memref<1x2x64xf32, #tpu.memory_space<hbm>>
    %dma_start3A_99 = tpu.memref_squeeze %dma_start3A_98 : memref<1x2x64xf32, #tpu.memory_space<hbm>> -> memref<2x64xf32, #tpu.memory_space<hbm>>
    %dma_start3A_100 = arith.constant 0 : i32
    %dma_start3A_101 = arith.constant 0 : i32
    %dma_start3A_102 = tpu.memref_slice %arg4[%dma_start3A_95, %dma_start3A_100, %dma_start3A_101] : memref<1x200x64xf32, #tpu.memory_space<hbm>> -> memref<1x2x64xf32, #tpu.memory_space<hbm>>
    %dma_start3A_103 = tpu.memref_squeeze %dma_start3A_102 : memref<1x2x64xf32, #tpu.memory_space<hbm>> -> memref<2x64xf32, #tpu.memory_space<hbm>>
    tpu.enqueue_dma source(%dma_start3A_103 : memref<2x64xf32, #tpu.memory_space<hbm>>) target(%arg14 : memref<2x64xf32, #tpu.memory_space<vmem>>) target_semaphore(%arg17 : memref<!tpu.dma_semaphore, #tpu.memory_space<semaphore_mem>>)
    %dma_start3A_104 = arith.constant 2 : i32
    %dma_start3A_105 = arith.constant 0 : i32
    %dma_start3A_106 = arith.constant 0 : i32
    %dma_start3A_107 = tpu.memref_slice %arg11[%dma_start3A_105, %dma_start3A_106] : memref<256x64xf32, #tpu.memory_space<vmem>> -> memref<128x64xf32, #tpu.memory_space<vmem>>
    %dma_start3A_108 = arith.constant 0 : i32
    %dma_start3A_109 = tpu.memref_slice %arg9[%dma_start3A_104, %dma_start3A_108] : memref<200x128xi32, #tpu.memory_space<vmem>> -> memref<1x128xi32, #tpu.memory_space<vmem>>
    %dma_start3A_110 = tpu.memref_squeeze %dma_start3A_109 : memref<1x128xi32, #tpu.memory_space<vmem>> -> memref<128xi32, #tpu.memory_space<vmem>>
    %dma_start3A_111 = arith.constant 0 : i32
    %dma_start3A_112 = arith.constant 0 : i32
    %dma_start3A_113 = tpu.memref_slice %arg3[%dma_start3A_111, %dma_start3A_112] : memref<1000000x64xf32, #tpu.memory_space<hbm>> -> memref<1000000x64xf32, #tpu.memory_space<hbm>>
    tpu.enqueue_indirect_dma source(%dma_start3A_113 : memref<1000000x64xf32, #tpu.memory_space<hbm>>) target(%dma_start3A_107 : memref<128x64xf32, #tpu.memory_space<vmem>>) offsets(%dma_start3A_110 : memref<128xi32, #tpu.memory_space<vmem>>) semaphore(%arg18 : memref<!tpu.dma_semaphore, #tpu.memory_space<semaphore_mem>>)
    %dma_start3A_114 = arith.constant 3 : i32
    %dma_start3A_115 = arith.constant 128 : i32
    %dma_start3A_116 = arith.constant 0 : i32
    %dma_start3A_117 = tpu.memref_slice %arg11[%dma_start3A_115, %dma_start3A_116] : memref<256x64xf32, #tpu.memory_space<vmem>> -> memref<128x64xf32, #tpu.memory_space<vmem>>
    %dma_start3A_118 = arith.constant 0 : i32
    %dma_start3A_119 = tpu.memref_slice %arg9[%dma_start3A_114, %dma_start3A_118] : memref<200x128xi32, #tpu.memory_space<vmem>> -> memref<1x128xi32, #tpu.memory_space<vmem>>
    %dma_start3A_120 = tpu.memref_squeeze %dma_start3A_119 : memref<1x128xi32, #tpu.memory_space<vmem>> -> memref<128xi32, #tpu.memory_space<vmem>>
    %dma_start3A_121 = arith.constant 0 : i32
    %dma_start3A_122 = arith.constant 0 : i32
    %dma_start3A_123 = tpu.memref_slice %arg3[%dma_start3A_121, %dma_start3A_122] : memref<1000000x64xf32, #tpu.memory_space<hbm>> -> memref<1000000x64xf32, #tpu.memory_space<hbm>>
    tpu.enqueue_indirect_dma source(%dma_start3A_123 : memref<1000000x64xf32, #tpu.memory_space<hbm>>) target(%dma_start3A_117 : memref<128x64xf32, #tpu.memory_space<vmem>>) offsets(%dma_start3A_120 : memref<128xi32, #tpu.memory_space<vmem>>) semaphore(%arg18 : memref<!tpu.dma_semaphore, #tpu.memory_space<semaphore_mem>>)
    %dma_start3A_124 = arith.constant 0 : i32
    %dma_start3A_125 = arith.constant 2 : i32
    %dma_start3A_126 = arith.constant 0 : i32
    %dma_start3A_127 = tpu.memref_slice %arg4[%dma_start3A_124, %dma_start3A_125, %dma_start3A_126] : memref<1x200x64xf32, #tpu.memory_space<hbm>> -> memref<1x2x64xf32, #tpu.memory_space<hbm>>
    %dma_start3A_128 = tpu.memref_squeeze %dma_start3A_127 : memref<1x2x64xf32, #tpu.memory_space<hbm>> -> memref<2x64xf32, #tpu.memory_space<hbm>>
    %dma_start3A_129 = arith.constant 2 : i32
    %dma_start3A_130 = arith.constant 0 : i32
    %dma_start3A_131 = tpu.memref_slice %arg4[%dma_start3A_124, %dma_start3A_129, %dma_start3A_130] : memref<1x200x64xf32, #tpu.memory_space<hbm>> -> memref<1x2x64xf32, #tpu.memory_space<hbm>>
    %dma_start3A_132 = tpu.memref_squeeze %dma_start3A_131 : memref<1x2x64xf32, #tpu.memory_space<hbm>> -> memref<2x64xf32, #tpu.memory_space<hbm>>
    tpu.enqueue_dma source(%dma_start3A_132 : memref<2x64xf32, #tpu.memory_space<hbm>>) target(%arg15 : memref<2x64xf32, #tpu.memory_space<vmem>>) target_semaphore(%arg18 : memref<!tpu.dma_semaphore, #tpu.memory_space<semaphore_mem>>)
    %dma_wait3A = arith.constant 0 : i32
    %dma_wait3A_133 = arith.constant 0 : i32
    %dma_wait3A_134 = tpu.memref_slice %arg3[%dma_wait3A, %dma_wait3A_133] : memref<1000000x64xf32, #tpu.memory_space<hbm>> -> memref<256x64xf32, #tpu.memory_space<hbm>>
    %dma_wait3A_135 = arith.constant 0 : i32
    %dma_wait3A_136 = arith.constant 0 : i32
    %dma_wait3A_137 = tpu.memref_slice %arg3[%dma_wait3A_135, %dma_wait3A_136] : memref<1000000x64xf32, #tpu.memory_space<hbm>> -> memref<256x64xf32, #tpu.memory_space<hbm>>
    tpu.wait_dma2 semaphore(%arg17 : memref<!tpu.dma_semaphore, #tpu.memory_space<semaphore_mem>>) src(%dma_wait3A_137 : memref<256x64xf32, #tpu.memory_space<hbm>>) dst(%arg10 : memref<256x64xf32, #tpu.memory_space<vmem>>)
    %dma_wait3A_138 = arith.constant 0 : i32
    %dma_wait3A_139 = arith.constant 0 : i32
    %dma_wait3A_140 = arith.constant 0 : i32
    %dma_wait3A_141 = tpu.memref_slice %arg4[%dma_wait3A_138, %dma_wait3A_139, %dma_wait3A_140] : memref<1x200x64xf32, #tpu.memory_space<hbm>> -> memref<1x2x64xf32, #tpu.memory_space<hbm>>
    %dma_wait3A_142 = tpu.memref_squeeze %dma_wait3A_141 : memref<1x2x64xf32, #tpu.memory_space<hbm>> -> memref<2x64xf32, #tpu.memory_space<hbm>>
    %dma_wait3A_143 = arith.constant 0 : i32
    %dma_wait3A_144 = arith.constant 0 : i32
    %dma_wait3A_145 = tpu.memref_slice %arg4[%dma_wait3A_138, %dma_wait3A_143, %dma_wait3A_144] : memref<1x200x64xf32, #tpu.memory_space<hbm>> -> memref<1x2x64xf32, #tpu.memory_space<hbm>>
    %dma_wait3A_146 = tpu.memref_squeeze %dma_wait3A_145 : memref<1x2x64xf32, #tpu.memory_space<hbm>> -> memref<2x64xf32, #tpu.memory_space<hbm>>
    tpu.wait_dma2 semaphore(%arg17 : memref<!tpu.dma_semaphore, #tpu.memory_space<semaphore_mem>>) src(%dma_wait3A_146 : memref<2x64xf32, #tpu.memory_space<hbm>>) dst(%arg14 : memref<2x64xf32, #tpu.memory_space<vmem>>)
    %parallel_loop3A = arith.constant 0 : i32
    %parallel_loop3A_147 = arith.constant 256 : i32
    %parallel_loop3A_148 = arith.constant 1 : i32
    scf.for %parallel_loop3A_443 = %parallel_loop3A to %parallel_loop3A_147 step %parallel_loop3A_148  : i32 {
      %parallel_loop3A_444 = arith.constant 7 : i32
      %parallel_loop3A_445 = arith.shrui %parallel_loop3A_443, %parallel_loop3A_444 : i32
      %parallel_loop3A_446 = arith.constant 127 : i32
      %parallel_loop3A_447 = arith.andi %parallel_loop3A_443, %parallel_loop3A_446 : i32
      %parallel_loop3A_448 = vector.broadcast %parallel_loop3A_445 : i32 to vector<16xi32>
      %parallel_loop3A_449 = vector.broadcast %parallel_loop3A_447 : i32 to vector<16xi32>
      %parallel_loop3A_450 = arith.index_cast %parallel_loop3A_443 : i32 to index
      %parallel_loop3A_451 = arith.constant 0 : index
      %parallel_loop3A_452 = tpu.vector_load %arg10[%parallel_loop3A_450, %parallel_loop3A_451] {strides = array<i32>} : memref<256x64xf32, #tpu.memory_space<vmem>>, vector<16xf32>,
      %parallel_loop3A_453 = arith.index_cast %parallel_loop3A_445 : i32 to index
      %parallel_loop3A_454 = arith.constant 0 : index
      %parallel_loop3A_455 = tpu.vector_load %arg14[%parallel_loop3A_453, %parallel_loop3A_454] {strides = array<i32>} : memref<2x64xf32, #tpu.memory_space<vmem>>, vector<16xf32>,
      %parallel_loop3A_456 = arith.addf %parallel_loop3A_452, %parallel_loop3A_455 : vector<16xf32>
      %parallel_loop3A_457 = arith.index_cast %parallel_loop3A_443 : i32 to index
      %parallel_loop3A_458 = arith.constant 16 : index
      %parallel_loop3A_459 = tpu.vector_load %arg10[%parallel_loop3A_457, %parallel_loop3A_458] {strides = array<i32>} : memref<256x64xf32, #tpu.memory_space<vmem>>, vector<16xf32>,
      %parallel_loop3A_460 = arith.index_cast %parallel_loop3A_445 : i32 to index
      %parallel_loop3A_461 = arith.constant 16 : index
      %parallel_loop3A_462 = tpu.vector_load %arg14[%parallel_loop3A_460, %parallel_loop3A_461] {strides = array<i32>} : memref<2x64xf32, #tpu.memory_space<vmem>>, vector<16xf32>,
      %parallel_loop3A_463 = arith.addf %parallel_loop3A_459, %parallel_loop3A_462 : vector<16xf32>
      %parallel_loop3A_464 = arith.index_cast %parallel_loop3A_443 : i32 to index
      %parallel_loop3A_465 = arith.constant 32 : index
      %parallel_loop3A_466 = tpu.vector_load %arg10[%parallel_loop3A_464, %parallel_loop3A_465] {strides = array<i32>} : memref<256x64xf32, #tpu.memory_space<vmem>>, vector<16xf32>,
      %parallel_loop3A_467 = arith.index_cast %parallel_loop3A_445 : i32 to index
      %parallel_loop3A_468 = arith.constant 32 : index
      %parallel_loop3A_469 = tpu.vector_load %arg14[%parallel_loop3A_467, %parallel_loop3A_468] {strides = array<i32>} : memref<2x64xf32, #tpu.memory_space<vmem>>, vector<16xf32>,
      %parallel_loop3A_470 = arith.addf %parallel_loop3A_466, %parallel_loop3A_469 : vector<16xf32>
      %parallel_loop3A_471 = arith.index_cast %parallel_loop3A_443 : i32 to index
      %parallel_loop3A_472 = arith.constant 48 : index
      %parallel_loop3A_473 = tpu.vector_load %arg10[%parallel_loop3A_471, %parallel_loop3A_472] {strides = array<i32>} : memref<256x64xf32, #tpu.memory_space<vmem>>, vector<16xf32>,
      %parallel_loop3A_474 = arith.index_cast %parallel_loop3A_445 : i32 to index
      %parallel_loop3A_475 = arith.constant 48 : index
      %parallel_loop3A_476 = tpu.vector_load %arg14[%parallel_loop3A_474, %parallel_loop3A_475] {strides = array<i32>} : memref<2x64xf32, #tpu.memory_space<vmem>>, vector<16xf32>,
      %parallel_loop3A_477 = arith.addf %parallel_loop3A_473, %parallel_loop3A_476 : vector<16xf32>
      %parallel_loop3A_478 = arith.addf %parallel_loop3A_456, %parallel_loop3A_463 : vector<16xf32>
      %parallel_loop3A_479 = arith.addf %parallel_loop3A_470, %parallel_loop3A_477 : vector<16xf32>
      %parallel_loop3A_480 = arith.addf %parallel_loop3A_478, %parallel_loop3A_479 : vector<16xf32>
      %parallel_loop3A_481 = arith.mulf %parallel_loop3A_456, %parallel_loop3A_456 : vector<16xf32>
      %parallel_loop3A_482 = arith.mulf %parallel_loop3A_463, %parallel_loop3A_463 : vector<16xf32>
      %parallel_loop3A_483 = arith.addf %parallel_loop3A_481, %parallel_loop3A_482 : vector<16xf32>
      %parallel_loop3A_484 = arith.mulf %parallel_loop3A_470, %parallel_loop3A_470 : vector<16xf32>
      %parallel_loop3A_485 = arith.mulf %parallel_loop3A_477, %parallel_loop3A_477 : vector<16xf32>
      %parallel_loop3A_486 = arith.addf %parallel_loop3A_484, %parallel_loop3A_485 : vector<16xf32>
      %parallel_loop3A_487 = arith.addf %parallel_loop3A_483, %parallel_loop3A_486 : vector<16xf32>
      %parallel_loop3A_488 = vector.shape_cast %xor3A_5 : vector<16xi32> to vector<16x1xi32>
      %parallel_loop3A_489 = vector.shape_cast %parallel_loop3A_488 : vector<16x1xi32> to vector<16xi32>
      %parallel_loop3A_490 = tpu.dynamic_gather %parallel_loop3A_480[%parallel_loop3A_489] in [0] : vector<16xf32>, vector<16xi32> -> vector<16xf32>
      %parallel_loop3A_491 = arith.addf %parallel_loop3A_480, %parallel_loop3A_490 : vector<16xf32>
      %parallel_loop3A_492 = vector.shape_cast %xor3A_8 : vector<16xi32> to vector<16x1xi32>
      %parallel_loop3A_493 = vector.shape_cast %parallel_loop3A_492 : vector<16x1xi32> to vector<16xi32>
      %parallel_loop3A_494 = tpu.dynamic_gather %parallel_loop3A_491[%parallel_loop3A_493] in [0] : vector<16xf32>, vector<16xi32> -> vector<16xf32>
      %parallel_loop3A_495 = arith.addf %parallel_loop3A_491, %parallel_loop3A_494 : vector<16xf32>
      %parallel_loop3A_496 = vector.shape_cast %xor3A_11 : vector<16xi32> to vector<16x1xi32>
      %parallel_loop3A_497 = vector.shape_cast %parallel_loop3A_496 : vector<16x1xi32> to vector<16xi32>
      %parallel_loop3A_498 = tpu.dynamic_gather %parallel_loop3A_495[%parallel_loop3A_497] in [0] : vector<16xf32>, vector<16xi32> -> vector<16xf32>
      %parallel_loop3A_499 = arith.addf %parallel_loop3A_495, %parallel_loop3A_498 : vector<16xf32>
      %parallel_loop3A_500 = vector.shape_cast %xor3A_14 : vector<16xi32> to vector<16x1xi32>
      %parallel_loop3A_501 = vector.shape_cast %parallel_loop3A_500 : vector<16x1xi32> to vector<16xi32>
      %parallel_loop3A_502 = tpu.dynamic_gather %parallel_loop3A_499[%parallel_loop3A_501] in [0] : vector<16xf32>, vector<16xi32> -> vector<16xf32>
      %parallel_loop3A_503 = arith.addf %parallel_loop3A_499, %parallel_loop3A_502 : vector<16xf32>
      %parallel_loop3A_504 = arith.constant 1.562500e-02 : f32
      %parallel_loop3A_505 = vector.broadcast %parallel_loop3A_504 : f32 to vector<16xf32>
      %parallel_loop3A_506 = arith.mulf %parallel_loop3A_503, %parallel_loop3A_505 : vector<16xf32>
      %parallel_loop3A_507 = vector.shape_cast %xor3A_5 : vector<16xi32> to vector<16x1xi32>
      %parallel_loop3A_508 = vector.shape_cast %parallel_loop3A_507 : vector<16x1xi32> to vector<16xi32>
      %parallel_loop3A_509 = tpu.dynamic_gather %parallel_loop3A_487[%parallel_loop3A_508] in [0] : vector<16xf32>, vector<16xi32> -> vector<16xf32>
      %parallel_loop3A_510 = arith.addf %parallel_loop3A_487, %parallel_loop3A_509 : vector<16xf32>
      %parallel_loop3A_511 = vector.shape_cast %xor3A_8 : vector<16xi32> to vector<16x1xi32>
      %parallel_loop3A_512 = vector.shape_cast %parallel_loop3A_511 : vector<16x1xi32> to vector<16xi32>
      %parallel_loop3A_513 = tpu.dynamic_gather %parallel_loop3A_510[%parallel_loop3A_512] in [0] : vector<16xf32>, vector<16xi32> -> vector<16xf32>
      %parallel_loop3A_514 = arith.addf %parallel_loop3A_510, %parallel_loop3A_513 : vector<16xf32>
      %parallel_loop3A_515 = vector.shape_cast %xor3A_11 : vector<16xi32> to vector<16x1xi32>
      %parallel_loop3A_516 = vector.shape_cast %parallel_loop3A_515 : vector<16x1xi32> to vector<16xi32>
      %parallel_loop3A_517 = tpu.dynamic_gather %parallel_loop3A_514[%parallel_loop3A_516] in [0] : vector<16xf32>, vector<16xi32> -> vector<16xf32>
      %parallel_loop3A_518 = arith.addf %parallel_loop3A_514, %parallel_loop3A_517 : vector<16xf32>
      %parallel_loop3A_519 = vector.shape_cast %xor3A_14 : vector<16xi32> to vector<16x1xi32>
      %parallel_loop3A_520 = vector.shape_cast %parallel_loop3A_519 : vector<16x1xi32> to vector<16xi32>
      %parallel_loop3A_521 = tpu.dynamic_gather %parallel_loop3A_518[%parallel_loop3A_520] in [0] : vector<16xf32>, vector<16xi32> -> vector<16xf32>
      %parallel_loop3A_522 = arith.addf %parallel_loop3A_518, %parallel_loop3A_521 : vector<16xf32>
      %parallel_loop3A_523 = arith.constant 1.562500e-02 : f32
      %parallel_loop3A_524 = vector.broadcast %parallel_loop3A_523 : f32 to vector<16xf32>
      %parallel_loop3A_525 = arith.mulf %parallel_loop3A_522, %parallel_loop3A_524 : vector<16xf32>
      %parallel_loop3A_526 = arith.mulf %parallel_loop3A_506, %parallel_loop3A_506 : vector<16xf32>
      %parallel_loop3A_527 = arith.subf %parallel_loop3A_525, %parallel_loop3A_526 : vector<16xf32>
      %parallel_loop3A_528 = arith.constant 9.99999974E-6 : f32
      %parallel_loop3A_529 = vector.broadcast %parallel_loop3A_528 : f32 to vector<16xf32>
      %parallel_loop3A_530 = arith.addf %parallel_loop3A_527, %parallel_loop3A_529 : vector<16xf32>
      %parallel_loop3A_531 = vector.bitcast %parallel_loop3A_530 : vector<16xf32> to vector<16xi32>
      %parallel_loop3A_532 = arith.constant 1 : i32
      %parallel_loop3A_533 = vector.broadcast %parallel_loop3A_532 : i32 to vector<16xi32>
      %parallel_loop3A_534 = arith.shrui %parallel_loop3A_531, %parallel_loop3A_533 : vector<16xi32>
      %parallel_loop3A_535 = arith.constant 1597463007 : i32
      %parallel_loop3A_536 = vector.broadcast %parallel_loop3A_535 : i32 to vector<16xi32>
      %parallel_loop3A_537 = arith.subi %parallel_loop3A_536, %parallel_loop3A_534 : vector<16xi32>
      %parallel_loop3A_538 = vector.bitcast %parallel_loop3A_537 : vector<16xi32> to vector<16xf32>
      %parallel_loop3A_539 = arith.constant 5.000000e-01 : f32
      %parallel_loop3A_540 = vector.broadcast %parallel_loop3A_539 : f32 to vector<16xf32>
      %parallel_loop3A_541 = arith.mulf %parallel_loop3A_540, %parallel_loop3A_530 : vector<16xf32>
      %parallel_loop3A_542 = arith.mulf %parallel_loop3A_541, %parallel_loop3A_538 : vector<16xf32>
      %parallel_loop3A_543 = arith.mulf %parallel_loop3A_542, %parallel_loop3A_538 : vector<16xf32>
      %parallel_loop3A_544 = arith.constant 1.500000e+00 : f32
      %parallel_loop3A_545 = vector.broadcast %parallel_loop3A_544 : f32 to vector<16xf32>
      %parallel_loop3A_546 = arith.subf %parallel_loop3A_545, %parallel_loop3A_543 : vector<16xf32>
      %parallel_loop3A_547 = arith.mulf %parallel_loop3A_538, %parallel_loop3A_546 : vector<16xf32>
      %parallel_loop3A_548 = arith.mulf %parallel_loop3A_541, %parallel_loop3A_547 : vector<16xf32>
      %parallel_loop3A_549 = arith.mulf %parallel_loop3A_548, %parallel_loop3A_547 : vector<16xf32>
      %parallel_loop3A_550 = arith.constant 1.500000e+00 : f32
      %parallel_loop3A_551 = vector.broadcast %parallel_loop3A_550 : f32 to vector<16xf32>
      %parallel_loop3A_552 = arith.subf %parallel_loop3A_551, %parallel_loop3A_549 : vector<16xf32>
      %parallel_loop3A_553 = arith.mulf %parallel_loop3A_547, %parallel_loop3A_552 : vector<16xf32>
      %parallel_loop3A_554 = arith.mulf %parallel_loop3A_506, %parallel_loop3A_553 : vector<16xf32>
      %parallel_loop3A_555 = arith.mulf %parallel_loop3A_456, %parallel_loop3A_553 : vector<16xf32>
      %parallel_loop3A_556 = arith.subf %parallel_loop3A_555, %parallel_loop3A_554 : vector<16xf32>
      %parallel_loop3A_557 = arith.mulf %parallel_loop3A_556, %get3A_17 : vector<16xf32>
      %parallel_loop3A_558 = arith.addf %parallel_loop3A_557, %get3A_33 : vector<16xf32>
      tpu.vector_store_idx %arg12[%parallel_loop3A_448, %add3A_52, %and3A_47, %parallel_loop3A_449], %parallel_loop3A_558 : memref<2x8x8x133xf32, #tpu.memory_space<vmem>>[vector<16xi32>, vector<16xi32>, vector<16xi32>, vector<16xi32>], vector<16xf32>,
      %parallel_loop3A_559 = arith.mulf %parallel_loop3A_463, %parallel_loop3A_553 : vector<16xf32>
      %parallel_loop3A_560 = arith.subf %parallel_loop3A_559, %parallel_loop3A_554 : vector<16xf32>
      %parallel_loop3A_561 = arith.mulf %parallel_loop3A_560, %get3A_21 : vector<16xf32>
      %parallel_loop3A_562 = arith.addf %parallel_loop3A_561, %get3A_37 : vector<16xf32>
      tpu.vector_store_idx %arg12[%parallel_loop3A_448, %add3A_58, %and3A_47, %parallel_loop3A_449], %parallel_loop3A_562 : memref<2x8x8x133xf32, #tpu.memory_space<vmem>>[vector<16xi32>, vector<16xi32>, vector<16xi32>, vector<16xi32>], vector<16xf32>,
      %parallel_loop3A_563 = arith.mulf %parallel_loop3A_470, %parallel_loop3A_553 : vector<16xf32>
      %parallel_loop3A_564 = arith.subf %parallel_loop3A_563, %parallel_loop3A_554 : vector<16xf32>
      %parallel_loop3A_565 = arith.mulf %parallel_loop3A_564, %get3A_25 : vector<16xf32>
      %parallel_loop3A_566 = arith.addf %parallel_loop3A_565, %get3A_41 : vector<16xf32>
      tpu.vector_store_idx %arg12[%parallel_loop3A_448, %add3A_64, %and3A_47, %parallel_loop3A_449], %parallel_loop3A_566 : memref<2x8x8x133xf32, #tpu.memory_space<vmem>>[vector<16xi32>, vector<16xi32>, vector<16xi32>, vector<16xi32>], vector<16xf32>,
      %parallel_loop3A_567 = arith.mulf %parallel_loop3A_477, %parallel_loop3A_553 : vector<16xf32>
      %parallel_loop3A_568 = arith.subf %parallel_loop3A_567, %parallel_loop3A_554 : vector<16xf32>
      %parallel_loop3A_569 = arith.mulf %parallel_loop3A_568, %get3A_29 : vector<16xf32>
      %parallel_loop3A_570 = arith.addf %parallel_loop3A_569, %get3A_45 : vector<16xf32>
      tpu.vector_store_idx %arg12[%parallel_loop3A_448, %add3A_70, %and3A_47, %parallel_loop3A_449], %parallel_loop3A_570 : memref<2x8x8x133xf32, #tpu.memory_space<vmem>>[vector<16xi32>, vector<16xi32>, vector<16xi32>, vector<16xi32>], vector<16xf32>,
    } {sc.loop_unroll_factor = 8 : i64, sc.parallel_access}
    %dma_start3A_149 = arith.constant 0 : i32
    %dma_start3A_150 = arith.constant 0 : i32
    %dma_start3A_151 = arith.constant 0 : i32
    %dma_start3A_152 = arith.constant 0 : i32
    %dma_start3A_153 = tpu.memref_slice %arg12[%dma_start3A_149, %dma_start3A_150, %dma_start3A_151, %dma_start3A_152] : memref<2x8x8x133xf32, #tpu.memory_space<vmem>> -> memref<2x8x8x128xf32, #tpu.memory_space<vmem>>
    %dma_start3A_154 = arith.constant 0 : i32
    %dma_start3A_155 = arith.constant 0 : i32
    %dma_start3A_156 = arith.constant 0 : i32
    %dma_start3A_157 = arith.constant 0 : i32
    %dma_start3A_158 = tpu.memref_slice %arg7[%dma_start3A_154, %dma_start3A_155, %add3A, %dma_start3A_156, %dma_start3A_157] : memref<200x8x32x8x128xf32, #tpu.memory_space<hbm>> -> memref<2x8x1x8x128xf32, #tpu.memory_space<hbm>>
    %dma_start3A_159 = tpu.memref_squeeze %dma_start3A_158 : memref<2x8x1x8x128xf32, #tpu.memory_space<hbm>> -> memref<2x8x8x128xf32, #tpu.memory_space<hbm>>
    %dma_start3A_160 = arith.constant 0 : i32
    %dma_start3A_161 = arith.constant 0 : i32
    %dma_start3A_162 = arith.constant 0 : i32
    %dma_start3A_163 = arith.constant 0 : i32
    %dma_start3A_164 = tpu.memref_slice %arg7[%dma_start3A_160, %dma_start3A_161, %add3A, %dma_start3A_162, %dma_start3A_163] : memref<200x8x32x8x128xf32, #tpu.memory_space<hbm>> -> memref<2x8x1x8x128xf32, #tpu.memory_space<hbm>>
    %dma_start3A_165 = tpu.memref_squeeze %dma_start3A_164 : memref<2x8x1x8x128xf32, #tpu.memory_space<hbm>> -> memref<2x8x8x128xf32, #tpu.memory_space<hbm>>
    %dma_start3A_166 = arith.constant 0 : i32
    %dma_start3A_167 = arith.constant 0 : i32
    %dma_start3A_168 = arith.constant 0 : i32
    %dma_start3A_169 = arith.constant 0 : i32
    %dma_start3A_170 = tpu.memref_slice %arg12[%dma_start3A_166, %dma_start3A_167, %dma_start3A_168, %dma_start3A_169] : memref<2x8x8x133xf32, #tpu.memory_space<vmem>> -> memref<2x8x8x128xf32, #tpu.memory_space<vmem>>
    tpu.enqueue_dma source(%dma_start3A_170 : memref<2x8x8x128xf32, #tpu.memory_space<vmem>>) target(%dma_start3A_165 : memref<2x8x8x128xf32, #tpu.memory_space<hbm>>) target_semaphore(%arg19 : memref<!tpu.dma_semaphore, #tpu.memory_space<semaphore_mem>>)
    %dma_start3A_171 = arith.constant 4 : i32
    %dma_start3A_172 = arith.constant 0 : i32
    %dma_start3A_173 = arith.constant 0 : i32
    %dma_start3A_174 = tpu.memref_slice %arg10[%dma_start3A_172, %dma_start3A_173] : memref<256x64xf32, #tpu.memory_space<vmem>> -> memref<128x64xf32, #tpu.memory_space<vmem>>
    %dma_start3A_175 = arith.constant 0 : i32
    %dma_start3A_176 = tpu.memref_slice %arg9[%dma_start3A_171, %dma_start3A_175] : memref<200x128xi32, #tpu.memory_space<vmem>> -> memref<1x128xi32, #tpu.memory_space<vmem>>
    %dma_start3A_177 = tpu.memref_squeeze %dma_start3A_176 : memref<1x128xi32, #tpu.memory_space<vmem>> -> memref<128xi32, #tpu.memory_space<vmem>>
    %dma_start3A_178 = arith.constant 0 : i32
    %dma_start3A_179 = arith.constant 0 : i32
    %dma_start3A_180 = tpu.memref_slice %arg3[%dma_start3A_178, %dma_start3A_179] : memref<1000000x64xf32, #tpu.memory_space<hbm>> -> memref<1000000x64xf32, #tpu.memory_space<hbm>>
    tpu.enqueue_indirect_dma source(%dma_start3A_180 : memref<1000000x64xf32, #tpu.memory_space<hbm>>) target(%dma_start3A_174 : memref<128x64xf32, #tpu.memory_space<vmem>>) offsets(%dma_start3A_177 : memref<128xi32, #tpu.memory_space<vmem>>) semaphore(%arg17 : memref<!tpu.dma_semaphore, #tpu.memory_space<semaphore_mem>>)
    %dma_start3A_181 = arith.constant 5 : i32
    %dma_start3A_182 = arith.constant 128 : i32
    %dma_start3A_183 = arith.constant 0 : i32
    %dma_start3A_184 = tpu.memref_slice %arg10[%dma_start3A_182, %dma_start3A_183] : memref<256x64xf32, #tpu.memory_space<vmem>> -> memref<128x64xf32, #tpu.memory_space<vmem>>
    %dma_start3A_185 = arith.constant 0 : i32
    %dma_start3A_186 = tpu.memref_slice %arg9[%dma_start3A_181, %dma_start3A_185] : memref<200x128xi32, #tpu.memory_space<vmem>> -> memref<1x128xi32, #tpu.memory_space<vmem>>
    %dma_start3A_187 = tpu.memref_squeeze %dma_start3A_186 : memref<1x128xi32, #tpu.memory_space<vmem>> -> memref<128xi32, #tpu.memory_space<vmem>>
    %dma_start3A_188 = arith.constant 0 : i32
    %dma_start3A_189 = arith.constant 0 : i32
    %dma_start3A_190 = tpu.memref_slice %arg3[%dma_start3A_188, %dma_start3A_189] : memref<1000000x64xf32, #tpu.memory_space<hbm>> -> memref<1000000x64xf32, #tpu.memory_space<hbm>>
    tpu.enqueue_indirect_dma source(%dma_start3A_190 : memref<1000000x64xf32, #tpu.memory_space<hbm>>) target(%dma_start3A_184 : memref<128x64xf32, #tpu.memory_space<vmem>>) offsets(%dma_start3A_187 : memref<128xi32, #tpu.memory_space<vmem>>) semaphore(%arg17 : memref<!tpu.dma_semaphore, #tpu.memory_space<semaphore_mem>>)
    %dma_start3A_191 = arith.constant 0 : i32
    %dma_start3A_192 = arith.constant 4 : i32
    %dma_start3A_193 = arith.constant 0 : i32
    %dma_start3A_194 = tpu.memref_slice %arg4[%dma_start3A_191, %dma_start3A_192, %dma_start3A_193] : memref<1x200x64xf32, #tpu.memory_space<hbm>> -> memref<1x2x64xf32, #tpu.memory_space<hbm>>
    %dma_start3A_195 = tpu.memref_squeeze %dma_start3A_194 : memref<1x2x64xf32, #tpu.memory_space<hbm>> -> memref<2x64xf32, #tpu.memory_space<hbm>>
    %dma_start3A_196 = arith.constant 4 : i32
    %dma_start3A_197 = arith.constant 0 : i32
    %dma_start3A_198 = tpu.memref_slice %arg4[%dma_start3A_191, %dma_start3A_196, %dma_start3A_197] : memref<1x200x64xf32, #tpu.memory_space<hbm>> -> memref<1x2x64xf32, #tpu.memory_space<hbm>>
    %dma_start3A_199 = tpu.memref_squeeze %dma_start3A_198 : memref<1x2x64xf32, #tpu.memory_space<hbm>> -> memref<2x64xf32, #tpu.memory_space<hbm>>
    tpu.enqueue_dma source(%dma_start3A_199 : memref<2x64xf32, #tpu.memory_space<hbm>>) target(%arg14 : memref<2x64xf32, #tpu.memory_space<vmem>>) target_semaphore(%arg17 : memref<!tpu.dma_semaphore, #tpu.memory_space<semaphore_mem>>)
    %dma_wait3A_200 = arith.constant 0 : i32
    %dma_wait3A_201 = arith.constant 0 : i32
    %dma_wait3A_202 = tpu.memref_slice %arg3[%dma_wait3A_200, %dma_wait3A_201] : memref<1000000x64xf32, #tpu.memory_space<hbm>> -> memref<256x64xf32, #tpu.memory_space<hbm>>
    %dma_wait3A_203 = arith.constant 0 : i32
    %dma_wait3A_204 = arith.constant 0 : i32
    %dma_wait3A_205 = tpu.memref_slice %arg3[%dma_wait3A_203, %dma_wait3A_204] : memref<1000000x64xf32, #tpu.memory_space<hbm>> -> memref<256x64xf32, #tpu.memory_space<hbm>>
    tpu.wait_dma2 semaphore(%arg18 : memref<!tpu.dma_semaphore, #tpu.memory_space<semaphore_mem>>) src(%dma_wait3A_205 : memref<256x64xf32, #tpu.memory_space<hbm>>) dst(%arg11 : memref<256x64xf32, #tpu.memory_space<vmem>>)
    %dma_wait3A_206 = arith.constant 0 : i32
    %dma_wait3A_207 = arith.constant 0 : i32
    %dma_wait3A_208 = arith.constant 0 : i32
    %dma_wait3A_209 = tpu.memref_slice %arg4[%dma_wait3A_206, %dma_wait3A_207, %dma_wait3A_208] : memref<1x200x64xf32, #tpu.memory_space<hbm>> -> memref<1x2x64xf32, #tpu.memory_space<hbm>>
    %dma_wait3A_210 = tpu.memref_squeeze %dma_wait3A_209 : memref<1x2x64xf32, #tpu.memory_space<hbm>> -> memref<2x64xf32, #tpu.memory_space<hbm>>
    %dma_wait3A_211 = arith.constant 0 : i32
    %dma_wait3A_212 = arith.constant 0 : i32
    %dma_wait3A_213 = tpu.memref_slice %arg4[%dma_wait3A_206, %dma_wait3A_211, %dma_wait3A_212] : memref<1x200x64xf32, #tpu.memory_space<hbm>> -> memref<1x2x64xf32, #tpu.memory_space<hbm>>
    %dma_wait3A_214 = tpu.memref_squeeze %dma_wait3A_213 : memref<1x2x64xf32, #tpu.memory_space<hbm>> -> memref<2x64xf32, #tpu.memory_space<hbm>>
    tpu.wait_dma2 semaphore(%arg18 : memref<!tpu.dma_semaphore, #tpu.memory_space<semaphore_mem>>) src(%dma_wait3A_214 : memref<2x64xf32, #tpu.memory_space<hbm>>) dst(%arg15 : memref<2x64xf32, #tpu.memory_space<vmem>>)
    %parallel_loop3A_215 = arith.constant 0 : i32
    %parallel_loop3A_216 = arith.constant 256 : i32
    %parallel_loop3A_217 = arith.constant 1 : i32
    scf.for %parallel_loop3A_443 = %parallel_loop3A_215 to %parallel_loop3A_216 step %parallel_loop3A_217  : i32 {
      %parallel_loop3A_444 = arith.constant 7 : i32
      %parallel_loop3A_445 = arith.shrui %parallel_loop3A_443, %parallel_loop3A_444 : i32
      %parallel_loop3A_446 = arith.constant 127 : i32
      %parallel_loop3A_447 = arith.andi %parallel_loop3A_443, %parallel_loop3A_446 : i32
      %parallel_loop3A_448 = vector.broadcast %parallel_loop3A_445 : i32 to vector<16xi32>
      %parallel_loop3A_449 = vector.broadcast %parallel_loop3A_447 : i32 to vector<16xi32>
      %parallel_loop3A_450 = arith.index_cast %parallel_loop3A_443 : i32 to index
      %parallel_loop3A_451 = arith.constant 0 : index
      %parallel_loop3A_452 = tpu.vector_load %arg11[%parallel_loop3A_450, %parallel_loop3A_451] {strides = array<i32>} : memref<256x64xf32, #tpu.memory_space<vmem>>, vector<16xf32>,
      %parallel_loop3A_453 = arith.index_cast %parallel_loop3A_445 : i32 to index
      %parallel_loop3A_454 = arith.constant 0 : index
      %parallel_loop3A_455 = tpu.vector_load %arg15[%parallel_loop3A_453, %parallel_loop3A_454] {strides = array<i32>} : memref<2x64xf32, #tpu.memory_space<vmem>>, vector<16xf32>,
      %parallel_loop3A_456 = arith.addf %parallel_loop3A_452, %parallel_loop3A_455 : vector<16xf32>
      %parallel_loop3A_457 = arith.index_cast %parallel_loop3A_443 : i32 to index
      %parallel_loop3A_458 = arith.constant 16 : index
      %parallel_loop3A_459 = tpu.vector_load %arg11[%parallel_loop3A_457, %parallel_loop3A_458] {strides = array<i32>} : memref<256x64xf32, #tpu.memory_space<vmem>>, vector<16xf32>,
      %parallel_loop3A_460 = arith.index_cast %parallel_loop3A_445 : i32 to index
      %parallel_loop3A_461 = arith.constant 16 : index
      %parallel_loop3A_462 = tpu.vector_load %arg15[%parallel_loop3A_460, %parallel_loop3A_461] {strides = array<i32>} : memref<2x64xf32, #tpu.memory_space<vmem>>, vector<16xf32>,
      %parallel_loop3A_463 = arith.addf %parallel_loop3A_459, %parallel_loop3A_462 : vector<16xf32>
      %parallel_loop3A_464 = arith.index_cast %parallel_loop3A_443 : i32 to index
      %parallel_loop3A_465 = arith.constant 32 : index
      %parallel_loop3A_466 = tpu.vector_load %arg11[%parallel_loop3A_464, %parallel_loop3A_465] {strides = array<i32>} : memref<256x64xf32, #tpu.memory_space<vmem>>, vector<16xf32>,
      %parallel_loop3A_467 = arith.index_cast %parallel_loop3A_445 : i32 to index
      %parallel_loop3A_468 = arith.constant 32 : index
      %parallel_loop3A_469 = tpu.vector_load %arg15[%parallel_loop3A_467, %parallel_loop3A_468] {strides = array<i32>} : memref<2x64xf32, #tpu.memory_space<vmem>>, vector<16xf32>,
      %parallel_loop3A_470 = arith.addf %parallel_loop3A_466, %parallel_loop3A_469 : vector<16xf32>
      %parallel_loop3A_471 = arith.index_cast %parallel_loop3A_443 : i32 to index
      %parallel_loop3A_472 = arith.constant 48 : index
      %parallel_loop3A_473 = tpu.vector_load %arg11[%parallel_loop3A_471, %parallel_loop3A_472] {strides = array<i32>} : memref<256x64xf32, #tpu.memory_space<vmem>>, vector<16xf32>,
      %parallel_loop3A_474 = arith.index_cast %parallel_loop3A_445 : i32 to index
      %parallel_loop3A_475 = arith.constant 48 : index
      %parallel_loop3A_476 = tpu.vector_load %arg15[%parallel_loop3A_474, %parallel_loop3A_475] {strides = array<i32>} : memref<2x64xf32, #tpu.memory_space<vmem>>, vector<16xf32>,
      %parallel_loop3A_477 = arith.addf %parallel_loop3A_473, %parallel_loop3A_476 : vector<16xf32>
      %parallel_loop3A_478 = arith.addf %parallel_loop3A_456, %parallel_loop3A_463 : vector<16xf32>
      %parallel_loop3A_479 = arith.addf %parallel_loop3A_470, %parallel_loop3A_477 : vector<16xf32>
      %parallel_loop3A_480 = arith.addf %parallel_loop3A_478, %parallel_loop3A_479 : vector<16xf32>
      %parallel_loop3A_481 = arith.mulf %parallel_loop3A_456, %parallel_loop3A_456 : vector<16xf32>
      %parallel_loop3A_482 = arith.mulf %parallel_loop3A_463, %parallel_loop3A_463 : vector<16xf32>
      %parallel_loop3A_483 = arith.addf %parallel_loop3A_481, %parallel_loop3A_482 : vector<16xf32>
      %parallel_loop3A_484 = arith.mulf %parallel_loop3A_470, %parallel_loop3A_470 : vector<16xf32>
      %parallel_loop3A_485 = arith.mulf %parallel_loop3A_477, %parallel_loop3A_477 : vector<16xf32>
      %parallel_loop3A_486 = arith.addf %parallel_loop3A_484, %parallel_loop3A_485 : vector<16xf32>
      %parallel_loop3A_487 = arith.addf %parallel_loop3A_483, %parallel_loop3A_486 : vector<16xf32>
      %parallel_loop3A_488 = vector.shape_cast %xor3A_5 : vector<16xi32> to vector<16x1xi32>
      %parallel_loop3A_489 = vector.shape_cast %parallel_loop3A_488 : vector<16x1xi32> to vector<16xi32>
      %parallel_loop3A_490 = tpu.dynamic_gather %parallel_loop3A_480[%parallel_loop3A_489] in [0] : vector<16xf32>, vector<16xi32> -> vector<16xf32>
      %parallel_loop3A_491 = arith.addf %parallel_loop3A_480, %parallel_loop3A_490 : vector<16xf32>
      %parallel_loop3A_492 = vector.shape_cast %xor3A_8 : vector<16xi32> to vector<16x1xi32>
      %parallel_loop3A_493 = vector.shape_cast %parallel_loop3A_492 : vector<16x1xi32> to vector<16xi32>
      %parallel_loop3A_494 = tpu.dynamic_gather %parallel_loop3A_491[%parallel_loop3A_493] in [0] : vector<16xf32>, vector<16xi32> -> vector<16xf32>
      %parallel_loop3A_495 = arith.addf %parallel_loop3A_491, %parallel_loop3A_494 : vector<16xf32>
      %parallel_loop3A_496 = vector.shape_cast %xor3A_11 : vector<16xi32> to vector<16x1xi32>
      %parallel_loop3A_497 = vector.shape_cast %parallel_loop3A_496 : vector<16x1xi32> to vector<16xi32>
      %parallel_loop3A_498 = tpu.dynamic_gather %parallel_loop3A_495[%parallel_loop3A_497] in [0] : vector<16xf32>, vector<16xi32> -> vector<16xf32>
      %parallel_loop3A_499 = arith.addf %parallel_loop3A_495, %parallel_loop3A_498 : vector<16xf32>
      %parallel_loop3A_500 = vector.shape_cast %xor3A_14 : vector<16xi32> to vector<16x1xi32>
      %parallel_loop3A_501 = vector.shape_cast %parallel_loop3A_500 : vector<16x1xi32> to vector<16xi32>
      %parallel_loop3A_502 = tpu.dynamic_gather %parallel_loop3A_499[%parallel_loop3A_501] in [0] : vector<16xf32>, vector<16xi32> -> vector<16xf32>
      %parallel_loop3A_503 = arith.addf %parallel_loop3A_499, %parallel_loop3A_502 : vector<16xf32>
      %parallel_loop3A_504 = arith.constant 1.562500e-02 : f32
      %parallel_loop3A_505 = vector.broadcast %parallel_loop3A_504 : f32 to vector<16xf32>
      %parallel_loop3A_506 = arith.mulf %parallel_loop3A_503, %parallel_loop3A_505 : vector<16xf32>
      %parallel_loop3A_507 = vector.shape_cast %xor3A_5 : vector<16xi32> to vector<16x1xi32>
      %parallel_loop3A_508 = vector.shape_cast %parallel_loop3A_507 : vector<16x1xi32> to vector<16xi32>
      %parallel_loop3A_509 = tpu.dynamic_gather %parallel_loop3A_487[%parallel_loop3A_508] in [0] : vector<16xf32>, vector<16xi32> -> vector<16xf32>
      %parallel_loop3A_510 = arith.addf %parallel_loop3A_487, %parallel_loop3A_509 : vector<16xf32>
      %parallel_loop3A_511 = vector.shape_cast %xor3A_8 : vector<16xi32> to vector<16x1xi32>
      %parallel_loop3A_512 = vector.shape_cast %parallel_loop3A_511 : vector<16x1xi32> to vector<16xi32>
      %parallel_loop3A_513 = tpu.dynamic_gather %parallel_loop3A_510[%parallel_loop3A_512] in [0] : vector<16xf32>, vector<16xi32> -> vector<16xf32>
      %parallel_loop3A_514 = arith.addf %parallel_loop3A_510, %parallel_loop3A_513 : vector<16xf32>
      %parallel_loop3A_515 = vector.shape_cast %xor3A_11 : vector<16xi32> to vector<16x1xi32>
      %parallel_loop3A_516 = vector.shape_cast %parallel_loop3A_515 : vector<16x1xi32> to vector<16xi32>
      %parallel_loop3A_517 = tpu.dynamic_gather %parallel_loop3A_514[%parallel_loop3A_516] in [0] : vector<16xf32>, vector<16xi32> -> vector<16xf32>
      %parallel_loop3A_518 = arith.addf %parallel_loop3A_514, %parallel_loop3A_517 : vector<16xf32>
      %parallel_loop3A_519 = vector.shape_cast %xor3A_14 : vector<16xi32> to vector<16x1xi32>
      %parallel_loop3A_520 = vector.shape_cast %parallel_loop3A_519 : vector<16x1xi32> to vector<16xi32>
      %parallel_loop3A_521 = tpu.dynamic_gather %parallel_loop3A_518[%parallel_loop3A_520] in [0] : vector<16xf32>, vector<16xi32> -> vector<16xf32>
      %parallel_loop3A_522 = arith.addf %parallel_loop3A_518, %parallel_loop3A_521 : vector<16xf32>
      %parallel_loop3A_523 = arith.constant 1.562500e-02 : f32
      %parallel_loop3A_524 = vector.broadcast %parallel_loop3A_523 : f32 to vector<16xf32>
      %parallel_loop3A_525 = arith.mulf %parallel_loop3A_522, %parallel_loop3A_524 : vector<16xf32>
      %parallel_loop3A_526 = arith.mulf %parallel_loop3A_506, %parallel_loop3A_506 : vector<16xf32>
      %parallel_loop3A_527 = arith.subf %parallel_loop3A_525, %parallel_loop3A_526 : vector<16xf32>
      %parallel_loop3A_528 = arith.constant 9.99999974E-6 : f32
      %parallel_loop3A_529 = vector.broadcast %parallel_loop3A_528 : f32 to vector<16xf32>
      %parallel_loop3A_530 = arith.addf %parallel_loop3A_527, %parallel_loop3A_529 : vector<16xf32>
      %parallel_loop3A_531 = vector.bitcast %parallel_loop3A_530 : vector<16xf32> to vector<16xi32>
      %parallel_loop3A_532 = arith.constant 1 : i32
      %parallel_loop3A_533 = vector.broadcast %parallel_loop3A_532 : i32 to vector<16xi32>
      %parallel_loop3A_534 = arith.shrui %parallel_loop3A_531, %parallel_loop3A_533 : vector<16xi32>
      %parallel_loop3A_535 = arith.constant 1597463007 : i32
      %parallel_loop3A_536 = vector.broadcast %parallel_loop3A_535 : i32 to vector<16xi32>
      %parallel_loop3A_537 = arith.subi %parallel_loop3A_536, %parallel_loop3A_534 : vector<16xi32>
      %parallel_loop3A_538 = vector.bitcast %parallel_loop3A_537 : vector<16xi32> to vector<16xf32>
      %parallel_loop3A_539 = arith.constant 5.000000e-01 : f32
      %parallel_loop3A_540 = vector.broadcast %parallel_loop3A_539 : f32 to vector<16xf32>
      %parallel_loop3A_541 = arith.mulf %parallel_loop3A_540, %parallel_loop3A_530 : vector<16xf32>
      %parallel_loop3A_542 = arith.mulf %parallel_loop3A_541, %parallel_loop3A_538 : vector<16xf32>
      %parallel_loop3A_543 = arith.mulf %parallel_loop3A_542, %parallel_loop3A_538 : vector<16xf32>
      %parallel_loop3A_544 = arith.constant 1.500000e+00 : f32
      %parallel_loop3A_545 = vector.broadcast %parallel_loop3A_544 : f32 to vector<16xf32>
      %parallel_loop3A_546 = arith.subf %parallel_loop3A_545, %parallel_loop3A_543 : vector<16xf32>
      %parallel_loop3A_547 = arith.mulf %parallel_loop3A_538, %parallel_loop3A_546 : vector<16xf32>
      %parallel_loop3A_548 = arith.mulf %parallel_loop3A_541, %parallel_loop3A_547 : vector<16xf32>
      %parallel_loop3A_549 = arith.mulf %parallel_loop3A_548, %parallel_loop3A_547 : vector<16xf32>
      %parallel_loop3A_550 = arith.constant 1.500000e+00 : f32
      %parallel_loop3A_551 = vector.broadcast %parallel_loop3A_550 : f32 to vector<16xf32>
      %parallel_loop3A_552 = arith.subf %parallel_loop3A_551, %parallel_loop3A_549 : vector<16xf32>
      %parallel_loop3A_553 = arith.mulf %parallel_loop3A_547, %parallel_loop3A_552 : vector<16xf32>
      %parallel_loop3A_554 = arith.mulf %parallel_loop3A_506, %parallel_loop3A_553 : vector<16xf32>
      %parallel_loop3A_555 = arith.mulf %parallel_loop3A_456, %parallel_loop3A_553 : vector<16xf32>
      %parallel_loop3A_556 = arith.subf %parallel_loop3A_555, %parallel_loop3A_554 : vector<16xf32>
      %parallel_loop3A_557 = arith.mulf %parallel_loop3A_556, %get3A_17 : vector<16xf32>
      %parallel_loop3A_558 = arith.addf %parallel_loop3A_557, %get3A_33 : vector<16xf32>
      tpu.vector_store_idx %arg13[%parallel_loop3A_448, %add3A_52, %and3A_47, %parallel_loop3A_449], %parallel_loop3A_558 : memref<2x8x8x133xf32, #tpu.memory_space<vmem>>[vector<16xi32>, vector<16xi32>, vector<16xi32>, vector<16xi32>], vector<16xf32>,
      %parallel_loop3A_559 = arith.mulf %parallel_loop3A_463, %parallel_loop3A_553 : vector<16xf32>
      %parallel_loop3A_560 = arith.subf %parallel_loop3A_559, %parallel_loop3A_554 : vector<16xf32>
      %parallel_loop3A_561 = arith.mulf %parallel_loop3A_560, %get3A_21 : vector<16xf32>
      %parallel_loop3A_562 = arith.addf %parallel_loop3A_561, %get3A_37 : vector<16xf32>
      tpu.vector_store_idx %arg13[%parallel_loop3A_448, %add3A_58, %and3A_47, %parallel_loop3A_449], %parallel_loop3A_562 : memref<2x8x8x133xf32, #tpu.memory_space<vmem>>[vector<16xi32>, vector<16xi32>, vector<16xi32>, vector<16xi32>], vector<16xf32>,
      %parallel_loop3A_563 = arith.mulf %parallel_loop3A_470, %parallel_loop3A_553 : vector<16xf32>
      %parallel_loop3A_564 = arith.subf %parallel_loop3A_563, %parallel_loop3A_554 : vector<16xf32>
      %parallel_loop3A_565 = arith.mulf %parallel_loop3A_564, %get3A_25 : vector<16xf32>
      %parallel_loop3A_566 = arith.addf %parallel_loop3A_565, %get3A_41 : vector<16xf32>
      tpu.vector_store_idx %arg13[%parallel_loop3A_448, %add3A_64, %and3A_47, %parallel_loop3A_449], %parallel_loop3A_566 : memref<2x8x8x133xf32, #tpu.memory_space<vmem>>[vector<16xi32>, vector<16xi32>, vector<16xi32>, vector<16xi32>], vector<16xf32>,
      %parallel_loop3A_567 = arith.mulf %parallel_loop3A_477, %parallel_loop3A_553 : vector<16xf32>
      %parallel_loop3A_568 = arith.subf %parallel_loop3A_567, %parallel_loop3A_554 : vector<16xf32>
      %parallel_loop3A_569 = arith.mulf %parallel_loop3A_568, %get3A_29 : vector<16xf32>
      %parallel_loop3A_570 = arith.addf %parallel_loop3A_569, %get3A_45 : vector<16xf32>
      tpu.vector_store_idx %arg13[%parallel_loop3A_448, %add3A_70, %and3A_47, %parallel_loop3A_449], %parallel_loop3A_570 : memref<2x8x8x133xf32, #tpu.memory_space<vmem>>[vector<16xi32>, vector<16xi32>, vector<16xi32>, vector<16xi32>], vector<16xf32>,
    } {sc.loop_unroll_factor = 8 : i64, sc.parallel_access}
    %dma_start3A_218 = arith.constant 0 : i32
    %dma_start3A_219 = arith.constant 0 : i32
    %dma_start3A_220 = arith.constant 0 : i32
    %dma_start3A_221 = arith.constant 0 : i32
    %dma_start3A_222 = tpu.memref_slice %arg13[%dma_start3A_218, %dma_start3A_219, %dma_start3A_220, %dma_start3A_221] : memref<2x8x8x133xf32, #tpu.memory_space<vmem>> -> memref<2x8x8x128xf32, #tpu.memory_space<vmem>>
    %dma_start3A_223 = arith.constant 2 : i32
    %dma_start3A_224 = arith.constant 0 : i32
    %dma_start3A_225 = arith.constant 0 : i32
    %dma_start3A_226 = arith.constant 0 : i32
    %dma_start3A_227 = tpu.memref_slice %arg7[%dma_start3A_223, %dma_start3A_224, %add3A, %dma_start3A_225, %dma_start3A_226] : memref<200x8x32x8x128xf32, #tpu.memory_space<hbm>> -> memref<2x8x1x8x128xf32, #tpu.memory_space<hbm>>
    %dma_start3A_228 = tpu.memref_squeeze %dma_start3A_227 : memref<2x8x1x8x128xf32, #tpu.memory_space<hbm>> -> memref<2x8x8x128xf32, #tpu.memory_space<hbm>>
    %dma_start3A_229 = arith.constant 2 : i32
    %dma_start3A_230 = arith.constant 0 : i32
    %dma_start3A_231 = arith.constant 0 : i32
    %dma_start3A_232 = arith.constant 0 : i32
    %dma_start3A_233 = tpu.memref_slice %arg7[%dma_start3A_229, %dma_start3A_230, %add3A, %dma_start3A_231, %dma_start3A_232] : memref<200x8x32x8x128xf32, #tpu.memory_space<hbm>> -> memref<2x8x1x8x128xf32, #tpu.memory_space<hbm>>
    %dma_start3A_234 = tpu.memref_squeeze %dma_start3A_233 : memref<2x8x1x8x128xf32, #tpu.memory_space<hbm>> -> memref<2x8x8x128xf32, #tpu.memory_space<hbm>>
    %dma_start3A_235 = arith.constant 0 : i32
    %dma_start3A_236 = arith.constant 0 : i32
    %dma_start3A_237 = arith.constant 0 : i32
    %dma_start3A_238 = arith.constant 0 : i32
    %dma_start3A_239 = tpu.memref_slice %arg13[%dma_start3A_235, %dma_start3A_236, %dma_start3A_237, %dma_start3A_238] : memref<2x8x8x133xf32, #tpu.memory_space<vmem>> -> memref<2x8x8x128xf32, #tpu.memory_space<vmem>>
    tpu.enqueue_dma source(%dma_start3A_239 : memref<2x8x8x128xf32, #tpu.memory_space<vmem>>) target(%dma_start3A_234 : memref<2x8x8x128xf32, #tpu.memory_space<hbm>>) target_semaphore(%arg20 : memref<!tpu.dma_semaphore, #tpu.memory_space<semaphore_mem>>)
    %dma_start3A_240 = arith.constant 6 : i32
    %dma_start3A_241 = arith.constant 0 : i32
    %dma_start3A_242 = arith.constant 0 : i32
    %dma_start3A_243 = tpu.memref_slice %arg11[%dma_start3A_241, %dma_start3A_242] : memref<256x64xf32, #tpu.memory_space<vmem>> -> memref<128x64xf32, #tpu.memory_space<vmem>>
    %dma_start3A_244 = arith.constant 0 : i32
    %dma_start3A_245 = tpu.memref_slice %arg9[%dma_start3A_240, %dma_start3A_244] : memref<200x128xi32, #tpu.memory_space<vmem>> -> memref<1x128xi32, #tpu.memory_space<vmem>>
    %dma_start3A_246 = tpu.memref_squeeze %dma_start3A_245 : memref<1x128xi32, #tpu.memory_space<vmem>> -> memref<128xi32, #tpu.memory_space<vmem>>
    %dma_start3A_247 = arith.constant 0 : i32
    %dma_start3A_248 = arith.constant 0 : i32
    %dma_start3A_249 = tpu.memref_slice %arg3[%dma_start3A_247, %dma_start3A_248] : memref<1000000x64xf32, #tpu.memory_space<hbm>> -> memref<1000000x64xf32, #tpu.memory_space<hbm>>
    tpu.enqueue_indirect_dma source(%dma_start3A_249 : memref<1000000x64xf32, #tpu.memory_space<hbm>>) target(%dma_start3A_243 : memref<128x64xf32, #tpu.memory_space<vmem>>) offsets(%dma_start3A_246 : memref<128xi32, #tpu.memory_space<vmem>>) semaphore(%arg18 : memref<!tpu.dma_semaphore, #tpu.memory_space<semaphore_mem>>)
    %dma_start3A_250 = arith.constant 7 : i32
    %dma_start3A_251 = arith.constant 128 : i32
    %dma_start3A_252 = arith.constant 0 : i32
    %dma_start3A_253 = tpu.memref_slice %arg11[%dma_start3A_251, %dma_start3A_252] : memref<256x64xf32, #tpu.memory_space<vmem>> -> memref<128x64xf32, #tpu.memory_space<vmem>>
    %dma_start3A_254 = arith.constant 0 : i32
    %dma_start3A_255 = tpu.memref_slice %arg9[%dma_start3A_250, %dma_start3A_254] : memref<200x128xi32, #tpu.memory_space<vmem>> -> memref<1x128xi32, #tpu.memory_space<vmem>>
    %dma_start3A_256 = tpu.memref_squeeze %dma_start3A_255 : memref<1x128xi32, #tpu.memory_space<vmem>> -> memref<128xi32, #tpu.memory_space<vmem>>
    %dma_start3A_257 = arith.constant 0 : i32
    %dma_start3A_258 = arith.constant 0 : i32
    %dma_start3A_259 = tpu.memref_slice %arg3[%dma_start3A_257, %dma_start3A_258] : memref<1000000x64xf32, #tpu.memory_space<hbm>> -> memref<1000000x64xf32, #tpu.memory_space<hbm>>
    tpu.enqueue_indirect_dma source(%dma_start3A_259 : memref<1000000x64xf32, #tpu.memory_space<hbm>>) target(%dma_start3A_253 : memref<128x64xf32, #tpu.memory_space<vmem>>) offsets(%dma_start3A_256 : memref<128xi32, #tpu.memory_space<vmem>>) semaphore(%arg18 : memref<!tpu.dma_semaphore, #tpu.memory_space<semaphore_mem>>)
    %dma_start3A_260 = arith.constant 0 : i32
    %dma_start3A_261 = arith.constant 6 : i32
    %dma_start3A_262 = arith.constant 0 : i32
    %dma_start3A_263 = tpu.memref_slice %arg4[%dma_start3A_260, %dma_start3A_261, %dma_start3A_262] : memref<1x200x64xf32, #tpu.memory_space<hbm>> -> memref<1x2x64xf32, #tpu.memory_space<hbm>>
    %dma_start3A_264 = tpu.memref_squeeze %dma_start3A_263 : memref<1x2x64xf32, #tpu.memory_space<hbm>> -> memref<2x64xf32, #tpu.memory_space<hbm>>
    %dma_start3A_265 = arith.constant 6 : i32
    %dma_start3A_266 = arith.constant 0 : i32
    %dma_start3A_267 = tpu.memref_slice %arg4[%dma_start3A_260, %dma_start3A_265, %dma_start3A_266] : memref<1x200x64xf32, #tpu.memory_space<hbm>> -> memref<1x2x64xf32, #tpu.memory_space<hbm>>
    %dma_start3A_268 = tpu.memref_squeeze %dma_start3A_267 : memref<1x2x64xf32, #tpu.memory_space<hbm>> -> memref<2x64xf32, #tpu.memory_space<hbm>>
    tpu.enqueue_dma source(%dma_start3A_268 : memref<2x64xf32, #tpu.memory_space<hbm>>) target(%arg15 : memref<2x64xf32, #tpu.memory_space<vmem>>) target_semaphore(%arg18 : memref<!tpu.dma_semaphore, #tpu.memory_space<semaphore_mem>>)
    %scan3A_269 = arith.constant 0 : i32
    %scan3A_270 = arith.constant 0 : i32
    %scan3A_271 = arith.constant 48 : i32
    %scan3A_272 = arith.addi %scan3A_270, %scan3A_271 : i32
    %scan3A_273 = arith.constant 1 : i32
    scf.for %scan3A_443 = %scan3A_270 to %scan3A_272 step %scan3A_273  : i32 {
      %mul3A_444 = arith.constant 2 : i32
      %mul3A_445 = arith.muli %mul3A_444, %scan3A_443 : i32
      %add3A_446 = arith.constant 2 : i32
      %add3A_447 = arith.addi %mul3A_445, %add3A_446 : i32
      %dma_wait3A_448 = arith.constant 0 : i32
      %dma_wait3A_449 = arith.constant 0 : i32
      %dma_wait3A_450 = tpu.memref_slice %arg3[%dma_wait3A_448, %dma_wait3A_449] : memref<1000000x64xf32, #tpu.memory_space<hbm>> -> memref<256x64xf32, #tpu.memory_space<hbm>>
      %dma_wait3A_451 = arith.constant 0 : i32
      %dma_wait3A_452 = arith.constant 0 : i32
      %dma_wait3A_453 = tpu.memref_slice %arg3[%dma_wait3A_451, %dma_wait3A_452] : memref<1000000x64xf32, #tpu.memory_space<hbm>> -> memref<256x64xf32, #tpu.memory_space<hbm>>
      tpu.wait_dma2 semaphore(%arg17 : memref<!tpu.dma_semaphore, #tpu.memory_space<semaphore_mem>>) src(%dma_wait3A_453 : memref<256x64xf32, #tpu.memory_space<hbm>>) dst(%arg10 : memref<256x64xf32, #tpu.memory_space<vmem>>)
      %dma_wait3A_454 = arith.constant 0 : i32
      %dma_wait3A_455 = arith.constant 0 : i32
      %dma_wait3A_456 = arith.constant 0 : i32
      %dma_wait3A_457 = tpu.memref_slice %arg4[%dma_wait3A_454, %dma_wait3A_455, %dma_wait3A_456] : memref<1x200x64xf32, #tpu.memory_space<hbm>> -> memref<1x2x64xf32, #tpu.memory_space<hbm>>
      %dma_wait3A_458 = tpu.memref_squeeze %dma_wait3A_457 : memref<1x2x64xf32, #tpu.memory_space<hbm>> -> memref<2x64xf32, #tpu.memory_space<hbm>>
      %dma_wait3A_459 = arith.constant 0 : i32
      %dma_wait3A_460 = arith.constant 0 : i32
      %dma_wait3A_461 = tpu.memref_slice %arg4[%dma_wait3A_454, %dma_wait3A_459, %dma_wait3A_460] : memref<1x200x64xf32, #tpu.memory_space<hbm>> -> memref<1x2x64xf32, #tpu.memory_space<hbm>>
      %dma_wait3A_462 = tpu.memref_squeeze %dma_wait3A_461 : memref<1x2x64xf32, #tpu.memory_space<hbm>> -> memref<2x64xf32, #tpu.memory_space<hbm>>
      tpu.wait_dma2 semaphore(%arg17 : memref<!tpu.dma_semaphore, #tpu.memory_space<semaphore_mem>>) src(%dma_wait3A_462 : memref<2x64xf32, #tpu.memory_space<hbm>>) dst(%arg14 : memref<2x64xf32, #tpu.memory_space<vmem>>)
      %dma_wait3A_463 = arith.constant 0 : i32
      %dma_wait3A_464 = arith.constant 0 : i32
      %dma_wait3A_465 = arith.constant 0 : i32
      %dma_wait3A_466 = arith.constant 0 : i32
      %dma_wait3A_467 = tpu.memref_slice %arg12[%dma_wait3A_463, %dma_wait3A_464, %dma_wait3A_465, %dma_wait3A_466] : memref<2x8x8x133xf32, #tpu.memory_space<vmem>> -> memref<2x8x8x128xf32, #tpu.memory_space<vmem>>
      %dma_wait3A_468 = arith.constant 0 : i32
      %dma_wait3A_469 = arith.constant 0 : i32
      %dma_wait3A_470 = arith.constant 0 : i32
      %dma_wait3A_471 = arith.constant 0 : i32
      %dma_wait3A_472 = tpu.memref_slice %arg7[%dma_wait3A_468, %dma_wait3A_469, %add3A, %dma_wait3A_470, %dma_wait3A_471] : memref<200x8x32x8x128xf32, #tpu.memory_space<hbm>> -> memref<2x8x1x8x128xf32, #tpu.memory_space<hbm>>
      %dma_wait3A_473 = tpu.memref_squeeze %dma_wait3A_472 : memref<2x8x1x8x128xf32, #tpu.memory_space<hbm>> -> memref<2x8x8x128xf32, #tpu.memory_space<hbm>>
      %dma_wait3A_474 = arith.constant 0 : i32
      %dma_wait3A_475 = arith.constant 0 : i32
      %dma_wait3A_476 = arith.constant 0 : i32
      %dma_wait3A_477 = arith.constant 0 : i32
      %dma_wait3A_478 = tpu.memref_slice %arg7[%dma_wait3A_474, %dma_wait3A_475, %add3A, %dma_wait3A_476, %dma_wait3A_477] : memref<200x8x32x8x128xf32, #tpu.memory_space<hbm>> -> memref<2x8x1x8x128xf32, #tpu.memory_space<hbm>>
      %dma_wait3A_479 = tpu.memref_squeeze %dma_wait3A_478 : memref<2x8x1x8x128xf32, #tpu.memory_space<hbm>> -> memref<2x8x8x128xf32, #tpu.memory_space<hbm>>
      %dma_wait3A_480 = arith.constant 0 : i32
      %dma_wait3A_481 = arith.constant 0 : i32
      %dma_wait3A_482 = arith.constant 0 : i32
      %dma_wait3A_483 = arith.constant 0 : i32
      %dma_wait3A_484 = tpu.memref_slice %arg12[%dma_wait3A_480, %dma_wait3A_481, %dma_wait3A_482, %dma_wait3A_483] : memref<2x8x8x133xf32, #tpu.memory_space<vmem>> -> memref<2x8x8x128xf32, #tpu.memory_space<vmem>>
      tpu.wait_dma2 semaphore(%arg19 : memref<!tpu.dma_semaphore, #tpu.memory_space<semaphore_mem>>) src(%dma_wait3A_484 : memref<2x8x8x128xf32, #tpu.memory_space<vmem>>) dst(%dma_wait3A_479 : memref<2x8x8x128xf32, #tpu.memory_space<hbm>>)
      %parallel_loop3A_485 = arith.constant 0 : i32
      %parallel_loop3A_486 = arith.constant 256 : i32
      %parallel_loop3A_487 = arith.constant 1 : i32
      scf.for %parallel_loop3A_640 = %parallel_loop3A_485 to %parallel_loop3A_486 step %parallel_loop3A_487  : i32 {
        %parallel_loop3A_641 = arith.constant 7 : i32
        %parallel_loop3A_642 = arith.shrui %parallel_loop3A_640, %parallel_loop3A_641 : i32
        %parallel_loop3A_643 = arith.constant 127 : i32
        %parallel_loop3A_644 = arith.andi %parallel_loop3A_640, %parallel_loop3A_643 : i32
        %parallel_loop3A_645 = vector.broadcast %parallel_loop3A_642 : i32 to vector<16xi32>
        %parallel_loop3A_646 = vector.broadcast %parallel_loop3A_644 : i32 to vector<16xi32>
        %parallel_loop3A_647 = arith.index_cast %parallel_loop3A_640 : i32 to index
        %parallel_loop3A_648 = arith.constant 0 : index
        %parallel_loop3A_649 = tpu.vector_load %arg10[%parallel_loop3A_647, %parallel_loop3A_648] {strides = array<i32>} : memref<256x64xf32, #tpu.memory_space<vmem>>, vector<16xf32>,
        %parallel_loop3A_650 = arith.index_cast %parallel_loop3A_642 : i32 to index
        %parallel_loop3A_651 = arith.constant 0 : index
        %parallel_loop3A_652 = tpu.vector_load %arg14[%parallel_loop3A_650, %parallel_loop3A_651] {strides = array<i32>} : memref<2x64xf32, #tpu.memory_space<vmem>>, vector<16xf32>,
        %parallel_loop3A_653 = arith.addf %parallel_loop3A_649, %parallel_loop3A_652 : vector<16xf32>
        %parallel_loop3A_654 = arith.index_cast %parallel_loop3A_640 : i32 to index
        %parallel_loop3A_655 = arith.constant 16 : index
        %parallel_loop3A_656 = tpu.vector_load %arg10[%parallel_loop3A_654, %parallel_loop3A_655] {strides = array<i32>} : memref<256x64xf32, #tpu.memory_space<vmem>>, vector<16xf32>,
        %parallel_loop3A_657 = arith.index_cast %parallel_loop3A_642 : i32 to index
        %parallel_loop3A_658 = arith.constant 16 : index
        %parallel_loop3A_659 = tpu.vector_load %arg14[%parallel_loop3A_657, %parallel_loop3A_658] {strides = array<i32>} : memref<2x64xf32, #tpu.memory_space<vmem>>, vector<16xf32>,
        %parallel_loop3A_660 = arith.addf %parallel_loop3A_656, %parallel_loop3A_659 : vector<16xf32>
        %parallel_loop3A_661 = arith.index_cast %parallel_loop3A_640 : i32 to index
        %parallel_loop3A_662 = arith.constant 32 : index
        %parallel_loop3A_663 = tpu.vector_load %arg10[%parallel_loop3A_661, %parallel_loop3A_662] {strides = array<i32>} : memref<256x64xf32, #tpu.memory_space<vmem>>, vector<16xf32>,
        %parallel_loop3A_664 = arith.index_cast %parallel_loop3A_642 : i32 to index
        %parallel_loop3A_665 = arith.constant 32 : index
        %parallel_loop3A_666 = tpu.vector_load %arg14[%parallel_loop3A_664, %parallel_loop3A_665] {strides = array<i32>} : memref<2x64xf32, #tpu.memory_space<vmem>>, vector<16xf32>,
        %parallel_loop3A_667 = arith.addf %parallel_loop3A_663, %parallel_loop3A_666 : vector<16xf32>
        %parallel_loop3A_668 = arith.index_cast %parallel_loop3A_640 : i32 to index
        %parallel_loop3A_669 = arith.constant 48 : index
        %parallel_loop3A_670 = tpu.vector_load %arg10[%parallel_loop3A_668, %parallel_loop3A_669] {strides = array<i32>} : memref<256x64xf32, #tpu.memory_space<vmem>>, vector<16xf32>,
        %parallel_loop3A_671 = arith.index_cast %parallel_loop3A_642 : i32 to index
        %parallel_loop3A_672 = arith.constant 48 : index
        %parallel_loop3A_673 = tpu.vector_load %arg14[%parallel_loop3A_671, %parallel_loop3A_672] {strides = array<i32>} : memref<2x64xf32, #tpu.memory_space<vmem>>, vector<16xf32>,
        %parallel_loop3A_674 = arith.addf %parallel_loop3A_670, %parallel_loop3A_673 : vector<16xf32>
        %parallel_loop3A_675 = arith.addf %parallel_loop3A_653, %parallel_loop3A_660 : vector<16xf32>
        %parallel_loop3A_676 = arith.addf %parallel_loop3A_667, %parallel_loop3A_674 : vector<16xf32>
        %parallel_loop3A_677 = arith.addf %parallel_loop3A_675, %parallel_loop3A_676 : vector<16xf32>
        %parallel_loop3A_678 = arith.mulf %parallel_loop3A_653, %parallel_loop3A_653 : vector<16xf32>
        %parallel_loop3A_679 = arith.mulf %parallel_loop3A_660, %parallel_loop3A_660 : vector<16xf32>
        %parallel_loop3A_680 = arith.addf %parallel_loop3A_678, %parallel_loop3A_679 : vector<16xf32>
        %parallel_loop3A_681 = arith.mulf %parallel_loop3A_667, %parallel_loop3A_667 : vector<16xf32>
        %parallel_loop3A_682 = arith.mulf %parallel_loop3A_674, %parallel_loop3A_674 : vector<16xf32>
        %parallel_loop3A_683 = arith.addf %parallel_loop3A_681, %parallel_loop3A_682 : vector<16xf32>
        %parallel_loop3A_684 = arith.addf %parallel_loop3A_680, %parallel_loop3A_683 : vector<16xf32>
        %parallel_loop3A_685 = vector.shape_cast %xor3A_5 : vector<16xi32> to vector<16x1xi32>
        %parallel_loop3A_686 = vector.shape_cast %parallel_loop3A_685 : vector<16x1xi32> to vector<16xi32>
        %parallel_loop3A_687 = tpu.dynamic_gather %parallel_loop3A_677[%parallel_loop3A_686] in [0] : vector<16xf32>, vector<16xi32> -> vector<16xf32>
        %parallel_loop3A_688 = arith.addf %parallel_loop3A_677, %parallel_loop3A_687 : vector<16xf32>
        %parallel_loop3A_689 = vector.shape_cast %xor3A_8 : vector<16xi32> to vector<16x1xi32>
        %parallel_loop3A_690 = vector.shape_cast %parallel_loop3A_689 : vector<16x1xi32> to vector<16xi32>
        %parallel_loop3A_691 = tpu.dynamic_gather %parallel_loop3A_688[%parallel_loop3A_690] in [0] : vector<16xf32>, vector<16xi32> -> vector<16xf32>
        %parallel_loop3A_692 = arith.addf %parallel_loop3A_688, %parallel_loop3A_691 : vector<16xf32>
        %parallel_loop3A_693 = vector.shape_cast %xor3A_11 : vector<16xi32> to vector<16x1xi32>
        %parallel_loop3A_694 = vector.shape_cast %parallel_loop3A_693 : vector<16x1xi32> to vector<16xi32>
        %parallel_loop3A_695 = tpu.dynamic_gather %parallel_loop3A_692[%parallel_loop3A_694] in [0] : vector<16xf32>, vector<16xi32> -> vector<16xf32>
        %parallel_loop3A_696 = arith.addf %parallel_loop3A_692, %parallel_loop3A_695 : vector<16xf32>
        %parallel_loop3A_697 = vector.shape_cast %xor3A_14 : vector<16xi32> to vector<16x1xi32>
        %parallel_loop3A_698 = vector.shape_cast %parallel_loop3A_697 : vector<16x1xi32> to vector<16xi32>
        %parallel_loop3A_699 = tpu.dynamic_gather %parallel_loop3A_696[%parallel_loop3A_698] in [0] : vector<16xf32>, vector<16xi32> -> vector<16xf32>
        %parallel_loop3A_700 = arith.addf %parallel_loop3A_696, %parallel_loop3A_699 : vector<16xf32>
        %parallel_loop3A_701 = arith.constant 1.562500e-02 : f32
        %parallel_loop3A_702 = vector.broadcast %parallel_loop3A_701 : f32 to vector<16xf32>
        %parallel_loop3A_703 = arith.mulf %parallel_loop3A_700, %parallel_loop3A_702 : vector<16xf32>
        %parallel_loop3A_704 = vector.shape_cast %xor3A_5 : vector<16xi32> to vector<16x1xi32>
        %parallel_loop3A_705 = vector.shape_cast %parallel_loop3A_704 : vector<16x1xi32> to vector<16xi32>
        %parallel_loop3A_706 = tpu.dynamic_gather %parallel_loop3A_684[%parallel_loop3A_705] in [0] : vector<16xf32>, vector<16xi32> -> vector<16xf32>
        %parallel_loop3A_707 = arith.addf %parallel_loop3A_684, %parallel_loop3A_706 : vector<16xf32>
        %parallel_loop3A_708 = vector.shape_cast %xor3A_8 : vector<16xi32> to vector<16x1xi32>
        %parallel_loop3A_709 = vector.shape_cast %parallel_loop3A_708 : vector<16x1xi32> to vector<16xi32>
        %parallel_loop3A_710 = tpu.dynamic_gather %parallel_loop3A_707[%parallel_loop3A_709] in [0] : vector<16xf32>, vector<16xi32> -> vector<16xf32>
        %parallel_loop3A_711 = arith.addf %parallel_loop3A_707, %parallel_loop3A_710 : vector<16xf32>
        %parallel_loop3A_712 = vector.shape_cast %xor3A_11 : vector<16xi32> to vector<16x1xi32>
        %parallel_loop3A_713 = vector.shape_cast %parallel_loop3A_712 : vector<16x1xi32> to vector<16xi32>
        %parallel_loop3A_714 = tpu.dynamic_gather %parallel_loop3A_711[%parallel_loop3A_713] in [0] : vector<16xf32>, vector<16xi32> -> vector<16xf32>
        %parallel_loop3A_715 = arith.addf %parallel_loop3A_711, %parallel_loop3A_714 : vector<16xf32>
        %parallel_loop3A_716 = vector.shape_cast %xor3A_14 : vector<16xi32> to vector<16x1xi32>
        %parallel_loop3A_717 = vector.shape_cast %parallel_loop3A_716 : vector<16x1xi32> to vector<16xi32>
        %parallel_loop3A_718 = tpu.dynamic_gather %parallel_loop3A_715[%parallel_loop3A_717] in [0] : vector<16xf32>, vector<16xi32> -> vector<16xf32>
        %parallel_loop3A_719 = arith.addf %parallel_loop3A_715, %parallel_loop3A_718 : vector<16xf32>
        %parallel_loop3A_720 = arith.constant 1.562500e-02 : f32
        %parallel_loop3A_721 = vector.broadcast %parallel_loop3A_720 : f32 to vector<16xf32>
        %parallel_loop3A_722 = arith.mulf %parallel_loop3A_719, %parallel_loop3A_721 : vector<16xf32>
        %parallel_loop3A_723 = arith.mulf %parallel_loop3A_703, %parallel_loop3A_703 : vector<16xf32>
        %parallel_loop3A_724 = arith.subf %parallel_loop3A_722, %parallel_loop3A_723 : vector<16xf32>
        %parallel_loop3A_725 = arith.constant 9.99999974E-6 : f32
        %parallel_loop3A_726 = vector.broadcast %parallel_loop3A_725 : f32 to vector<16xf32>
        %parallel_loop3A_727 = arith.addf %parallel_loop3A_724, %parallel_loop3A_726 : vector<16xf32>
        %parallel_loop3A_728 = vector.bitcast %parallel_loop3A_727 : vector<16xf32> to vector<16xi32>
        %parallel_loop3A_729 = arith.constant 1 : i32
        %parallel_loop3A_730 = vector.broadcast %parallel_loop3A_729 : i32 to vector<16xi32>
        %parallel_loop3A_731 = arith.shrui %parallel_loop3A_728, %parallel_loop3A_730 : vector<16xi32>
        %parallel_loop3A_732 = arith.constant 1597463007 : i32
        %parallel_loop3A_733 = vector.broadcast %parallel_loop3A_732 : i32 to vector<16xi32>
        %parallel_loop3A_734 = arith.subi %parallel_loop3A_733, %parallel_loop3A_731 : vector<16xi32>
        %parallel_loop3A_735 = vector.bitcast %parallel_loop3A_734 : vector<16xi32> to vector<16xf32>
        %parallel_loop3A_736 = arith.constant 5.000000e-01 : f32
        %parallel_loop3A_737 = vector.broadcast %parallel_loop3A_736 : f32 to vector<16xf32>
        %parallel_loop3A_738 = arith.mulf %parallel_loop3A_737, %parallel_loop3A_727 : vector<16xf32>
        %parallel_loop3A_739 = arith.mulf %parallel_loop3A_738, %parallel_loop3A_735 : vector<16xf32>
        %parallel_loop3A_740 = arith.mulf %parallel_loop3A_739, %parallel_loop3A_735 : vector<16xf32>
        %parallel_loop3A_741 = arith.constant 1.500000e+00 : f32
        %parallel_loop3A_742 = vector.broadcast %parallel_loop3A_741 : f32 to vector<16xf32>
        %parallel_loop3A_743 = arith.subf %parallel_loop3A_742, %parallel_loop3A_740 : vector<16xf32>
        %parallel_loop3A_744 = arith.mulf %parallel_loop3A_735, %parallel_loop3A_743 : vector<16xf32>
        %parallel_loop3A_745 = arith.mulf %parallel_loop3A_738, %parallel_loop3A_744 : vector<16xf32>
        %parallel_loop3A_746 = arith.mulf %parallel_loop3A_745, %parallel_loop3A_744 : vector<16xf32>
        %parallel_loop3A_747 = arith.constant 1.500000e+00 : f32
        %parallel_loop3A_748 = vector.broadcast %parallel_loop3A_747 : f32 to vector<16xf32>
        %parallel_loop3A_749 = arith.subf %parallel_loop3A_748, %parallel_loop3A_746 : vector<16xf32>
        %parallel_loop3A_750 = arith.mulf %parallel_loop3A_744, %parallel_loop3A_749 : vector<16xf32>
        %parallel_loop3A_751 = arith.mulf %parallel_loop3A_703, %parallel_loop3A_750 : vector<16xf32>
        %parallel_loop3A_752 = arith.mulf %parallel_loop3A_653, %parallel_loop3A_750 : vector<16xf32>
        %parallel_loop3A_753 = arith.subf %parallel_loop3A_752, %parallel_loop3A_751 : vector<16xf32>
        %parallel_loop3A_754 = arith.mulf %parallel_loop3A_753, %get3A_17 : vector<16xf32>
        %parallel_loop3A_755 = arith.addf %parallel_loop3A_754, %get3A_33 : vector<16xf32>
        tpu.vector_store_idx %arg12[%parallel_loop3A_645, %add3A_52, %and3A_47, %parallel_loop3A_646], %parallel_loop3A_755 : memref<2x8x8x133xf32, #tpu.memory_space<vmem>>[vector<16xi32>, vector<16xi32>, vector<16xi32>, vector<16xi32>], vector<16xf32>,
        %parallel_loop3A_756 = arith.mulf %parallel_loop3A_660, %parallel_loop3A_750 : vector<16xf32>
        %parallel_loop3A_757 = arith.subf %parallel_loop3A_756, %parallel_loop3A_751 : vector<16xf32>
        %parallel_loop3A_758 = arith.mulf %parallel_loop3A_757, %get3A_21 : vector<16xf32>
        %parallel_loop3A_759 = arith.addf %parallel_loop3A_758, %get3A_37 : vector<16xf32>
        tpu.vector_store_idx %arg12[%parallel_loop3A_645, %add3A_58, %and3A_47, %parallel_loop3A_646], %parallel_loop3A_759 : memref<2x8x8x133xf32, #tpu.memory_space<vmem>>[vector<16xi32>, vector<16xi32>, vector<16xi32>, vector<16xi32>], vector<16xf32>,
        %parallel_loop3A_760 = arith.mulf %parallel_loop3A_667, %parallel_loop3A_750 : vector<16xf32>
        %parallel_loop3A_761 = arith.subf %parallel_loop3A_760, %parallel_loop3A_751 : vector<16xf32>
        %parallel_loop3A_762 = arith.mulf %parallel_loop3A_761, %get3A_25 : vector<16xf32>
        %parallel_loop3A_763 = arith.addf %parallel_loop3A_762, %get3A_41 : vector<16xf32>
        tpu.vector_store_idx %arg12[%parallel_loop3A_645, %add3A_64, %and3A_47, %parallel_loop3A_646], %parallel_loop3A_763 : memref<2x8x8x133xf32, #tpu.memory_space<vmem>>[vector<16xi32>, vector<16xi32>, vector<16xi32>, vector<16xi32>], vector<16xf32>,
        %parallel_loop3A_764 = arith.mulf %parallel_loop3A_674, %parallel_loop3A_750 : vector<16xf32>
        %parallel_loop3A_765 = arith.subf %parallel_loop3A_764, %parallel_loop3A_751 : vector<16xf32>
        %parallel_loop3A_766 = arith.mulf %parallel_loop3A_765, %get3A_29 : vector<16xf32>
        %parallel_loop3A_767 = arith.addf %parallel_loop3A_766, %get3A_45 : vector<16xf32>
        tpu.vector_store_idx %arg12[%parallel_loop3A_645, %add3A_70, %and3A_47, %parallel_loop3A_646], %parallel_loop3A_767 : memref<2x8x8x133xf32, #tpu.memory_space<vmem>>[vector<16xi32>, vector<16xi32>, vector<16xi32>, vector<16xi32>], vector<16xf32>,
      } {sc.loop_unroll_factor = 8 : i64, sc.parallel_access}
      %mul3A_488 = arith.constant 2 : i32
      %mul3A_489 = arith.muli %add3A_447, %mul3A_488 : i32
      %dma_start3A_490 = arith.constant 0 : i32
      %dma_start3A_491 = arith.constant 0 : i32
      %dma_start3A_492 = arith.constant 0 : i32
      %dma_start3A_493 = arith.constant 0 : i32
      %dma_start3A_494 = tpu.memref_slice %arg12[%dma_start3A_490, %dma_start3A_491, %dma_start3A_492, %dma_start3A_493] : memref<2x8x8x133xf32, #tpu.memory_space<vmem>> -> memref<2x8x8x128xf32, #tpu.memory_space<vmem>>
      %dma_start3A_495 = arith.constant 0 : i32
      %dma_start3A_496 = arith.constant 0 : i32
      %dma_start3A_497 = arith.constant 0 : i32
      %dma_start3A_498 = tpu.memref_slice %arg7[%mul3A_489, %dma_start3A_495, %add3A, %dma_start3A_496, %dma_start3A_497] : memref<200x8x32x8x128xf32, #tpu.memory_space<hbm>> -> memref<2x8x1x8x128xf32, #tpu.memory_space<hbm>>
      %dma_start3A_499 = tpu.memref_squeeze %dma_start3A_498 : memref<2x8x1x8x128xf32, #tpu.memory_space<hbm>> -> memref<2x8x8x128xf32, #tpu.memory_space<hbm>>
      %dma_start3A_500 = arith.constant 0 : i32
      %dma_start3A_501 = arith.constant 0 : i32
      %dma_start3A_502 = arith.constant 0 : i32
      %dma_start3A_503 = tpu.memref_slice %arg7[%mul3A_489, %dma_start3A_500, %add3A, %dma_start3A_501, %dma_start3A_502] : memref<200x8x32x8x128xf32, #tpu.memory_space<hbm>> -> memref<2x8x1x8x128xf32, #tpu.memory_space<hbm>>
      %dma_start3A_504 = tpu.memref_squeeze %dma_start3A_503 : memref<2x8x1x8x128xf32, #tpu.memory_space<hbm>> -> memref<2x8x8x128xf32, #tpu.memory_space<hbm>>
      %dma_start3A_505 = arith.constant 0 : i32
      %dma_start3A_506 = arith.constant 0 : i32
      %dma_start3A_507 = arith.constant 0 : i32
      %dma_start3A_508 = arith.constant 0 : i32
      %dma_start3A_509 = tpu.memref_slice %arg12[%dma_start3A_505, %dma_start3A_506, %dma_start3A_507, %dma_start3A_508] : memref<2x8x8x133xf32, #tpu.memory_space<vmem>> -> memref<2x8x8x128xf32, #tpu.memory_space<vmem>>
      tpu.enqueue_dma source(%dma_start3A_509 : memref<2x8x8x128xf32, #tpu.memory_space<vmem>>) target(%dma_start3A_504 : memref<2x8x8x128xf32, #tpu.memory_space<hbm>>) target_semaphore(%arg19 : memref<!tpu.dma_semaphore, #tpu.memory_space<semaphore_mem>>)
      %add3A_510 = arith.constant 2 : i32
      %add3A_511 = arith.addi %add3A_447, %add3A_510 : i32
      %mul3A_512 = arith.constant 2 : i32
      %mul3A_513 = arith.muli %add3A_511, %mul3A_512 : i32
      %add3A_514 = arith.constant 0 : i32
      %add3A_515 = arith.addi %mul3A_513, %add3A_514 : i32
      %dma_start3A_516 = arith.constant 0 : i32
      %dma_start3A_517 = arith.constant 0 : i32
      %dma_start3A_518 = tpu.memref_slice %arg10[%dma_start3A_516, %dma_start3A_517] : memref<256x64xf32, #tpu.memory_space<vmem>> -> memref<128x64xf32, #tpu.memory_space<vmem>>
      %dma_start3A_519 = arith.constant 0 : i32
      %dma_start3A_520 = tpu.memref_slice %arg9[%add3A_515, %dma_start3A_519] : memref<200x128xi32, #tpu.memory_space<vmem>> -> memref<1x128xi32, #tpu.memory_space<vmem>>
      %dma_start3A_521 = tpu.memref_squeeze %dma_start3A_520 : memref<1x128xi32, #tpu.memory_space<vmem>> -> memref<128xi32, #tpu.memory_space<vmem>>
      %dma_start3A_522 = arith.constant 0 : i32
      %dma_start3A_523 = arith.constant 0 : i32
      %dma_start3A_524 = tpu.memref_slice %arg3[%dma_start3A_522, %dma_start3A_523] : memref<1000000x64xf32, #tpu.memory_space<hbm>> -> memref<1000000x64xf32, #tpu.memory_space<hbm>>
      tpu.enqueue_indirect_dma source(%dma_start3A_524 : memref<1000000x64xf32, #tpu.memory_space<hbm>>) target(%dma_start3A_518 : memref<128x64xf32, #tpu.memory_space<vmem>>) offsets(%dma_start3A_521 : memref<128xi32, #tpu.memory_space<vmem>>) semaphore(%arg17 : memref<!tpu.dma_semaphore, #tpu.memory_space<semaphore_mem>>)
      %add3A_525 = arith.constant 1 : i32
      %add3A_526 = arith.addi %mul3A_513, %add3A_525 : i32
      %dma_start3A_527 = arith.constant 128 : i32
      %dma_start3A_528 = arith.constant 0 : i32
      %dma_start3A_529 = tpu.memref_slice %arg10[%dma_start3A_527, %dma_start3A_528] : memref<256x64xf32, #tpu.memory_space<vmem>> -> memref<128x64xf32, #tpu.memory_space<vmem>>
      %dma_start3A_530 = arith.constant 0 : i32
      %dma_start3A_531 = tpu.memref_slice %arg9[%add3A_526, %dma_start3A_530] : memref<200x128xi32, #tpu.memory_space<vmem>> -> memref<1x128xi32, #tpu.memory_space<vmem>>
      %dma_start3A_532 = tpu.memref_squeeze %dma_start3A_531 : memref<1x128xi32, #tpu.memory_space<vmem>> -> memref<128xi32, #tpu.memory_space<vmem>>
      %dma_start3A_533 = arith.constant 0 : i32
      %dma_start3A_534 = arith.constant 0 : i32
      %dma_start3A_535 = tpu.memref_slice %arg3[%dma_start3A_533, %dma_start3A_534] : memref<1000000x64xf32, #tpu.memory_space<hbm>> -> memref<1000000x64xf32, #tpu.memory_space<hbm>>
      tpu.enqueue_indirect_dma source(%dma_start3A_535 : memref<1000000x64xf32, #tpu.memory_space<hbm>>) target(%dma_start3A_529 : memref<128x64xf32, #tpu.memory_space<vmem>>) offsets(%dma_start3A_532 : memref<128xi32, #tpu.memory_space<vmem>>) semaphore(%arg17 : memref<!tpu.dma_semaphore, #tpu.memory_space<semaphore_mem>>)
      %dma_start3A_536 = arith.constant 0 : i32
      %dma_start3A_537 = arith.constant 0 : i32
      %dma_start3A_538 = tpu.memref_slice %arg4[%dma_start3A_536, %mul3A_513, %dma_start3A_537] : memref<1x200x64xf32, #tpu.memory_space<hbm>> -> memref<1x2x64xf32, #tpu.memory_space<hbm>>
      %dma_start3A_539 = tpu.memref_squeeze %dma_start3A_538 : memref<1x2x64xf32, #tpu.memory_space<hbm>> -> memref<2x64xf32, #tpu.memory_space<hbm>>
      %dma_start3A_540 = arith.constant 0 : i32
      %dma_start3A_541 = tpu.memref_slice %arg4[%dma_start3A_536, %mul3A_513, %dma_start3A_540] : memref<1x200x64xf32, #tpu.memory_space<hbm>> -> memref<1x2x64xf32, #tpu.memory_space<hbm>>
      %dma_start3A_542 = tpu.memref_squeeze %dma_start3A_541 : memref<1x2x64xf32, #tpu.memory_space<hbm>> -> memref<2x64xf32, #tpu.memory_space<hbm>>
      tpu.enqueue_dma source(%dma_start3A_542 : memref<2x64xf32, #tpu.memory_space<hbm>>) target(%arg14 : memref<2x64xf32, #tpu.memory_space<vmem>>) target_semaphore(%arg17 : memref<!tpu.dma_semaphore, #tpu.memory_space<semaphore_mem>>)
      %dma_wait3A_543 = arith.constant 0 : i32
      %dma_wait3A_544 = arith.constant 0 : i32
      %dma_wait3A_545 = tpu.memref_slice %arg3[%dma_wait3A_543, %dma_wait3A_544] : memref<1000000x64xf32, #tpu.memory_space<hbm>> -> memref<256x64xf32, #tpu.memory_space<hbm>>
      %dma_wait3A_546 = arith.constant 0 : i32
      %dma_wait3A_547 = arith.constant 0 : i32
      %dma_wait3A_548 = tpu.memref_slice %arg3[%dma_wait3A_546, %dma_wait3A_547] : memref<1000000x64xf32, #tpu.memory_space<hbm>> -> memref<256x64xf32, #tpu.memory_space<hbm>>
      tpu.wait_dma2 semaphore(%arg18 : memref<!tpu.dma_semaphore, #tpu.memory_space<semaphore_mem>>) src(%dma_wait3A_548 : memref<256x64xf32, #tpu.memory_space<hbm>>) dst(%arg11 : memref<256x64xf32, #tpu.memory_space<vmem>>)
      %dma_wait3A_549 = arith.constant 0 : i32
      %dma_wait3A_550 = arith.constant 0 : i32
      %dma_wait3A_551 = arith.constant 0 : i32
      %dma_wait3A_552 = tpu.memref_slice %arg4[%dma_wait3A_549, %dma_wait3A_550, %dma_wait3A_551] : memref<1x200x64xf32, #tpu.memory_space<hbm>> -> memref<1x2x64xf32, #tpu.memory_space<hbm>>
      %dma_wait3A_553 = tpu.memref_squeeze %dma_wait3A_552 : memref<1x2x64xf32, #tpu.memory_space<hbm>> -> memref<2x64xf32, #tpu.memory_space<hbm>>
      %dma_wait3A_554 = arith.constant 0 : i32
      %dma_wait3A_555 = arith.constant 0 : i32
      %dma_wait3A_556 = tpu.memref_slice %arg4[%dma_wait3A_549, %dma_wait3A_554, %dma_wait3A_555] : memref<1x200x64xf32, #tpu.memory_space<hbm>> -> memref<1x2x64xf32, #tpu.memory_space<hbm>>
      %dma_wait3A_557 = tpu.memref_squeeze %dma_wait3A_556 : memref<1x2x64xf32, #tpu.memory_space<hbm>> -> memref<2x64xf32, #tpu.memory_space<hbm>>
      tpu.wait_dma2 semaphore(%arg18 : memref<!tpu.dma_semaphore, #tpu.memory_space<semaphore_mem>>) src(%dma_wait3A_557 : memref<2x64xf32, #tpu.memory_space<hbm>>) dst(%arg15 : memref<2x64xf32, #tpu.memory_space<vmem>>)
      %dma_wait3A_558 = arith.constant 0 : i32
      %dma_wait3A_559 = arith.constant 0 : i32
      %dma_wait3A_560 = arith.constant 0 : i32
      %dma_wait3A_561 = arith.constant 0 : i32
      %dma_wait3A_562 = tpu.memref_slice %arg13[%dma_wait3A_558, %dma_wait3A_559, %dma_wait3A_560, %dma_wait3A_561] : memref<2x8x8x133xf32, #tpu.memory_space<vmem>> -> memref<2x8x8x128xf32, #tpu.memory_space<vmem>>
      %dma_wait3A_563 = arith.constant 0 : i32
      %dma_wait3A_564 = arith.constant 0 : i32
      %dma_wait3A_565 = arith.constant 0 : i32
      %dma_wait3A_566 = arith.constant 0 : i32
      %dma_wait3A_567 = tpu.memref_slice %arg7[%dma_wait3A_563, %dma_wait3A_564, %add3A, %dma_wait3A_565, %dma_wait3A_566] : memref<200x8x32x8x128xf32, #tpu.memory_space<hbm>> -> memref<2x8x1x8x128xf32, #tpu.memory_space<hbm>>
      %dma_wait3A_568 = tpu.memref_squeeze %dma_wait3A_567 : memref<2x8x1x8x128xf32, #tpu.memory_space<hbm>> -> memref<2x8x8x128xf32, #tpu.memory_space<hbm>>
      %dma_wait3A_569 = arith.constant 0 : i32
      %dma_wait3A_570 = arith.constant 0 : i32
      %dma_wait3A_571 = arith.constant 0 : i32
      %dma_wait3A_572 = arith.constant 0 : i32
      %dma_wait3A_573 = tpu.memref_slice %arg7[%dma_wait3A_569, %dma_wait3A_570, %add3A, %dma_wait3A_571, %dma_wait3A_572] : memref<200x8x32x8x128xf32, #tpu.memory_space<hbm>> -> memref<2x8x1x8x128xf32, #tpu.memory_space<hbm>>
      %dma_wait3A_574 = tpu.memref_squeeze %dma_wait3A_573 : memref<2x8x1x8x128xf32, #tpu.memory_space<hbm>> -> memref<2x8x8x128xf32, #tpu.memory_space<hbm>>
      %dma_wait3A_575 = arith.constant 0 : i32
      %dma_wait3A_576 = arith.constant 0 : i32
      %dma_wait3A_577 = arith.constant 0 : i32
      %dma_wait3A_578 = arith.constant 0 : i32
      %dma_wait3A_579 = tpu.memref_slice %arg13[%dma_wait3A_575, %dma_wait3A_576, %dma_wait3A_577, %dma_wait3A_578] : memref<2x8x8x133xf32, #tpu.memory_space<vmem>> -> memref<2x8x8x128xf32, #tpu.memory_space<vmem>>
      tpu.wait_dma2 semaphore(%arg20 : memref<!tpu.dma_semaphore, #tpu.memory_space<semaphore_mem>>) src(%dma_wait3A_579 : memref<2x8x8x128xf32, #tpu.memory_space<vmem>>) dst(%dma_wait3A_574 : memref<2x8x8x128xf32, #tpu.memory_space<hbm>>)
      %parallel_loop3A_580 = arith.constant 0 : i32
      %parallel_loop3A_581 = arith.constant 256 : i32
      %parallel_loop3A_582 = arith.constant 1 : i32
      scf.for %parallel_loop3A_640 = %parallel_loop3A_580 to %parallel_loop3A_581 step %parallel_loop3A_582  : i32 {
        %parallel_loop3A_641 = arith.constant 7 : i32
        %parallel_loop3A_642 = arith.shrui %parallel_loop3A_640, %parallel_loop3A_641 : i32
        %parallel_loop3A_643 = arith.constant 127 : i32
        %parallel_loop3A_644 = arith.andi %parallel_loop3A_640, %parallel_loop3A_643 : i32
        %parallel_loop3A_645 = vector.broadcast %parallel_loop3A_642 : i32 to vector<16xi32>
        %parallel_loop3A_646 = vector.broadcast %parallel_loop3A_644 : i32 to vector<16xi32>
        %parallel_loop3A_647 = arith.index_cast %parallel_loop3A_640 : i32 to index
        %parallel_loop3A_648 = arith.constant 0 : index
        %parallel_loop3A_649 = tpu.vector_load %arg11[%parallel_loop3A_647, %parallel_loop3A_648] {strides = array<i32>} : memref<256x64xf32, #tpu.memory_space<vmem>>, vector<16xf32>,
        %parallel_loop3A_650 = arith.index_cast %parallel_loop3A_642 : i32 to index
        %parallel_loop3A_651 = arith.constant 0 : index
        %parallel_loop3A_652 = tpu.vector_load %arg15[%parallel_loop3A_650, %parallel_loop3A_651] {strides = array<i32>} : memref<2x64xf32, #tpu.memory_space<vmem>>, vector<16xf32>,
        %parallel_loop3A_653 = arith.addf %parallel_loop3A_649, %parallel_loop3A_652 : vector<16xf32>
        %parallel_loop3A_654 = arith.index_cast %parallel_loop3A_640 : i32 to index
        %parallel_loop3A_655 = arith.constant 16 : index
        %parallel_loop3A_656 = tpu.vector_load %arg11[%parallel_loop3A_654, %parallel_loop3A_655] {strides = array<i32>} : memref<256x64xf32, #tpu.memory_space<vmem>>, vector<16xf32>,
        %parallel_loop3A_657 = arith.index_cast %parallel_loop3A_642 : i32 to index
        %parallel_loop3A_658 = arith.constant 16 : index
        %parallel_loop3A_659 = tpu.vector_load %arg15[%parallel_loop3A_657, %parallel_loop3A_658] {strides = array<i32>} : memref<2x64xf32, #tpu.memory_space<vmem>>, vector<16xf32>,
        %parallel_loop3A_660 = arith.addf %parallel_loop3A_656, %parallel_loop3A_659 : vector<16xf32>
        %parallel_loop3A_661 = arith.index_cast %parallel_loop3A_640 : i32 to index
        %parallel_loop3A_662 = arith.constant 32 : index
        %parallel_loop3A_663 = tpu.vector_load %arg11[%parallel_loop3A_661, %parallel_loop3A_662] {strides = array<i32>} : memref<256x64xf32, #tpu.memory_space<vmem>>, vector<16xf32>,
        %parallel_loop3A_664 = arith.index_cast %parallel_loop3A_642 : i32 to index
        %parallel_loop3A_665 = arith.constant 32 : index
        %parallel_loop3A_666 = tpu.vector_load %arg15[%parallel_loop3A_664, %parallel_loop3A_665] {strides = array<i32>} : memref<2x64xf32, #tpu.memory_space<vmem>>, vector<16xf32>,
        %parallel_loop3A_667 = arith.addf %parallel_loop3A_663, %parallel_loop3A_666 : vector<16xf32>
        %parallel_loop3A_668 = arith.index_cast %parallel_loop3A_640 : i32 to index
        %parallel_loop3A_669 = arith.constant 48 : index
        %parallel_loop3A_670 = tpu.vector_load %arg11[%parallel_loop3A_668, %parallel_loop3A_669] {strides = array<i32>} : memref<256x64xf32, #tpu.memory_space<vmem>>, vector<16xf32>,
        %parallel_loop3A_671 = arith.index_cast %parallel_loop3A_642 : i32 to index
        %parallel_loop3A_672 = arith.constant 48 : index
        %parallel_loop3A_673 = tpu.vector_load %arg15[%parallel_loop3A_671, %parallel_loop3A_672] {strides = array<i32>} : memref<2x64xf32, #tpu.memory_space<vmem>>, vector<16xf32>,
        %parallel_loop3A_674 = arith.addf %parallel_loop3A_670, %parallel_loop3A_673 : vector<16xf32>
        %parallel_loop3A_675 = arith.addf %parallel_loop3A_653, %parallel_loop3A_660 : vector<16xf32>
        %parallel_loop3A_676 = arith.addf %parallel_loop3A_667, %parallel_loop3A_674 : vector<16xf32>
        %parallel_loop3A_677 = arith.addf %parallel_loop3A_675, %parallel_loop3A_676 : vector<16xf32>
        %parallel_loop3A_678 = arith.mulf %parallel_loop3A_653, %parallel_loop3A_653 : vector<16xf32>
        %parallel_loop3A_679 = arith.mulf %parallel_loop3A_660, %parallel_loop3A_660 : vector<16xf32>
        %parallel_loop3A_680 = arith.addf %parallel_loop3A_678, %parallel_loop3A_679 : vector<16xf32>
        %parallel_loop3A_681 = arith.mulf %parallel_loop3A_667, %parallel_loop3A_667 : vector<16xf32>
        %parallel_loop3A_682 = arith.mulf %parallel_loop3A_674, %parallel_loop3A_674 : vector<16xf32>
        %parallel_loop3A_683 = arith.addf %parallel_loop3A_681, %parallel_loop3A_682 : vector<16xf32>
        %parallel_loop3A_684 = arith.addf %parallel_loop3A_680, %parallel_loop3A_683 : vector<16xf32>
        %parallel_loop3A_685 = vector.shape_cast %xor3A_5 : vector<16xi32> to vector<16x1xi32>
        %parallel_loop3A_686 = vector.shape_cast %parallel_loop3A_685 : vector<16x1xi32> to vector<16xi32>
        %parallel_loop3A_687 = tpu.dynamic_gather %parallel_loop3A_677[%parallel_loop3A_686] in [0] : vector<16xf32>, vector<16xi32> -> vector<16xf32>
        %parallel_loop3A_688 = arith.addf %parallel_loop3A_677, %parallel_loop3A_687 : vector<16xf32>
        %parallel_loop3A_689 = vector.shape_cast %xor3A_8 : vector<16xi32> to vector<16x1xi32>
        %parallel_loop3A_690 = vector.shape_cast %parallel_loop3A_689 : vector<16x1xi32> to vector<16xi32>
        %parallel_loop3A_691 = tpu.dynamic_gather %parallel_loop3A_688[%parallel_loop3A_690] in [0] : vector<16xf32>, vector<16xi32> -> vector<16xf32>
        %parallel_loop3A_692 = arith.addf %parallel_loop3A_688, %parallel_loop3A_691 : vector<16xf32>
        %parallel_loop3A_693 = vector.shape_cast %xor3A_11 : vector<16xi32> to vector<16x1xi32>
        %parallel_loop3A_694 = vector.shape_cast %parallel_loop3A_693 : vector<16x1xi32> to vector<16xi32>
        %parallel_loop3A_695 = tpu.dynamic_gather %parallel_loop3A_692[%parallel_loop3A_694] in [0] : vector<16xf32>, vector<16xi32> -> vector<16xf32>
        %parallel_loop3A_696 = arith.addf %parallel_loop3A_692, %parallel_loop3A_695 : vector<16xf32>
        %parallel_loop3A_697 = vector.shape_cast %xor3A_14 : vector<16xi32> to vector<16x1xi32>
        %parallel_loop3A_698 = vector.shape_cast %parallel_loop3A_697 : vector<16x1xi32> to vector<16xi32>
        %parallel_loop3A_699 = tpu.dynamic_gather %parallel_loop3A_696[%parallel_loop3A_698] in [0] : vector<16xf32>, vector<16xi32> -> vector<16xf32>
        %parallel_loop3A_700 = arith.addf %parallel_loop3A_696, %parallel_loop3A_699 : vector<16xf32>
        %parallel_loop3A_701 = arith.constant 1.562500e-02 : f32
        %parallel_loop3A_702 = vector.broadcast %parallel_loop3A_701 : f32 to vector<16xf32>
        %parallel_loop3A_703 = arith.mulf %parallel_loop3A_700, %parallel_loop3A_702 : vector<16xf32>
        %parallel_loop3A_704 = vector.shape_cast %xor3A_5 : vector<16xi32> to vector<16x1xi32>
        %parallel_loop3A_705 = vector.shape_cast %parallel_loop3A_704 : vector<16x1xi32> to vector<16xi32>
        %parallel_loop3A_706 = tpu.dynamic_gather %parallel_loop3A_684[%parallel_loop3A_705] in [0] : vector<16xf32>, vector<16xi32> -> vector<16xf32>
        %parallel_loop3A_707 = arith.addf %parallel_loop3A_684, %parallel_loop3A_706 : vector<16xf32>
        %parallel_loop3A_708 = vector.shape_cast %xor3A_8 : vector<16xi32> to vector<16x1xi32>
        %parallel_loop3A_709 = vector.shape_cast %parallel_loop3A_708 : vector<16x1xi32> to vector<16xi32>
        %parallel_loop3A_710 = tpu.dynamic_gather %parallel_loop3A_707[%parallel_loop3A_709] in [0] : vector<16xf32>, vector<16xi32> -> vector<16xf32>
        %parallel_loop3A_711 = arith.addf %parallel_loop3A_707, %parallel_loop3A_710 : vector<16xf32>
        %parallel_loop3A_712 = vector.shape_cast %xor3A_11 : vector<16xi32> to vector<16x1xi32>
        %parallel_loop3A_713 = vector.shape_cast %parallel_loop3A_712 : vector<16x1xi32> to vector<16xi32>
        %parallel_loop3A_714 = tpu.dynamic_gather %parallel_loop3A_711[%parallel_loop3A_713] in [0] : vector<16xf32>, vector<16xi32> -> vector<16xf32>
        %parallel_loop3A_715 = arith.addf %parallel_loop3A_711, %parallel_loop3A_714 : vector<16xf32>
        %parallel_loop3A_716 = vector.shape_cast %xor3A_14 : vector<16xi32> to vector<16x1xi32>
        %parallel_loop3A_717 = vector.shape_cast %parallel_loop3A_716 : vector<16x1xi32> to vector<16xi32>
        %parallel_loop3A_718 = tpu.dynamic_gather %parallel_loop3A_715[%parallel_loop3A_717] in [0] : vector<16xf32>, vector<16xi32> -> vector<16xf32>
        %parallel_loop3A_719 = arith.addf %parallel_loop3A_715, %parallel_loop3A_718 : vector<16xf32>
        %parallel_loop3A_720 = arith.constant 1.562500e-02 : f32
        %parallel_loop3A_721 = vector.broadcast %parallel_loop3A_720 : f32 to vector<16xf32>
        %parallel_loop3A_722 = arith.mulf %parallel_loop3A_719, %parallel_loop3A_721 : vector<16xf32>
        %parallel_loop3A_723 = arith.mulf %parallel_loop3A_703, %parallel_loop3A_703 : vector<16xf32>
        %parallel_loop3A_724 = arith.subf %parallel_loop3A_722, %parallel_loop3A_723 : vector<16xf32>
        %parallel_loop3A_725 = arith.constant 9.99999974E-6 : f32
        %parallel_loop3A_726 = vector.broadcast %parallel_loop3A_725 : f32 to vector<16xf32>
        %parallel_loop3A_727 = arith.addf %parallel_loop3A_724, %parallel_loop3A_726 : vector<16xf32>
        %parallel_loop3A_728 = vector.bitcast %parallel_loop3A_727 : vector<16xf32> to vector<16xi32>
        %parallel_loop3A_729 = arith.constant 1 : i32
        %parallel_loop3A_730 = vector.broadcast %parallel_loop3A_729 : i32 to vector<16xi32>
        %parallel_loop3A_731 = arith.shrui %parallel_loop3A_728, %parallel_loop3A_730 : vector<16xi32>
        %parallel_loop3A_732 = arith.constant 1597463007 : i32
        %parallel_loop3A_733 = vector.broadcast %parallel_loop3A_732 : i32 to vector<16xi32>
        %parallel_loop3A_734 = arith.subi %parallel_loop3A_733, %parallel_loop3A_731 : vector<16xi32>
        %parallel_loop3A_735 = vector.bitcast %parallel_loop3A_734 : vector<16xi32> to vector<16xf32>
        %parallel_loop3A_736 = arith.constant 5.000000e-01 : f32
        %parallel_loop3A_737 = vector.broadcast %parallel_loop3A_736 : f32 to vector<16xf32>
        %parallel_loop3A_738 = arith.mulf %parallel_loop3A_737, %parallel_loop3A_727 : vector<16xf32>
        %parallel_loop3A_739 = arith.mulf %parallel_loop3A_738, %parallel_loop3A_735 : vector<16xf32>
        %parallel_loop3A_740 = arith.mulf %parallel_loop3A_739, %parallel_loop3A_735 : vector<16xf32>
        %parallel_loop3A_741 = arith.constant 1.500000e+00 : f32
        %parallel_loop3A_742 = vector.broadcast %parallel_loop3A_741 : f32 to vector<16xf32>
        %parallel_loop3A_743 = arith.subf %parallel_loop3A_742, %parallel_loop3A_740 : vector<16xf32>
        %parallel_loop3A_744 = arith.mulf %parallel_loop3A_735, %parallel_loop3A_743 : vector<16xf32>
        %parallel_loop3A_745 = arith.mulf %parallel_loop3A_738, %parallel_loop3A_744 : vector<16xf32>
        %parallel_loop3A_746 = arith.mulf %parallel_loop3A_745, %parallel_loop3A_744 : vector<16xf32>
        %parallel_loop3A_747 = arith.constant 1.500000e+00 : f32
        %parallel_loop3A_748 = vector.broadcast %parallel_loop3A_747 : f32 to vector<16xf32>
        %parallel_loop3A_749 = arith.subf %parallel_loop3A_748, %parallel_loop3A_746 : vector<16xf32>
        %parallel_loop3A_750 = arith.mulf %parallel_loop3A_744, %parallel_loop3A_749 : vector<16xf32>
        %parallel_loop3A_751 = arith.mulf %parallel_loop3A_703, %parallel_loop3A_750 : vector<16xf32>
        %parallel_loop3A_752 = arith.mulf %parallel_loop3A_653, %parallel_loop3A_750 : vector<16xf32>
        %parallel_loop3A_753 = arith.subf %parallel_loop3A_752, %parallel_loop3A_751 : vector<16xf32>
        %parallel_loop3A_754 = arith.mulf %parallel_loop3A_753, %get3A_17 : vector<16xf32>
        %parallel_loop3A_755 = arith.addf %parallel_loop3A_754, %get3A_33 : vector<16xf32>
        tpu.vector_store_idx %arg13[%parallel_loop3A_645, %add3A_52, %and3A_47, %parallel_loop3A_646], %parallel_loop3A_755 : memref<2x8x8x133xf32, #tpu.memory_space<vmem>>[vector<16xi32>, vector<16xi32>, vector<16xi32>, vector<16xi32>], vector<16xf32>,
        %parallel_loop3A_756 = arith.mulf %parallel_loop3A_660, %parallel_loop3A_750 : vector<16xf32>
        %parallel_loop3A_757 = arith.subf %parallel_loop3A_756, %parallel_loop3A_751 : vector<16xf32>
        %parallel_loop3A_758 = arith.mulf %parallel_loop3A_757, %get3A_21 : vector<16xf32>
        %parallel_loop3A_759 = arith.addf %parallel_loop3A_758, %get3A_37 : vector<16xf32>
        tpu.vector_store_idx %arg13[%parallel_loop3A_645, %add3A_58, %and3A_47, %parallel_loop3A_646], %parallel_loop3A_759 : memref<2x8x8x133xf32, #tpu.memory_space<vmem>>[vector<16xi32>, vector<16xi32>, vector<16xi32>, vector<16xi32>], vector<16xf32>,
        %parallel_loop3A_760 = arith.mulf %parallel_loop3A_667, %parallel_loop3A_750 : vector<16xf32>
        %parallel_loop3A_761 = arith.subf %parallel_loop3A_760, %parallel_loop3A_751 : vector<16xf32>
        %parallel_loop3A_762 = arith.mulf %parallel_loop3A_761, %get3A_25 : vector<16xf32>
        %parallel_loop3A_763 = arith.addf %parallel_loop3A_762, %get3A_41 : vector<16xf32>
        tpu.vector_store_idx %arg13[%parallel_loop3A_645, %add3A_64, %and3A_47, %parallel_loop3A_646], %parallel_loop3A_763 : memref<2x8x8x133xf32, #tpu.memory_space<vmem>>[vector<16xi32>, vector<16xi32>, vector<16xi32>, vector<16xi32>], vector<16xf32>,
        %parallel_loop3A_764 = arith.mulf %parallel_loop3A_674, %parallel_loop3A_750 : vector<16xf32>
        %parallel_loop3A_765 = arith.subf %parallel_loop3A_764, %parallel_loop3A_751 : vector<16xf32>
        %parallel_loop3A_766 = arith.mulf %parallel_loop3A_765, %get3A_29 : vector<16xf32>
        %parallel_loop3A_767 = arith.addf %parallel_loop3A_766, %get3A_45 : vector<16xf32>
        tpu.vector_store_idx %arg13[%parallel_loop3A_645, %add3A_70, %and3A_47, %parallel_loop3A_646], %parallel_loop3A_767 : memref<2x8x8x133xf32, #tpu.memory_space<vmem>>[vector<16xi32>, vector<16xi32>, vector<16xi32>, vector<16xi32>], vector<16xf32>,
      } {sc.loop_unroll_factor = 8 : i64, sc.parallel_access}
      %add3A_583 = arith.constant 1 : i32
      %add3A_584 = arith.addi %add3A_447, %add3A_583 : i32
      %mul3A_585 = arith.constant 2 : i32
      %mul3A_586 = arith.muli %add3A_584, %mul3A_585 : i32
      %dma_start3A_587 = arith.constant 0 : i32
      %dma_start3A_588 = arith.constant 0 : i32
      %dma_start3A_589 = arith.constant 0 : i32
      %dma_start3A_590 = arith.constant 0 : i32
      %dma_start3A_591 = tpu.memref_slice %arg13[%dma_start3A_587, %dma_start3A_588, %dma_start3A_589, %dma_start3A_590] : memref<2x8x8x133xf32, #tpu.memory_space<vmem>> -> memref<2x8x8x128xf32, #tpu.memory_space<vmem>>
      %dma_start3A_592 = arith.constant 0 : i32
      %dma_start3A_593 = arith.constant 0 : i32
      %dma_start3A_594 = arith.constant 0 : i32
      %dma_start3A_595 = tpu.memref_slice %arg7[%mul3A_586, %dma_start3A_592, %add3A, %dma_start3A_593, %dma_start3A_594] : memref<200x8x32x8x128xf32, #tpu.memory_space<hbm>> -> memref<2x8x1x8x128xf32, #tpu.memory_space<hbm>>
      %dma_start3A_596 = tpu.memref_squeeze %dma_start3A_595 : memref<2x8x1x8x128xf32, #tpu.memory_space<hbm>> -> memref<2x8x8x128xf32, #tpu.memory_space<hbm>>
      %dma_start3A_597 = arith.constant 0 : i32
      %dma_start3A_598 = arith.constant 0 : i32
      %dma_start3A_599 = arith.constant 0 : i32
      %dma_start3A_600 = tpu.memref_slice %arg7[%mul3A_586, %dma_start3A_597, %add3A, %dma_start3A_598, %dma_start3A_599] : memref<200x8x32x8x128xf32, #tpu.memory_space<hbm>> -> memref<2x8x1x8x128xf32, #tpu.memory_space<hbm>>
      %dma_start3A_601 = tpu.memref_squeeze %dma_start3A_600 : memref<2x8x1x8x128xf32, #tpu.memory_space<hbm>> -> memref<2x8x8x128xf32, #tpu.memory_space<hbm>>
      %dma_start3A_602 = arith.constant 0 : i32
      %dma_start3A_603 = arith.constant 0 : i32
      %dma_start3A_604 = arith.constant 0 : i32
      %dma_start3A_605 = arith.constant 0 : i32
      %dma_start3A_606 = tpu.memref_slice %arg13[%dma_start3A_602, %dma_start3A_603, %dma_start3A_604, %dma_start3A_605] : memref<2x8x8x133xf32, #tpu.memory_space<vmem>> -> memref<2x8x8x128xf32, #tpu.memory_space<vmem>>
      tpu.enqueue_dma source(%dma_start3A_606 : memref<2x8x8x128xf32, #tpu.memory_space<vmem>>) target(%dma_start3A_601 : memref<2x8x8x128xf32, #tpu.memory_space<hbm>>) target_semaphore(%arg20 : memref<!tpu.dma_semaphore, #tpu.memory_space<semaphore_mem>>)
      %add3A_607 = arith.constant 3 : i32
      %add3A_608 = arith.addi %add3A_447, %add3A_607 : i32
      %mul3A_609 = arith.constant 2 : i32
      %mul3A_610 = arith.muli %add3A_608, %mul3A_609 : i32
      %add3A_611 = arith.constant 0 : i32
      %add3A_612 = arith.addi %mul3A_610, %add3A_611 : i32
      %dma_start3A_613 = arith.constant 0 : i32
      %dma_start3A_614 = arith.constant 0 : i32
      %dma_start3A_615 = tpu.memref_slice %arg11[%dma_start3A_613, %dma_start3A_614] : memref<256x64xf32, #tpu.memory_space<vmem>> -> memref<128x64xf32, #tpu.memory_space<vmem>>
      %dma_start3A_616 = arith.constant 0 : i32
      %dma_start3A_617 = tpu.memref_slice %arg9[%add3A_612, %dma_start3A_616] : memref<200x128xi32, #tpu.memory_space<vmem>> -> memref<1x128xi32, #tpu.memory_space<vmem>>
      %dma_start3A_618 = tpu.memref_squeeze %dma_start3A_617 : memref<1x128xi32, #tpu.memory_space<vmem>> -> memref<128xi32, #tpu.memory_space<vmem>>
      %dma_start3A_619 = arith.constant 0 : i32
      %dma_start3A_620 = arith.constant 0 : i32
      %dma_start3A_621 = tpu.memref_slice %arg3[%dma_start3A_619, %dma_start3A_620] : memref<1000000x64xf32, #tpu.memory_space<hbm>> -> memref<1000000x64xf32, #tpu.memory_space<hbm>>
      tpu.enqueue_indirect_dma source(%dma_start3A_621 : memref<1000000x64xf32, #tpu.memory_space<hbm>>) target(%dma_start3A_615 : memref<128x64xf32, #tpu.memory_space<vmem>>) offsets(%dma_start3A_618 : memref<128xi32, #tpu.memory_space<vmem>>) semaphore(%arg18 : memref<!tpu.dma_semaphore, #tpu.memory_space<semaphore_mem>>)
      %add3A_622 = arith.constant 1 : i32
      %add3A_623 = arith.addi %mul3A_610, %add3A_622 : i32
      %dma_start3A_624 = arith.constant 128 : i32
      %dma_start3A_625 = arith.constant 0 : i32
      %dma_start3A_626 = tpu.memref_slice %arg11[%dma_start3A_624, %dma_start3A_625] : memref<256x64xf32, #tpu.memory_space<vmem>> -> memref<128x64xf32, #tpu.memory_space<vmem>>
      %dma_start3A_627 = arith.constant 0 : i32
      %dma_start3A_628 = tpu.memref_slice %arg9[%add3A_623, %dma_start3A_627] : memref<200x128xi32, #tpu.memory_space<vmem>> -> memref<1x128xi32, #tpu.memory_space<vmem>>
      %dma_start3A_629 = tpu.memref_squeeze %dma_start3A_628 : memref<1x128xi32, #tpu.memory_space<vmem>> -> memref<128xi32, #tpu.memory_space<vmem>>
      %dma_start3A_630 = arith.constant 0 : i32
      %dma_start3A_631 = arith.constant 0 : i32
      %dma_start3A_632 = tpu.memref_slice %arg3[%dma_start3A_630, %dma_start3A_631] : memref<1000000x64xf32, #tpu.memory_space<hbm>> -> memref<1000000x64xf32, #tpu.memory_space<hbm>>
      tpu.enqueue_indirect_dma source(%dma_start3A_632 : memref<1000000x64xf32, #tpu.memory_space<hbm>>) target(%dma_start3A_626 : memref<128x64xf32, #tpu.memory_space<vmem>>) offsets(%dma_start3A_629 : memref<128xi32, #tpu.memory_space<vmem>>) semaphore(%arg18 : memref<!tpu.dma_semaphore, #tpu.memory_space<semaphore_mem>>)
      %dma_start3A_633 = arith.constant 0 : i32
      %dma_start3A_634 = arith.constant 0 : i32
      %dma_start3A_635 = tpu.memref_slice %arg4[%dma_start3A_633, %mul3A_610, %dma_start3A_634] : memref<1x200x64xf32, #tpu.memory_space<hbm>> -> memref<1x2x64xf32, #tpu.memory_space<hbm>>
      %dma_start3A_636 = tpu.memref_squeeze %dma_start3A_635 : memref<1x2x64xf32, #tpu.memory_space<hbm>> -> memref<2x64xf32, #tpu.memory_space<hbm>>
      %dma_start3A_637 = arith.constant 0 : i32
      %dma_start3A_638 = tpu.memref_slice %arg4[%dma_start3A_633, %mul3A_610, %dma_start3A_637] : memref<1x200x64xf32, #tpu.memory_space<hbm>> -> memref<1x2x64xf32, #tpu.memory_space<hbm>>
      %dma_start3A_639 = tpu.memref_squeeze %dma_start3A_638 : memref<1x2x64xf32, #tpu.memory_space<hbm>> -> memref<2x64xf32, #tpu.memory_space<hbm>>
      tpu.enqueue_dma source(%dma_start3A_639 : memref<2x64xf32, #tpu.memory_space<hbm>>) target(%arg15 : memref<2x64xf32, #tpu.memory_space<vmem>>) target_semaphore(%arg18 : memref<!tpu.dma_semaphore, #tpu.memory_space<semaphore_mem>>)
    }
    %scan3A_274 = arith.constant 48 : i32
    %dma_wait3A_275 = arith.constant 0 : i32
    %dma_wait3A_276 = arith.constant 0 : i32
    %dma_wait3A_277 = tpu.memref_slice %arg3[%dma_wait3A_275, %dma_wait3A_276] : memref<1000000x64xf32, #tpu.memory_space<hbm>> -> memref<256x64xf32, #tpu.memory_space<hbm>>
    %dma_wait3A_278 = arith.constant 0 : i32
    %dma_wait3A_279 = arith.constant 0 : i32
    %dma_wait3A_280 = tpu.memref_slice %arg3[%dma_wait3A_278, %dma_wait3A_279] : memref<1000000x64xf32, #tpu.memory_space<hbm>> -> memref<256x64xf32, #tpu.memory_space<hbm>>
    tpu.wait_dma2 semaphore(%arg17 : memref<!tpu.dma_semaphore, #tpu.memory_space<semaphore_mem>>) src(%dma_wait3A_280 : memref<256x64xf32, #tpu.memory_space<hbm>>) dst(%arg10 : memref<256x64xf32, #tpu.memory_space<vmem>>)
    %dma_wait3A_281 = arith.constant 0 : i32
    %dma_wait3A_282 = arith.constant 0 : i32
    %dma_wait3A_283 = arith.constant 0 : i32
    %dma_wait3A_284 = tpu.memref_slice %arg4[%dma_wait3A_281, %dma_wait3A_282, %dma_wait3A_283] : memref<1x200x64xf32, #tpu.memory_space<hbm>> -> memref<1x2x64xf32, #tpu.memory_space<hbm>>
    %dma_wait3A_285 = tpu.memref_squeeze %dma_wait3A_284 : memref<1x2x64xf32, #tpu.memory_space<hbm>> -> memref<2x64xf32, #tpu.memory_space<hbm>>
    %dma_wait3A_286 = arith.constant 0 : i32
    %dma_wait3A_287 = arith.constant 0 : i32
    %dma_wait3A_288 = tpu.memref_slice %arg4[%dma_wait3A_281, %dma_wait3A_286, %dma_wait3A_287] : memref<1x200x64xf32, #tpu.memory_space<hbm>> -> memref<1x2x64xf32, #tpu.memory_space<hbm>>
    %dma_wait3A_289 = tpu.memref_squeeze %dma_wait3A_288 : memref<1x2x64xf32, #tpu.memory_space<hbm>> -> memref<2x64xf32, #tpu.memory_space<hbm>>
    tpu.wait_dma2 semaphore(%arg17 : memref<!tpu.dma_semaphore, #tpu.memory_space<semaphore_mem>>) src(%dma_wait3A_289 : memref<2x64xf32, #tpu.memory_space<hbm>>) dst(%arg14 : memref<2x64xf32, #tpu.memory_space<vmem>>)
    %dma_wait3A_290 = arith.constant 0 : i32
    %dma_wait3A_291 = arith.constant 0 : i32
    %dma_wait3A_292 = arith.constant 0 : i32
    %dma_wait3A_293 = arith.constant 0 : i32
    %dma_wait3A_294 = tpu.memref_slice %arg12[%dma_wait3A_290, %dma_wait3A_291, %dma_wait3A_292, %dma_wait3A_293] : memref<2x8x8x133xf32, #tpu.memory_space<vmem>> -> memref<2x8x8x128xf32, #tpu.memory_space<vmem>>
    %dma_wait3A_295 = arith.constant 0 : i32
    %dma_wait3A_296 = arith.constant 0 : i32
    %dma_wait3A_297 = arith.constant 0 : i32
    %dma_wait3A_298 = arith.constant 0 : i32
    %dma_wait3A_299 = tpu.memref_slice %arg7[%dma_wait3A_295, %dma_wait3A_296, %add3A, %dma_wait3A_297, %dma_wait3A_298] : memref<200x8x32x8x128xf32, #tpu.memory_space<hbm>> -> memref<2x8x1x8x128xf32, #tpu.memory_space<hbm>>
    %dma_wait3A_300 = tpu.memref_squeeze %dma_wait3A_299 : memref<2x8x1x8x128xf32, #tpu.memory_space<hbm>> -> memref<2x8x8x128xf32, #tpu.memory_space<hbm>>
    %dma_wait3A_301 = arith.constant 0 : i32
    %dma_wait3A_302 = arith.constant 0 : i32
    %dma_wait3A_303 = arith.constant 0 : i32
    %dma_wait3A_304 = arith.constant 0 : i32
    %dma_wait3A_305 = tpu.memref_slice %arg7[%dma_wait3A_301, %dma_wait3A_302, %add3A, %dma_wait3A_303, %dma_wait3A_304] : memref<200x8x32x8x128xf32, #tpu.memory_space<hbm>> -> memref<2x8x1x8x128xf32, #tpu.memory_space<hbm>>
    %dma_wait3A_306 = tpu.memref_squeeze %dma_wait3A_305 : memref<2x8x1x8x128xf32, #tpu.memory_space<hbm>> -> memref<2x8x8x128xf32, #tpu.memory_space<hbm>>
    %dma_wait3A_307 = arith.constant 0 : i32
    %dma_wait3A_308 = arith.constant 0 : i32
    %dma_wait3A_309 = arith.constant 0 : i32
    %dma_wait3A_310 = arith.constant 0 : i32
    %dma_wait3A_311 = tpu.memref_slice %arg12[%dma_wait3A_307, %dma_wait3A_308, %dma_wait3A_309, %dma_wait3A_310] : memref<2x8x8x133xf32, #tpu.memory_space<vmem>> -> memref<2x8x8x128xf32, #tpu.memory_space<vmem>>
    tpu.wait_dma2 semaphore(%arg19 : memref<!tpu.dma_semaphore, #tpu.memory_space<semaphore_mem>>) src(%dma_wait3A_311 : memref<2x8x8x128xf32, #tpu.memory_space<vmem>>) dst(%dma_wait3A_306 : memref<2x8x8x128xf32, #tpu.memory_space<hbm>>)
    %parallel_loop3A_312 = arith.constant 0 : i32
    %parallel_loop3A_313 = arith.constant 256 : i32
    %parallel_loop3A_314 = arith.constant 1 : i32
    scf.for %parallel_loop3A_443 = %parallel_loop3A_312 to %parallel_loop3A_313 step %parallel_loop3A_314  : i32 {
      %parallel_loop3A_444 = arith.constant 7 : i32
      %parallel_loop3A_445 = arith.shrui %parallel_loop3A_443, %parallel_loop3A_444 : i32
      %parallel_loop3A_446 = arith.constant 127 : i32
      %parallel_loop3A_447 = arith.andi %parallel_loop3A_443, %parallel_loop3A_446 : i32
      %parallel_loop3A_448 = vector.broadcast %parallel_loop3A_445 : i32 to vector<16xi32>
      %parallel_loop3A_449 = vector.broadcast %parallel_loop3A_447 : i32 to vector<16xi32>
      %parallel_loop3A_450 = arith.index_cast %parallel_loop3A_443 : i32 to index
      %parallel_loop3A_451 = arith.constant 0 : index
      %parallel_loop3A_452 = tpu.vector_load %arg10[%parallel_loop3A_450, %parallel_loop3A_451] {strides = array<i32>} : memref<256x64xf32, #tpu.memory_space<vmem>>, vector<16xf32>,
      %parallel_loop3A_453 = arith.index_cast %parallel_loop3A_445 : i32 to index
      %parallel_loop3A_454 = arith.constant 0 : index
      %parallel_loop3A_455 = tpu.vector_load %arg14[%parallel_loop3A_453, %parallel_loop3A_454] {strides = array<i32>} : memref<2x64xf32, #tpu.memory_space<vmem>>, vector<16xf32>,
      %parallel_loop3A_456 = arith.addf %parallel_loop3A_452, %parallel_loop3A_455 : vector<16xf32>
      %parallel_loop3A_457 = arith.index_cast %parallel_loop3A_443 : i32 to index
      %parallel_loop3A_458 = arith.constant 16 : index
      %parallel_loop3A_459 = tpu.vector_load %arg10[%parallel_loop3A_457, %parallel_loop3A_458] {strides = array<i32>} : memref<256x64xf32, #tpu.memory_space<vmem>>, vector<16xf32>,
      %parallel_loop3A_460 = arith.index_cast %parallel_loop3A_445 : i32 to index
      %parallel_loop3A_461 = arith.constant 16 : index
      %parallel_loop3A_462 = tpu.vector_load %arg14[%parallel_loop3A_460, %parallel_loop3A_461] {strides = array<i32>} : memref<2x64xf32, #tpu.memory_space<vmem>>, vector<16xf32>,
      %parallel_loop3A_463 = arith.addf %parallel_loop3A_459, %parallel_loop3A_462 : vector<16xf32>
      %parallel_loop3A_464 = arith.index_cast %parallel_loop3A_443 : i32 to index
      %parallel_loop3A_465 = arith.constant 32 : index
      %parallel_loop3A_466 = tpu.vector_load %arg10[%parallel_loop3A_464, %parallel_loop3A_465] {strides = array<i32>} : memref<256x64xf32, #tpu.memory_space<vmem>>, vector<16xf32>,
      %parallel_loop3A_467 = arith.index_cast %parallel_loop3A_445 : i32 to index
      %parallel_loop3A_468 = arith.constant 32 : index
      %parallel_loop3A_469 = tpu.vector_load %arg14[%parallel_loop3A_467, %parallel_loop3A_468] {strides = array<i32>} : memref<2x64xf32, #tpu.memory_space<vmem>>, vector<16xf32>,
      %parallel_loop3A_470 = arith.addf %parallel_loop3A_466, %parallel_loop3A_469 : vector<16xf32>
      %parallel_loop3A_471 = arith.index_cast %parallel_loop3A_443 : i32 to index
      %parallel_loop3A_472 = arith.constant 48 : index
      %parallel_loop3A_473 = tpu.vector_load %arg10[%parallel_loop3A_471, %parallel_loop3A_472] {strides = array<i32>} : memref<256x64xf32, #tpu.memory_space<vmem>>, vector<16xf32>,
      %parallel_loop3A_474 = arith.index_cast %parallel_loop3A_445 : i32 to index
      %parallel_loop3A_475 = arith.constant 48 : index
      %parallel_loop3A_476 = tpu.vector_load %arg14[%parallel_loop3A_474, %parallel_loop3A_475] {strides = array<i32>} : memref<2x64xf32, #tpu.memory_space<vmem>>, vector<16xf32>,
      %parallel_loop3A_477 = arith.addf %parallel_loop3A_473, %parallel_loop3A_476 : vector<16xf32>
      %parallel_loop3A_478 = arith.addf %parallel_loop3A_456, %parallel_loop3A_463 : vector<16xf32>
      %parallel_loop3A_479 = arith.addf %parallel_loop3A_470, %parallel_loop3A_477 : vector<16xf32>
      %parallel_loop3A_480 = arith.addf %parallel_loop3A_478, %parallel_loop3A_479 : vector<16xf32>
      %parallel_loop3A_481 = arith.mulf %parallel_loop3A_456, %parallel_loop3A_456 : vector<16xf32>
      %parallel_loop3A_482 = arith.mulf %parallel_loop3A_463, %parallel_loop3A_463 : vector<16xf32>
      %parallel_loop3A_483 = arith.addf %parallel_loop3A_481, %parallel_loop3A_482 : vector<16xf32>
      %parallel_loop3A_484 = arith.mulf %parallel_loop3A_470, %parallel_loop3A_470 : vector<16xf32>
      %parallel_loop3A_485 = arith.mulf %parallel_loop3A_477, %parallel_loop3A_477 : vector<16xf32>
      %parallel_loop3A_486 = arith.addf %parallel_loop3A_484, %parallel_loop3A_485 : vector<16xf32>
      %parallel_loop3A_487 = arith.addf %parallel_loop3A_483, %parallel_loop3A_486 : vector<16xf32>
      %parallel_loop3A_488 = vector.shape_cast %xor3A_5 : vector<16xi32> to vector<16x1xi32>
      %parallel_loop3A_489 = vector.shape_cast %parallel_loop3A_488 : vector<16x1xi32> to vector<16xi32>
      %parallel_loop3A_490 = tpu.dynamic_gather %parallel_loop3A_480[%parallel_loop3A_489] in [0] : vector<16xf32>, vector<16xi32> -> vector<16xf32>
      %parallel_loop3A_491 = arith.addf %parallel_loop3A_480, %parallel_loop3A_490 : vector<16xf32>
      %parallel_loop3A_492 = vector.shape_cast %xor3A_8 : vector<16xi32> to vector<16x1xi32>
      %parallel_loop3A_493 = vector.shape_cast %parallel_loop3A_492 : vector<16x1xi32> to vector<16xi32>
      %parallel_loop3A_494 = tpu.dynamic_gather %parallel_loop3A_491[%parallel_loop3A_493] in [0] : vector<16xf32>, vector<16xi32> -> vector<16xf32>
      %parallel_loop3A_495 = arith.addf %parallel_loop3A_491, %parallel_loop3A_494 : vector<16xf32>
      %parallel_loop3A_496 = vector.shape_cast %xor3A_11 : vector<16xi32> to vector<16x1xi32>
      %parallel_loop3A_497 = vector.shape_cast %parallel_loop3A_496 : vector<16x1xi32> to vector<16xi32>
      %parallel_loop3A_498 = tpu.dynamic_gather %parallel_loop3A_495[%parallel_loop3A_497] in [0] : vector<16xf32>, vector<16xi32> -> vector<16xf32>
      %parallel_loop3A_499 = arith.addf %parallel_loop3A_495, %parallel_loop3A_498 : vector<16xf32>
      %parallel_loop3A_500 = vector.shape_cast %xor3A_14 : vector<16xi32> to vector<16x1xi32>
      %parallel_loop3A_501 = vector.shape_cast %parallel_loop3A_500 : vector<16x1xi32> to vector<16xi32>
      %parallel_loop3A_502 = tpu.dynamic_gather %parallel_loop3A_499[%parallel_loop3A_501] in [0] : vector<16xf32>, vector<16xi32> -> vector<16xf32>
      %parallel_loop3A_503 = arith.addf %parallel_loop3A_499, %parallel_loop3A_502 : vector<16xf32>
      %parallel_loop3A_504 = arith.constant 1.562500e-02 : f32
      %parallel_loop3A_505 = vector.broadcast %parallel_loop3A_504 : f32 to vector<16xf32>
      %parallel_loop3A_506 = arith.mulf %parallel_loop3A_503, %parallel_loop3A_505 : vector<16xf32>
      %parallel_loop3A_507 = vector.shape_cast %xor3A_5 : vector<16xi32> to vector<16x1xi32>
      %parallel_loop3A_508 = vector.shape_cast %parallel_loop3A_507 : vector<16x1xi32> to vector<16xi32>
      %parallel_loop3A_509 = tpu.dynamic_gather %parallel_loop3A_487[%parallel_loop3A_508] in [0] : vector<16xf32>, vector<16xi32> -> vector<16xf32>
      %parallel_loop3A_510 = arith.addf %parallel_loop3A_487, %parallel_loop3A_509 : vector<16xf32>
      %parallel_loop3A_511 = vector.shape_cast %xor3A_8 : vector<16xi32> to vector<16x1xi32>
      %parallel_loop3A_512 = vector.shape_cast %parallel_loop3A_511 : vector<16x1xi32> to vector<16xi32>
      %parallel_loop3A_513 = tpu.dynamic_gather %parallel_loop3A_510[%parallel_loop3A_512] in [0] : vector<16xf32>, vector<16xi32> -> vector<16xf32>
      %parallel_loop3A_514 = arith.addf %parallel_loop3A_510, %parallel_loop3A_513 : vector<16xf32>
      %parallel_loop3A_515 = vector.shape_cast %xor3A_11 : vector<16xi32> to vector<16x1xi32>
      %parallel_loop3A_516 = vector.shape_cast %parallel_loop3A_515 : vector<16x1xi32> to vector<16xi32>
      %parallel_loop3A_517 = tpu.dynamic_gather %parallel_loop3A_514[%parallel_loop3A_516] in [0] : vector<16xf32>, vector<16xi32> -> vector<16xf32>
      %parallel_loop3A_518 = arith.addf %parallel_loop3A_514, %parallel_loop3A_517 : vector<16xf32>
      %parallel_loop3A_519 = vector.shape_cast %xor3A_14 : vector<16xi32> to vector<16x1xi32>
      %parallel_loop3A_520 = vector.shape_cast %parallel_loop3A_519 : vector<16x1xi32> to vector<16xi32>
      %parallel_loop3A_521 = tpu.dynamic_gather %parallel_loop3A_518[%parallel_loop3A_520] in [0] : vector<16xf32>, vector<16xi32> -> vector<16xf32>
      %parallel_loop3A_522 = arith.addf %parallel_loop3A_518, %parallel_loop3A_521 : vector<16xf32>
      %parallel_loop3A_523 = arith.constant 1.562500e-02 : f32
      %parallel_loop3A_524 = vector.broadcast %parallel_loop3A_523 : f32 to vector<16xf32>
      %parallel_loop3A_525 = arith.mulf %parallel_loop3A_522, %parallel_loop3A_524 : vector<16xf32>
      %parallel_loop3A_526 = arith.mulf %parallel_loop3A_506, %parallel_loop3A_506 : vector<16xf32>
      %parallel_loop3A_527 = arith.subf %parallel_loop3A_525, %parallel_loop3A_526 : vector<16xf32>
      %parallel_loop3A_528 = arith.constant 9.99999974E-6 : f32
      %parallel_loop3A_529 = vector.broadcast %parallel_loop3A_528 : f32 to vector<16xf32>
      %parallel_loop3A_530 = arith.addf %parallel_loop3A_527, %parallel_loop3A_529 : vector<16xf32>
      %parallel_loop3A_531 = vector.bitcast %parallel_loop3A_530 : vector<16xf32> to vector<16xi32>
      %parallel_loop3A_532 = arith.constant 1 : i32
      %parallel_loop3A_533 = vector.broadcast %parallel_loop3A_532 : i32 to vector<16xi32>
      %parallel_loop3A_534 = arith.shrui %parallel_loop3A_531, %parallel_loop3A_533 : vector<16xi32>
      %parallel_loop3A_535 = arith.constant 1597463007 : i32
      %parallel_loop3A_536 = vector.broadcast %parallel_loop3A_535 : i32 to vector<16xi32>
      %parallel_loop3A_537 = arith.subi %parallel_loop3A_536, %parallel_loop3A_534 : vector<16xi32>
      %parallel_loop3A_538 = vector.bitcast %parallel_loop3A_537 : vector<16xi32> to vector<16xf32>
      %parallel_loop3A_539 = arith.constant 5.000000e-01 : f32
      %parallel_loop3A_540 = vector.broadcast %parallel_loop3A_539 : f32 to vector<16xf32>
      %parallel_loop3A_541 = arith.mulf %parallel_loop3A_540, %parallel_loop3A_530 : vector<16xf32>
      %parallel_loop3A_542 = arith.mulf %parallel_loop3A_541, %parallel_loop3A_538 : vector<16xf32>
      %parallel_loop3A_543 = arith.mulf %parallel_loop3A_542, %parallel_loop3A_538 : vector<16xf32>
      %parallel_loop3A_544 = arith.constant 1.500000e+00 : f32
      %parallel_loop3A_545 = vector.broadcast %parallel_loop3A_544 : f32 to vector<16xf32>
      %parallel_loop3A_546 = arith.subf %parallel_loop3A_545, %parallel_loop3A_543 : vector<16xf32>
      %parallel_loop3A_547 = arith.mulf %parallel_loop3A_538, %parallel_loop3A_546 : vector<16xf32>
      %parallel_loop3A_548 = arith.mulf %parallel_loop3A_541, %parallel_loop3A_547 : vector<16xf32>
      %parallel_loop3A_549 = arith.mulf %parallel_loop3A_548, %parallel_loop3A_547 : vector<16xf32>
      %parallel_loop3A_550 = arith.constant 1.500000e+00 : f32
      %parallel_loop3A_551 = vector.broadcast %parallel_loop3A_550 : f32 to vector<16xf32>
      %parallel_loop3A_552 = arith.subf %parallel_loop3A_551, %parallel_loop3A_549 : vector<16xf32>
      %parallel_loop3A_553 = arith.mulf %parallel_loop3A_547, %parallel_loop3A_552 : vector<16xf32>
      %parallel_loop3A_554 = arith.mulf %parallel_loop3A_506, %parallel_loop3A_553 : vector<16xf32>
      %parallel_loop3A_555 = arith.mulf %parallel_loop3A_456, %parallel_loop3A_553 : vector<16xf32>
      %parallel_loop3A_556 = arith.subf %parallel_loop3A_555, %parallel_loop3A_554 : vector<16xf32>
      %parallel_loop3A_557 = arith.mulf %parallel_loop3A_556, %get3A_17 : vector<16xf32>
      %parallel_loop3A_558 = arith.addf %parallel_loop3A_557, %get3A_33 : vector<16xf32>
      tpu.vector_store_idx %arg12[%parallel_loop3A_448, %add3A_52, %and3A_47, %parallel_loop3A_449], %parallel_loop3A_558 : memref<2x8x8x133xf32, #tpu.memory_space<vmem>>[vector<16xi32>, vector<16xi32>, vector<16xi32>, vector<16xi32>], vector<16xf32>,
      %parallel_loop3A_559 = arith.mulf %parallel_loop3A_463, %parallel_loop3A_553 : vector<16xf32>
      %parallel_loop3A_560 = arith.subf %parallel_loop3A_559, %parallel_loop3A_554 : vector<16xf32>
      %parallel_loop3A_561 = arith.mulf %parallel_loop3A_560, %get3A_21 : vector<16xf32>
      %parallel_loop3A_562 = arith.addf %parallel_loop3A_561, %get3A_37 : vector<16xf32>
      tpu.vector_store_idx %arg12[%parallel_loop3A_448, %add3A_58, %and3A_47, %parallel_loop3A_449], %parallel_loop3A_562 : memref<2x8x8x133xf32, #tpu.memory_space<vmem>>[vector<16xi32>, vector<16xi32>, vector<16xi32>, vector<16xi32>], vector<16xf32>,
      %parallel_loop3A_563 = arith.mulf %parallel_loop3A_470, %parallel_loop3A_553 : vector<16xf32>
      %parallel_loop3A_564 = arith.subf %parallel_loop3A_563, %parallel_loop3A_554 : vector<16xf32>
      %parallel_loop3A_565 = arith.mulf %parallel_loop3A_564, %get3A_25 : vector<16xf32>
      %parallel_loop3A_566 = arith.addf %parallel_loop3A_565, %get3A_41 : vector<16xf32>
      tpu.vector_store_idx %arg12[%parallel_loop3A_448, %add3A_64, %and3A_47, %parallel_loop3A_449], %parallel_loop3A_566 : memref<2x8x8x133xf32, #tpu.memory_space<vmem>>[vector<16xi32>, vector<16xi32>, vector<16xi32>, vector<16xi32>], vector<16xf32>,
      %parallel_loop3A_567 = arith.mulf %parallel_loop3A_477, %parallel_loop3A_553 : vector<16xf32>
      %parallel_loop3A_568 = arith.subf %parallel_loop3A_567, %parallel_loop3A_554 : vector<16xf32>
      %parallel_loop3A_569 = arith.mulf %parallel_loop3A_568, %get3A_29 : vector<16xf32>
      %parallel_loop3A_570 = arith.addf %parallel_loop3A_569, %get3A_45 : vector<16xf32>
      tpu.vector_store_idx %arg12[%parallel_loop3A_448, %add3A_70, %and3A_47, %parallel_loop3A_449], %parallel_loop3A_570 : memref<2x8x8x133xf32, #tpu.memory_space<vmem>>[vector<16xi32>, vector<16xi32>, vector<16xi32>, vector<16xi32>], vector<16xf32>,
    } {sc.loop_unroll_factor = 8 : i64, sc.parallel_access}
    %dma_start3A_315 = arith.constant 0 : i32
    %dma_start3A_316 = arith.constant 0 : i32
    %dma_start3A_317 = arith.constant 0 : i32
    %dma_start3A_318 = arith.constant 0 : i32
    %dma_start3A_319 = tpu.memref_slice %arg12[%dma_start3A_315, %dma_start3A_316, %dma_start3A_317, %dma_start3A_318] : memref<2x8x8x133xf32, #tpu.memory_space<vmem>> -> memref<2x8x8x128xf32, #tpu.memory_space<vmem>>
    %dma_start3A_320 = arith.constant 196 : i32
    %dma_start3A_321 = arith.constant 0 : i32
    %dma_start3A_322 = arith.constant 0 : i32
    %dma_start3A_323 = arith.constant 0 : i32
    %dma_start3A_324 = tpu.memref_slice %arg7[%dma_start3A_320, %dma_start3A_321, %add3A, %dma_start3A_322, %dma_start3A_323] : memref<200x8x32x8x128xf32, #tpu.memory_space<hbm>> -> memref<2x8x1x8x128xf32, #tpu.memory_space<hbm>>
    %dma_start3A_325 = tpu.memref_squeeze %dma_start3A_324 : memref<2x8x1x8x128xf32, #tpu.memory_space<hbm>> -> memref<2x8x8x128xf32, #tpu.memory_space<hbm>>
    %dma_start3A_326 = arith.constant 196 : i32
    %dma_start3A_327 = arith.constant 0 : i32
    %dma_start3A_328 = arith.constant 0 : i32
    %dma_start3A_329 = arith.constant 0 : i32
    %dma_start3A_330 = tpu.memref_slice %arg7[%dma_start3A_326, %dma_start3A_327, %add3A, %dma_start3A_328, %dma_start3A_329] : memref<200x8x32x8x128xf32, #tpu.memory_space<hbm>> -> memref<2x8x1x8x128xf32, #tpu.memory_space<hbm>>
    %dma_start3A_331 = tpu.memref_squeeze %dma_start3A_330 : memref<2x8x1x8x128xf32, #tpu.memory_space<hbm>> -> memref<2x8x8x128xf32, #tpu.memory_space<hbm>>
    %dma_start3A_332 = arith.constant 0 : i32
    %dma_start3A_333 = arith.constant 0 : i32
    %dma_start3A_334 = arith.constant 0 : i32
    %dma_start3A_335 = arith.constant 0 : i32
    %dma_start3A_336 = tpu.memref_slice %arg12[%dma_start3A_332, %dma_start3A_333, %dma_start3A_334, %dma_start3A_335] : memref<2x8x8x133xf32, #tpu.memory_space<vmem>> -> memref<2x8x8x128xf32, #tpu.memory_space<vmem>>
    tpu.enqueue_dma source(%dma_start3A_336 : memref<2x8x8x128xf32, #tpu.memory_space<vmem>>) target(%dma_start3A_331 : memref<2x8x8x128xf32, #tpu.memory_space<hbm>>) target_semaphore(%arg19 : memref<!tpu.dma_semaphore, #tpu.memory_space<semaphore_mem>>)
    %dma_wait3A_337 = arith.constant 0 : i32
    %dma_wait3A_338 = arith.constant 0 : i32
    %dma_wait3A_339 = tpu.memref_slice %arg3[%dma_wait3A_337, %dma_wait3A_338] : memref<1000000x64xf32, #tpu.memory_space<hbm>> -> memref<256x64xf32, #tpu.memory_space<hbm>>
    %dma_wait3A_340 = arith.constant 0 : i32
    %dma_wait3A_341 = arith.constant 0 : i32
    %dma_wait3A_342 = tpu.memref_slice %arg3[%dma_wait3A_340, %dma_wait3A_341] : memref<1000000x64xf32, #tpu.memory_space<hbm>> -> memref<256x64xf32, #tpu.memory_space<hbm>>
    tpu.wait_dma2 semaphore(%arg18 : memref<!tpu.dma_semaphore, #tpu.memory_space<semaphore_mem>>) src(%dma_wait3A_342 : memref<256x64xf32, #tpu.memory_space<hbm>>) dst(%arg11 : memref<256x64xf32, #tpu.memory_space<vmem>>)
    %dma_wait3A_343 = arith.constant 0 : i32
    %dma_wait3A_344 = arith.constant 0 : i32
    %dma_wait3A_345 = arith.constant 0 : i32
    %dma_wait3A_346 = tpu.memref_slice %arg4[%dma_wait3A_343, %dma_wait3A_344, %dma_wait3A_345] : memref<1x200x64xf32, #tpu.memory_space<hbm>> -> memref<1x2x64xf32, #tpu.memory_space<hbm>>
    %dma_wait3A_347 = tpu.memref_squeeze %dma_wait3A_346 : memref<1x2x64xf32, #tpu.memory_space<hbm>> -> memref<2x64xf32, #tpu.memory_space<hbm>>
    %dma_wait3A_348 = arith.constant 0 : i32
    %dma_wait3A_349 = arith.constant 0 : i32
    %dma_wait3A_350 = tpu.memref_slice %arg4[%dma_wait3A_343, %dma_wait3A_348, %dma_wait3A_349] : memref<1x200x64xf32, #tpu.memory_space<hbm>> -> memref<1x2x64xf32, #tpu.memory_space<hbm>>
    %dma_wait3A_351 = tpu.memref_squeeze %dma_wait3A_350 : memref<1x2x64xf32, #tpu.memory_space<hbm>> -> memref<2x64xf32, #tpu.memory_space<hbm>>
    tpu.wait_dma2 semaphore(%arg18 : memref<!tpu.dma_semaphore, #tpu.memory_space<semaphore_mem>>) src(%dma_wait3A_351 : memref<2x64xf32, #tpu.memory_space<hbm>>) dst(%arg15 : memref<2x64xf32, #tpu.memory_space<vmem>>)
    %dma_wait3A_352 = arith.constant 0 : i32
    %dma_wait3A_353 = arith.constant 0 : i32
    %dma_wait3A_354 = arith.constant 0 : i32
    %dma_wait3A_355 = arith.constant 0 : i32
    %dma_wait3A_356 = tpu.memref_slice %arg13[%dma_wait3A_352, %dma_wait3A_353, %dma_wait3A_354, %dma_wait3A_355] : memref<2x8x8x133xf32, #tpu.memory_space<vmem>> -> memref<2x8x8x128xf32, #tpu.memory_space<vmem>>
    %dma_wait3A_357 = arith.constant 0 : i32
    %dma_wait3A_358 = arith.constant 0 : i32
    %dma_wait3A_359 = arith.constant 0 : i32
    %dma_wait3A_360 = arith.constant 0 : i32
    %dma_wait3A_361 = tpu.memref_slice %arg7[%dma_wait3A_357, %dma_wait3A_358, %add3A, %dma_wait3A_359, %dma_wait3A_360] : memref<200x8x32x8x128xf32, #tpu.memory_space<hbm>> -> memref<2x8x1x8x128xf32, #tpu.memory_space<hbm>>
    %dma_wait3A_362 = tpu.memref_squeeze %dma_wait3A_361 : memref<2x8x1x8x128xf32, #tpu.memory_space<hbm>> -> memref<2x8x8x128xf32, #tpu.memory_space<hbm>>
    %dma_wait3A_363 = arith.constant 0 : i32
    %dma_wait3A_364 = arith.constant 0 : i32
    %dma_wait3A_365 = arith.constant 0 : i32
    %dma_wait3A_366 = arith.constant 0 : i32
    %dma_wait3A_367 = tpu.memref_slice %arg7[%dma_wait3A_363, %dma_wait3A_364, %add3A, %dma_wait3A_365, %dma_wait3A_366] : memref<200x8x32x8x128xf32, #tpu.memory_space<hbm>> -> memref<2x8x1x8x128xf32, #tpu.memory_space<hbm>>
    %dma_wait3A_368 = tpu.memref_squeeze %dma_wait3A_367 : memref<2x8x1x8x128xf32, #tpu.memory_space<hbm>> -> memref<2x8x8x128xf32, #tpu.memory_space<hbm>>
    %dma_wait3A_369 = arith.constant 0 : i32
    %dma_wait3A_370 = arith.constant 0 : i32
    %dma_wait3A_371 = arith.constant 0 : i32
    %dma_wait3A_372 = arith.constant 0 : i32
    %dma_wait3A_373 = tpu.memref_slice %arg13[%dma_wait3A_369, %dma_wait3A_370, %dma_wait3A_371, %dma_wait3A_372] : memref<2x8x8x133xf32, #tpu.memory_space<vmem>> -> memref<2x8x8x128xf32, #tpu.memory_space<vmem>>
    tpu.wait_dma2 semaphore(%arg20 : memref<!tpu.dma_semaphore, #tpu.memory_space<semaphore_mem>>) src(%dma_wait3A_373 : memref<2x8x8x128xf32, #tpu.memory_space<vmem>>) dst(%dma_wait3A_368 : memref<2x8x8x128xf32, #tpu.memory_space<hbm>>)
    %parallel_loop3A_374 = arith.constant 0 : i32
    %parallel_loop3A_375 = arith.constant 256 : i32
    %parallel_loop3A_376 = arith.constant 1 : i32
    scf.for %parallel_loop3A_443 = %parallel_loop3A_374 to %parallel_loop3A_375 step %parallel_loop3A_376  : i32 {
      %parallel_loop3A_444 = arith.constant 7 : i32
      %parallel_loop3A_445 = arith.shrui %parallel_loop3A_443, %parallel_loop3A_444 : i32
      %parallel_loop3A_446 = arith.constant 127 : i32
      %parallel_loop3A_447 = arith.andi %parallel_loop3A_443, %parallel_loop3A_446 : i32
      %parallel_loop3A_448 = vector.broadcast %parallel_loop3A_445 : i32 to vector<16xi32>
      %parallel_loop3A_449 = vector.broadcast %parallel_loop3A_447 : i32 to vector<16xi32>
      %parallel_loop3A_450 = arith.index_cast %parallel_loop3A_443 : i32 to index
      %parallel_loop3A_451 = arith.constant 0 : index
      %parallel_loop3A_452 = tpu.vector_load %arg11[%parallel_loop3A_450, %parallel_loop3A_451] {strides = array<i32>} : memref<256x64xf32, #tpu.memory_space<vmem>>, vector<16xf32>,
      %parallel_loop3A_453 = arith.index_cast %parallel_loop3A_445 : i32 to index
      %parallel_loop3A_454 = arith.constant 0 : index
      %parallel_loop3A_455 = tpu.vector_load %arg15[%parallel_loop3A_453, %parallel_loop3A_454] {strides = array<i32>} : memref<2x64xf32, #tpu.memory_space<vmem>>, vector<16xf32>,
      %parallel_loop3A_456 = arith.addf %parallel_loop3A_452, %parallel_loop3A_455 : vector<16xf32>
      %parallel_loop3A_457 = arith.index_cast %parallel_loop3A_443 : i32 to index
      %parallel_loop3A_458 = arith.constant 16 : index
      %parallel_loop3A_459 = tpu.vector_load %arg11[%parallel_loop3A_457, %parallel_loop3A_458] {strides = array<i32>} : memref<256x64xf32, #tpu.memory_space<vmem>>, vector<16xf32>,
      %parallel_loop3A_460 = arith.index_cast %parallel_loop3A_445 : i32 to index
      %parallel_loop3A_461 = arith.constant 16 : index
      %parallel_loop3A_462 = tpu.vector_load %arg15[%parallel_loop3A_460, %parallel_loop3A_461] {strides = array<i32>} : memref<2x64xf32, #tpu.memory_space<vmem>>, vector<16xf32>,
      %parallel_loop3A_463 = arith.addf %parallel_loop3A_459, %parallel_loop3A_462 : vector<16xf32>
      %parallel_loop3A_464 = arith.index_cast %parallel_loop3A_443 : i32 to index
      %parallel_loop3A_465 = arith.constant 32 : index
      %parallel_loop3A_466 = tpu.vector_load %arg11[%parallel_loop3A_464, %parallel_loop3A_465] {strides = array<i32>} : memref<256x64xf32, #tpu.memory_space<vmem>>, vector<16xf32>,
      %parallel_loop3A_467 = arith.index_cast %parallel_loop3A_445 : i32 to index
      %parallel_loop3A_468 = arith.constant 32 : index
      %parallel_loop3A_469 = tpu.vector_load %arg15[%parallel_loop3A_467, %parallel_loop3A_468] {strides = array<i32>} : memref<2x64xf32, #tpu.memory_space<vmem>>, vector<16xf32>,
      %parallel_loop3A_470 = arith.addf %parallel_loop3A_466, %parallel_loop3A_469 : vector<16xf32>
      %parallel_loop3A_471 = arith.index_cast %parallel_loop3A_443 : i32 to index
      %parallel_loop3A_472 = arith.constant 48 : index
      %parallel_loop3A_473 = tpu.vector_load %arg11[%parallel_loop3A_471, %parallel_loop3A_472] {strides = array<i32>} : memref<256x64xf32, #tpu.memory_space<vmem>>, vector<16xf32>,
      %parallel_loop3A_474 = arith.index_cast %parallel_loop3A_445 : i32 to index
      %parallel_loop3A_475 = arith.constant 48 : index
      %parallel_loop3A_476 = tpu.vector_load %arg15[%parallel_loop3A_474, %parallel_loop3A_475] {strides = array<i32>} : memref<2x64xf32, #tpu.memory_space<vmem>>, vector<16xf32>,
      %parallel_loop3A_477 = arith.addf %parallel_loop3A_473, %parallel_loop3A_476 : vector<16xf32>
      %parallel_loop3A_478 = arith.addf %parallel_loop3A_456, %parallel_loop3A_463 : vector<16xf32>
      %parallel_loop3A_479 = arith.addf %parallel_loop3A_470, %parallel_loop3A_477 : vector<16xf32>
      %parallel_loop3A_480 = arith.addf %parallel_loop3A_478, %parallel_loop3A_479 : vector<16xf32>
      %parallel_loop3A_481 = arith.mulf %parallel_loop3A_456, %parallel_loop3A_456 : vector<16xf32>
      %parallel_loop3A_482 = arith.mulf %parallel_loop3A_463, %parallel_loop3A_463 : vector<16xf32>
      %parallel_loop3A_483 = arith.addf %parallel_loop3A_481, %parallel_loop3A_482 : vector<16xf32>
      %parallel_loop3A_484 = arith.mulf %parallel_loop3A_470, %parallel_loop3A_470 : vector<16xf32>
      %parallel_loop3A_485 = arith.mulf %parallel_loop3A_477, %parallel_loop3A_477 : vector<16xf32>
      %parallel_loop3A_486 = arith.addf %parallel_loop3A_484, %parallel_loop3A_485 : vector<16xf32>
      %parallel_loop3A_487 = arith.addf %parallel_loop3A_483, %parallel_loop3A_486 : vector<16xf32>
      %parallel_loop3A_488 = vector.shape_cast %xor3A_5 : vector<16xi32> to vector<16x1xi32>
      %parallel_loop3A_489 = vector.shape_cast %parallel_loop3A_488 : vector<16x1xi32> to vector<16xi32>
      %parallel_loop3A_490 = tpu.dynamic_gather %parallel_loop3A_480[%parallel_loop3A_489] in [0] : vector<16xf32>, vector<16xi32> -> vector<16xf32>
      %parallel_loop3A_491 = arith.addf %parallel_loop3A_480, %parallel_loop3A_490 : vector<16xf32>
      %parallel_loop3A_492 = vector.shape_cast %xor3A_8 : vector<16xi32> to vector<16x1xi32>
      %parallel_loop3A_493 = vector.shape_cast %parallel_loop3A_492 : vector<16x1xi32> to vector<16xi32>
      %parallel_loop3A_494 = tpu.dynamic_gather %parallel_loop3A_491[%parallel_loop3A_493] in [0] : vector<16xf32>, vector<16xi32> -> vector<16xf32>
      %parallel_loop3A_495 = arith.addf %parallel_loop3A_491, %parallel_loop3A_494 : vector<16xf32>
      %parallel_loop3A_496 = vector.shape_cast %xor3A_11 : vector<16xi32> to vector<16x1xi32>
      %parallel_loop3A_497 = vector.shape_cast %parallel_loop3A_496 : vector<16x1xi32> to vector<16xi32>
      %parallel_loop3A_498 = tpu.dynamic_gather %parallel_loop3A_495[%parallel_loop3A_497] in [0] : vector<16xf32>, vector<16xi32> -> vector<16xf32>
      %parallel_loop3A_499 = arith.addf %parallel_loop3A_495, %parallel_loop3A_498 : vector<16xf32>
      %parallel_loop3A_500 = vector.shape_cast %xor3A_14 : vector<16xi32> to vector<16x1xi32>
      %parallel_loop3A_501 = vector.shape_cast %parallel_loop3A_500 : vector<16x1xi32> to vector<16xi32>
      %parallel_loop3A_502 = tpu.dynamic_gather %parallel_loop3A_499[%parallel_loop3A_501] in [0] : vector<16xf32>, vector<16xi32> -> vector<16xf32>
      %parallel_loop3A_503 = arith.addf %parallel_loop3A_499, %parallel_loop3A_502 : vector<16xf32>
      %parallel_loop3A_504 = arith.constant 1.562500e-02 : f32
      %parallel_loop3A_505 = vector.broadcast %parallel_loop3A_504 : f32 to vector<16xf32>
      %parallel_loop3A_506 = arith.mulf %parallel_loop3A_503, %parallel_loop3A_505 : vector<16xf32>
      %parallel_loop3A_507 = vector.shape_cast %xor3A_5 : vector<16xi32> to vector<16x1xi32>
      %parallel_loop3A_508 = vector.shape_cast %parallel_loop3A_507 : vector<16x1xi32> to vector<16xi32>
      %parallel_loop3A_509 = tpu.dynamic_gather %parallel_loop3A_487[%parallel_loop3A_508] in [0] : vector<16xf32>, vector<16xi32> -> vector<16xf32>
      %parallel_loop3A_510 = arith.addf %parallel_loop3A_487, %parallel_loop3A_509 : vector<16xf32>
      %parallel_loop3A_511 = vector.shape_cast %xor3A_8 : vector<16xi32> to vector<16x1xi32>
      %parallel_loop3A_512 = vector.shape_cast %parallel_loop3A_511 : vector<16x1xi32> to vector<16xi32>
      %parallel_loop3A_513 = tpu.dynamic_gather %parallel_loop3A_510[%parallel_loop3A_512] in [0] : vector<16xf32>, vector<16xi32> -> vector<16xf32>
      %parallel_loop3A_514 = arith.addf %parallel_loop3A_510, %parallel_loop3A_513 : vector<16xf32>
      %parallel_loop3A_515 = vector.shape_cast %xor3A_11 : vector<16xi32> to vector<16x1xi32>
      %parallel_loop3A_516 = vector.shape_cast %parallel_loop3A_515 : vector<16x1xi32> to vector<16xi32>
      %parallel_loop3A_517 = tpu.dynamic_gather %parallel_loop3A_514[%parallel_loop3A_516] in [0] : vector<16xf32>, vector<16xi32> -> vector<16xf32>
      %parallel_loop3A_518 = arith.addf %parallel_loop3A_514, %parallel_loop3A_517 : vector<16xf32>
      %parallel_loop3A_519 = vector.shape_cast %xor3A_14 : vector<16xi32> to vector<16x1xi32>
      %parallel_loop3A_520 = vector.shape_cast %parallel_loop3A_519 : vector<16x1xi32> to vector<16xi32>
      %parallel_loop3A_521 = tpu.dynamic_gather %parallel_loop3A_518[%parallel_loop3A_520] in [0] : vector<16xf32>, vector<16xi32> -> vector<16xf32>
      %parallel_loop3A_522 = arith.addf %parallel_loop3A_518, %parallel_loop3A_521 : vector<16xf32>
      %parallel_loop3A_523 = arith.constant 1.562500e-02 : f32
      %parallel_loop3A_524 = vector.broadcast %parallel_loop3A_523 : f32 to vector<16xf32>
      %parallel_loop3A_525 = arith.mulf %parallel_loop3A_522, %parallel_loop3A_524 : vector<16xf32>
      %parallel_loop3A_526 = arith.mulf %parallel_loop3A_506, %parallel_loop3A_506 : vector<16xf32>
      %parallel_loop3A_527 = arith.subf %parallel_loop3A_525, %parallel_loop3A_526 : vector<16xf32>
      %parallel_loop3A_528 = arith.constant 9.99999974E-6 : f32
      %parallel_loop3A_529 = vector.broadcast %parallel_loop3A_528 : f32 to vector<16xf32>
      %parallel_loop3A_530 = arith.addf %parallel_loop3A_527, %parallel_loop3A_529 : vector<16xf32>
      %parallel_loop3A_531 = vector.bitcast %parallel_loop3A_530 : vector<16xf32> to vector<16xi32>
      %parallel_loop3A_532 = arith.constant 1 : i32
      %parallel_loop3A_533 = vector.broadcast %parallel_loop3A_532 : i32 to vector<16xi32>
      %parallel_loop3A_534 = arith.shrui %parallel_loop3A_531, %parallel_loop3A_533 : vector<16xi32>
      %parallel_loop3A_535 = arith.constant 1597463007 : i32
      %parallel_loop3A_536 = vector.broadcast %parallel_loop3A_535 : i32 to vector<16xi32>
      %parallel_loop3A_537 = arith.subi %parallel_loop3A_536, %parallel_loop3A_534 : vector<16xi32>
      %parallel_loop3A_538 = vector.bitcast %parallel_loop3A_537 : vector<16xi32> to vector<16xf32>
      %parallel_loop3A_539 = arith.constant 5.000000e-01 : f32
      %parallel_loop3A_540 = vector.broadcast %parallel_loop3A_539 : f32 to vector<16xf32>
      %parallel_loop3A_541 = arith.mulf %parallel_loop3A_540, %parallel_loop3A_530 : vector<16xf32>
      %parallel_loop3A_542 = arith.mulf %parallel_loop3A_541, %parallel_loop3A_538 : vector<16xf32>
      %parallel_loop3A_543 = arith.mulf %parallel_loop3A_542, %parallel_loop3A_538 : vector<16xf32>
      %parallel_loop3A_544 = arith.constant 1.500000e+00 : f32
      %parallel_loop3A_545 = vector.broadcast %parallel_loop3A_544 : f32 to vector<16xf32>
      %parallel_loop3A_546 = arith.subf %parallel_loop3A_545, %parallel_loop3A_543 : vector<16xf32>
      %parallel_loop3A_547 = arith.mulf %parallel_loop3A_538, %parallel_loop3A_546 : vector<16xf32>
      %parallel_loop3A_548 = arith.mulf %parallel_loop3A_541, %parallel_loop3A_547 : vector<16xf32>
      %parallel_loop3A_549 = arith.mulf %parallel_loop3A_548, %parallel_loop3A_547 : vector<16xf32>
      %parallel_loop3A_550 = arith.constant 1.500000e+00 : f32
      %parallel_loop3A_551 = vector.broadcast %parallel_loop3A_550 : f32 to vector<16xf32>
      %parallel_loop3A_552 = arith.subf %parallel_loop3A_551, %parallel_loop3A_549 : vector<16xf32>
      %parallel_loop3A_553 = arith.mulf %parallel_loop3A_547, %parallel_loop3A_552 : vector<16xf32>
      %parallel_loop3A_554 = arith.mulf %parallel_loop3A_506, %parallel_loop3A_553 : vector<16xf32>
      %parallel_loop3A_555 = arith.mulf %parallel_loop3A_456, %parallel_loop3A_553 : vector<16xf32>
      %parallel_loop3A_556 = arith.subf %parallel_loop3A_555, %parallel_loop3A_554 : vector<16xf32>
      %parallel_loop3A_557 = arith.mulf %parallel_loop3A_556, %get3A_17 : vector<16xf32>
      %parallel_loop3A_558 = arith.addf %parallel_loop3A_557, %get3A_33 : vector<16xf32>
      tpu.vector_store_idx %arg13[%parallel_loop3A_448, %add3A_52, %and3A_47, %parallel_loop3A_449], %parallel_loop3A_558 : memref<2x8x8x133xf32, #tpu.memory_space<vmem>>[vector<16xi32>, vector<16xi32>, vector<16xi32>, vector<16xi32>], vector<16xf32>,
      %parallel_loop3A_559 = arith.mulf %parallel_loop3A_463, %parallel_loop3A_553 : vector<16xf32>
      %parallel_loop3A_560 = arith.subf %parallel_loop3A_559, %parallel_loop3A_554 : vector<16xf32>
      %parallel_loop3A_561 = arith.mulf %parallel_loop3A_560, %get3A_21 : vector<16xf32>
      %parallel_loop3A_562 = arith.addf %parallel_loop3A_561, %get3A_37 : vector<16xf32>
      tpu.vector_store_idx %arg13[%parallel_loop3A_448, %add3A_58, %and3A_47, %parallel_loop3A_449], %parallel_loop3A_562 : memref<2x8x8x133xf32, #tpu.memory_space<vmem>>[vector<16xi32>, vector<16xi32>, vector<16xi32>, vector<16xi32>], vector<16xf32>,
      %parallel_loop3A_563 = arith.mulf %parallel_loop3A_470, %parallel_loop3A_553 : vector<16xf32>
      %parallel_loop3A_564 = arith.subf %parallel_loop3A_563, %parallel_loop3A_554 : vector<16xf32>
      %parallel_loop3A_565 = arith.mulf %parallel_loop3A_564, %get3A_25 : vector<16xf32>
      %parallel_loop3A_566 = arith.addf %parallel_loop3A_565, %get3A_41 : vector<16xf32>
      tpu.vector_store_idx %arg13[%parallel_loop3A_448, %add3A_64, %and3A_47, %parallel_loop3A_449], %parallel_loop3A_566 : memref<2x8x8x133xf32, #tpu.memory_space<vmem>>[vector<16xi32>, vector<16xi32>, vector<16xi32>, vector<16xi32>], vector<16xf32>,
      %parallel_loop3A_567 = arith.mulf %parallel_loop3A_477, %parallel_loop3A_553 : vector<16xf32>
      %parallel_loop3A_568 = arith.subf %parallel_loop3A_567, %parallel_loop3A_554 : vector<16xf32>
      %parallel_loop3A_569 = arith.mulf %parallel_loop3A_568, %get3A_29 : vector<16xf32>
      %parallel_loop3A_570 = arith.addf %parallel_loop3A_569, %get3A_45 : vector<16xf32>
      tpu.vector_store_idx %arg13[%parallel_loop3A_448, %add3A_70, %and3A_47, %parallel_loop3A_449], %parallel_loop3A_570 : memref<2x8x8x133xf32, #tpu.memory_space<vmem>>[vector<16xi32>, vector<16xi32>, vector<16xi32>, vector<16xi32>], vector<16xf32>,
    } {sc.loop_unroll_factor = 8 : i64, sc.parallel_access}
    %dma_start3A_377 = arith.constant 0 : i32
    %dma_start3A_378 = arith.constant 0 : i32
    %dma_start3A_379 = arith.constant 0 : i32
    %dma_start3A_380 = arith.constant 0 : i32
    %dma_start3A_381 = tpu.memref_slice %arg13[%dma_start3A_377, %dma_start3A_378, %dma_start3A_379, %dma_start3A_380] : memref<2x8x8x133xf32, #tpu.memory_space<vmem>> -> memref<2x8x8x128xf32, #tpu.memory_space<vmem>>
    %dma_start3A_382 = arith.constant 198 : i32
    %dma_start3A_383 = arith.constant 0 : i32
    %dma_start3A_384 = arith.constant 0 : i32
    %dma_start3A_385 = arith.constant 0 : i32
    %dma_start3A_386 = tpu.memref_slice %arg7[%dma_start3A_382, %dma_start3A_383, %add3A, %dma_start3A_384, %dma_start3A_385] : memref<200x8x32x8x128xf32, #tpu.memory_space<hbm>> -> memref<2x8x1x8x128xf32, #tpu.memory_space<hbm>>
    %dma_start3A_387 = tpu.memref_squeeze %dma_start3A_386 : memref<2x8x1x8x128xf32, #tpu.memory_space<hbm>> -> memref<2x8x8x128xf32, #tpu.memory_space<hbm>>
    %dma_start3A_388 = arith.constant 198 : i32
    %dma_start3A_389 = arith.constant 0 : i32
    %dma_start3A_390 = arith.constant 0 : i32
    %dma_start3A_391 = arith.constant 0 : i32
    %dma_start3A_392 = tpu.memref_slice %arg7[%dma_start3A_388, %dma_start3A_389, %add3A, %dma_start3A_390, %dma_start3A_391] : memref<200x8x32x8x128xf32, #tpu.memory_space<hbm>> -> memref<2x8x1x8x128xf32, #tpu.memory_space<hbm>>
    %dma_start3A_393 = tpu.memref_squeeze %dma_start3A_392 : memref<2x8x1x8x128xf32, #tpu.memory_space<hbm>> -> memref<2x8x8x128xf32, #tpu.memory_space<hbm>>
    %dma_start3A_394 = arith.constant 0 : i32
    %dma_start3A_395 = arith.constant 0 : i32
    %dma_start3A_396 = arith.constant 0 : i32
    %dma_start3A_397 = arith.constant 0 : i32
    %dma_start3A_398 = tpu.memref_slice %arg13[%dma_start3A_394, %dma_start3A_395, %dma_start3A_396, %dma_start3A_397] : memref<2x8x8x133xf32, #tpu.memory_space<vmem>> -> memref<2x8x8x128xf32, #tpu.memory_space<vmem>>
    tpu.enqueue_dma source(%dma_start3A_398 : memref<2x8x8x128xf32, #tpu.memory_space<vmem>>) target(%dma_start3A_393 : memref<2x8x8x128xf32, #tpu.memory_space<hbm>>) target_semaphore(%arg20 : memref<!tpu.dma_semaphore, #tpu.memory_space<semaphore_mem>>)
    %dma_wait3A_399 = arith.constant 0 : i32
    %dma_wait3A_400 = arith.constant 0 : i32
    %dma_wait3A_401 = arith.constant 0 : i32
    %dma_wait3A_402 = arith.constant 0 : i32
    %dma_wait3A_403 = tpu.memref_slice %arg12[%dma_wait3A_399, %dma_wait3A_400, %dma_wait3A_401, %dma_wait3A_402] : memref<2x8x8x133xf32, #tpu.memory_space<vmem>> -> memref<2x8x8x128xf32, #tpu.memory_space<vmem>>
    %dma_wait3A_404 = arith.constant 0 : i32
    %dma_wait3A_405 = arith.constant 0 : i32
    %dma_wait3A_406 = arith.constant 0 : i32
    %dma_wait3A_407 = arith.constant 0 : i32
    %dma_wait3A_408 = tpu.memref_slice %arg7[%dma_wait3A_404, %dma_wait3A_405, %add3A, %dma_wait3A_406, %dma_wait3A_407] : memref<200x8x32x8x128xf32, #tpu.memory_space<hbm>> -> memref<2x8x1x8x128xf32, #tpu.memory_space<hbm>>
    %dma_wait3A_409 = tpu.memref_squeeze %dma_wait3A_408 : memref<2x8x1x8x128xf32, #tpu.memory_space<hbm>> -> memref<2x8x8x128xf32, #tpu.memory_space<hbm>>
    %dma_wait3A_410 = arith.constant 0 : i32
    %dma_wait3A_411 = arith.constant 0 : i32
    %dma_wait3A_412 = arith.constant 0 : i32
    %dma_wait3A_413 = arith.constant 0 : i32
    %dma_wait3A_414 = tpu.memref_slice %arg7[%dma_wait3A_410, %dma_wait3A_411, %add3A, %dma_wait3A_412, %dma_wait3A_413] : memref<200x8x32x8x128xf32, #tpu.memory_space<hbm>> -> memref<2x8x1x8x128xf32, #tpu.memory_space<hbm>>
    %dma_wait3A_415 = tpu.memref_squeeze %dma_wait3A_414 : memref<2x8x1x8x128xf32, #tpu.memory_space<hbm>> -> memref<2x8x8x128xf32, #tpu.memory_space<hbm>>
    %dma_wait3A_416 = arith.constant 0 : i32
    %dma_wait3A_417 = arith.constant 0 : i32
    %dma_wait3A_418 = arith.constant 0 : i32
    %dma_wait3A_419 = arith.constant 0 : i32
    %dma_wait3A_420 = tpu.memref_slice %arg12[%dma_wait3A_416, %dma_wait3A_417, %dma_wait3A_418, %dma_wait3A_419] : memref<2x8x8x133xf32, #tpu.memory_space<vmem>> -> memref<2x8x8x128xf32, #tpu.memory_space<vmem>>
    tpu.wait_dma2 semaphore(%arg19 : memref<!tpu.dma_semaphore, #tpu.memory_space<semaphore_mem>>) src(%dma_wait3A_420 : memref<2x8x8x128xf32, #tpu.memory_space<vmem>>) dst(%dma_wait3A_415 : memref<2x8x8x128xf32, #tpu.memory_space<hbm>>)
    %dma_wait3A_421 = arith.constant 0 : i32
    %dma_wait3A_422 = arith.constant 0 : i32
    %dma_wait3A_423 = arith.constant 0 : i32
    %dma_wait3A_424 = arith.constant 0 : i32
    %dma_wait3A_425 = tpu.memref_slice %arg13[%dma_wait3A_421, %dma_wait3A_422, %dma_wait3A_423, %dma_wait3A_424] : memref<2x8x8x133xf32, #tpu.memory_space<vmem>> -> memref<2x8x8x128xf32, #tpu.memory_space<vmem>>
    %dma_wait3A_426 = arith.constant 0 : i32
    %dma_wait3A_427 = arith.constant 0 : i32
    %dma_wait3A_428 = arith.constant 0 : i32
    %dma_wait3A_429 = arith.constant 0 : i32
    %dma_wait3A_430 = tpu.memref_slice %arg7[%dma_wait3A_426, %dma_wait3A_427, %add3A, %dma_wait3A_428, %dma_wait3A_429] : memref<200x8x32x8x128xf32, #tpu.memory_space<hbm>> -> memref<2x8x1x8x128xf32, #tpu.memory_space<hbm>>
    %dma_wait3A_431 = tpu.memref_squeeze %dma_wait3A_430 : memref<2x8x1x8x128xf32, #tpu.memory_space<hbm>> -> memref<2x8x8x128xf32, #tpu.memory_space<hbm>>
    %dma_wait3A_432 = arith.constant 0 : i32
    %dma_wait3A_433 = arith.constant 0 : i32
    %dma_wait3A_434 = arith.constant 0 : i32
    %dma_wait3A_435 = arith.constant 0 : i32
    %dma_wait3A_436 = tpu.memref_slice %arg7[%dma_wait3A_432, %dma_wait3A_433, %add3A, %dma_wait3A_434, %dma_wait3A_435] : memref<200x8x32x8x128xf32, #tpu.memory_space<hbm>> -> memref<2x8x1x8x128xf32, #tpu.memory_space<hbm>>
    %dma_wait3A_437 = tpu.memref_squeeze %dma_wait3A_436 : memref<2x8x1x8x128xf32, #tpu.memory_space<hbm>> -> memref<2x8x8x128xf32, #tpu.memory_space<hbm>>
    %dma_wait3A_438 = arith.constant 0 : i32
    %dma_wait3A_439 = arith.constant 0 : i32
    %dma_wait3A_440 = arith.constant 0 : i32
    %dma_wait3A_441 = arith.constant 0 : i32
    %dma_wait3A_442 = tpu.memref_slice %arg13[%dma_wait3A_438, %dma_wait3A_439, %dma_wait3A_440, %dma_wait3A_441] : memref<2x8x8x133xf32, #tpu.memory_space<vmem>> -> memref<2x8x8x128xf32, #tpu.memory_space<vmem>>
    tpu.wait_dma2 semaphore(%arg20 : memref<!tpu.dma_semaphore, #tpu.memory_space<semaphore_mem>>) src(%dma_wait3A_442 : memref<2x8x8x128xf32, #tpu.memory_space<vmem>>) dst(%dma_wait3A_437 : memref<2x8x8x128xf32, #tpu.memory_space<hbm>>)
    return
  }
}

</mosaic_0001>

<sc_bundles>
// kernel: _run.3.cloned.1.call-start
scs
__scs_entry_jumppad:
0x0: {  	(pc) =	sbr.rel $0x88, $3  }
0x1: {  	(tag) =	ssettag $0x0;
	lr =	simm.s32 $0x1  }
0x2: {  	[smem:$0x3F9C] =	sst lr;
	_ =	strace $0xD0000000  }
0x3: {  	_ = 	snop  }
0x4: {  	_ = 	snop  }
0x5: {  	_ = 	snop  }
0x6: {  	_ = 	snop  }
0x7: {  	_ = 	snop  }
__scs_overlays_trampoline_lowered:
0x8: {  	[smem:$0x3FAB] =	sst s0  }
0x9: {  	[smem:$0x3FAC] =	sst s1  }
0xa: {  	[smem:$0x3FAD] =	sst s2  }
0xb: {  	[smem:$0x3FAE] =	sst s3  }
0xc: {  	[smem:$0x3FAF] =	sst s4  }
0xd: {  	[smem:$0x3FB0] =	sst s5  }
0xe: {  	[smem:$0x3FB1] =	sst s6  }
0xf: {  	[smem:$0x3FB2] =	sst s7  }
0x10: {  	[smem:$0x3FB3] =	sst s8  }
0x11: {  	[smem:$0x3FB4] =	sst s9;
	s0 =	simm.s32 @!p0 $0x0  }
0x12: {  	s1 =	sld [smem:$0x3F9A];
	s0 =	simm.s32 @p0 $0x1  }
0x13: {  	[smem:$0x3FB5] =	sst s0;
	s0 =	simm.s32 @!p1 $0x0  }
0x14: {  	s2 =	sld [smem:$0x3F99];
	s0 =	simm.s32 @p1 $0x1  }
0x15: {  	[smem:$0x3FB6] =	sst s0;
	s0 =	simm.s32 @!p2 $0x0  }
0x16: {  	s3 =	sld [smem:$0x3FDB];
	s0 =	simm.s32 @p2 $0x1  }
0x17: {  	s4 =	simm.s32 $0x1BF5;
	[smem:$0x3FB8] =	sst s0  }
0x18: {  	s0 =	sld [smem:$0x3F9B];
	_ =	swait.ge [sflag:s4], $0x0  }
0x19: {  	s7 =	sld [smem:$0x3F9C]  }
0x1a: {  	s8 =	sadd.s32 $0xFFFFE003, lr  }
0x1b: {  	s9 =	sadd.s32 $0xFFFFFEF7, lr;
	s5 =	simm.s32 $0xFFFFFFFF;
	p2 =	slt.u32 s8, $0xFFFFF086  }
0x1c: {  	p1 =	slt.u32 s9, $0xF7A;
	s5 =	simm.s32 @!p2 $0x0  }
0x1d: {  	s5 =	simm.s32 @p1 $0x1;
	p0 =	seq.s32 s7, s2  }
0x1e: {  	s7 =	smul.u32 @!p0 $0xF7A, s2;
	p2 =	seq.s32 @!p0 s5, $0x0  }
0x1f: {  	s9 =	smul.u32 $0xF7A, s1;
	s8 =	simm.s32 @!p0 $0x1BF5;
	p2 =	por !p2, p0  }
0x20: {  	[sflag:s8] =	ssyncset.s32 @!p0 $0xFFFFF086;
	s6 =	sadd.s32 @!p0 s3, s7;
	s7 =	simm.s32 @!p0 $0x108  }
0x21: {  	s3 =	sadd.s32 s3, s9;
	s6 =	sadd.s32 @!p0 $0x88, s6;
	s7 =	simm.s32 @p2 $0x1082  }
0x22: {  	[simem:s7], [sflag:s8] =	dma.local @!p0 [hbm:s6], $0xF7A  }
0x23: {  	s9 =	sor.u32 $0xD0000000, s2;
	s6 =	simm.s32 $0x108;
	_ =	swait.ge @!p0 [sflag:s8], $0x0  }
0x24: {  	s3 =	sadd.s32 $0x88, s3;
	s6 =	simm.s32 @!p1 $0x1082;
	[sflag:s4] =	ssyncset.s32 $0xFFFFF086  }
0x25: {  	[simem:s6], [sflag:s4] =	dma.local [hbm:s3], $0xF7A  }
0x26: {  	[smem:$0x3F9C] =	sst s1;
	(tag) =	ssettag s2;
	_ =	strace s9  }
0x27: {  	s1 =	sld [smem:$0x3FAC]  }
0x28: {  	s2 =	sld [smem:$0x3FAD]  }
0x29: {  	s4 =	sld [smem:$0x3FAF]  }
0x2a: {  	p0 =	seq.s32 s5, $0x0;
	s5 =	sld [smem:$0x3FB0]  }
0x2b: {  	s6 =	sld [smem:$0x3FB1]  }
0x2c: {  	s7 =	sld [smem:$0x3FB2]  }
0x2d: {  	s3 =	simm.s32 $0x108;
	s8 =	sld [smem:$0x3FB3]  }
0x2e: {  	s3 =	simm.s32 @!p0 $0x1082;
	s9 =	sld [smem:$0x3FB4]  }
0x2f: {  	lr =	sadd.s32 s0, s3;
	s0 =	sld [smem:$0x3FAB]  }
0x30: {  	s3 =	sld [smem:$0x3FAE]  }
0x31: {  	[smem:$0x3FB7] =	sst s10  }
0x32: {  	s10 =	sld [smem:$0x3FB5];
	_ =	sdelay $0x3  }
0x33: {  	p0 =	seq.s32 s10, $0x1;
	s10 =	sld [smem:$0x3FB7];
	_ =	sdelay $0x3  }
0x34: {  	[smem:$0x3FB7] =	sst s10  }
0x35: {  	s10 =	sld [smem:$0x3FB6];
	_ =	sdelay $0x3  }
0x36: {  	p1 =	seq.s32 s10, $0x1;
	s10 =	sld [smem:$0x3FB7];
	_ =	sdelay $0x3  }
0x37: {  	[smem:$0x3FB7] =	sst s10  }
0x38: {  	s10 =	sld [smem:$0x3FB8]  }
0x39: {  	_ = 	snop;
	(pc) =	sbr.ind lr, $3  }
0x3a: {  	_ = 	snop  }
0x3b: {  	_ = 	snop  }
0x3c: {  	p2 =	seq.s32 s10, $0x1;
	s10 =	sld [smem:$0x3FB7]  }
0x3d: {  	_ =	shalt  }
0x3e: {  	_ =	shalt  }
0x3f: {  	_ =	shalt  }
0x40: {  	_ =	shalt  }
0x41: {  	_ =	shalt  }
0x42: {  	_ =	shalt  }
0x43: {  	_ =	shalt  }
0x44: {  	_ =	shalt  }
0x45: {  	_ =	shalt  }
0x46: {  	_ =	shalt  }
0x47: {  	_ =	shalt  }
0x48: {  	_ =	shalt  }
0x49: {  	_ =	shalt  }
0x4a: {  	_ =	shalt  }
0x4b: {  	_ =	shalt  }
0x4c: {  	_ =	shalt  }
0x4d: {  	_ =	shalt  }
0x4e: {  	_ =	shalt  }
0x4f: {  	_ =	shalt  }
0x50: {  	_ =	shalt  }
0x51: {  	_ =	shalt  }
0x52: {  	_ =	shalt  }
0x53: {  	_ =	shalt  }
0x54: {  	_ =	shalt  }
0x55: {  	_ =	shalt  }
0x56: {  	_ =	shalt  }
0x57: {  	_ =	shalt  }
0x58: {  	_ =	shalt  }
0x59: {  	_ =	shalt  }
0x5a: {  	_ =	shalt  }
0x5b: {  	_ =	shalt  }
0x5c: {  	_ =	shalt  }
0x5d: {  	_ =	shalt  }
0x5e: {  	_ =	shalt  }
0x5f: {  	_ =	shalt  }
0x60: {  	_ =	shalt  }
0x61: {  	_ =	shalt  }
0x62: {  	_ =	shalt  }
0x63: {  	_ =	shalt  }
0x64: {  	_ =	shalt  }
0x65: {  	_ =	shalt  }
0x66: {  	_ =	shalt  }
0x67: {  	_ =	shalt  }
0x68: {  	_ =	shalt  }
0x69: {  	_ =	shalt  }
0x6a: {  	_ =	shalt  }
0x6b: {  	_ =	shalt  }
0x6c: {  	_ =	shalt  }
0x6d: {  	_ =	shalt  }
0x6e: {  	_ =	shalt  }
0x6f: {  	_ =	shalt  }
0x70: {  	_ =	shalt  }
0x71: {  	_ =	shalt  }
0x72: {  	_ =	shalt  }
0x73: {  	_ =	shalt  }
0x74: {  	_ =	shalt  }
0x75: {  	_ =	shalt  }
0x76: {  	_ =	shalt  }
0x77: {  	_ =	shalt  }
0x78: {  	_ =	shalt  }
0x79: {  	_ =	shalt  }
0x7a: {  	_ =	shalt  }
0x7b: {  	_ =	shalt  }
0x7c: {  	_ =	shalt  }
0x7d: {  	_ =	shalt  }
0x7e: {  	_ =	shalt  }
0x7f: {  	_ =	shalt  }
0x80: {  	_ =	shalt  }
0x81: {  	_ =	shalt  }
0x82: {  	_ =	shalt  }
0x83: {  	_ =	shalt  }
0x84: {  	_ =	shalt  }
0x85: {  	_ =	shalt  }
0x86: {  	_ =	shalt  }
0x87: {  	_ =	shalt  }
.Lfunc_end0:
.L_simem_size_0:
called_computation_lowered:
.L_overlay_start_0:
0x88: {  	s2 =	sld [smem:$0x3FD9]  }
0x89: {  	s3 =	sld [smem:$0x3FFE];
	_ =	sdelay $0x1  }
0x8a: {  	s1 =	srdreg.scid  }
0x8b: {  	s0 =	sand.u32 $0x1, s1  }
0x8c: {  	s17 =	sshll.u32 s0, $0xA;
	s2 =	sadd.s32 s3, s2  }
0x8d: {  	s2 =	sadd.s32 s2, s17  }
0x8e: {  	[smem:$0x3FC3] =	sst s2  }
0x8f: {  	_ = 	snop  }
0x90: {  	s2 =	sld [smem:$0x3FC6]  }
0x91: {  	s18 =	sld [smem:$0x3FC5]  }
0x92: {  	s4 =	sld [smem:$0x3FD0];
	(tm) =	ssettm $0x1  }
0x93: {  	s5 =	sld [smem:$0x3FFB];
	_ =	sdelay $0x3  }
0x94: {  	_ =	strace s5  }
0x95: {  	s5 =	sld [smem:$0x3FFC];
	_ =	sdelay $0x3  }
0x96: {  	_ =	strace s5  }
0x97: {  	s5 =	sld [smem:$0x3FFD];
	_ =	sdelay $0x3  }
0x98: {  	_ =	strace s5  }
0x99: {  	_ =	strace $0x8FFFFFFF  }
0x9a: {  	s19 =	sld [smem:$0x3FDB];
	_ =	sdelay $0x1  }
0x9b: {  	s6 =	simm.s32 $_scs_section_size  }
0x9c: {  	s7 =	simm.s32 $_size__tile_overlayer_lowered;
	s8 =	simm.s32 $_tile_overlayer_lowered  }
0x9d: {  	s22 =	simm.s32 $0x1BFF;
	s21 =	sshll.u32 s8, $0x1;
	s5 =	sadd.s32 s6, s19  }
0x9e: {  	s9 =	simm.s32 $0x0;
	s20 =	sshll.u32 s7, $0x1;
	s7 =	sadd.s32 s21, s5  }
0x9f: {  	[timem:s9], [sflag:s22] =	dma.local [hbm:s7], s20  }
0xa0: {  	_ =	swait.ge [sflag:s22], s20  }
0xa1: {  	s6 =	ssub.s32 $0x0, s20;
	[sflag:s22] =	ssyncset.done $0x0  }
0xa2: {  	[sflag:s22] =	ssyncadd.s32 s6;
	_ =	sdelay $0x1  }
0xa3: {  	s23 =	simm.s32 $0x1B8B  }
0xa4: {  	_ =	swait.ge [sflag:s23], $0x1  }
0xa5: {  	[sflag:s23] =	ssyncset.done $0x0  }
0xa6: {  	s25 =	simm.s32 $0x1B8E;
	s24 =	sld [smem:$0x3FFE];
	[sflag:s23] =	ssyncadd.s32 $0xFFFFFFFF  }
0xa7: {  	s26 =	simm.s32 $execute0_lowered;
	[smem:$0x3FD2] =	sst s25  }
0xa8: {  	s7 =	sshll.u32 s26, $0x1;
	_ =	strace $0x80000046;
	[dreg:$0x1] =	wrdreg $0xFFFFFFFF  }
0xa9: {  	s28 =	simm.s32 $_size_execute0_lowered;
	s5 =	sadd.s32 s5, s7;
	[dreg:$0x0] =	wrdreg $0x0  }
0xaa: {  	s7 =	sshll.u32 s28, $0x1;
	[dreg:$0x2] =	wrdreg s5  }
0xab: {  	[dreg:$0x3] =	wrdreg s7  }
0xac: {  	[dreg:$0x4] =	wrdreg $0xC0  }
0xad: {  	_ =	task [dreg:s9], $0x5FFFF  }
0xae: {  	[dreg:$0x1] =	wrdreg $0xFFFFFFFF  }
0xaf: {  	[dreg:$0x0] =	wrdreg $0x60  }
0xb0: {  	[dreg:$0x2] =	wrdreg s24  }
0xb1: {  	[dreg:$0x3] =	wrdreg s2  }
0xb2: {  	[dreg:$0x4] =	wrdreg s18  }
0xb3: {  	[dreg:$0x5] =	wrdreg s4  }
0xb4: {  	[dreg:$0x6] =	wrdreg $0x9  }
0xb5: {  	_ =	task.clear_ibuf [dreg:s9], $0x7FFFF;
	_ =	strace $0x90000046  }
0xb6: {  	s29 =	simm.s32 $0x9;
	_ =	strace $0x80000048  }
0xb7: {  	_ =	swait.ge [sflag:s29], $0x1  }
0xb8: {  	[sflag:s29] =	ssyncadd.s32 $0xFFFFFFFF  }
0xb9: {  	_ =	strace $0x90000048  }
0xba: {  	_ =	sfence  }
0xbb: {  	s30 =	sld [smem:$0x0];
	_ =	sdelay $0x2  }
0xbc: {  	s31 =	sshll.u32 s1, $0xD;
	s1 =	sshrl.u32 s1, $0x2  }
0xbd: {  	s3 =	sand.u32 $0x4000, s31;
	s1 =	sadd.s32 s1, s30  }
0xbe: {  	s0 =	sor.u32 s3, s0;
	s1 =	sshll.u32 s1, $0x11  }
0xbf: {  	s0 =	sor.u32 s1, s0  }
0xc0: {  	s0 =	sadd.s32 $0x8F2B, s0  }
0xc1: {  	[sflag:s0] =	ssyncadd.remote.s32 $0x1  }
0xc2: {  	_ =	sfence.sel $0xFFFF  }
0xc3: {  	[dreg:$0x0] =	wrdreg $0xFFFFFFFF;
	(pc) =	sbr.abs _section_cstart, $3  }
0xc4: {  	[dreg:$0x1] =	wrdreg $0xFFFFFFFF  }
0xc5: {  	_ =	task.clear_ibuf [dreg:s9], $0x2FFFF;
	_ =	strace $0x9FFFFFFF  }
0xc6: {  	(tm) =	ssettm $0x7FFFFFFF  }
0xc7: {  	_ =	shalt  }
tec
execute0_lowered:
.L_overlay_start_1:
0x0: {  	(tag) =	ssettag $0x1  }
0x1: {  	v0 =	vlaneseq.u32;
	v1 =	vimm.s32 $0xEFCDAB89  }
0x2: {  	s0 =	rddreg [dreg:$0x0];
	s5 =	simm.s32 $0x0;
	v2 =	vimm.s32 $0x67452301;
	v63 =	vimm.s32 $0x0;
	vm0 =	vcmask $0x300  }
0x3: {  	v3 =	vimm.s32 $0xDCFE98BA;
	v8 =	vmul.u32 $0xC8, v0;
	[smem:$0x7FF] =	sst s5;
	v23 =	vsel vm0, $0x3, v63  }
0x4: {  	s4 =	rddreg [dreg:$0x3];
	v4 =	vimm.s32 $0x54761032;
	v22 =	vmul.u32 $0x88, v0;
	_ =	strace $0x80000047;
	[tilespmem:$0x1FFC0] =	vst v23  }
0x5: {  	s1 =	srdreg.scid;
	v5 =	vimm.s32 $0xBA98FEDC;
	v6 =	vimm.s32 $0x32107654;
	[tilespmem:$0x1FEF0] =	vst v8  }
0x6: {  	s2 =	stileid.u32;
	v7 =	vimm.s32 $0xFEDCBA98;
	s22 =	simm.s32 $0x80;
	s28 =	simm.s32 $0x1D000;
	v1 =	vunpack.c.l.s4.s8 v1;
	v9 =	vadd.s32 $0xC80, v8;
	[tilespmem:$0x1FF90] =	vst v22  }
0x7: {  	s30 =	simm.s32 $0x10800;
	s20 =	simm.s32 $0x3;
	s21 =	simm.s32 $0x4;
	v2 =	vunpack.c.l.s4.s8 v2;
	v3 =	vunpack.c.l.s4.s8 v3;
	v10 =	vadd.s32 $0x1900, v8;
	[tilespmem:$0x1FF00] =	vst v9  }
0x8: {  	s9 =	simm.s32 $0x0;
	s1 =	sand.u32 $0x1, s1;
	s2 =	sshll.u32 s2, $0x1;
	v4 =	vunpack.c.l.s4.s8 v4;
	v5 =	vunpack.c.l.s4.s8 v5;
	v11 =	vadd.s32 $0x2580, v8;
	[tilespmem:$0x1FF10] =	vst v10  }
0x9: {  	s6 =	sadd.s32 $0xF42C00, s0;
	s7 =	sadd.s32 $0x19800, s0;
	s24 =	sadd.s32 $0x19810, s0;
	v59 =	vunpack.c.l.s4.s8 v6;
	v6 =	vunpack.c.l.s4.s8 v7;
	v13 =	vadd.s32 $0x3200, v8;
	[tilespmem:$0x1FF20] =	vst v11  }
0xa: {  	s25 =	sadd.s32 $0x19820, s0;
	s2 =	sor.u32 s1, s2;
	[dreg:$0x6] =	wrdreg s24;
	v14 =	vadd.s32 $0x3E80, v8;
	v15 =	vadd.s32 $0x4B00, v8;
	v1 =	vunpack.c.0.s8.s32 v1;
	[tilespmem:$0x1FF30] =	vst v13  }
0xb: {  	s1 =	ssub.s32 $0x2, s1;
	[dreg:$0x7] =	wrdreg s25;
	s24 =	simm.s32 $0xC800;
	v2 =	vunpack.c.0.s8.s32 v2;
	v3 =	vunpack.c.0.s8.s32 v3;
	v4 =	vunpack.c.0.s8.s32 v4;
	[tilespmem:$0x1FF40] =	vst v14  }
0xc: {  	s25 =	simm.s32 $0x18C00;
	s3 =	smul.u32 $0xC80, s2;
	s8 =	sshrl.u32 s1, $0x1;
	v7 =	vadd.s32 $0x5780, v8;
	v24 =	vadd.s32 $0x880, v22;
	v20 =	vadd.s32 $0x1100, v22;
	[tilespmem:$0x1FF50] =	vst v15  }
0xd: {  	s23 =	sshll.u32 s2, $0x7;
	s2 =	sshll.u32 s2, $0xA;
	s1 =	ssub.s32 s1, s8;
	[tilespmem:$0x1FF60] =	vst v7;
	v3 =	vcombine.low v4, v3;
	v4 =	vunpack.c.0.s8.s32 v5;
	v5 =	vimm.s32 $0x76543210  }
0xe: {  	s10 =	sadd.s32 s4, s23;
	s14 =	sor.u32 $0x100000, s2;
	s15 =	sor.u32 $0x180000, s2;
	[tilespmem:$0x1FFD0] =	vst v24;
	v1 =	vcombine.low v2, v1;
	v2 =	vunpack.c.0.s8.s32 v59;
	v5 =	vunpack.c.l.s4.s8 v5  }
0xf: {  	v6 =	vunpack.c.0.s8.s32 v6;
	v21 =	vadd.s32 $0x1980, v22;
	s2 =	simm.s32 $0x14800;
	s23 =	simm.s32 $0x2;
	[tilespmem:$0x1FFE0] =	vst v20;
	s26 =	sadd.s32 $0x10000, s10  }
0x10: {  	[tilespmem:$0x1FFF0] =	vst v21;
	s3 =	sadd.s32 s3, s0;
	s0 =	sadd.s32 $0x19830, s0;
	[dreg:$0x8] =	wrdreg s26;
	v16 =	vand.u32 $0xF, v1;
	v60 =	vcombine.low v2, v4;
	v61 =	vunpack.c.0.s8.s32 v5  }
0x11: {  	s29 =	sadd.s32 $0x620000, s10;
	s17 =	sadd.s32 $0x630000, s10;
	v62 =	vand.u32 $0xF, v6;
	[dreg:$0x9] =	wrdreg s0;
	v17 =	vand.u32 $0xF, v3;
	[tilespmem:$0x1FF70] =	vst v16  }
0x12: {  	s31 =	smax.u32 s1, $0x1;
	s1 =	simm.s32 $0x1;
	[dreg:$0xa] =	wrdreg s29;
	[tilespmem:$0x1FF80] =	vst v17;
	v1 =	vand.u32 $0xF, v60;
	v12 =	vcombine.low v62, v61  }
0x13: {  	s3 =	sadd.s32 $0x800, s3;
	[dreg:$0xb] =	wrdreg s31;
	s26 =	simm.s32 $0xE800;
	[tilespmem:$0x1FFA0] =	vst v1  }
0x14: {  	s0 =	simm.s32 $0x1D080;
	[dreg:$0x5] =	wrdreg s3;
	s3 =	simm.s32 $0x12800;
	[tilespmem:$0x1FFB0] =	vst v12  }
.LBB2_1:
0x15: {  	[dreg:$0xc] =	wrdreg s9  }
0x16: {  	s8 =	rddreg [dreg:$0x5];
	s16 =	simm.s32 $0x5  }
0x17: {  	[tilespmem:s5], [sflag:$0x5] =	stream.linear.gather [hbm4b:s8+s5], $0x6400, $0x38;
	[tilespmem:$0x1D180] =	vst v63  }
0x18: {  	_ =	swait.ge [sflag:s16], $0x6400  }
0x19: {  	[sflag:s16] =	ssyncset.done $0x0  }
0x1a: {  	[sflag:s16] =	ssyncadd.s32 $0xFFFF9C00  }
0x1b: {  	s11 =	simm.s32 $0x1D100;
	s18 =	rddreg [dreg:$0x1]  }
0x1c: {  	[tilespmem:s11], [sflag:$0x5] =	stream.linear.gather [hbm4b:s18+s5], $0x40, $0x38;
	[tilespmem:$0x1D180] =	vst v63  }
0x1d: {  	_ =	swait.ge [sflag:s16], $0x40  }
0x1e: {  	[sflag:s16] =	ssyncset.done $0x0  }
0x1f: {  	[sflag:s16] =	ssyncadd.s32 $0xFFFFFFC0  }
0x20: {  	s29 =	simm.s32 $0x1D140;
	s19 =	rddreg [dreg:$0x2]  }
0x21: {  	v0 =	vmov s5;
	[tilespmem:s29], [sflag:$0x5] =	stream.linear.gather [hbm4b:s19+s5], $0x40, $0x38;
	[tilespmem:$0x1D180] =	vst v63  }
0x22: {  	v0 =	vand.u32 $0xFF, v0;
	_ =	swait.ge [sflag:s16], $0x40  }
0x23: {  	v1 =	vadd.s32 v8, v0;
	[sflag:s16] =	ssyncset.done $0x0  }
0x24: {  	[sflag:s16] =	ssyncadd.s32 $0xFFFFFFC0  }
0x25: {  	v41 =	vld [tilespmem:$0x1D100]  }
0x26: {  	v42 =	vld [tilespmem:$0x1D110]  }
0x27: {  	v43 =	vld [tilespmem:$0x1D120]  }
0x28: {  	v1 =	vld.idx.msk [tilespmem:v1+s5+$0x0], $0xffff  }
0x29: {  	v2 =	vadd.s32 v9, v0;
	v46 =	vld [tilespmem:$0x1D130]  }
0x2a: {  	v44 =	vld [tilespmem:$0x1D140]  }
0x2b: {  	v45 =	vld [tilespmem:$0x1D150]  }
0x2c: {  	s8 =	simm.s32 $0x6440;
	v51 =	vld [tilespmem:$0x1D160]  }
0x2d: {  	v53 =	vld [tilespmem:$0x1D170];
	[tilespmem:s8+$0xFFFFFFC0] =	vst v1  }
0x2e: {  	v1 =	vld.idx.msk [tilespmem:v2+s5+$0x0], $0xffff  }
0x2f: {  	v2 =	vadd.s32 v10, v0;
	_ =	sdelay $0x3  }
0x30: {  	[tilespmem:s8+$0xFFFFFFD0] =	vst v1  }
0x31: {  	v1 =	vld.idx.msk [tilespmem:v2+s5+$0x0], $0xffff  }
0x32: {  	v2 =	vadd.s32 v11, v0;
	_ =	sdelay $0x3  }
0x33: {  	[tilespmem:s8+$0xFFFFFFE0] =	vst v1  }
0x34: {  	v1 =	vld.idx.msk [tilespmem:v2+s5+$0x0], $0xffff  }
0x35: {  	v2 =	vadd.s32 v13, v0;
	_ =	sdelay $0x3  }
0x36: {  	[tilespmem:s8+$0xFFFFFFF0] =	vst v1  }
0x37: {  	v1 =	vld.idx.msk [tilespmem:v2+s5+$0x0], $0xffff  }
0x38: {  	v2 =	vadd.s32 v14, v0;
	_ =	sdelay $0x3  }
0x39: {  	[tilespmem:s8+$0x0] =	vst v1  }
0x3a: {  	v1 =	vld.idx.msk [tilespmem:v2+s5+$0x0], $0xffff  }
0x3b: {  	v2 =	vadd.s32 v15, v0;
	_ =	sdelay $0x3  }
0x3c: {  	[tilespmem:s8+$0x10] =	vst v1  }
0x3d: {  	v1 =	vld.idx.msk [tilespmem:v2+s5+$0x0], $0xffff  }
0x3e: {  	v0 =	vadd.s32 v7, v0;
	_ =	sdelay $0x3  }
0x3f: {  	s31 =	simm.s32 $0x1;
	[tilespmem:s8+$0x20] =	vst v1  }
0x40: {  	s9 =	simm.s32 $0x2;
	v1 =	vmov s31;
	v0 =	vld.idx.msk [tilespmem:v0+s5+$0x0], $0xffff  }
.LBB2_2:
0x41: {  	p0 =	sne.s32 s9, $0xC7;
	v1 =	vand.u32 $0xFF, v1  }
0x42: {  	v2 =	vadd.s32 v8, v1;
	_ =	sdelay $0x3  }
0x43: {  	[tilespmem:s8+$0x30] =	vst v0  }
0x44: {  	v0 =	vld.idx.msk [tilespmem:v2+s5+$0x0], $0xffff;
	_ =	sdelay $0x1  }
0x45: {  	v2 =	vadd.s32 v9, v1;
	_ =	sdelay $0x2  }
0x46: {  	s8 =	sadd.s32 $0x80, s8  }
0x47: {  	[tilespmem:s8+$0xFFFFFFC0] =	vst v0  }
0x48: {  	v0 =	vld.idx.msk [tilespmem:v2+s5+$0x0], $0xffff;
	_ =	sdelay $0x1  }
0x49: {  	v2 =	vadd.s32 v10, v1;
	_ =	sdelay $0x3  }
0x4a: {  	[tilespmem:s8+$0xFFFFFFD0] =	vst v0  }
0x4b: {  	v0 =	vld.idx.msk [tilespmem:v2+s5+$0x0], $0xffff;
	_ =	sdelay $0x1  }
0x4c: {  	v2 =	vadd.s32 v11, v1;
	_ =	sdelay $0x3  }
0x4d: {  	[tilespmem:s8+$0xFFFFFFE0] =	vst v0  }
0x4e: {  	v0 =	vld.idx.msk [tilespmem:v2+s5+$0x0], $0xffff;
	_ =	sdelay $0x1  }
0x4f: {  	v2 =	vadd.s32 v13, v1;
	_ =	sdelay $0x3  }
0x50: {  	[tilespmem:s8+$0xFFFFFFF0] =	vst v0  }
0x51: {  	v0 =	vld.idx.msk [tilespmem:v2+s5+$0x0], $0xffff;
	_ =	sdelay $0x1  }
0x52: {  	v2 =	vadd.s32 v14, v1;
	_ =	sdelay $0x3  }
0x53: {  	[tilespmem:s8+$0x0] =	vst v0  }
0x54: {  	v0 =	vld.idx.msk [tilespmem:v2+s5+$0x0], $0xffff;
	_ =	sdelay $0x1  }
0x55: {  	v2 =	vadd.s32 v15, v1;
	_ =	sdelay $0x3  }
0x56: {  	[tilespmem:s8+$0x10] =	vst v0  }
0x57: {  	v0 =	vld.idx.msk [tilespmem:v2+s5+$0x0], $0xffff;
	_ =	sdelay $0x1  }
0x58: {  	v2 =	vadd.s32 v7, v1  }
.Ltmp0:
0x59: {  	(pc) =	sbr.rel @p0 .LBB2_2-.Ltmp0, $3  }
0x5a: {  	_ =	sdelay $0x1  }
0x5b: {  	[tilespmem:s8+$0x20] =	vst v0  }
0x5c: {  	v1 =	vmov s9;
	s9 =	sadd.s32 $0x1, s9;
	v0 =	vld.idx.msk [tilespmem:v2+s5+$0x0], $0xffff  }
0x5d: {  	v1 =	vand.u32 $0xFF, v1  }
0x5e: {  	v2 =	vadd.s32 v8, v1;
	_ =	sdelay $0x3  }
0x5f: {  	[tilespmem:s8+$0x30] =	vst v0  }
0x60: {  	v0 =	vld.idx.msk [tilespmem:v2+s5+$0x0], $0xffff  }
0x61: {  	v58 =	vadd.s32 v9, v1;
	_ =	sdelay $0x2  }
0x62: {  	s13 =	sadd.s32 $0x80, s8  }
0x63: {  	[tilespmem:s13+$0xFFFFFFC0] =	vst v0  }
0x64: {  	v0 =	vld.idx.msk [tilespmem:v58+s5+$0x0], $0xffff  }
0x65: {  	v59 =	vadd.s32 v10, v1;
	_ =	sdelay $0x3  }
0x66: {  	[tilespmem:s13+$0xFFFFFFD0] =	vst v0  }
0x67: {  	v0 =	vld.idx.msk [tilespmem:v59+s5+$0x0], $0xffff  }
0x68: {  	v60 =	vadd.s32 v11, v1;
	_ =	sdelay $0x3  }
0x69: {  	[tilespmem:s13+$0xFFFFFFE0] =	vst v0  }
0x6a: {  	v0 =	vld.idx.msk [tilespmem:v60+s5+$0x0], $0xffff  }
0x6b: {  	v61 =	vadd.s32 v13, v1;
	_ =	sdelay $0x3  }
0x6c: {  	[tilespmem:s13+$0xFFFFFFF0] =	vst v0  }
0x6d: {  	v0 =	vld.idx.msk [tilespmem:v61+s5+$0x0], $0xffff  }
0x6e: {  	v62 =	vadd.s32 v14, v1;
	_ =	sdelay $0x3  }
0x6f: {  	[tilespmem:s13+$0x0] =	vst v0  }
0x70: {  	v0 =	vld.idx.msk [tilespmem:v62+s5+$0x0], $0xffff  }
0x71: {  	v63 =	vadd.s32 v15, v1;
	_ =	sdelay $0x3  }
0x72: {  	[tilespmem:s13+$0x10] =	vst v0  }
0x73: {  	v0 =	vld.idx.msk [tilespmem:v63+s5+$0x0], $0xffff  }
0x74: {  	v1 =	vadd.s32 v7, v1;
	_ =	sdelay $0x3  }
0x75: {  	[tilespmem:s13+$0x20] =	vst v0  }
0x76: {  	v0 =	vld.idx.msk [tilespmem:v1+s5+$0x0], $0xffff;
	_ =	sdelay $0x4  }
0x77: {  	s16 =	simm.s32 $0x6400;
	[tilespmem:s13+$0x30] =	vst v0  }
0x78: {  	[tilespmem:s24], [sflag:$0x1] =	stream.indirect.gather [hbm4b:s6+s22], $0x40, s16, s22, $0xb8;
	[tilespmem:$0x1D180] =	vst v63  }
0x79: {  	s18 =	simm.s32 $0x6480  }
0x7a: {  	[tilespmem:s26], [sflag:$0x1] =	stream.indirect.gather [hbm4b:s6+s22], $0x40, s18, s22, $0xb8;
	[tilespmem:$0x1D180] =	vst v63  }
0x7b: {  	_ = 	snop  }
0x7c: {  	[tilespmem:s28], [sflag:$0x1] =	stream.linear.gather [hbm4b:s7+s5], $0x80, $0x38;
	[tilespmem:$0x1D180] =	vst v63  }
0x7d: {  	s19 =	simm.s32 $0x6500  }
0x7e: {  	[tilespmem:s30], [sflag:$0x2] =	stream.indirect.gather [hbm4b:s6+s22], $0x40, s19, s22, $0xb8;
	[tilespmem:$0x1D180] =	vst v63  }
0x7f: {  	s29 =	simm.s32 $0x6580  }
0x80: {  	[tilespmem:s3], [sflag:$0x2] =	stream.indirect.gather [hbm4b:s6+s22], $0x40, s29, s22, $0xb8;
	[tilespmem:$0x1D180] =	vst v63  }
0x81: {  	s31 =	rddreg [dreg:$0x6]  }
0x82: {  	[tilespmem:s0], [sflag:$0x2] =	stream.linear.gather [hbm4b:s31+s5], $0x80, $0x38;
	[tilespmem:$0x1D180] =	vst v63  }
0x83: {  	_ =	swait.ge [sflag:s1], $0x4000  }
0x84: {  	[sflag:s1] =	ssyncset.done $0x0  }
0x85: {  	[sflag:s1] =	ssyncadd.s32 $0xFFFFC000  }
0x86: {  	_ =	swait.ge [sflag:s1], $0x80  }
0x87: {  	[tilespmem:$0x1FE70] =	vst v41  }
0x88: {  	[tilespmem:$0x1FE80] =	vst v42  }
0x89: {  	[tilespmem:$0x1FE90] =	vst v43  }
0x8a: {  	[tilespmem:$0x1FEA0] =	vst v46  }
0x8b: {  	[tilespmem:$0x1FEB0] =	vst v44  }
0x8c: {  	v17 =	vld [tilespmem:$0x1FF70];
	[tilespmem:$0x1FEC0] =	vst v45  }
0x8d: {  	[sflag:s1] =	ssyncset.done $0x0;
	v18 =	vld [tilespmem:$0x1FF80];
	[tilespmem:$0x1FED0] =	vst v51  }
0x8e: {  	s11 =	simm.s32 $0xFFFFFFF8;
	s8 =	simm.s32 $0xC900;
	v19 =	vld [tilespmem:$0x1FFA0];
	[tilespmem:$0x1FEE0] =	vst v53;
	[sflag:s1] =	ssyncadd.s32 $0xFFFFFF80  }
.LBB2_4:
0x8f: {  	v0 =	vld [tilespmem:s8+$0xFFFFFF00]  }
0x90: {  	s9 =	sadd.s32 $0x8, s11;
	v1 =	vld [tilespmem:s8+$0xFFFFFF10]  }
0x91: {  	v2 =	vld [tilespmem:s8+$0xFFFFFF20];
	s13 =	sshrl.u32 s9, $0x1  }
0x92: {  	v3 =	vld [tilespmem:s8+$0xFFFFFF30];
	s13 =	sand.u32 $0x3FFFFFC0, s13  }
0x93: {  	v50 =	vld [tilespmem:s13+$0x1D000]  }
0x94: {  	v30 =	vld [tilespmem:s13+$0x1D010]  }
0x95: {  	v31 =	vld [tilespmem:s13+$0x1D020]  }
0x96: {  	v32 =	vld [tilespmem:s13+$0x1D030];
	_ =	sdelay $0x2  }
0x97: {  	v10 =	vadd.f32 v50, v0  }
0x98: {  	v6 =	vadd.f32 v30, v1;
	v1 =	vadd.f32 v31, v2  }
0x99: {  	v0 =	vadd.f32 v32, v3;
	v34 =	vmul.f32 v10, v10  }
0x9a: {  	v35 =	vmul.f32 v6, v6;
	v4 =	vmul.f32 v1, v1  }
0x9b: {  	v5 =	vmul.f32 v0, v0;
	v7 =	vadd.f32 v6, v10;
	v14 =	vadd.f32 v0, v1  }
0x9c: {  	v2 =	vadd.f32 v35, v34  }
0x9d: {  	v36 =	vadd.f32 v5, v4;
	v37 =	vadd.f32 v14, v7;
	_ =	sdelay $0x1  }
0x9e: {  	v2 =	vadd.f32 v36, v2;
	v38 =	vperm.xlane v37, v17;
	_ =	sdelay $0x1  }
0x9f: {  	v39 =	vperm.xlane v2, v17;
	v3 =	vadd.f32 v37, v38;
	_ =	sdelay $0x1  }
0xa0: {  	v2 =	vadd.f32 v39, v2;
	v4 =	vperm.xlane v3, v18  }
0xa1: {  	v40 =	vld [tilespmem:s8+$0xFFFFFF40]  }
0xa2: {  	v47 =	vld [tilespmem:s8+$0xFFFFFF50];
	v5 =	vperm.xlane v2, v18;
	v3 =	vadd.f32 v3, v4  }
0xa3: {  	v14 =	vld [tilespmem:s8+$0xFFFFFF60]  }
0xa4: {  	v25 =	vld [tilespmem:s8+$0xFFFFFF70];
	v2 =	vadd.f32 v5, v2;
	v48 =	vperm.xlane v3, v19;
	_ =	sdelay $0x1  }
0xa5: {  	v26 =	vperm.xlane v2, v19;
	v27 =	vadd.f32 v3, v48  }
0xa6: {  	v7 =	vadd.f32 v40, v50;
	v5 =	vadd.f32 v47, v30  }
0xa7: {  	v4 =	vadd.f32 v14, v31;
	v2 =	vadd.f32 v26, v2;
	v26 =	vperm.xlane v27, v12  }
0xa8: {  	v3 =	vadd.f32 v25, v32;
	v25 =	vmul.f32 v7, v7;
	v33 =	vadd.f32 v5, v7  }
0xa9: {  	v28 =	vperm.xlane v2, v12;
	v14 =	vadd.f32 v27, v26;
	v26 =	vmul.f32 v5, v5  }
0xaa: {  	v49 =	vmul.f32 v3, v3;
	v34 =	vadd.f32 v3, v4;
	v27 =	vmul.f32 v4, v4  }
0xab: {  	v2 =	vadd.f32 v28, v2;
	v14 =	vmul.f32 $1.562500000e-02, v14;
	v25 =	vadd.f32 v26, v25  }
0xac: {  	v26 =	vadd.f32 v49, v27;
	v27 =	vadd.f32 v34, v33  }
0xad: {  	v2 =	vmul.f32 $1.562500000e-02, v2;
	v52 =	vmul.f32 v14, v14  }
0xae: {  	v25 =	vadd.f32 v26, v25;
	v26 =	vperm.xlane v27, v17  }
0xaf: {  	v2 =	vsub.f32 v2, v52  }
0xb0: {  	v54 =	vperm.xlane v25, v17;
	v26 =	vadd.f32 v27, v26  }
0xb1: {  	v2 =	vadd.f32 $9.999999740e-06, v2  }
0xb2: {  	v25 =	vadd.f32 v54, v25;
	v27 =	vperm.xlane v26, v18  }
0xb3: {  	v55 =	vshrl.u32 v2, $0x1;
	v2 =	vmul.f32 $5.000000000e-01, v2  }
0xb4: {  	v56 =	vperm.xlane v25, v18;
	v26 =	vadd.f32 v26, v27;
	v28 =	vsub.s32 $0x5F3759DF, v55  }
0xb5: {  	v27 =	vmul.f32 v28, v2  }
0xb6: {  	v60 =	vld [tilespmem:s8+$0xFFFFFFA0];
	v25 =	vadd.f32 v56, v25;
	v57 =	vperm.xlane v26, v19  }
0xb7: {  	v35 =	vld [tilespmem:s8+$0xFFFFFF80];
	v27 =	vmul.f32 v28, v27  }
0xb8: {  	v37 =	vld [tilespmem:s8+$0xFFFFFFB0];
	v58 =	vperm.xlane v25, v19;
	v26 =	vadd.f32 v26, v57  }
0xb9: {  	v27 =	vsub.f32 $1.500000000e+00, v27  }
0xba: {  	v59 =	vld [tilespmem:s8+$0xFFFFFF90];
	v25 =	vadd.f32 v58, v25;
	v36 =	vperm.xlane v26, v12  }
0xbb: {  	v15 =	vadd.f32 v60, v31;
	v27 =	vmul.f32 v28, v27  }
0xbc: {  	v48 =	vadd.f32 v35, v50;
	v61 =	vperm.xlane v25, v12;
	v26 =	vadd.f32 v26, v36  }
0xbd: {  	v38 =	vmul.f32 v15, v15;
	v52 =	vadd.f32 v37, v32;
	v62 =	vmul.f32 v27, v2  }
0xbe: {  	v11 =	vmul.f32 v48, v48;
	v25 =	vadd.f32 v61, v25;
	v28 =	vmul.f32 $1.562500000e-02, v26  }
0xbf: {  	v39 =	vmul.f32 v52, v52;
	v2 =	vadd.f32 v59, v30;
	v26 =	vmul.f32 v62, v27  }
0xc0: {  	v9 =	vadd.f32 v52, v15;
	v25 =	vmul.f32 $1.562500000e-02, v25;
	v63 =	vmul.f32 v28, v28  }
0xc1: {  	v49 =	vadd.f32 v39, v38;
	v8 =	vadd.f32 v2, v48;
	v29 =	vmul.f32 v2, v2  }
0xc2: {  	v26 =	vsub.f32 $1.500000000e+00, v26;
	v25 =	vsub.f32 v25, v63  }
0xc3: {  	v40 =	vadd.f32 v9, v8;
	v47 =	vadd.f32 v29, v11  }
0xc4: {  	s29 =	sshrl.u32 s9, $0x7;
	v26 =	vmul.f32 v26, v27;
	v25 =	vadd.f32 $9.999999740e-06, v25  }
0xc5: {  	v61 =	vmov s29;
	v27 =	vadd.f32 v49, v47;
	v54 =	vperm.xlane v40, v17  }
0xc6: {  	v14 =	vmul.f32 v26, v14;
	v55 =	vshrl.u32 v25, $0x1;
	v25 =	vmul.f32 $5.000000000e-01, v25  }
0xc7: {  	v33 =	vadd.f32 v40, v54;
	v56 =	vperm.xlane v27, v17;
	v10 =	vmul.f32 v26, v10  }
0xc8: {  	v6 =	vmul.f32 v26, v6;
	v1 =	vmul.f32 v26, v1;
	v35 =	vsub.s32 $0x5F3759DF, v55  }
0xc9: {  	v0 =	vmul.f32 v26, v0;
	v57 =	vmul.f32 v35, v25;
	v27 =	vadd.f32 v56, v27  }
0xca: {  	s18 =	sand.u32 $0x78, s9;
	v58 =	vperm.xlane v33, v18;
	v10 =	vsub.f32 v10, v14;
	v6 =	vsub.f32 v6, v14  }
0xcb: {  	v62 =	vmov s18;
	v1 =	vsub.f32 v1, v14;
	v0 =	vsub.f32 v0, v14  }
0xcc: {  	v59 =	vmul.f32 v35, v57;
	v33 =	vadd.f32 v33, v58;
	v60 =	vperm.xlane v27, v18  }
0xcd: {  	v10 =	vmul.f32 v10, v41;
	v41 =	vmul.u32 $0x2200, v61;
	v6 =	vmul.f32 v6, v42;
	v57 =	vld [tilespmem:s8+$0xFFFFFFC0]  }
0xce: {  	v1 =	vmul.f32 v1, v43;
	v58 =	vld [tilespmem:s8+$0xFFFFFFE0];
	v0 =	vmul.f32 v0, v46;
	v34 =	vsub.f32 $1.500000000e+00, v59  }
0xcf: {  	v63 =	vperm.xlane v33, v19;
	v27 =	vadd.f32 v60, v27;
	v10 =	vadd.f32 v10, v44  }
0xd0: {  	v44 =	vshrl.u32 v62, $0x3;
	v6 =	vadd.f32 v6, v45;
	v1 =	vadd.f32 v1, v51  }
0xd1: {  	v0 =	vadd.f32 v0, v53;
	v34 =	vmul.f32 v35, v34;
	v33 =	vadd.f32 v33, v63  }
0xd2: {  	s31 =	sadd.s32 $0x9, s11;
	v59 =	vld [tilespmem:s8+$0xFFFFFFF0];
	[tilespmem:$0x1FD80] =	vst v10;
	v36 =	vperm.xlane v27, v19;
	v10 =	vbroadcast v41, $0x0;
	v35 =	vshll.u32 v44, v23  }
0xd3: {  	s13 =	sand.u32 $0x78, s31;
	v40 =	vbroadcast v35, $0x0;
	v60 =	vadd.f32 v57, v50;
	v39 =	vadd.f32 v58, v31  }
0xd4: {  	v35 =	vmov s13;
	v47 =	vmul.f32 v34, v25;
	v49 =	vperm.xlane v33, v12  }
0xd5: {  	v27 =	vadd.f32 v36, v27;
	v16 =	vadd.s32 v22, v10;
	v37 =	vadd.s32 v20, v10  }
0xd6: {  	v43 =	vshrl.u32 v35, $0x3;
	v25 =	vadd.s32 v40, v16;
	v9 =	vadd.s32 v40, v37  }
0xd7: {  	v58 =	vadd.f32 v59, v32;
	v41 =	vmul.f32 v60, v60;
	v54 =	vmul.f32 v47, v34  }
0xd8: {  	v14 =	vld [tilespmem:s8+$0xFFFFFFD0];
	v38 =	vmul.f32 v39, v39;
	v33 =	vadd.f32 v33, v49;
	v55 =	vperm.xlane v27, v12  }
0xd9: {  	v43 =	vshll.u32 v43, v23;
	v47 =	vmul.f32 v58, v58;
	v36 =	vsub.f32 $1.500000000e+00, v54  }
0xda: {  	[tilespmem:$0x1FD90] =	vst v25;
	v25 =	vmovc v16;
	v33 =	vmul.f32 $1.562500000e-02, v33;
	v27 =	vadd.f32 v55, v27;
	v16 =	vadd.s32 v24, v10  }
0xdb: {  	v54 =	vadd.f32 v58, v39;
	v26 =	vadd.s32 v40, v16;
	v44 =	vmul.f32 v36, v34  }
0xdc: {  	v55 =	vadd.f32 v47, v38;
	v56 =	vmul.f32 $1.562500000e-02, v27;
	v27 =	vmul.f32 v33, v33  }
0xdd: {  	v36 =	vadd.s32 v21, v10;
	v34 =	vadd.f32 v14, v30;
	v45 =	vmul.f32 v44, v28  }
0xde: {  	[tilespmem:$0x1FDA0] =	vst v6;
	v10 =	vld [tilespmem:$0x1FE70];
	v7 =	vmul.f32 v44, v7;
	v6 =	vsub.f32 v56, v27;
	v28 =	vadd.s32 v40, v36  }
0xdf: {  	v29 =	vmul.f32 v34, v34;
	v49 =	vadd.f32 v34, v60;
	v5 =	vmul.f32 v44, v5  }
0xe0: {  	v4 =	vmul.f32 v44, v4;
	v63 =	vsub.f32 v7, v45;
	v6 =	vadd.f32 $9.999999740e-06, v6  }
0xe1: {  	v8 =	vld [tilespmem:$0x1FE80];
	v3 =	vmul.f32 v44, v3;
	v41 =	vadd.f32 v29, v41;
	v56 =	vadd.f32 v54, v49  }
0xe2: {  	v59 =	vld [tilespmem:$0x1FEB0];
	v49 =	vbroadcast v43, $0x0;
	v11 =	vshrl.u32 v6, $0x1;
	v6 =	vmul.f32 $5.000000000e-01, v6  }
0xe3: {  	v40 =	vld [tilespmem:$0x1FE90];
	v5 =	vsub.f32 v5, v45;
	v7 =	vmul.f32 v63, v10;
	v10 =	vsub.s32 $0x5F3759DF, v11  }
0xe4: {  	[tilespmem:$0x1FDD0] =	vst v9;
	v9 =	vld [tilespmem:$0x1FEC0];
	v4 =	vsub.f32 v4, v45;
	v3 =	vsub.f32 v3, v45;
	v14 =	vmul.f32 v10, v6  }
0xe5: {  	v54 =	vld [tilespmem:s8+$0x30];
	v57 =	vadd.f32 v55, v41;
	v61 =	vperm.xlane v56, v17;
	v62 =	vadd.s32 v25, v49  }
0xe6: {  	v29 =	vld [tilespmem:s8+$0x0];
	v5 =	vmul.f32 v5, v8;
	v35 =	vadd.s32 v16, v49;
	v14 =	vmul.f32 v10, v14  }
0xe7: {  	[tilespmem:$0x1FDE0] =	vst v0;
	v41 =	vld [tilespmem:s8+$0x20];
	v63 =	vor.u32 $0x1, v62;
	v0 =	vadd.f32 v7, v59;
	v7 =	vadd.f32 v56, v61  }
0xe8: {  	v4 =	vmul.f32 v4, v40;
	v55 =	vor.u32 $0x1, v35;
	v14 =	vsub.f32 $1.500000000e+00, v14  }
0xe9: {  	v62 =	vld [tilespmem:$0x1FED0];
	v59 =	vadd.s32 v37, v49;
	v49 =	vadd.s32 v36, v49;
	v11 =	vperm.xlane v7, v18  }
0xea: {  	v47 =	vor.u32 $0x1, v59;
	v35 =	vadd.f32 v54, v32;
	v10 =	vmul.f32 v10, v14  }
0xeb: {  	v56 =	vld [tilespmem:$0x1FEA0];
	[tilespmem:$0x1FE00] =	vst v0;
	v0 =	vadd.f32 v5, v9;
	v5 =	vadd.f32 v7, v11;
	v14 =	vperm.xlane v57, v17  }
0xec: {  	s12 =	sadd.s32 $0xA, s11;
	v29 =	vadd.f32 v29, v50;
	v27 =	vadd.f32 v41, v31;
	v6 =	vmul.f32 v10, v6  }
0xed: {  	s13 =	sand.u32 $0x78, s12;
	v38 =	vld [tilespmem:s8+$0x10];
	v54 =	vmul.f32 v35, v35;
	v14 =	vadd.f32 v14, v57;
	v57 =	vperm.xlane v5, v19  }
0xee: {  	[tilespmem:$0x1FDF0] =	vst v28;
	v46 =	vadd.f32 v4, v62;
	v62 =	vmov s13;
	v6 =	vmul.f32 v6, v10  }
0xef: {  	[tilespmem:$0x1FE10] =	vst v63;
	v53 =	vshrl.u32 v62, $0x3;
	v28 =	vperm.xlane v14, v18;
	v63 =	vadd.f32 v5, v57  }
0xf0: {  	v3 =	vmul.f32 v3, v56;
	v53 =	vshll.u32 v53, v23;
	v5 =	vld [tilespmem:$0x1FEE0];
	v6 =	vsub.f32 $1.500000000e+00, v6  }
0xf1: {  	v57 =	vadd.f32 v35, v27;
	v14 =	vadd.f32 v28, v14;
	v8 =	vperm.xlane v63, v12  }
0xf2: {  	[tilespmem:$0x1FE30] =	vst v55;
	v28 =	vadd.f32 v38, v30;
	v38 =	vmul.f32 v27, v27;
	v55 =	vmul.f32 v6, v10  }
0xf3: {  	v61 =	vperm.xlane v14, v19;
	v4 =	vadd.f32 v63, v8;
	v10 =	vmul.f32 v29, v29  }
0xf4: {  	v11 =	vmul.f32 v28, v28;
	v56 =	vadd.f32 v28, v29;
	v51 =	vadd.f32 v54, v38  }
0xf5: {  	[tilespmem:$0x1FE20] =	vst v0;
	v0 =	vadd.f32 v3, v5;
	v3 =	vmul.f32 v55, v33;
	v14 =	vadd.f32 v61, v14  }
0xf6: {  	v48 =	vmul.f32 v55, v48;
	v4 =	vmul.f32 $1.562500000e-02, v4;
	v33 =	vadd.f32 v11, v10  }
0xf7: {  	v44 =	vld [tilespmem:$0x1FE70];
	v41 =	vadd.f32 v57, v56;
	v2 =	vmul.f32 v55, v2;
	v9 =	vperm.xlane v14, v12  }
0xf8: {  	v8 =	vld [tilespmem:$0x1FE80];
	v11 =	vmul.f32 v55, v15;
	v52 =	vmul.f32 v55, v52;
	v33 =	vadd.f32 v51, v33  }
0xf9: {  	v5 =	vld [tilespmem:$0x1FEB0];
	v40 =	vsub.f32 v48, v3;
	v61 =	vperm.xlane v41, v17;
	v14 =	vadd.f32 v9, v14  }
0xfa: {  	v43 =	vmul.f32 v4, v4;
	v48 =	vor.u32 $0x1, v49;
	v63 =	vperm.xlane v33, v17  }
0xfb: {  	v2 =	vsub.f32 v2, v3;
	v51 =	vadd.f32 v41, v61;
	v14 =	vmul.f32 $1.562500000e-02, v14  }
0xfc: {  	v38 =	vld [tilespmem:$0x1FEC0];
	v45 =	vmul.f32 v40, v44;
	v61 =	vbroadcast v53, $0x0;
	v33 =	vadd.f32 v63, v33  }
0xfd: {  	v2 =	vmul.f32 v2, v8;
	v54 =	vperm.xlane v51, v18;
	v63 =	vld [tilespmem:s8+$0x40];
	v14 =	vsub.f32 v14, v43  }
0xfe: {  	[tilespmem:$0x1FE40] =	vst v0;
	v41 =	vsub.f32 v11, v3;
	v44 =	vld [tilespmem:s8+$0x50];
	v0 =	vadd.f32 v45, v5;
	v7 =	vperm.xlane v33, v18  }
0xff: {  	v10 =	vadd.s32 v25, v61;
	v45 =	vld [tilespmem:s8+$0x60];
	v54 =	vadd.f32 v51, v54;
	v14 =	vadd.f32 $9.999999740e-06, v14  }
0x100: {  	v3 =	vsub.f32 v52, v3;
	v51 =	vor.u32 $0x2, v10;
	v33 =	vadd.f32 v7, v33  }
0x101: {  	v10 =	vld [tilespmem:$0x1FEA0];
	v59 =	vperm.xlane v54, v19;
	v6 =	vshrl.u32 v14, $0x1;
	v14 =	vmul.f32 $5.000000000e-01, v14  }
0x102: {  	v43 =	vadd.f32 v2, v38;
	v7 =	vld [tilespmem:$0x1FE90];
	v38 =	vadd.f32 v63, v50;
	v53 =	vsub.s32 $0x5F3759DF, v6  }
0x103: {  	v62 =	vperm.xlane v33, v19;
	v54 =	vadd.f32 v54, v59;
	v9 =	vmul.f32 v53, v14  }
0x104: {  	s16 =	sadd.s32 $0xB, s11;
	v15 =	vld [tilespmem:s8+$0x70];
	v57 =	vadd.f32 v45, v31;
	v59 =	vadd.f32 v44, v30;
	v6 =	vadd.s32 v16, v61  }
0x105: {  	s13 =	sand.u32 $0x78, s16;
	v33 =	vadd.f32 v62, v33;
	v8 =	vperm.xlane v54, v12;
	v40 =	vmul.f32 v53, v9;
	v9 =	vld [tilespmem:$0x1FED0]  }
0x106: {  	v11 =	vmul.f32 v3, v10;
	v10 =	vmov s13;
	v44 =	vadd.f32 v59, v38  }
0x107: {  	v42 =	vmovc v16;
	v56 =	vmul.f32 v41, v7;
	v16 =	vperm.xlane v33, v12;
	v54 =	vadd.f32 v54, v8  }
0x108: {  	v41 =	vadd.s32 v37, v61;
	v61 =	vadd.s32 v36, v61;
	v2 =	vsub.f32 $1.500000000e+00, v40;
	v40 =	vld [tilespmem:$0x1FEE0]  }
0x109: {  	v7 =	vmul.f32 v57, v57;
	v16 =	vadd.f32 v16, v33;
	v33 =	vmul.f32 $1.562500000e-02, v54  }
0x10a: {  	v54 =	vmul.f32 v38, v38;
	v52 =	vadd.f32 v56, v9;
	v56 =	vadd.f32 v15, v32  }
0x10b: {  	v2 =	vmul.f32 v53, v2;
	v53 =	vor.u32 $0x2, v6;
	v6 =	vmul.f32 v59, v59  }
0x10c: {  	v15 =	vmul.f32 $1.562500000e-02, v16;
	v16 =	vmul.f32 v33, v33;
	v45 =	vadd.f32 v56, v57  }
0x10d: {  	[tilespmem:$0x1FE50] =	vst v0;
	v14 =	vmul.f32 v2, v14;
	v0 =	vadd.f32 v11, v40;
	v8 =	vmul.f32 v56, v56  }
0x10e: {  	v55 =	vor.u32 $0x2, v41;
	v15 =	vsub.f32 v15, v16;
	v16 =	vadd.f32 v45, v44  }
0x10f: {  	v62 =	vadd.f32 v6, v54;
	v14 =	vmul.f32 v14, v2;
	[tilespmem:$0x1FE60] =	vst v0;
	v0 =	vadd.f32 v8, v7  }
0x110: {  	v54 =	vor.u32 $0x2, v61;
	v9 =	vadd.f32 $9.999999740e-06, v15;
	v15 =	vperm.xlane v16, v17  }
0x111: {  	v40 =	vshrl.u32 v10, $0x3;
	v14 =	vsub.f32 $1.500000000e+00, v14;
	v0 =	vadd.f32 v0, v62  }
0x112: {  	v63 =	vmul.f32 $5.000000000e-01, v9;
	v15 =	vadd.f32 v16, v15;
	v16 =	vshrl.u32 v9, $0x1  }
0x113: {  	v49 =	vmovc v25;
	v25 =	vld [tilespmem:s8+$0x80];
	v14 =	vmul.f32 v14, v2;
	v44 =	vperm.xlane v0, v17;
	v3 =	vsub.s32 $0x5F3759DF, v16  }
0x114: {  	v2 =	vshll.u32 v40, v23;
	v9 =	vld [tilespmem:$0x1FE70];
	v16 =	vperm.xlane v15, v18;
	v41 =	vmul.f32 v3, v63  }
0x115: {  	v10 =	vld [tilespmem:s8+$0x90];
	v6 =	vmul.f32 v14, v4;
	v11 =	vmul.f32 v14, v60;
	v0 =	vadd.f32 v44, v0  }
0x116: {  	[tilespmem:$0x1FDB0] =	vst v26;
	v7 =	vld [tilespmem:s8+$0xB0];
	v26 =	vbroadcast v2, $0x0;
	v16 =	vadd.f32 v15, v16;
	v45 =	vmul.f32 v3, v41  }
0x117: {  	v34 =	vmul.f32 v14, v34;
	v4 =	vsub.f32 v11, v6;
	v44 =	vperm.xlane v0, v18;
	v15 =	vld [tilespmem:$0x1FEB0]  }
0x118: {  	v60 =	vld [tilespmem:s8+$0xA0];
	v11 =	vadd.s32 v49, v26;
	v40 =	vperm.xlane v16, v19;
	v41 =	vsub.f32 $1.500000000e+00, v45  }
0x119: {  	v62 =	vor.u32 $0x3, v11;
	v4 =	vmul.f32 v4, v9;
	v2 =	vadd.f32 v44, v0  }
0x11a: {  	[tilespmem:$0x1FDC0] =	vst v1;
	v5 =	vadd.f32 v16, v40;
	v16 =	vsub.f32 v34, v6;
	v1 =	vmul.f32 v3, v41  }
0x11b: {  	v40 =	vadd.f32 v10, v30;
	v41 =	vadd.f32 v7, v32;
	v7 =	vmul.f32 v14, v39  }
0x11c: {  	v61 =	vadd.f32 v4, v15;
	v15 =	vadd.f32 v25, v50;
	v25 =	vperm.xlane v2, v19  }
0x11d: {  	v45 =	vperm.xlane v5, v12;
	v0 =	vmul.f32 v1, v63;
	v63 =	vadd.f32 v60, v31  }
0x11e: {  	v44 =	vmul.f32 v40, v40;
	v9 =	vadd.f32 v40, v15;
	v2 =	vadd.f32 v25, v2  }
0x11f: {  	v25 =	vmul.f32 v15, v15;
	v5 =	vadd.f32 v5, v45;
	v10 =	vmul.f32 v0, v1  }
0x120: {  	v11 =	vadd.f32 v41, v63;
	v39 =	vmul.f32 v63, v63;
	v45 =	vmul.f32 v41, v41  }
0x121: {  	v14 =	vmul.f32 v14, v58;
	v25 =	vadd.f32 v44, v25;
	v44 =	vld [tilespmem:$0x1FE80];
	v10 =	vsub.f32 $1.500000000e+00, v10  }
0x122: {  	v34 =	vadd.f32 v11, v9;
	v11 =	vperm.xlane v2, v12;
	v0 =	vadd.f32 v45, v39;
	v39 =	vld [tilespmem:s8+$0xC0]  }
0x123: {  	v7 =	vsub.f32 v7, v6;
	v60 =	vmul.f32 $1.562500000e-02, v5;
	v1 =	vmul.f32 v10, v1;
	v10 =	vld [tilespmem:s8+$0xD0]  }
0x124: {  	v2 =	vadd.f32 v11, v2;
	v0 =	vadd.f32 v0, v25;
	v45 =	vperm.xlane v34, v17;
	v25 =	vld [tilespmem:s8+$0xE0]  }
0x125: {  	v6 =	vsub.f32 v14, v6;
	v9 =	vmul.f32 v60, v60;
	v14 =	vmul.f32 v1, v33;
	v33 =	vld [tilespmem:s8+$0xF0]  }
0x126: {  	v16 =	vmul.f32 v16, v44;
	v2 =	vmul.f32 $1.562500000e-02, v2;
	v5 =	vadd.f32 v34, v45;
	v44 =	vld [tilespmem:$0x1FEC0];
	_ =	sdelay $0x1  }
0x127: {  	v58 =	vadd.f32 v39, v50;
	v2 =	vsub.f32 v2, v9;
	v45 =	vperm.xlane v5, v18  }
0x128: {  	v3 =	vmul.f32 v1, v29;
	v30 =	vadd.f32 v10, v30;
	v4 =	vadd.f32 v25, v31  }
0x129: {  	v5 =	vadd.f32 v5, v45;
	v45 =	vmul.f32 v58, v58;
	v29 =	vadd.f32 v33, v32  }
0x12a: {  	v16 =	vadd.f32 v16, v44;
	v44 =	vadd.f32 v30, v58;
	v50 =	vmul.f32 v30, v30  }
0x12b: {  	v8 =	vmul.f32 v4, v4;
	v32 =	vadd.f32 v29, v4;
	v9 =	vmul.f32 v29, v29  }
0x12c: {  	v11 =	vperm.xlane v0, v17;
	v2 =	vadd.f32 $9.999999740e-06, v2;
	v33 =	vadd.f32 v50, v45  }
0x12d: {  	v31 =	vadd.f32 v32, v44;
	v39 =	vadd.f32 v9, v8  }
0x12e: {  	v0 =	vadd.f32 v11, v0;
	v11 =	vshrl.u32 v2, $0x1  }
0x12f: {  	v2 =	vmul.f32 $5.000000000e-01, v2;
	v33 =	vadd.f32 v39, v33;
	v44 =	vperm.xlane v31, v17  }
0x130: {  	v32 =	vsub.s32 $0x5F3759DF, v11;
	v11 =	vld [tilespmem:$0x1FE90]  }
0x131: {  	v45 =	vmul.f32 v32, v2;
	v31 =	vadd.f32 v31, v44;
	v9 =	vperm.xlane v33, v17  }
0x132: {  	v10 =	vmul.f32 v1, v35;
	v25 =	vperm.xlane v0, v18  }
0x133: {  	v35 =	vmul.f32 v32, v45;
	v33 =	vadd.f32 v9, v33;
	v45 =	vperm.xlane v31, v18  }
0x134: {  	v0 =	vadd.f32 v25, v0;
	v25 =	vperm.xlane v5, v19;
	v8 =	vld [tilespmem:$0x1FED0]  }
0x135: {  	v7 =	vmul.f32 v7, v11;
	v31 =	vadd.f32 v31, v45;
	v11 =	vperm.xlane v33, v18;
	v45 =	vld [tilespmem:$0x1FEA0]  }
0x136: {  	v5 =	vadd.f32 v5, v25  }
0x137: {  	v25 =	vperm.xlane v0, v19;
	v33 =	vadd.f32 v11, v33;
	v11 =	vld [tilespmem:$0x1FEE0]  }
0x138: {  	v50 =	vperm.xlane v5, v12  }
0x139: {  	v0 =	vadd.f32 v25, v0  }
0x13a: {  	v39 =	vadd.f32 v5, v50;
	v5 =	vadd.f32 v7, v8;
	v8 =	vld [tilespmem:$0x1FE70];
	v6 =	vmul.f32 v6, v45  }
0x13b: {  	v44 =	vperm.xlane v0, v12  }
0x13c: {  	v3 =	vsub.f32 v3, v14;
	v6 =	vadd.f32 v6, v11;
	v11 =	vld [tilespmem:$0x1FEB0]  }
0x13d: {  	v9 =	vsub.f32 $1.500000000e+00, v35;
	v0 =	vadd.f32 v44, v0;
	v44 =	vadd.s32 v37, v26  }
0x13e: {  	v39 =	vmul.f32 $1.562500000e-02, v39;
	v34 =	vor.u32 $0x3, v44;
	v44 =	vperm.xlane v33, v19  }
0x13f: {  	v7 =	vmul.f32 v32, v9;
	v3 =	vmul.f32 v3, v8  }
0x140: {  	v0 =	vmul.f32 $1.562500000e-02, v0;
	v9 =	vmul.f32 v39, v39;
	v32 =	vadd.f32 v44, v33  }
0x141: {  	v3 =	vadd.f32 v3, v11;
	v11 =	vld [tilespmem:$0x1FD90]  }
0x142: {  	v0 =	vsub.f32 v0, v9;
	v9 =	vperm.xlane v32, v12;
	_ =	sdelay $0x1  }
0x143: {  	v32 =	vadd.f32 v9, v32;
	v9 =	vld [tilespmem:$0x1FD80];
	_ =	sdelay $0x4  }
0x144: {  	[tilespmem:v11+s2+$0x0] =	vst.idx.msk $0xffff, v9;
	v11 =	vld [tilespmem:$0x1FDB0];
	_ =	sdelay $0x2  }
0x145: {  	s18 =	sadd.s32 $0xC, s11;
	v50 =	vperm.xlane v31, v19;
	v9 =	vld [tilespmem:$0x1FDA0]  }
0x146: {  	s13 =	sand.u32 $0x78, s18;
	v2 =	vmul.f32 v7, v2  }
0x147: {  	v31 =	vadd.f32 v31, v50;
	v45 =	vmov s13  }
0x148: {  	v2 =	vmul.f32 v2, v7;
	v35 =	vshrl.u32 v45, $0x3  }
0x149: {  	v50 =	vperm.xlane v31, v12;
	v35 =	vshll.u32 v35, v23  }
0x14a: {  	v0 =	vadd.f32 $9.999999740e-06, v0;
	v2 =	vsub.f32 $1.500000000e+00, v2;
	v35 =	vbroadcast v35, $0x0;
	[tilespmem:v11+s2+$0x0] =	vst.idx.msk $0xffff, v9;
	v9 =	vld [tilespmem:$0x1FDD0]  }
0x14b: {  	v28 =	vmul.f32 v1, v28;
	v45 =	vld [tilespmem:$0x1FE80];
	v31 =	vadd.f32 v31, v50  }
0x14c: {  	v2 =	vmul.f32 v2, v7;
	v50 =	vshrl.u32 v0, $0x1;
	v8 =	vadd.s32 v42, v35  }
0x14d: {  	v7 =	vsub.s32 $0x5F3759DF, v50;
	v31 =	vmul.f32 $1.562500000e-02, v31;
	v50 =	vor.u32 $0x4, v8;
	v8 =	vld [tilespmem:$0x1FDC0]  }
0x14e: {  	v28 =	vsub.f32 v28, v14;
	v44 =	vadd.s32 v49, v35  }
0x14f: {  	v33 =	vor.u32 $0x4, v44;
	v32 =	vmul.f32 $1.562500000e-02, v32;
	v44 =	vmul.f32 v31, v31  }
0x150: {  	v28 =	vmul.f32 v28, v45;
	v45 =	vld [tilespmem:$0x1FEC0]  }
0x151: {  	v32 =	vsub.f32 v32, v44;
	v44 =	vld [tilespmem:$0x1FE90]  }
0x152: {  	v27 =	vmul.f32 v1, v27;
	v1 =	vmul.f32 $5.000000000e-01, v0;
	[tilespmem:v9+s2+$0x0] =	vst.idx.msk $0xffff, v8;
	v8 =	vld [tilespmem:$0x1FDF0]  }
0x153: {  	v9 =	vld [tilespmem:$0x1FED0]  }
0x154: {  	v27 =	vsub.f32 v27, v14;
	v10 =	vsub.f32 v10, v14;
	v14 =	vmul.f32 v7, v1  }
0x155: {  	v11 =	vld [tilespmem:$0x1FDE0]  }
0x156: {  	v14 =	vmul.f32 v7, v14;
	v27 =	vmul.f32 v27, v44  }
0x157: {  	v28 =	vadd.f32 v28, v45;
	v45 =	vld [tilespmem:$0x1FEA0]  }
0x158: {  	v14 =	vsub.f32 $1.500000000e+00, v14;
	v27 =	vadd.f32 v27, v9;
	v9 =	vld [tilespmem:$0x1FE10];
	_ =	sdelay $0x1  }
0x159: {  	v7 =	vmul.f32 v7, v14;
	[tilespmem:v8+s2+$0x0] =	vst.idx.msk $0xffff, v11;
	v11 =	vld [tilespmem:$0x1FEE0]  }
0x15a: {  	v8 =	vld [tilespmem:$0x1FE00]  }
0x15b: {  	v1 =	vmul.f32 v7, v1  }
0x15c: {  	v10 =	vmul.f32 v10, v45  }
0x15d: {  	v25 =	vadd.s32 v42, v26;
	v1 =	vmul.f32 v1, v7  }
0x15e: {  	v25 =	vor.u32 $0x3, v25;
	v10 =	vadd.f32 v10, v11;
	v11 =	vld [tilespmem:$0x1FE70]  }
0x15f: {  	v26 =	vadd.s32 v36, v26;
	v1 =	vsub.f32 $1.500000000e+00, v1;
	[tilespmem:v9+s2+$0x0] =	vst.idx.msk $0xffff, v8;
	v9 =	vld [tilespmem:$0x1FE30]  }
0x160: {  	v26 =	vor.u32 $0x3, v26;
	v60 =	vmul.f32 v2, v60;
	v38 =	vmul.f32 v2, v38  }
0x161: {  	s19 =	sadd.s32 $0xD, s11;
	v1 =	vmul.f32 v1, v7  }
0x162: {  	[tilespmem:v62+s2+$0x0] =	vst.idx.msk $0xffff, v61;
	s13 =	sand.u32 $0x78, s19;
	v0 =	vadd.s32 v37, v35;
	v38 =	vsub.f32 v38, v60;
	v8 =	vld [tilespmem:$0x1FE20]  }
0x163: {  	[tilespmem:v25+s2+$0x0] =	vst.idx.msk $0xffff, v16;
	v57 =	vmul.f32 v2, v57;
	v14 =	vmov s13;
	v39 =	vmul.f32 v1, v39  }
0x164: {  	[tilespmem:v34+s2+$0x0] =	vst.idx.msk $0xffff, v5;
	v32 =	vadd.f32 $9.999999740e-06, v32;
	v15 =	vmul.f32 v1, v15;
	v38 =	vmul.f32 v38, v11  }
0x165: {  	[tilespmem:v26+s2+$0x0] =	vst.idx.msk $0xffff, v6;
	v14 =	vshrl.u32 v14, $0x3;
	v11 =	vmul.f32 v2, v59;
	v2 =	vmul.f32 v2, v56;
	v56 =	vld [tilespmem:$0x1FE50]  }
0x166: {  	v26 =	vld [tilespmem:$0x1FE80];
	v14 =	vshll.u32 v14, v23;
	v40 =	vmul.f32 v1, v40;
	v16 =	vmul.f32 v1, v63  }
0x167: {  	v1 =	vmul.f32 v1, v41;
	v41 =	vld [tilespmem:$0x1FE70];
	[tilespmem:v9+s2+$0x0] =	vst.idx.msk $0xffff, v8;
	v8 =	vshrl.u32 v32, $0x1;
	v32 =	vmul.f32 $5.000000000e-01, v32  }
0x168: {  	s31 =	sadd.s32 $0xF, s11;
	v14 =	vbroadcast v14, $0x0;
	v44 =	vsub.f32 v11, v60;
	v9 =	vld [tilespmem:$0x1FE40];
	v45 =	vsub.s32 $0x5F3759DF, v8  }
0x169: {  	s29 =	sadd.s32 $0xE, s11;
	s11 =	sand.u32 $0x78, s31;
	[tilespmem:v47+s2+$0x0] =	vst.idx.msk $0xffff, v46;
	v46 =	vsub.f32 v57, v60;
	v57 =	vld [tilespmem:$0x1FEB0];
	v11 =	vmul.f32 v45, v32  }
0x16a: {  	v34 =	vmov s11;
	v2 =	vsub.f32 v2, v60;
	v60 =	vadd.s32 v49, v14;
	[tilespmem:v51+s2+$0x0] =	vst.idx.msk $0xffff, v56;
	v51 =	vld [tilespmem:$0x1FED0]  }
0x16b: {  	v35 =	vadd.s32 v36, v35;
	v7 =	vor.u32 $0x5, v60;
	v60 =	vld [tilespmem:$0x1FEA0];
	v59 =	vmul.f32 v45, v11  }
0x16c: {  	v0 =	vor.u32 $0x4, v0;
	v35 =	vor.u32 $0x4, v35;
	v15 =	vsub.f32 v15, v39;
	[tilespmem:v53+s2+$0x0] =	vst.idx.msk $0xffff, v43;
	v53 =	vld [tilespmem:$0x1FEE0]  }
0x16d: {  	s13 =	sand.u32 $0x78, s29;
	v1 =	vsub.f32 v1, v39;
	v8 =	vadd.s32 v37, v14;
	[tilespmem:v55+s2+$0x0] =	vst.idx.msk $0xffff, v52;
	v55 =	vld [tilespmem:$0x1FE90];
	v43 =	vsub.f32 $1.500000000e+00, v59  }
0x16e: {  	v25 =	vmov s13;
	v11 =	vadd.s32 v42, v14;
	[tilespmem:v48+s2+$0x0] =	vst.idx.msk $0xffff, v9;
	v9 =	vld [tilespmem:$0x1FE80];
	v38 =	vadd.f32 v38, v57  }
0x16f: {  	v48 =	vld [tilespmem:$0x1FEA0];
	v59 =	vor.u32 $0x5, v11;
	v11 =	vsub.f32 v40, v39;
	v43 =	vmul.f32 v45, v43  }
0x170: {  	v14 =	vadd.s32 v36, v14;
	v57 =	vld [tilespmem:$0x1FEC0];
	v2 =	vmul.f32 v2, v60;
	v45 =	vor.u32 $0x5, v8  }
0x171: {  	v6 =	vmul.f32 v11, v26;
	v26 =	vld [tilespmem:$0x1FEB0];
	[tilespmem:v7+s2+$0x0] =	vst.idx.msk $0xffff, v38;
	v38 =	vshrl.u32 v34, $0x3;
	v32 =	vmul.f32 v43, v32  }
0x172: {  	v56 =	vld [tilespmem:$0x1FE60];
	v46 =	vmul.f32 v46, v55;
	v2 =	vadd.f32 v2, v53;
	v7 =	vshll.u32 v38, v23  }
0x173: {  	v44 =	vmul.f32 v44, v9;
	v9 =	vshrl.u32 v25, $0x3;
	v25 =	vmul.f32 v32, v43  }
0x174: {  	[tilespmem:v33+s2+$0x0] =	vst.idx.msk $0xffff, v3;
	v1 =	vmul.f32 v1, v48;
	v32 =	vor.u32 $0x5, v14;
	v14 =	vmul.f32 v15, v41  }
0x175: {  	[tilespmem:v50+s2+$0x0] =	vst.idx.msk $0xffff, v28;
	v7 =	vbroadcast v7, $0x0;
	v46 =	vadd.f32 v46, v51;
	v25 =	vsub.f32 $1.500000000e+00, v25  }
0x176: {  	v52 =	vmovc v42;
	v5 =	vshll.u32 v9, v23;
	v42 =	vadd.f32 v44, v57;
	v14 =	vadd.f32 v14, v26;
	v26 =	vld [tilespmem:$0x1FEC0]  }
0x177: {  	[tilespmem:v54+s2+$0x0] =	vst.idx.msk $0xffff, v56;
	v5 =	vbroadcast v5, $0x0;
	v15 =	vsub.f32 v16, v39;
	v16 =	vmul.f32 v25, v43  }
0x178: {  	v1 =	vadd.f32 v1, v53;
	v50 =	vadd.s32 v49, v7;
	v56 =	vadd.s32 v52, v7;
	v43 =	vld [tilespmem:$0x1FE90]  }
0x179: {  	[tilespmem:v0+s2+$0x0] =	vst.idx.msk $0xffff, v27;
	v54 =	vor.u32 $0x7, v50;
	v25 =	vadd.s32 v49, v5;
	v27 =	vmul.f32 v16, v58  }
0x17a: {  	[tilespmem:v35+s2+$0x0] =	vst.idx.msk $0xffff, v10;
	v25 =	vor.u32 $0x6, v25;
	v35 =	vmul.f32 v16, v30;
	v4 =	vmul.f32 v16, v4  }
0x17b: {  	v44 =	vld [tilespmem:$0x1FEB0];
	v39 =	vmul.f32 v16, v29;
	v6 =	vadd.f32 v6, v26;
	v26 =	vadd.s32 v52, v5  }
0x17c: {  	[tilespmem:v59+s2+$0x0] =	vst.idx.msk $0xffff, v42;
	v42 =	vld [tilespmem:$0x1FE80];
	v33 =	vor.u32 $0x6, v26;
	v26 =	vmul.f32 v16, v31;
	v16 =	vadd.s32 v37, v5  }
0x17d: {  	[tilespmem:v45+s2+$0x0] =	vst.idx.msk $0xffff, v46;
	v45 =	vld [tilespmem:$0x1FEC0];
	v5 =	vadd.s32 v36, v5;
	v15 =	vmul.f32 v15, v43;
	v16 =	vor.u32 $0x6, v16  }
0x17e: {  	v46 =	vld [tilespmem:$0x1FEA0];
	[tilespmem:v32+s2+$0x0] =	vst.idx.msk $0xffff, v2;
	v5 =	vor.u32 $0x6, v5;
	v27 =	vsub.f32 v27, v26;
	v28 =	vsub.f32 v35, v26  }
0x17f: {  	[tilespmem:v25+s2+$0x0] =	vst.idx.msk $0xffff, v14;
	v14 =	vor.u32 $0x7, v56;
	v4 =	vsub.f32 v4, v26;
	v25 =	vadd.s32 v37, v7  }
0x180: {  	v58 =	vsub.f32 v39, v26;
	v15 =	vadd.f32 v15, v51;
	v27 =	vmul.f32 v27, v41  }
0x181: {  	v7 =	vadd.s32 v36, v7;
	v57 =	vor.u32 $0x7, v25;
	v55 =	vmul.f32 v28, v42;
	[tilespmem:v33+s2+$0x0] =	vst.idx.msk $0xffff, v6  }
0x182: {  	p0 =	slt.u32 s9, $0xF8;
	v7 =	vor.u32 $0x7, v7;
	v4 =	vmul.f32 v4, v43;
	[tilespmem:v16+s2+$0x0] =	vst.idx.msk $0xffff, v15;
	v59 =	vadd.f32 v27, v44  }
.Ltmp1:
0x183: {  	v61 =	vmul.f32 v58, v46;
	v60 =	vadd.f32 v55, v45;
	[tilespmem:v5+s2+$0x0] =	vst.idx.msk $0xffff, v1;
	(pc) =	sbr.rel @p0 .LBB2_4-.Ltmp1, $4  }
0x184: {  	v62 =	vadd.f32 v4, v51;
	[tilespmem:v54+s2+$0x0] =	vst.idx.msk $0xffff, v59  }
0x185: {  	v63 =	vadd.f32 v61, v53;
	[tilespmem:v14+s2+$0x0] =	vst.idx.msk $0xffff, v60  }
0x186: {  	[tilespmem:v57+s2+$0x0] =	vst.idx.msk $0xffff, v62  }
0x187: {  	s8 =	sadd.s32 $0x200, s8;
	s11 =	smov.u32 s9;
	[tilespmem:v7+s2+$0x0] =	vst.idx.msk $0xffff, v63  }
0x188: {  	s8 =	simm.s32 $0x14800  }
0x189: {  	[hbm4b:s10+s5] =	stream.linear.scatter [tilespmem:s8], [sflag:$0x3], $0x80, $0x38;
	[tilespmem:$0x1D180] =	vst v63  }
0x18a: {  	s19 =	simm.s32 $0x14888;
	s9 =	sadd.s32 $0x10, s10  }
0x18b: {  	[hbm4b:s9+s5] =	stream.linear.scatter [tilespmem:s19], [sflag:$0x3], $0x80, $0x38;
	[tilespmem:$0x1D180] =	vst v63  }
0x18c: {  	s29 =	simm.s32 $0x14910;
	s31 =	sadd.s32 $0x20, s10;
	s11 =	simm.s32 $0x14998  }
0x18d: {  	[hbm4b:s31+s5] =	stream.linear.scatter [tilespmem:s29], [sflag:$0x3], $0x80, $0x38;
	[tilespmem:$0x1D180] =	vst v63  }
0x18e: {  	s12 =	sadd.s32 $0x30, s10;
	s13 =	simm.s32 $0x14A20;
	s16 =	sadd.s32 $0x40, s10  }
0x18f: {  	[hbm4b:s12+s5] =	stream.linear.scatter [tilespmem:s11], [sflag:$0x3], $0x80, $0x38;
	[tilespmem:$0x1D180] =	vst v63  }
0x190: {  	s18 =	simm.s32 $0x14AA8;
	s8 =	simm.s32 $0x440;
	s19 =	sadd.s32 $0x50, s10  }
0x191: {  	[hbm4b:s16+s5] =	stream.linear.scatter [tilespmem:s13], [sflag:$0x3], $0x80, $0x38;
	[tilespmem:$0x1D180] =	vst v63  }
0x192: {  	s9 =	sadd.s32 $0x1000, s10;
	s29 =	simm.s32 $0x14B30;
	s31 =	sadd.s32 $0x60, s10  }
0x193: {  	[hbm4b:s19+s5] =	stream.linear.scatter [tilespmem:s18], [sflag:$0x3], $0x80, $0x38;
	[tilespmem:$0x1D180] =	vst v63  }
0x194: {  	s11 =	simm.s32 $0x2200;
	s13 =	simm.s32 $0x14BB8;
	s18 =	sadd.s32 $0x70, s10  }
0x195: {  	[hbm4b:s31+s5] =	stream.linear.scatter [tilespmem:s29], [sflag:$0x3], $0x80, $0x38;
	[tilespmem:$0x1D180] =	vst v63  }
.LBB2_6:
0x196: {  	[hbm4b:s18+s5] =	stream.linear.scatter [tilespmem:s13], [sflag:$0x3], $0x80, $0x38;
	[tilespmem:$0x1D180] =	vst v63  }
0x197: {  	s13 =	smov.u32 s8;
	s8 =	smov.u32 s11  }
0x198: {  	s19 =	sadd.s32 $0x1100, s11;
	s8 =	sshra.s32 s8, $0x2;
	s18 =	sadd.s32 $0x14800, s13  }
0x199: {  	[hbm4b:s9+s5] =	stream.linear.scatter [tilespmem:s18], [sflag:$0x3], $0x80, $0x38;
	[tilespmem:$0x1D180] =	vst v63  }
0x19a: {  	p0 =	sne.s32 s11, $0xFF00;
	s11 =	sadd.s32 $0x14888, s13;
	s18 =	sadd.s32 $0x10, s9  }
0x19b: {  	[hbm4b:s18+s5] =	stream.linear.scatter [tilespmem:s11], [sflag:$0x3], $0x80, $0x38;
	[tilespmem:$0x1D180] =	vst v63  }
0x19c: {  	s11 =	sadd.s32 $0x14910, s13;
	s18 =	sadd.s32 $0x20, s9  }
0x19d: {  	[hbm4b:s18+s5] =	stream.linear.scatter [tilespmem:s11], [sflag:$0x3], $0x80, $0x38;
	[tilespmem:$0x1D180] =	vst v63  }
0x19e: {  	s11 =	sadd.s32 $0x14998, s13;
	s18 =	sadd.s32 $0x30, s9  }
0x19f: {  	[hbm4b:s18+s5] =	stream.linear.scatter [tilespmem:s11], [sflag:$0x3], $0x80, $0x38;
	[tilespmem:$0x1D180] =	vst v63  }
0x1a0: {  	s11 =	sadd.s32 $0x14A20, s13;
	s18 =	sadd.s32 $0x40, s9  }
0x1a1: {  	[hbm4b:s18+s5] =	stream.linear.scatter [tilespmem:s11], [sflag:$0x3], $0x80, $0x38;
	[tilespmem:$0x1D180] =	vst v63  }
.Ltmp2:
0x1a2: {  	s11 =	sadd.s32 $0x14AA8, s13;
	s18 =	sadd.s32 $0x50, s9;
	(pc) =	sbr.rel @p0 .LBB2_6-.Ltmp2, $4  }
0x1a3: {  	[hbm4b:s18+s5] =	stream.linear.scatter [tilespmem:s11], [sflag:$0x3], $0x80, $0x38;
	[tilespmem:$0x1D180] =	vst v63  }
0x1a4: {  	s11 =	sadd.s32 $0x14B30, s13;
	s18 =	sadd.s32 $0x60, s9;
	s13 =	sadd.s32 $0x14BB8, s13  }
0x1a5: {  	[hbm4b:s18+s5] =	stream.linear.scatter [tilespmem:s11], [sflag:$0x3], $0x80, $0x38;
	[tilespmem:$0x1D180] =	vst v63  }
0x1a6: {  	s18 =	sadd.s32 $0x70, s9;
	s9 =	sadd.s32 $0x1000, s9;
	s11 =	smov.u32 s19  }
0x1a7: {  	[hbm4b:s18+s5] =	stream.linear.scatter [tilespmem:s13], [sflag:$0x3], $0x80, $0x38;
	[tilespmem:$0x1D180] =	vst v63  }
0x1a8: {  	s11 =	sadd.s32 $0x14800, s8  }
0x1a9: {  	[hbm4b:s9+s5] =	stream.linear.scatter [tilespmem:s11], [sflag:$0x3], $0x80, $0x38;
	[tilespmem:$0x1D180] =	vst v63  }
0x1aa: {  	s16 =	sadd.s32 $0x14888, s8;
	s18 =	sadd.s32 $0x10, s9  }
0x1ab: {  	[hbm4b:s18+s5] =	stream.linear.scatter [tilespmem:s16], [sflag:$0x3], $0x80, $0x38;
	[tilespmem:$0x1D180] =	vst v63  }
0x1ac: {  	s19 =	sadd.s32 $0x14910, s8;
	s29 =	sadd.s32 $0x20, s9  }
0x1ad: {  	[hbm4b:s29+s5] =	stream.linear.scatter [tilespmem:s19], [sflag:$0x3], $0x80, $0x38;
	[tilespmem:$0x1D180] =	vst v63  }
0x1ae: {  	s31 =	sadd.s32 $0x14998, s8;
	s12 =	sadd.s32 $0x30, s9  }
0x1af: {  	[hbm4b:s12+s5] =	stream.linear.scatter [tilespmem:s31], [sflag:$0x3], $0x80, $0x38;
	[tilespmem:$0x1D180] =	vst v63  }
0x1b0: {  	s16 =	sadd.s32 $0x14A20, s8;
	s18 =	sadd.s32 $0x40, s9  }
0x1b1: {  	[hbm4b:s18+s5] =	stream.linear.scatter [tilespmem:s16], [sflag:$0x3], $0x80, $0x38;
	[tilespmem:$0x1D180] =	vst v63  }
0x1b2: {  	s19 =	sadd.s32 $0x14AA8, s8;
	s29 =	sadd.s32 $0x50, s9  }
0x1b3: {  	[hbm4b:s29+s5] =	stream.linear.scatter [tilespmem:s19], [sflag:$0x3], $0x80, $0x38;
	[tilespmem:$0x1D180] =	vst v63  }
0x1b4: {  	s31 =	sadd.s32 $0x14B30, s8;
	s12 =	sadd.s32 $0x60, s9  }
0x1b5: {  	[hbm4b:s12+s5] =	stream.linear.scatter [tilespmem:s31], [sflag:$0x3], $0x80, $0x38;
	[tilespmem:$0x1D180] =	vst v63  }
0x1b6: {  	s16 =	sadd.s32 $0x14BB8, s8;
	s18 =	sadd.s32 $0x70, s9  }
0x1b7: {  	[hbm4b:s18+s5] =	stream.linear.scatter [tilespmem:s16], [sflag:$0x3], $0x80, $0x38;
	[tilespmem:$0x1D180] =	vst v63  }
0x1b8: {  	s19 =	simm.s32 $0x6600  }
0x1b9: {  	[tilespmem:s24], [sflag:$0x1] =	stream.indirect.gather [hbm4b:s6+s22], $0x40, s19, s22, $0xb8;
	[tilespmem:$0x1D180] =	vst v63  }
0x1ba: {  	s29 =	simm.s32 $0x6680  }
0x1bb: {  	[tilespmem:s26], [sflag:$0x1] =	stream.indirect.gather [hbm4b:s6+s22], $0x40, s29, s22, $0xb8;
	[tilespmem:$0x1D180] =	vst v63  }
0x1bc: {  	s31 =	rddreg [dreg:$0x7]  }
0x1bd: {  	[tilespmem:s28], [sflag:$0x1] =	stream.linear.gather [hbm4b:s31+s5], $0x80, $0x38;
	[tilespmem:$0x1D180] =	vst v63  }
0x1be: {  	_ =	swait.ge [sflag:s23], $0x4000  }
0x1bf: {  	[sflag:s23] =	ssyncset.done $0x0  }
0x1c0: {  	[sflag:s23] =	ssyncadd.s32 $0xFFFFC000  }
0x1c1: {  	_ =	swait.ge [sflag:s23], $0x80  }
0x1c2: {  	v17 =	vld [tilespmem:$0x1FF70]  }
0x1c3: {  	[sflag:s23] =	ssyncset.done $0x0;
	v18 =	vld [tilespmem:$0x1FF80]  }
0x1c4: {  	s11 =	simm.s32 $0xFFFFFFF8;
	s8 =	simm.s32 $0x10900;
	v19 =	vld [tilespmem:$0x1FFA0];
	[sflag:s23] =	ssyncadd.s32 $0xFFFFFF80  }
.LBB2_8:
0x1c5: {  	v0 =	vld [tilespmem:s8+$0xFFFFFF00]  }
0x1c6: {  	s9 =	sadd.s32 $0x8, s11;
	v1 =	vld [tilespmem:s8+$0xFFFFFF10]  }
0x1c7: {  	v2 =	vld [tilespmem:s8+$0xFFFFFF20];
	s13 =	sshrl.u32 s9, $0x1  }
0x1c8: {  	v3 =	vld [tilespmem:s8+$0xFFFFFF30];
	s13 =	sand.u32 $0x3FFFFFC0, s13  }
0x1c9: {  	v38 =	vld [tilespmem:s13+$0x1D080]  }
0x1ca: {  	v30 =	vld [tilespmem:s13+$0x1D090]  }
0x1cb: {  	v31 =	vld [tilespmem:s13+$0x1D0A0]  }
0x1cc: {  	v32 =	vld [tilespmem:s13+$0x1D0B0];
	_ =	sdelay $0x3  }
0x1cd: {  	v10 =	vadd.f32 v38, v0;
	v6 =	vadd.f32 v30, v1  }
0x1ce: {  	v1 =	vadd.f32 v31, v2;
	v0 =	vadd.f32 v32, v3  }
0x1cf: {  	v62 =	vmul.f32 v10, v10;
	v63 =	vmul.f32 v6, v6  }
0x1d0: {  	v4 =	vmul.f32 v1, v1;
	v5 =	vmul.f32 v0, v0  }
0x1d1: {  	v7 =	vadd.f32 v6, v10;
	v14 =	vadd.f32 v0, v1  }
0x1d2: {  	v2 =	vadd.f32 v63, v62;
	v9 =	vadd.f32 v5, v4  }
0x1d3: {  	v11 =	vadd.f32 v14, v7  }
0x1d4: {  	v2 =	vadd.f32 v9, v2  }
0x1d5: {  	v28 =	vperm.xlane v11, v17  }
0x1d6: {  	v29 =	vperm.xlane v2, v17  }
0x1d7: {  	v3 =	vadd.f32 v11, v28  }
0x1d8: {  	v2 =	vadd.f32 v29, v2  }
0x1d9: {  	v33 =	vld [tilespmem:s8+$0xFFFFFF40];
	v4 =	vperm.xlane v3, v18  }
0x1da: {  	v34 =	vld [tilespmem:s8+$0xFFFFFF50];
	v5 =	vperm.xlane v2, v18  }
0x1db: {  	v15 =	vld [tilespmem:s8+$0xFFFFFF70];
	v3 =	vadd.f32 v3, v4  }
0x1dc: {  	v14 =	vld [tilespmem:s8+$0xFFFFFF60];
	v2 =	vadd.f32 v5, v2  }
0x1dd: {  	v35 =	vperm.xlane v3, v19  }
0x1de: {  	v16 =	vperm.xlane v2, v19  }
0x1df: {  	v7 =	vadd.f32 v33, v38;
	v25 =	vadd.f32 v3, v35  }
0x1e0: {  	v5 =	vadd.f32 v34, v30;
	v2 =	vadd.f32 v16, v2  }
0x1e1: {  	v4 =	vadd.f32 v14, v31;
	v3 =	vadd.f32 v15, v32;
	v16 =	vperm.xlane v25, v12  }
0x1e2: {  	v15 =	vmul.f32 v7, v7;
	v27 =	vadd.f32 v5, v7;
	v26 =	vperm.xlane v2, v12  }
0x1e3: {  	v28 =	vadd.f32 v3, v4;
	v14 =	vadd.f32 v25, v16;
	v16 =	vmul.f32 v5, v5  }
0x1e4: {  	v25 =	vmul.f32 v4, v4;
	v2 =	vadd.f32 v26, v2;
	v26 =	vmul.f32 v3, v3  }
0x1e5: {  	v14 =	vmul.f32 $1.562500000e-02, v14;
	v15 =	vadd.f32 v16, v15  }
0x1e6: {  	v16 =	vadd.f32 v26, v25;
	v25 =	vadd.f32 v28, v27  }
0x1e7: {  	v2 =	vmul.f32 $1.562500000e-02, v2;
	v26 =	vmul.f32 v14, v14  }
0x1e8: {  	v15 =	vadd.f32 v16, v15;
	v16 =	vperm.xlane v25, v17  }
0x1e9: {  	v2 =	vsub.f32 v2, v26  }
0x1ea: {  	v26 =	vperm.xlane v15, v17;
	v16 =	vadd.f32 v25, v16  }
0x1eb: {  	v2 =	vadd.f32 $9.999999740e-06, v2  }
0x1ec: {  	v15 =	vadd.f32 v26, v15;
	v25 =	vperm.xlane v16, v18  }
0x1ed: {  	v26 =	vshrl.u32 v2, $0x1;
	v2 =	vmul.f32 $5.000000000e-01, v2  }
0x1ee: {  	v33 =	vld [tilespmem:s8+$0xFFFFFF80];
	v26 =	vsub.s32 $0x5F3759DF, v26;
	v27 =	vperm.xlane v15, v18;
	v16 =	vadd.f32 v16, v25  }
0x1ef: {  	v35 =	vld [tilespmem:s8+$0xFFFFFFB0];
	v25 =	vmul.f32 v26, v2  }
0x1f0: {  	v37 =	vld [tilespmem:s8+$0xFFFFFFA0];
	v15 =	vadd.f32 v27, v15;
	v27 =	vperm.xlane v16, v19  }
0x1f1: {  	v25 =	vmul.f32 v26, v25  }
0x1f2: {  	v36 =	vperm.xlane v15, v19;
	v16 =	vadd.f32 v16, v27;
	v27 =	vld [tilespmem:s8+$0xFFFFFF90]  }
0x1f3: {  	v48 =	vadd.f32 v33, v38;
	v25 =	vsub.f32 $1.500000000e+00, v25  }
0x1f4: {  	v52 =	vadd.f32 v35, v32;
	v15 =	vadd.f32 v36, v15;
	v34 =	vperm.xlane v16, v12  }
0x1f5: {  	v50 =	vadd.f32 v37, v31;
	v49 =	vmul.f32 v48, v48;
	v25 =	vmul.f32 v26, v25  }
0x1f6: {  	v37 =	vmul.f32 v52, v52;
	v26 =	vperm.xlane v15, v12;
	v16 =	vadd.f32 v16, v34  }
0x1f7: {  	v36 =	vmul.f32 v50, v50;
	v39 =	vmul.f32 v25, v2;
	v2 =	vadd.f32 v27, v30  }
0x1f8: {  	v47 =	vadd.f32 v52, v50;
	v15 =	vadd.f32 v26, v15;
	v16 =	vmul.f32 $1.562500000e-02, v16  }
0x1f9: {  	v56 =	vadd.f32 v37, v36;
	v26 =	vmul.f32 v39, v25;
	v54 =	vmul.f32 v2, v2  }
0x1fa: {  	v40 =	vadd.f32 v2, v48;
	v15 =	vmul.f32 $1.562500000e-02, v15;
	v27 =	vmul.f32 v16, v16  }
0x1fb: {  	v26 =	vsub.f32 $1.500000000e+00, v26;
	v55 =	vadd.f32 v54, v49  }
0x1fc: {  	v15 =	vsub.f32 v15, v27;
	v27 =	vadd.f32 v47, v40  }
0x1fd: {  	s29 =	sshrl.u32 s9, $0x7;
	v26 =	vmul.f32 v26, v25  }
0x1fe: {  	v40 =	vmov s29;
	v25 =	vadd.f32 v56, v55;
	v57 =	vperm.xlane v27, v17  }
0x1ff: {  	v15 =	vadd.f32 $9.999999740e-06, v15;
	v14 =	vmul.f32 v26, v14;
	v10 =	vmul.f32 v26, v10  }
0x200: {  	v49 =	vmul.u32 $0x2200, v40;
	v6 =	vmul.f32 v26, v6;
	v1 =	vmul.f32 v26, v1  }
0x201: {  	v0 =	vmul.f32 v26, v0;
	v59 =	vperm.xlane v25, v17;
	v58 =	vshrl.u32 v15, $0x1  }
0x202: {  	v15 =	vmul.f32 $5.000000000e-01, v15;
	v27 =	vadd.f32 v27, v57;
	v10 =	vsub.f32 v10, v14  }
0x203: {  	v6 =	vsub.f32 v6, v14;
	v1 =	vsub.f32 v1, v14;
	v33 =	vsub.s32 $0x5F3759DF, v58  }
0x204: {  	v40 =	vld [tilespmem:s8+$0xFFFFFFC0];
	v0 =	vsub.f32 v0, v14;
	v60 =	vmul.f32 v33, v15;
	v61 =	vperm.xlane v27, v18  }
0x205: {  	s18 =	sand.u32 $0x78, s9;
	v25 =	vadd.f32 v59, v25;
	v10 =	vmul.f32 v10, v41;
	v6 =	vmul.f32 v6, v42  }
0x206: {  	v14 =	vld [tilespmem:s8+$0xFFFFFFD0];
	v41 =	vmov s18;
	v1 =	vmul.f32 v1, v43;
	v0 =	vmul.f32 v0, v46  }
0x207: {  	v63 =	vperm.xlane v25, v18;
	v27 =	vadd.f32 v27, v61;
	v10 =	vadd.f32 v10, v44  }
0x208: {  	s31 =	sadd.s32 $0x9, s11;
	v58 =	vld [tilespmem:s8+$0xFFFFFFE0];
	v54 =	vshrl.u32 v41, $0x3;
	v6 =	vadd.f32 v6, v45;
	v1 =	vadd.f32 v1, v51  }
0x209: {  	s13 =	sand.u32 $0x78, s31;
	v59 =	vld [tilespmem:s8+$0xFFFFFFF0];
	v62 =	vmul.f32 v33, v60;
	v0 =	vadd.f32 v0, v53;
	v60 =	vadd.f32 v40, v38  }
0x20a: {  	s12 =	sadd.s32 $0xA, s11;
	v51 =	vmov s13;
	v25 =	vadd.f32 v63, v25;
	v47 =	vperm.xlane v27, v19  }
0x20b: {  	s13 =	sand.u32 $0x78, s12;
	v39 =	vadd.f32 v14, v30;
	v42 =	vshrl.u32 v51, $0x3;
	v28 =	vsub.f32 $1.500000000e+00, v62  }
0x20c: {  	v46 =	vmov s13;
	v34 =	vperm.xlane v25, v19;
	v27 =	vadd.f32 v27, v47  }
0x20d: {  	[tilespmem:$0x1FC90] =	vst v10;
	v10 =	vbroadcast v49, $0x0;
	v40 =	vadd.f32 v58, v31;
	v28 =	vmul.f32 v33, v28  }
0x20e: {  	v58 =	vadd.f32 v59, v32;
	v34 =	vadd.f32 v34, v25;
	v55 =	vperm.xlane v27, v12  }
0x20f: {  	v42 =	vshll.u32 v42, v23;
	v37 =	vmul.f32 v39, v39;
	v15 =	vmul.f32 v28, v15  }
0x210: {  	v51 =	vbroadcast v42, $0x0;
	v56 =	vperm.xlane v34, v12;
	v27 =	vadd.f32 v27, v55  }
0x211: {  	v33 =	vshll.u32 v54, v23;
	v47 =	vadd.s32 v24, v10;
	v15 =	vmul.f32 v15, v28  }
0x212: {  	v36 =	vadd.s32 v20, v10;
	v49 =	vmul.f32 $1.562500000e-02, v27;
	v27 =	vadd.f32 v56, v34  }
0x213: {  	v53 =	vmul.f32 v40, v40;
	v33 =	vbroadcast v33, $0x0;
	v15 =	vsub.f32 $1.500000000e+00, v15  }
0x214: {  	v35 =	vadd.s32 v21, v10;
	v57 =	vmul.f32 $1.562500000e-02, v27;
	v27 =	vmul.f32 v49, v49  }
0x215: {  	v54 =	vmul.f32 v58, v58;
	v25 =	vadd.s32 v22, v10;
	v15 =	vmul.f32 v15, v28  }
0x216: {  	[tilespmem:$0x1FCB0] =	vst v6;
	v10 =	vld [tilespmem:$0x1FE70];
	v29 =	vadd.s32 v33, v25;
	v26 =	vadd.s32 v33, v47;
	v6 =	vsub.f32 v57, v27  }
0x217: {  	v55 =	vadd.f32 v39, v60;
	v16 =	vmul.f32 v15, v16;
	v7 =	vmul.f32 v15, v7  }
0x218: {  	v9 =	vadd.s32 v33, v36;
	v56 =	vadd.f32 v58, v40;
	v6 =	vadd.f32 $9.999999740e-06, v6  }
0x219: {  	v61 =	vld [tilespmem:$0x1FEB0];
	[tilespmem:$0x1FCA0] =	vst v29;
	v29 =	vmul.f32 v60, v60;
	v28 =	vadd.s32 v33, v35;
	v63 =	vsub.f32 v7, v16  }
0x21a: {  	v8 =	vld [tilespmem:$0x1FE80];
	v59 =	vadd.f32 v56, v55;
	v11 =	vshrl.u32 v6, $0x1;
	v6 =	vmul.f32 $5.000000000e-01, v6  }
0x21b: {  	v5 =	vmul.f32 v15, v5;
	v7 =	vmul.f32 v63, v10;
	v10 =	vsub.s32 $0x5F3759DF, v11  }
0x21c: {  	[tilespmem:$0x1FCE0] =	vst v9;
	v9 =	vld [tilespmem:$0x1FEC0];
	v33 =	vadd.f32 v37, v29;
	v62 =	vperm.xlane v59, v17;
	v14 =	vmul.f32 v10, v6  }
0x21d: {  	v57 =	vadd.f32 v54, v53;
	v4 =	vmul.f32 v15, v4;
	v5 =	vsub.f32 v5, v16  }
0x21e: {  	[tilespmem:$0x1FCF0] =	vst v0;
	v0 =	vadd.f32 v7, v61;
	v7 =	vadd.f32 v59, v62;
	v14 =	vmul.f32 v10, v14  }
0x21f: {  	v42 =	vadd.s32 v25, v51;
	v3 =	vmul.f32 v15, v3;
	v5 =	vmul.f32 v5, v8  }
0x220: {  	v29 =	vld [tilespmem:$0x1FE90];
	v33 =	vadd.f32 v57, v33;
	v11 =	vperm.xlane v7, v18;
	v14 =	vsub.f32 $1.500000000e+00, v14  }
0x221: {  	v41 =	vld [tilespmem:s8+$0x30];
	v4 =	vsub.f32 v4, v16;
	v57 =	vadd.s32 v36, v51;
	[tilespmem:$0x1FD10] =	vst v0;
	v0 =	vadd.f32 v5, v9  }
0x222: {  	v37 =	vld [tilespmem:$0x1FEA0];
	v5 =	vadd.f32 v7, v11;
	v10 =	vmul.f32 v10, v14;
	v14 =	vperm.xlane v33, v17  }
0x223: {  	[tilespmem:$0x1FD00] =	vst v28;
	v28 =	vld [tilespmem:s8+$0x0];
	v3 =	vsub.f32 v3, v16;
	v44 =	vor.u32 $0x1, v57;
	v57 =	vshrl.u32 v46, $0x3  }
0x224: {  	v63 =	vor.u32 $0x1, v42;
	v61 =	vld [tilespmem:$0x1FED0];
	v16 =	vperm.xlane v5, v19;
	v14 =	vadd.f32 v14, v33  }
0x225: {  	v4 =	vmul.f32 v4, v29;
	v9 =	vadd.s32 v47, v51;
	v11 =	vld [tilespmem:s8+$0x10];
	v6 =	vmul.f32 v10, v6  }
0x226: {  	[tilespmem:$0x1FD20] =	vst v63;
	v63 =	vld [tilespmem:$0x1FEE0];
	v34 =	vor.u32 $0x1, v9;
	v62 =	vadd.f32 v5, v16;
	v15 =	vperm.xlane v14, v18  }
0x227: {  	v3 =	vmul.f32 v3, v37;
	[tilespmem:$0x1FD40] =	vst v34;
	v34 =	vadd.f32 v41, v32;
	v6 =	vmul.f32 v6, v10  }
0x228: {  	v29 =	vadd.f32 v28, v38;
	v16 =	vperm.xlane v62, v12;
	v14 =	vadd.f32 v15, v14;
	v15 =	vld [tilespmem:s8+$0x20]  }
0x229: {  	[tilespmem:$0x1FD30] =	vst v0;
	v0 =	vadd.f32 v4, v61;
	v9 =	vmul.f32 v34, v34;
	v6 =	vsub.f32 $1.500000000e+00, v6  }
0x22a: {  	v28 =	vadd.f32 v11, v30;
	v4 =	vadd.f32 v62, v16;
	v59 =	vperm.xlane v14, v19  }
0x22b: {  	[tilespmem:$0x1FD50] =	vst v0;
	v0 =	vadd.f32 v3, v63;
	v33 =	vshll.u32 v57, v23;
	v54 =	vmul.f32 v6, v10  }
0x22c: {  	v16 =	vmul.f32 v28, v28;
	v4 =	vmul.f32 $1.562500000e-02, v4;
	v14 =	vadd.f32 v59, v14  }
0x22d: {  	v3 =	vmul.f32 v54, v49;
	v48 =	vmul.f32 v54, v48;
	v27 =	vadd.f32 v15, v31  }
0x22e: {  	v43 =	vld [tilespmem:$0x1FE70];
	[tilespmem:$0x1FCD0] =	vst v1;
	v10 =	vadd.f32 v28, v29;
	v15 =	vmul.f32 v29, v29;
	v1 =	vperm.xlane v14, v12  }
0x22f: {  	v37 =	vsub.f32 v48, v3;
	v8 =	vmul.f32 v27, v27;
	v55 =	vadd.f32 v34, v27  }
0x230: {  	v56 =	vld [tilespmem:$0x1FEB0];
	v33 =	vbroadcast v33, $0x0;
	v15 =	vadd.f32 v16, v15;
	v14 =	vadd.f32 v1, v14  }
0x231: {  	v62 =	vld [tilespmem:$0x1FE80];
	v42 =	vmul.f32 v4, v4;
	v16 =	vadd.f32 v9, v8;
	v41 =	vadd.f32 v55, v10  }
0x232: {  	v11 =	vadd.s32 v35, v51;
	v2 =	vmul.f32 v54, v2;
	v14 =	vmul.f32 $1.562500000e-02, v14  }
0x233: {  	v6 =	vld [tilespmem:$0x1FEC0];
	v15 =	vadd.f32 v16, v15;
	v16 =	vmul.f32 v37, v43;
	v45 =	vperm.xlane v41, v17  }
0x234: {  	v5 =	vadd.s32 v25, v33;
	v2 =	vsub.f32 v2, v3;
	v14 =	vsub.f32 v14, v42  }
0x235: {  	[tilespmem:$0x1FD60] =	vst v0;
	v49 =	vperm.xlane v15, v17;
	v0 =	vadd.f32 v16, v56;
	v16 =	vadd.f32 v41, v45  }
0x236: {  	v52 =	vmul.f32 v54, v52;
	v48 =	vor.u32 $0x1, v11;
	v2 =	vmul.f32 v2, v62;
	v62 =	vld [tilespmem:s8+$0x70]  }
0x237: {  	v37 =	vld [tilespmem:$0x1FE90];
	v14 =	vadd.f32 $9.999999740e-06, v14;
	v15 =	vadd.f32 v49, v15;
	v51 =	vperm.xlane v16, v18  }
0x238: {  	v11 =	vadd.s32 v47, v33;
	v42 =	vld [tilespmem:$0x1FED0];
	v56 =	vmul.f32 v54, v50;
	v49 =	vadd.f32 v2, v6  }
0x239: {  	v45 =	vld [tilespmem:$0x1FEA0];
	v59 =	vshrl.u32 v14, $0x1;
	v61 =	vperm.xlane v15, v18;
	v16 =	vadd.f32 v16, v51  }
0x23a: {  	v10 =	vld [tilespmem:s8+$0x60];
	v8 =	vsub.f32 v56, v3;
	v14 =	vmul.f32 $5.000000000e-01, v14;
	v53 =	vsub.s32 $0x5F3759DF, v59  }
0x23b: {  	v51 =	vor.u32 $0x2, v5;
	v5 =	vld [tilespmem:$0x1FEE0];
	v15 =	vadd.f32 v61, v15;
	v57 =	vperm.xlane v16, v19  }
0x23c: {  	v9 =	vld [tilespmem:s8+$0x50];
	v3 =	vsub.f32 v52, v3;
	v55 =	vmul.f32 v8, v37;
	v63 =	vmul.f32 v53, v14  }
0x23d: {  	v56 =	vadd.f32 v62, v32;
	v59 =	vperm.xlane v15, v19;
	v16 =	vadd.f32 v16, v57  }
0x23e: {  	v46 =	vmul.f32 v3, v45;
	v61 =	vld [tilespmem:s8+$0x40];
	v50 =	vadd.f32 v55, v42;
	v7 =	vmul.f32 v53, v63  }
0x23f: {  	v57 =	vadd.f32 v10, v31;
	v15 =	vadd.f32 v59, v15;
	v41 =	vperm.xlane v16, v12  }
0x240: {  	v45 =	vmul.f32 v56, v56;
	v2 =	vsub.f32 $1.500000000e+00, v7;
	v54 =	vadd.f32 v46, v5  }
0x241: {  	v59 =	vadd.f32 v9, v30;
	v63 =	vperm.xlane v15, v12;
	v16 =	vadd.f32 v16, v41  }
0x242: {  	v9 =	vadd.f32 v56, v57;
	v42 =	vmul.f32 v57, v57;
	v2 =	vmul.f32 v53, v2  }
0x243: {  	[tilespmem:$0x1FCC0] =	vst v26;
	v37 =	vadd.f32 v61, v38;
	v15 =	vadd.f32 v63, v15;
	v26 =	vmul.f32 $1.562500000e-02, v16  }
0x244: {  	v53 =	vor.u32 $0x2, v11;
	v41 =	vmul.f32 v59, v59;
	v14 =	vmul.f32 v2, v14  }
0x245: {  	s16 =	sadd.s32 $0xB, s11;
	v8 =	vadd.f32 v59, v37;
	v15 =	vmul.f32 $1.562500000e-02, v15;
	v6 =	vmul.f32 v26, v26  }
0x246: {  	s13 =	sand.u32 $0x78, s16;
	[tilespmem:$0x1FD70] =	vst v0;
	v0 =	vadd.f32 v45, v42;
	v11 =	vmul.f32 v37, v37;
	v14 =	vmul.f32 v14, v2  }
0x247: {  	v52 =	vmov s13;
	v10 =	vadd.f32 v9, v8;
	v15 =	vsub.f32 v15, v6  }
0x248: {  	v7 =	vadd.s32 v36, v33;
	v62 =	vadd.f32 v41, v11;
	v14 =	vsub.f32 $1.500000000e+00, v14  }
0x249: {  	v33 =	vadd.s32 v35, v33;
	v46 =	vadd.f32 $9.999999740e-06, v15;
	v15 =	vperm.xlane v10, v17  }
0x24a: {  	v55 =	vor.u32 $0x2, v7;
	v0 =	vadd.f32 v0, v62;
	v14 =	vmul.f32 v14, v2  }
0x24b: {  	v45 =	vld [tilespmem:$0x1FE70];
	v15 =	vadd.f32 v10, v15;
	v9 =	vshrl.u32 v46, $0x1;
	v63 =	vmul.f32 $5.000000000e-01, v46  }
0x24c: {  	v6 =	vmul.f32 v14, v4;
	v8 =	vmul.f32 v14, v60;
	v3 =	vsub.s32 $0x5F3759DF, v9  }
0x24d: {  	v16 =	vld [tilespmem:s8+$0x80];
	v10 =	vshrl.u32 v52, $0x3;
	v11 =	vperm.xlane v15, v18;
	v41 =	vmul.f32 v3, v63  }
0x24e: {  	v62 =	vperm.xlane v0, v17;
	v2 =	vshll.u32 v10, v23;
	v4 =	vsub.f32 v8, v6;
	v10 =	vld [tilespmem:s8+$0x90]  }
0x24f: {  	v43 =	vmovc v25;
	v61 =	vld [tilespmem:s8+$0xA0];
	v25 =	vbroadcast v2, $0x0;
	v15 =	vadd.f32 v15, v11;
	v42 =	vmul.f32 v3, v41  }
0x250: {  	v7 =	vld [tilespmem:s8+$0xB0];
	v60 =	vor.u32 $0x2, v33;
	v0 =	vadd.f32 v62, v0;
	v4 =	vmul.f32 v4, v45  }
0x251: {  	v45 =	vld [tilespmem:$0x1FEB0];
	v46 =	vadd.s32 v43, v25;
	v9 =	vperm.xlane v15, v19;
	v33 =	vsub.f32 $1.500000000e+00, v42  }
0x252: {  	v11 =	vmul.f32 v14, v39;
	v39 =	vadd.f32 v16, v38;
	v42 =	vperm.xlane v0, v18  }
0x253: {  	v41 =	vadd.f32 v10, v30;
	v5 =	vadd.f32 v15, v9;
	v15 =	vmul.f32 v3, v33  }
0x254: {  	v62 =	vor.u32 $0x3, v46;
	v2 =	vadd.f32 v42, v0;
	v42 =	vadd.f32 v61, v31  }
0x255: {  	v46 =	vperm.xlane v5, v12;
	v0 =	vmul.f32 v15, v63;
	v63 =	vadd.f32 v7, v32  }
0x256: {  	v52 =	vadd.f32 v4, v45;
	v45 =	vadd.f32 v41, v39;
	v7 =	vmul.f32 v14, v40  }
0x257: {  	v16 =	vperm.xlane v2, v19;
	v5 =	vadd.f32 v5, v46;
	v46 =	vadd.f32 v63, v42  }
0x258: {  	v40 =	vmul.f32 v42, v42;
	v10 =	vmul.f32 v0, v15  }
0x259: {  	v2 =	vadd.f32 v16, v2;
	v33 =	vadd.f32 v46, v45;
	v45 =	vmul.f32 v63, v63  }
0x25a: {  	v8 =	vld [tilespmem:$0x1FE80];
	v4 =	vmul.f32 v41, v41;
	v16 =	vmul.f32 v39, v39;
	v10 =	vsub.f32 $1.500000000e+00, v10  }
0x25b: {  	v46 =	vperm.xlane v2, v12;
	v0 =	vadd.f32 v45, v40;
	v40 =	vld [tilespmem:s8+$0xC0]  }
0x25c: {  	v16 =	vadd.f32 v4, v16;
	v10 =	vmul.f32 v10, v15;
	v15 =	vld [tilespmem:s8+$0xD0]  }
0x25d: {  	v1 =	vsub.f32 v11, v6;
	v14 =	vmul.f32 v14, v58;
	v2 =	vadd.f32 v46, v2;
	v46 =	vld [tilespmem:$0x1FEC0]  }
0x25e: {  	v7 =	vsub.f32 v7, v6;
	v61 =	vmul.f32 $1.562500000e-02, v5;
	v0 =	vadd.f32 v0, v16;
	v16 =	vld [tilespmem:s8+$0xE0]  }
0x25f: {  	v6 =	vsub.f32 v14, v6;
	v9 =	vperm.xlane v33, v17;
	v14 =	vmul.f32 v10, v26;
	v26 =	vld [tilespmem:s8+$0xF0]  }
0x260: {  	v3 =	vmul.f32 v1, v8  }
0x261: {  	v11 =	vmul.f32 v61, v61;
	v2 =	vmul.f32 $1.562500000e-02, v2;
	v5 =	vadd.f32 v33, v9  }
0x262: {  	v28 =	vmul.f32 v10, v28;
	v27 =	vmul.f32 v10, v27;
	v33 =	vadd.f32 v3, v46  }
0x263: {  	v3 =	vmul.f32 v10, v29;
	v58 =	vadd.f32 v40, v38;
	v30 =	vadd.f32 v15, v30  }
0x264: {  	v15 =	vmul.f32 v10, v34;
	v10 =	vadd.f32 v16, v31;
	v29 =	vadd.f32 v26, v32  }
0x265: {  	v45 =	vperm.xlane v0, v17;
	v2 =	vsub.f32 v2, v11;
	v4 =	vperm.xlane v5, v18  }
0x266: {  	v16 =	vadd.f32 v30, v58;
	v26 =	vadd.f32 v29, v10  }
0x267: {  	v0 =	vadd.f32 v45, v0;
	v1 =	vadd.f32 v5, v4  }
0x268: {  	v11 =	vmul.f32 v58, v58;
	v40 =	vmul.f32 v30, v30;
	v16 =	vadd.f32 v26, v16  }
0x269: {  	v2 =	vadd.f32 $9.999999740e-06, v2;
	v9 =	vperm.xlane v0, v18;
	v45 =	vmul.f32 v10, v10  }
0x26a: {  	v46 =	vmul.f32 v29, v29;
	v31 =	vadd.f32 v40, v11;
	v40 =	vperm.xlane v16, v17  }
0x26b: {  	v8 =	vperm.xlane v1, v19;
	v0 =	vadd.f32 v9, v0;
	v26 =	vshrl.u32 v2, $0x1  }
0x26c: {  	v9 =	vadd.f32 v46, v45;
	v2 =	vmul.f32 $5.000000000e-01, v2;
	v16 =	vadd.f32 v16, v40;
	v40 =	vld [tilespmem:$0x1FE90]  }
0x26d: {  	v1 =	vadd.f32 v1, v8;
	v11 =	vperm.xlane v0, v19;
	v26 =	vsub.s32 $0x5F3759DF, v26  }
0x26e: {  	v31 =	vadd.f32 v9, v31;
	v45 =	vmul.f32 v26, v2  }
0x26f: {  	v46 =	vperm.xlane v1, v12;
	v0 =	vadd.f32 v11, v0  }
0x270: {  	v9 =	vadd.s32 v47, v25;
	v11 =	vperm.xlane v31, v17;
	v34 =	vmul.f32 v26, v45  }
0x271: {  	v45 =	vperm.xlane v0, v12;
	v7 =	vmul.f32 v7, v40;
	v40 =	vor.u32 $0x3, v9;
	v9 =	vld [tilespmem:$0x1FED0]  }
0x272: {  	v1 =	vadd.f32 v1, v46  }
0x273: {  	v31 =	vadd.f32 v11, v31;
	v46 =	vperm.xlane v16, v18;
	v0 =	vadd.f32 v45, v0  }
0x274: {  	v4 =	vmul.f32 $1.562500000e-02, v1;
	v11 =	vsub.f32 $1.500000000e+00, v34  }
0x275: {  	v16 =	vadd.f32 v16, v46;
	v45 =	vperm.xlane v31, v18;
	v0 =	vmul.f32 $1.562500000e-02, v0  }
0x276: {  	v8 =	vld [tilespmem:$0x1FE70];
	v5 =	vadd.f32 v7, v9;
	v7 =	vmul.f32 v26, v11;
	v11 =	vmul.f32 v4, v4;
	_ =	sdelay $0x1  }
0x277: {  	v31 =	vadd.f32 v45, v31;
	v26 =	vperm.xlane v16, v19;
	v0 =	vsub.f32 v0, v11;
	v11 =	vld [tilespmem:$0x1FEB0]  }
0x278: {  	v3 =	vsub.f32 v3, v14;
	v9 =	vld [tilespmem:$0x1FEA0]  }
0x279: {  	v16 =	vadd.f32 v16, v26;
	v26 =	vperm.xlane v31, v19  }
0x27a: {  	v3 =	vmul.f32 v3, v8  }
0x27b: {  	s18 =	sadd.s32 $0xC, s11;
	v26 =	vadd.f32 v26, v31  }
0x27c: {  	s13 =	sand.u32 $0x78, s18;
	v3 =	vadd.f32 v3, v11;
	v11 =	vld [tilespmem:$0x1FCA0]  }
0x27d: {  	v38 =	vld [tilespmem:$0x1FEE0];
	v45 =	vmov s13;
	v6 =	vmul.f32 v6, v9;
	v9 =	vperm.xlane v26, v12  }
0x27e: {  	v34 =	vshrl.u32 v45, $0x3  }
0x27f: {  	v34 =	vshll.u32 v34, v23;
	v26 =	vadd.f32 v9, v26;
	v9 =	vld [tilespmem:$0x1FC90]  }
0x280: {  	v34 =	vbroadcast v34, $0x0;
	_ =	sdelay $0x1  }
0x281: {  	v8 =	vadd.s32 v47, v34;
	v6 =	vadd.f32 v6, v38;
	v38 =	vadd.s32 v43, v34  }
0x282: {  	v31 =	vor.u32 $0x4, v38;
	v38 =	vor.u32 $0x4, v8;
	v8 =	vld [tilespmem:$0x1FE90]  }
0x283: {  	[tilespmem:v11+s25+$0x0] =	vst.idx.msk $0xffff, v9;
	v11 =	vld [tilespmem:$0x1FCC0];
	_ =	sdelay $0x2  }
0x284: {  	v27 =	vsub.f32 v27, v14;
	v9 =	vld [tilespmem:$0x1FCB0];
	_ =	sdelay $0x1  }
0x285: {  	v27 =	vmul.f32 v27, v8;
	v8 =	vld [tilespmem:$0x1FCE0];
	_ =	sdelay $0x2  }
0x286: {  	[tilespmem:v11+s25+$0x0] =	vst.idx.msk $0xffff, v9;
	v11 =	vld [tilespmem:$0x1FCD0];
	_ =	sdelay $0x3  }
0x287: {  	v9 =	vld [tilespmem:$0x1FEA0]  }
0x288: {  	[tilespmem:v8+s25+$0x0] =	vst.idx.msk $0xffff, v11;
	v11 =	vld [tilespmem:$0x1FD00]  }
0x289: {  	v8 =	vld [tilespmem:$0x1FED0]  }
0x28a: {  	v28 =	vsub.f32 v28, v14;
	v14 =	vsub.f32 v15, v14;
	_ =	sdelay $0x1  }
0x28b: {  	v2 =	vmul.f32 v7, v2;
	v14 =	vmul.f32 v14, v9;
	v9 =	vld [tilespmem:$0x1FCF0];
	_ =	sdelay $0x1  }
0x28c: {  	v46 =	vadd.s32 v36, v25;
	v2 =	vmul.f32 v2, v7;
	v27 =	vadd.f32 v27, v8;
	v8 =	vld [tilespmem:$0x1FD20]  }
0x28d: {  	v32 =	vor.u32 $0x3, v46;
	v46 =	vperm.xlane v16, v12;
	v0 =	vadd.f32 $9.999999740e-06, v0  }
0x28e: {  	v2 =	vsub.f32 $1.500000000e+00, v2  }
0x28f: {  	v16 =	vadd.f32 v16, v46;
	v46 =	vshrl.u32 v0, $0x1;
	v1 =	vmul.f32 $5.000000000e-01, v0;
	[tilespmem:v11+s25+$0x0] =	vst.idx.msk $0xffff, v9;
	v11 =	vld [tilespmem:$0x1FD10]  }
0x290: {  	v2 =	vmul.f32 v2, v7;
	v7 =	vsub.s32 $0x5F3759DF, v46  }
0x291: {  	v15 =	vmul.f32 v7, v1;
	_ =	sdelay $0x1  }
0x292: {  	v45 =	vld [tilespmem:$0x1FE80];
	v15 =	vmul.f32 v7, v15  }
0x293: {  	[tilespmem:v8+s25+$0x0] =	vst.idx.msk $0xffff, v11;
	v8 =	vld [tilespmem:$0x1FD40]  }
0x294: {  	v15 =	vsub.f32 $1.500000000e+00, v15;
	v9 =	vld [tilespmem:$0x1FEE0];
	_ =	sdelay $0x1  }
0x295: {  	v25 =	vadd.s32 v35, v25;
	v7 =	vmul.f32 v7, v15;
	v11 =	vld [tilespmem:$0x1FD30]  }
0x296: {  	v28 =	vmul.f32 v28, v45;
	v0 =	vadd.s32 v36, v34;
	v16 =	vmul.f32 $1.562500000e-02, v16  }
0x297: {  	s19 =	sadd.s32 $0xD, s11;
	v0 =	vor.u32 $0x4, v0;
	v46 =	vld [tilespmem:$0x1FEC0];
	v26 =	vmul.f32 $1.562500000e-02, v26;
	v1 =	vmul.f32 v7, v1  }
0x298: {  	s13 =	sand.u32 $0x78, s19;
	v45 =	vmul.f32 v16, v16;
	v61 =	vmul.f32 v2, v61;
	v14 =	vadd.f32 v14, v9;
	v9 =	vld [tilespmem:$0x1FE70]  }
0x299: {  	v37 =	vmul.f32 v2, v37;
	v15 =	vmov s13;
	v1 =	vmul.f32 v1, v7  }
0x29a: {  	v34 =	vadd.s32 v35, v34;
	v26 =	vsub.f32 v26, v45;
	v15 =	vshrl.u32 v15, $0x3;
	[tilespmem:v8+s25+$0x0] =	vst.idx.msk $0xffff, v11;
	v11 =	vld [tilespmem:$0x1FD50]  }
0x29b: {  	[tilespmem:v62+s25+$0x0] =	vst.idx.msk $0xffff, v52;
	v37 =	vsub.f32 v37, v61;
	v15 =	vshll.u32 v15, v23;
	v1 =	vsub.f32 $1.500000000e+00, v1  }
0x29c: {  	[tilespmem:v40+s25+$0x0] =	vst.idx.msk $0xffff, v33;
	v57 =	vmul.f32 v2, v57;
	v28 =	vadd.f32 v28, v46;
	v15 =	vbroadcast v15, $0x0;
	v8 =	vld [tilespmem:$0x1FD60]  }
0x29d: {  	[tilespmem:v32+s25+$0x0] =	vst.idx.msk $0xffff, v5;
	v26 =	vadd.f32 $9.999999740e-06, v26;
	v1 =	vmul.f32 v1, v7;
	v37 =	vmul.f32 v37, v9  }
0x29e: {  	v34 =	vor.u32 $0x4, v34;
	[tilespmem:v31+s25+$0x0] =	vst.idx.msk $0xffff, v3;
	v9 =	vmul.f32 v2, v59;
	v2 =	vmul.f32 v2, v56;
	v56 =	vld [tilespmem:$0x1FEB0]  }
0x29f: {  	v46 =	vsub.f32 v57, v61;
	v59 =	vshrl.u32 v26, $0x1;
	v26 =	vmul.f32 $5.000000000e-01, v26;
	[tilespmem:v44+s25+$0x0] =	vst.idx.msk $0xffff, v11;
	v11 =	vld [tilespmem:$0x1FD70]  }
0x2a0: {  	[tilespmem:v38+s25+$0x0] =	vst.idx.msk $0xffff, v28;
	v57 =	vadd.s32 v43, v15;
	v4 =	vmul.f32 v1, v4;
	v44 =	vsub.s32 $0x5F3759DF, v59;
	v59 =	vld [tilespmem:$0x1FE80]  }
0x2a1: {  	s31 =	sadd.s32 $0xF, s11;
	v25 =	vor.u32 $0x3, v25;
	v45 =	vsub.f32 v9, v61;
	[tilespmem:v48+s25+$0x0] =	vst.idx.msk $0xffff, v8;
	v9 =	vmul.f32 v44, v26;
	v8 =	vld [tilespmem:$0x1FE90]  }
0x2a2: {  	s29 =	sadd.s32 $0xE, s11;
	s11 =	sand.u32 $0x78, s31;
	v7 =	vor.u32 $0x5, v57;
	v39 =	vmul.f32 v1, v39;
	v41 =	vmul.f32 v1, v41;
	[tilespmem:v0+s25+$0x0] =	vst.idx.msk $0xffff, v27  }
0x2a3: {  	[tilespmem:v34+s25+$0x0] =	vst.idx.msk $0xffff, v14;
	v14 =	vmov s11;
	v2 =	vsub.f32 v2, v61;
	v48 =	vmul.f32 v44, v9;
	v9 =	vld [tilespmem:$0x1FEC0]  }
0x2a4: {  	v61 =	vadd.s32 v47, v15;
	v37 =	vadd.f32 v37, v56;
	v56 =	vmovc v43;
	v43 =	vadd.s32 v36, v15  }
0x2a5: {  	v52 =	vld [tilespmem:$0x1FEA0];
	v15 =	vadd.s32 v35, v15;
	v43 =	vor.u32 $0x5, v43;
	[tilespmem:v51+s25+$0x0] =	vst.idx.msk $0xffff, v11;
	v48 =	vsub.f32 $1.500000000e+00, v48  }
0x2a6: {  	v45 =	vmul.f32 v45, v59;
	v11 =	vld [tilespmem:$0x1FEA0];
	v59 =	vsub.f32 v39, v4;
	v46 =	vmul.f32 v46, v8  }
0x2a7: {  	s13 =	sand.u32 $0x78, s29;
	v51 =	vld [tilespmem:$0x1FED0];
	[tilespmem:v53+s25+$0x0] =	vst.idx.msk $0xffff, v49;
	v49 =	vor.u32 $0x5, v61;
	v61 =	vor.u32 $0x5, v15;
	v44 =	vmul.f32 v44, v48  }
0x2a8: {  	v53 =	vld [tilespmem:$0x1FEE0];
	[tilespmem:v55+s25+$0x0] =	vst.idx.msk $0xffff, v50;
	v55 =	vmov s13;
	v50 =	vshrl.u32 v14, $0x3;
	v45 =	vadd.f32 v45, v9  }
0x2a9: {  	[tilespmem:v60+s25+$0x0] =	vst.idx.msk $0xffff, v54;
	v54 =	vmul.f32 v1, v42;
	v42 =	vld [tilespmem:$0x1FE80];
	v1 =	vmul.f32 v1, v63;
	v57 =	vshrl.u32 v55, $0x3  }
0x2aa: {  	v60 =	vsub.f32 v41, v4;
	v41 =	vld [tilespmem:$0x1FE70];
	v26 =	vmul.f32 v44, v26;
	v5 =	vshll.u32 v57, v23  }
0x2ab: {  	[tilespmem:v7+s25+$0x0] =	vst.idx.msk $0xffff, v37;
	v7 =	vshll.u32 v50, v23;
	v2 =	vmul.f32 v2, v11;
	v5 =	vbroadcast v5, $0x0  }
0x2ac: {  	v7 =	vbroadcast v7, $0x0;
	v11 =	vld [tilespmem:$0x1FE90];
	v1 =	vsub.f32 v1, v4;
	v26 =	vmul.f32 v26, v44  }
0x2ad: {  	v33 =	vld [tilespmem:$0x1FEC0];
	v46 =	vadd.f32 v46, v51;
	v2 =	vadd.f32 v2, v53;
	v62 =	vadd.s32 v56, v5  }
0x2ae: {  	[tilespmem:v25+s25+$0x0] =	vst.idx.msk $0xffff, v6;
	v38 =	vadd.s32 v47, v5;
	v1 =	vmul.f32 v1, v52;
	v25 =	vsub.f32 $1.500000000e+00, v26  }
0x2af: {  	v15 =	vmul.f32 v59, v41;
	v26 =	vsub.f32 v54, v4;
	v6 =	vmul.f32 v60, v42  }
0x2b0: {  	v63 =	vor.u32 $0x6, v62;
	v39 =	vor.u32 $0x6, v38;
	v25 =	vmul.f32 v25, v44  }
0x2b1: {  	v54 =	vadd.s32 v56, v7;
	v1 =	vadd.f32 v1, v53;
	v44 =	vld [tilespmem:$0x1FEB0];
	v26 =	vmul.f32 v26, v11  }
0x2b2: {  	[tilespmem:v49+s25+$0x0] =	vst.idx.msk $0xffff, v45;
	v55 =	vor.u32 $0x7, v54;
	v6 =	vadd.f32 v6, v33;
	v16 =	vmul.f32 v25, v16  }
0x2b3: {  	v48 =	vadd.f32 v26, v51;
	v26 =	vmul.f32 v25, v58;
	v27 =	vmul.f32 v25, v30  }
0x2b4: {  	v45 =	vld [tilespmem:$0x1FEC0];
	v10 =	vmul.f32 v25, v10;
	v14 =	vmul.f32 v25, v29;
	v25 =	vadd.s32 v36, v5  }
0x2b5: {  	[tilespmem:v43+s25+$0x0] =	vst.idx.msk $0xffff, v46;
	v43 =	vld [tilespmem:$0x1FE90];
	v5 =	vadd.s32 v35, v5;
	v25 =	vor.u32 $0x6, v25;
	v27 =	vsub.f32 v27, v16  }
0x2b6: {  	v46 =	vld [tilespmem:$0x1FEA0];
	[tilespmem:v61+s25+$0x0] =	vst.idx.msk $0xffff, v2;
	v5 =	vor.u32 $0x6, v5;
	v26 =	vsub.f32 v26, v16;
	v15 =	vadd.f32 v15, v44  }
0x2b7: {  	v10 =	vsub.f32 v10, v16;
	v56 =	vmul.f32 v27, v42;
	v27 =	vadd.s32 v47, v7  }
0x2b8: {  	v26 =	vmul.f32 v26, v41;
	[tilespmem:v63+s25+$0x0] =	vst.idx.msk $0xffff, v15;
	v15 =	vor.u32 $0x7, v27;
	v27 =	vadd.s32 v36, v7  }
0x2b9: {  	v58 =	vsub.f32 v14, v16;
	v7 =	vadd.s32 v35, v7;
	[tilespmem:v39+s25+$0x0] =	vst.idx.msk $0xffff, v6;
	v57 =	vor.u32 $0x7, v27  }
0x2ba: {  	p0 =	slt.u32 s9, $0xF8;
	v10 =	vmul.f32 v10, v43;
	v59 =	vadd.f32 v26, v44;
	v7 =	vor.u32 $0x7, v7;
	[tilespmem:v25+s25+$0x0] =	vst.idx.msk $0xffff, v48  }
.Ltmp3:
0x2bb: {  	v61 =	vmul.f32 v58, v46;
	v60 =	vadd.f32 v56, v45;
	[tilespmem:v5+s25+$0x0] =	vst.idx.msk $0xffff, v1;
	(pc) =	sbr.rel @p0 .LBB2_8-.Ltmp3, $4  }
0x2bc: {  	v62 =	vadd.f32 v10, v51;
	[tilespmem:v55+s25+$0x0] =	vst.idx.msk $0xffff, v59  }
0x2bd: {  	v63 =	vadd.f32 v61, v53;
	[tilespmem:v15+s25+$0x0] =	vst.idx.msk $0xffff, v60  }
0x2be: {  	[tilespmem:v57+s25+$0x0] =	vst.idx.msk $0xffff, v62  }
0x2bf: {  	s8 =	sadd.s32 $0x200, s8;
	s11 =	smov.u32 s9;
	[tilespmem:v7+s25+$0x0] =	vst.idx.msk $0xffff, v63  }
0x2c0: {  	s8 =	simm.s32 $0x18C00;
	s12 =	rddreg [dreg:$0x8]  }
0x2c1: {  	[hbm4b:s12+s5] =	stream.linear.scatter [tilespmem:s8], [sflag:$0x4], $0x80, $0x38;
	[tilespmem:$0x1D180] =	vst v63  }
0x2c2: {  	s19 =	simm.s32 $0x18C88;
	s9 =	sadd.s32 $0x10, s12  }
0x2c3: {  	[hbm4b:s9+s5] =	stream.linear.scatter [tilespmem:s19], [sflag:$0x4], $0x80, $0x38;
	[tilespmem:$0x1D180] =	vst v63  }
0x2c4: {  	s29 =	simm.s32 $0x18D10;
	s13 =	simm.s32 $0x18E20;
	s31 =	sadd.s32 $0x20, s12  }
0x2c5: {  	[hbm4b:s31+s5] =	stream.linear.scatter [tilespmem:s29], [sflag:$0x4], $0x80, $0x38;
	[tilespmem:$0x1D180] =	vst v63  }
0x2c6: {  	s18 =	simm.s32 $0x18EA8;
	s11 =	sadd.s32 $0x30, s12;
	s9 =	simm.s32 $0x18D98  }
0x2c7: {  	[hbm4b:s11+s5] =	stream.linear.scatter [tilespmem:s9], [sflag:$0x4], $0x80, $0x38;
	[tilespmem:$0x1D180] =	vst v63  }
0x2c8: {  	s16 =	sadd.s32 $0x40, s12;
	s8 =	simm.s32 $0x440;
	s19 =	sadd.s32 $0x50, s12  }
0x2c9: {  	[hbm4b:s16+s5] =	stream.linear.scatter [tilespmem:s13], [sflag:$0x4], $0x80, $0x38;
	[tilespmem:$0x1D180] =	vst v63  }
0x2ca: {  	s29 =	simm.s32 $0x18F30;
	s31 =	sadd.s32 $0x60, s12;
	s11 =	simm.s32 $0x2200  }
0x2cb: {  	[hbm4b:s19+s5] =	stream.linear.scatter [tilespmem:s18], [sflag:$0x4], $0x80, $0x38;
	[tilespmem:$0x1D180] =	vst v63  }
0x2cc: {  	s9 =	sadd.s32 $0x1000, s12;
	s13 =	simm.s32 $0x18FB8;
	s18 =	sadd.s32 $0x70, s12  }
0x2cd: {  	[hbm4b:s31+s5] =	stream.linear.scatter [tilespmem:s29], [sflag:$0x4], $0x80, $0x38;
	[tilespmem:$0x1D180] =	vst v63  }
.LBB2_10:
0x2ce: {  	[hbm4b:s18+s5] =	stream.linear.scatter [tilespmem:s13], [sflag:$0x4], $0x80, $0x38;
	[tilespmem:$0x1D180] =	vst v63  }
0x2cf: {  	s13 =	smov.u32 s8;
	s8 =	smov.u32 s11  }
0x2d0: {  	s19 =	sadd.s32 $0x1100, s11;
	s8 =	sshra.s32 s8, $0x2;
	s18 =	sadd.s32 $0x18C00, s13  }
0x2d1: {  	[hbm4b:s9+s5] =	stream.linear.scatter [tilespmem:s18], [sflag:$0x4], $0x80, $0x38;
	[tilespmem:$0x1D180] =	vst v63  }
0x2d2: {  	p0 =	sne.s32 s11, $0xFF00;
	s11 =	sadd.s32 $0x18C88, s13;
	s18 =	sadd.s32 $0x10, s9  }
0x2d3: {  	[hbm4b:s18+s5] =	stream.linear.scatter [tilespmem:s11], [sflag:$0x4], $0x80, $0x38;
	[tilespmem:$0x1D180] =	vst v63  }
0x2d4: {  	s11 =	sadd.s32 $0x18D10, s13;
	s18 =	sadd.s32 $0x20, s9  }
0x2d5: {  	[hbm4b:s18+s5] =	stream.linear.scatter [tilespmem:s11], [sflag:$0x4], $0x80, $0x38;
	[tilespmem:$0x1D180] =	vst v63  }
0x2d6: {  	s11 =	sadd.s32 $0x18D98, s13;
	s18 =	sadd.s32 $0x30, s9  }
0x2d7: {  	[hbm4b:s18+s5] =	stream.linear.scatter [tilespmem:s11], [sflag:$0x4], $0x80, $0x38;
	[tilespmem:$0x1D180] =	vst v63  }
0x2d8: {  	s11 =	sadd.s32 $0x18E20, s13;
	s18 =	sadd.s32 $0x40, s9  }
0x2d9: {  	[hbm4b:s18+s5] =	stream.linear.scatter [tilespmem:s11], [sflag:$0x4], $0x80, $0x38;
	[tilespmem:$0x1D180] =	vst v63  }
.Ltmp4:
0x2da: {  	s11 =	sadd.s32 $0x18EA8, s13;
	s18 =	sadd.s32 $0x50, s9;
	(pc) =	sbr.rel @p0 .LBB2_10-.Ltmp4, $4  }
0x2db: {  	[hbm4b:s18+s5] =	stream.linear.scatter [tilespmem:s11], [sflag:$0x4], $0x80, $0x38;
	[tilespmem:$0x1D180] =	vst v63  }
0x2dc: {  	s11 =	sadd.s32 $0x18F30, s13;
	s18 =	sadd.s32 $0x60, s9;
	s13 =	sadd.s32 $0x18FB8, s13  }
0x2dd: {  	[hbm4b:s18+s5] =	stream.linear.scatter [tilespmem:s11], [sflag:$0x4], $0x80, $0x38;
	[tilespmem:$0x1D180] =	vst v63  }
0x2de: {  	s18 =	sadd.s32 $0x70, s9;
	s9 =	sadd.s32 $0x1000, s9;
	s11 =	smov.u32 s19  }
0x2df: {  	[hbm4b:s18+s5] =	stream.linear.scatter [tilespmem:s13], [sflag:$0x4], $0x80, $0x38;
	[tilespmem:$0x1D180] =	vst v63  }
0x2e0: {  	s11 =	sadd.s32 $0x18C00, s8  }
0x2e1: {  	[hbm4b:s9+s5] =	stream.linear.scatter [tilespmem:s11], [sflag:$0x4], $0x80, $0x38;
	[tilespmem:$0x1D180] =	vst v63  }
0x2e2: {  	s13 =	sadd.s32 $0x18C88, s8;
	s16 =	sadd.s32 $0x10, s9  }
0x2e3: {  	[hbm4b:s16+s5] =	stream.linear.scatter [tilespmem:s13], [sflag:$0x4], $0x80, $0x38;
	[tilespmem:$0x1D180] =	vst v63  }
0x2e4: {  	s18 =	sadd.s32 $0x18D10, s8;
	s19 =	sadd.s32 $0x20, s9  }
0x2e5: {  	[hbm4b:s19+s5] =	stream.linear.scatter [tilespmem:s18], [sflag:$0x4], $0x80, $0x38;
	[tilespmem:$0x1D180] =	vst v63  }
0x2e6: {  	s29 =	sadd.s32 $0x18D98, s8;
	s12 =	sadd.s32 $0x30, s9  }
0x2e7: {  	[hbm4b:s12+s5] =	stream.linear.scatter [tilespmem:s29], [sflag:$0x4], $0x80, $0x38;
	[tilespmem:$0x1D180] =	vst v63  }
0x2e8: {  	s13 =	sadd.s32 $0x18E20, s8;
	s16 =	sadd.s32 $0x40, s9  }
0x2e9: {  	[hbm4b:s16+s5] =	stream.linear.scatter [tilespmem:s13], [sflag:$0x4], $0x80, $0x38;
	[tilespmem:$0x1D180] =	vst v63  }
0x2ea: {  	s18 =	sadd.s32 $0x18EA8, s8;
	s19 =	sadd.s32 $0x50, s9  }
0x2eb: {  	[hbm4b:s19+s5] =	stream.linear.scatter [tilespmem:s18], [sflag:$0x4], $0x80, $0x38;
	[tilespmem:$0x1D180] =	vst v63  }
0x2ec: {  	s29 =	sadd.s32 $0x18F30, s8;
	s12 =	sadd.s32 $0x60, s9  }
0x2ed: {  	[hbm4b:s12+s5] =	stream.linear.scatter [tilespmem:s29], [sflag:$0x4], $0x80, $0x38;
	[tilespmem:$0x1D180] =	vst v63  }
0x2ee: {  	s13 =	sadd.s32 $0x18FB8, s8;
	s16 =	sadd.s32 $0x70, s9  }
0x2ef: {  	[hbm4b:s16+s5] =	stream.linear.scatter [tilespmem:s13], [sflag:$0x4], $0x80, $0x38;
	[tilespmem:$0x1D180] =	vst v63  }
0x2f0: {  	s18 =	simm.s32 $0x6700  }
0x2f1: {  	[tilespmem:s30], [sflag:$0x2] =	stream.indirect.gather [hbm4b:s6+s22], $0x40, s18, s22, $0xb8;
	[tilespmem:$0x1D180] =	vst v63  }
0x2f2: {  	s19 =	simm.s32 $0x6780  }
0x2f3: {  	[tilespmem:s3], [sflag:$0x2] =	stream.indirect.gather [hbm4b:s6+s22], $0x40, s19, s22, $0xb8;
	[tilespmem:$0x1D180] =	vst v63  }
0x2f4: {  	s31 =	simm.s32 $0x0;
	s29 =	rddreg [dreg:$0x9]  }
0x2f5: {  	[tilespmem:s0], [sflag:$0x2] =	stream.linear.gather [hbm4b:s29+s31], $0x80, $0x38;
	[tilespmem:$0x1D180] =	vst v63  }
.LBB2_12:
0x2f6: {  	_ =	swait.ge [sflag:s1], $0x4000  }
0x2f7: {  	[sflag:s1] =	ssyncset.done $0x0  }
0x2f8: {  	[sflag:s1] =	ssyncadd.s32 $0xFFFFC000  }
0x2f9: {  	_ =	swait.ge [sflag:s1], $0x80  }
0x2fa: {  	[sflag:s1] =	ssyncset.done $0x0  }
0x2fb: {  	[sflag:s1] =	ssyncadd.s32 $0xFFFFFF80  }
0x2fc: {  	_ =	swait.ge [sflag:s20], $0x4000  }
0x2fd: {  	v38 =	vld [tilespmem:$0x1FF70]  }
0x2fe: {  	v39 =	vld [tilespmem:$0x1FF80]  }
0x2ff: {  	[sflag:s20] =	ssyncset.done $0x0;
	v12 =	vld [tilespmem:$0x1FFA0]  }
0x300: {  	s11 =	simm.s32 $0xFFFFFFF8;
	s8 =	simm.s32 $0xC900;
	v50 =	vld [tilespmem:$0x1FFB0];
	[sflag:s20] =	ssyncadd.s32 $0xFFFFC000  }
.LBB2_13:
0x301: {  	v0 =	vld [tilespmem:s8+$0xFFFFFF00]  }
0x302: {  	s9 =	sadd.s32 $0x8, s11;
	v1 =	vld [tilespmem:s8+$0xFFFFFF10]  }
0x303: {  	v2 =	vld [tilespmem:s8+$0xFFFFFF20];
	s13 =	sshrl.u32 s9, $0x1  }
0x304: {  	v3 =	vld [tilespmem:s8+$0xFFFFFF30];
	s13 =	sand.u32 $0x3FFFFFC0, s13  }
0x305: {  	v29 =	vld [tilespmem:s13+$0x1D000]  }
0x306: {  	v30 =	vld [tilespmem:s13+$0x1D010]  }
0x307: {  	v31 =	vld [tilespmem:s13+$0x1D020]  }
0x308: {  	v32 =	vld [tilespmem:s13+$0x1D030];
	_ =	sdelay $0x3  }
0x309: {  	v10 =	vadd.f32 v29, v0;
	v6 =	vadd.f32 v30, v1  }
0x30a: {  	v1 =	vadd.f32 v31, v2;
	v0 =	vadd.f32 v32, v3  }
0x30b: {  	v34 =	vmul.f32 v10, v10;
	v35 =	vmul.f32 v6, v6  }
0x30c: {  	v4 =	vmul.f32 v1, v1;
	v5 =	vmul.f32 v0, v0  }
0x30d: {  	v7 =	vadd.f32 v6, v10;
	v14 =	vadd.f32 v0, v1  }
0x30e: {  	v2 =	vadd.f32 v35, v34;
	v36 =	vadd.f32 v5, v4  }
0x30f: {  	v37 =	vadd.f32 v14, v7  }
0x310: {  	v2 =	vadd.f32 v36, v2  }
0x311: {  	v40 =	vperm.xlane v37, v38  }
0x312: {  	v47 =	vperm.xlane v2, v38  }
0x313: {  	v3 =	vadd.f32 v37, v40  }
0x314: {  	v2 =	vadd.f32 v47, v2  }
0x315: {  	v48 =	vld [tilespmem:s8+$0xFFFFFF40];
	v4 =	vperm.xlane v3, v39  }
0x316: {  	v49 =	vld [tilespmem:s8+$0xFFFFFF50];
	v5 =	vperm.xlane v2, v39  }
0x317: {  	v15 =	vld [tilespmem:s8+$0xFFFFFF70];
	v3 =	vadd.f32 v3, v4  }
0x318: {  	v14 =	vld [tilespmem:s8+$0xFFFFFF60];
	v2 =	vadd.f32 v5, v2  }
0x319: {  	v52 =	vperm.xlane v3, v12  }
0x31a: {  	v16 =	vperm.xlane v2, v12  }
0x31b: {  	v7 =	vadd.f32 v48, v29;
	v25 =	vadd.f32 v3, v52  }
0x31c: {  	v5 =	vadd.f32 v49, v30;
	v2 =	vadd.f32 v16, v2  }
0x31d: {  	v4 =	vadd.f32 v14, v31;
	v3 =	vadd.f32 v15, v32;
	v54 =	vperm.xlane v25, v50  }
0x31e: {  	v15 =	vmul.f32 v7, v7;
	v27 =	vadd.f32 v5, v7;
	v26 =	vperm.xlane v2, v50  }
0x31f: {  	v55 =	vmul.f32 v5, v5;
	v28 =	vadd.f32 v3, v4;
	v14 =	vadd.f32 v25, v54  }
0x320: {  	v25 =	vmul.f32 v4, v4;
	v2 =	vadd.f32 v26, v2;
	v26 =	vmul.f32 v3, v3  }
0x321: {  	v15 =	vadd.f32 v55, v15;
	v14 =	vmul.f32 $1.562500000e-02, v14  }
0x322: {  	v56 =	vadd.f32 v26, v25;
	v25 =	vadd.f32 v28, v27  }
0x323: {  	v2 =	vmul.f32 $1.562500000e-02, v2;
	v26 =	vmul.f32 v14, v14  }
0x324: {  	v15 =	vadd.f32 v56, v15;
	v57 =	vperm.xlane v25, v38  }
0x325: {  	v2 =	vsub.f32 v2, v26  }
0x326: {  	v26 =	vperm.xlane v15, v38;
	v16 =	vadd.f32 v25, v57  }
0x327: {  	v2 =	vadd.f32 $9.999999740e-06, v2  }
0x328: {  	v15 =	vadd.f32 v26, v15;
	v25 =	vperm.xlane v16, v39  }
0x329: {  	v26 =	vshrl.u32 v2, $0x1;
	v2 =	vmul.f32 $5.000000000e-01, v2  }
0x32a: {  	v33 =	vld [tilespmem:s8+$0xFFFFFF80];
	v26 =	vsub.s32 $0x5F3759DF, v26;
	v27 =	vperm.xlane v15, v39;
	v16 =	vadd.f32 v16, v25  }
0x32b: {  	v59 =	vld [tilespmem:s8+$0xFFFFFFA0];
	v25 =	vmul.f32 v26, v2  }
0x32c: {  	v35 =	vld [tilespmem:s8+$0xFFFFFFB0];
	v15 =	vadd.f32 v27, v15;
	v27 =	vperm.xlane v16, v12  }
0x32d: {  	v25 =	vmul.f32 v26, v25  }
0x32e: {  	v58 =	vperm.xlane v15, v12;
	v16 =	vadd.f32 v16, v27;
	v27 =	vld [tilespmem:s8+$0xFFFFFF90]  }
0x32f: {  	v48 =	vadd.f32 v33, v29;
	v25 =	vsub.f32 $1.500000000e+00, v25  }
0x330: {  	v8 =	vadd.f32 v59, v31;
	v15 =	vadd.f32 v58, v15;
	v34 =	vperm.xlane v16, v50  }
0x331: {  	v63 =	vmul.f32 v48, v48;
	v52 =	vadd.f32 v35, v32;
	v25 =	vmul.f32 v26, v25  }
0x332: {  	v36 =	vmul.f32 v8, v8;
	v26 =	vperm.xlane v15, v50;
	v16 =	vadd.f32 v16, v34  }
0x333: {  	v37 =	vmul.f32 v52, v52;
	v60 =	vmul.f32 v25, v2;
	v2 =	vadd.f32 v27, v30  }
0x334: {  	v62 =	vadd.f32 v52, v8;
	v15 =	vadd.f32 v26, v15;
	v16 =	vmul.f32 $1.562500000e-02, v16  }
0x335: {  	v36 =	vadd.f32 v37, v36;
	v26 =	vmul.f32 v60, v25;
	v9 =	vmul.f32 v2, v2  }
0x336: {  	v61 =	vadd.f32 v2, v48;
	v15 =	vmul.f32 $1.562500000e-02, v15;
	v27 =	vmul.f32 v16, v16  }
0x337: {  	v26 =	vsub.f32 $1.500000000e+00, v26;
	v11 =	vadd.f32 v9, v63  }
0x338: {  	v15 =	vsub.f32 v15, v27;
	v27 =	vadd.f32 v62, v61;
	_ =	sdelay $0x1  }
0x339: {  	v26 =	vmul.f32 v26, v25;
	v25 =	vadd.f32 v36, v11;
	v37 =	vperm.xlane v27, v38;
	_ =	sdelay $0x1  }
0x33a: {  	v49 =	vperm.xlane v25, v38;
	v27 =	vadd.f32 v27, v37  }
0x33b: {  	v14 =	vmul.f32 v26, v14  }
0x33c: {  	v10 =	vmul.f32 v26, v10;
	v25 =	vadd.f32 v49, v25;
	v54 =	vperm.xlane v27, v39  }
0x33d: {  	v15 =	vadd.f32 $9.999999740e-06, v15  }
0x33e: {  	s16 =	sshrl.u32 s9, $0x7;
	s18 =	sand.u32 $0x78, s9;
	v10 =	vsub.f32 v10, v14;
	v56 =	vperm.xlane v25, v39;
	v27 =	vadd.f32 v27, v54  }
0x33f: {  	v57 =	vmov s16;
	v58 =	vmov s18;
	v40 =	vshrl.u32 v15, $0x1  }
0x340: {  	v10 =	vmul.f32 v10, v41;
	v25 =	vadd.f32 v56, v25;
	v59 =	vperm.xlane v27, v12  }
0x341: {  	v6 =	vmul.f32 v26, v6;
	v15 =	vmul.f32 $5.000000000e-01, v15;
	v47 =	vsub.s32 $0x5F3759DF, v40  }
0x342: {  	v9 =	vadd.f32 v10, v44;
	v62 =	vperm.xlane v25, v12;
	v27 =	vadd.f32 v27, v59  }
0x343: {  	v60 =	vmul.u32 $0x2200, v57;
	v1 =	vmul.f32 v26, v1;
	v33 =	vmul.f32 v47, v15  }
0x344: {  	v6 =	vsub.f32 v6, v14;
	[tilespmem:$0x1FC60] =	vst v9;
	v9 =	vadd.f32 v62, v25;
	v63 =	vperm.xlane v27, v50  }
0x345: {  	v61 =	vshrl.u32 v58, $0x3;
	v1 =	vsub.f32 v1, v14;
	v55 =	vmul.f32 v47, v33  }
0x346: {  	v37 =	vld [tilespmem:s8+$0xFFFFFFC0];
	v6 =	vmul.f32 v6, v42;
	v11 =	vperm.xlane v9, v50;
	v27 =	vadd.f32 v27, v63  }
0x347: {  	v0 =	vmul.f32 v26, v0;
	v1 =	vmul.f32 v1, v43;
	v28 =	vsub.f32 $1.500000000e+00, v55  }
0x348: {  	v6 =	vadd.f32 v6, v45;
	v45 =	vld [tilespmem:s8+$0xFFFFFFE0];
	v49 =	vmul.f32 $1.562500000e-02, v27;
	v27 =	vadd.f32 v11, v9  }
0x349: {  	v0 =	vsub.f32 v0, v14;
	v10 =	vbroadcast v60, $0x0;
	v28 =	vmul.f32 v47, v28  }
0x34a: {  	v34 =	vshll.u32 v61, v23;
	v47 =	vld [tilespmem:s8+$0xFFFFFFF0];
	v35 =	vmul.f32 $1.562500000e-02, v27;
	v27 =	vmul.f32 v49, v49  }
0x34b: {  	v0 =	vmul.f32 v0, v46;
	v1 =	vadd.f32 v1, v51;
	v60 =	vadd.f32 v37, v29  }
0x34c: {  	s19 =	sadd.s32 $0x9, s11;
	v14 =	vld [tilespmem:s8+$0xFFFFFFD0];
	[tilespmem:$0x1FC70] =	vst v6;
	v26 =	vadd.s32 v24, v10;
	v15 =	vmul.f32 v28, v15;
	v6 =	vsub.f32 v35, v27  }
0x34d: {  	s13 =	sand.u32 $0x78, s19;
	[tilespmem:$0x1FC80] =	vst v1;
	v41 =	vmul.f32 v60, v60;
	v25 =	vadd.s32 v22, v10;
	v1 =	vadd.f32 v45, v31  }
0x34e: {  	v62 =	vmov s13;
	v15 =	vmul.f32 v15, v28;
	v6 =	vadd.f32 $9.999999740e-06, v6  }
0x34f: {  	v43 =	vshrl.u32 v62, $0x3;
	v63 =	vmul.f32 v1, v1;
	v58 =	vadd.f32 v47, v32  }
0x350: {  	v15 =	vsub.f32 $1.500000000e+00, v15;
	v54 =	vshrl.u32 v6, $0x1;
	v6 =	vmul.f32 $5.000000000e-01, v6  }
0x351: {  	v35 =	vadd.f32 v0, v53;
	v0 =	vadd.f32 v14, v30;
	v55 =	vsub.s32 $0x5F3759DF, v54  }
0x352: {  	v43 =	vshll.u32 v43, v23;
	v9 =	vmul.f32 v58, v58;
	v14 =	vmul.f32 v55, v6  }
0x353: {  	v47 =	vadd.f32 v58, v1;
	v15 =	vmul.f32 v15, v28;
	v61 =	vmul.f32 v0, v0  }
0x354: {  	v17 =	vadd.f32 v9, v63;
	v53 =	vld [tilespmem:$0x1FE70];
	v11 =	vadd.f32 v0, v60;
	v14 =	vmul.f32 v55, v14  }
0x355: {  	v16 =	vmul.f32 v15, v16;
	v7 =	vmul.f32 v15, v7;
	v41 =	vadd.f32 v61, v41  }
0x356: {  	v28 =	vadd.s32 v21, v10;
	v37 =	vadd.f32 v47, v11;
	v47 =	vld [tilespmem:$0x1FEB0];
	v14 =	vsub.f32 $1.500000000e+00, v14  }
0x357: {  	v27 =	vadd.s32 v20, v10;
	v5 =	vmul.f32 v15, v5;
	v51 =	vsub.f32 v7, v16  }
0x358: {  	v4 =	vmul.f32 v15, v4;
	v46 =	vadd.f32 v17, v41;
	v10 =	vmul.f32 v55, v14;
	v55 =	vld [tilespmem:$0x1FE80]  }
0x359: {  	v56 =	vld [tilespmem:$0x1FEC0];
	v5 =	vsub.f32 v5, v16;
	v7 =	vmul.f32 v51, v53;
	v53 =	vperm.xlane v37, v38  }
0x35a: {  	v4 =	vsub.f32 v4, v16;
	v61 =	vld [tilespmem:$0x1FE90];
	v51 =	vbroadcast v43, $0x0;
	v14 =	vperm.xlane v46, v38  }
0x35b: {  	v3 =	vmul.f32 v15, v3;
	v41 =	vadd.f32 v7, v47;
	v7 =	vadd.f32 v37, v53  }
0x35c: {  	v62 =	vld [tilespmem:$0x1FEA0];
	v54 =	vadd.s32 v25, v51;
	v6 =	vmul.f32 v10, v6;
	v14 =	vadd.f32 v14, v46  }
0x35d: {  	v42 =	vor.u32 $0x1, v54;
	v54 =	vld [tilespmem:s8+$0x30];
	v57 =	vperm.xlane v7, v39;
	v5 =	vmul.f32 v5, v55  }
0x35e: {  	v3 =	vsub.f32 v3, v16;
	v53 =	vld [tilespmem:s8+$0x0];
	v6 =	vmul.f32 v6, v10;
	v15 =	vperm.xlane v14, v39  }
0x35f: {  	v4 =	vmul.f32 v4, v61;
	v61 =	vld [tilespmem:$0x1FEE0];
	v43 =	vadd.f32 v5, v56;
	v5 =	vadd.f32 v7, v57  }
0x360: {  	v6 =	vsub.f32 $1.500000000e+00, v6;
	v14 =	vadd.f32 v15, v14;
	v15 =	vld [tilespmem:s8+$0x20]  }
0x361: {  	v3 =	vmul.f32 v3, v62;
	v59 =	vadd.s32 v26, v51;
	v57 =	vld [tilespmem:$0x1FED0];
	v63 =	vperm.xlane v5, v12  }
0x362: {  	v45 =	vor.u32 $0x1, v59;
	v37 =	vadd.s32 v27, v51;
	v7 =	vld [tilespmem:s8+$0x10];
	v55 =	vmul.f32 v6, v10  }
0x363: {  	v47 =	vor.u32 $0x1, v37;
	v56 =	vperm.xlane v14, v12;
	v59 =	vadd.f32 v5, v63  }
0x364: {  	v44 =	vadd.f32 v3, v61;
	v6 =	vadd.f32 v53, v29;
	v3 =	vmul.f32 v55, v49  }
0x365: {  	v14 =	vadd.f32 v56, v14;
	v10 =	vadd.f32 v15, v31;
	v16 =	vperm.xlane v59, v50  }
0x366: {  	v5 =	vadd.f32 v54, v32;
	v15 =	vmul.f32 v6, v6;
	v46 =	vadd.f32 v4, v57  }
0x367: {  	v7 =	vadd.f32 v7, v30;
	v62 =	vperm.xlane v14, v50;
	v4 =	vadd.f32 v59, v16  }
0x368: {  	v9 =	vmul.f32 v10, v10;
	v11 =	vmul.f32 v5, v5;
	v56 =	vadd.f32 v5, v10  }
0x369: {  	v17 =	vld [tilespmem:$0x1FE70];
	v63 =	vmul.f32 v7, v7;
	v14 =	vadd.f32 v62, v14;
	v4 =	vmul.f32 $1.562500000e-02, v4  }
0x36a: {  	v48 =	vmul.f32 v55, v48;
	v37 =	vadd.f32 v7, v6;
	v59 =	vadd.f32 v11, v9  }
0x36b: {  	v15 =	vadd.f32 v63, v15;
	v14 =	vmul.f32 $1.562500000e-02, v14;
	v63 =	vmul.f32 v4, v4  }
0x36c: {  	v62 =	vsub.f32 v48, v3;
	v53 =	vadd.f32 v56, v37  }
0x36d: {  	v15 =	vadd.f32 v59, v15;
	v14 =	vsub.f32 v14, v63;
	v63 =	vld [tilespmem:$0x1FEB0]  }
0x36e: {  	v16 =	vmul.f32 v62, v17  }
0x36f: {  	s29 =	sadd.s32 $0xA, s11;
	v61 =	vadd.s32 v28, v51;
	v37 =	vperm.xlane v53, v38;
	v62 =	vperm.xlane v15, v38  }
0x370: {  	s13 =	sand.u32 $0x78, s29;
	v2 =	vmul.f32 v55, v2;
	v48 =	vor.u32 $0x1, v61;
	v59 =	vld [tilespmem:$0x1FE80]  }
0x371: {  	v61 =	vmov s13;
	v9 =	vadd.f32 v53, v37;
	v15 =	vadd.f32 v62, v15  }
0x372: {  	v11 =	vshrl.u32 v61, $0x3;
	v14 =	vadd.f32 $9.999999740e-06, v14;
	v49 =	vadd.f32 v16, v63;
	v63 =	vld [tilespmem:$0x1FEC0]  }
0x373: {  	v2 =	vsub.f32 v2, v3;
	v51 =	vshll.u32 v11, v23;
	v37 =	vperm.xlane v15, v39  }
0x374: {  	v53 =	vperm.xlane v9, v39;
	v17 =	vshrl.u32 v14, $0x1;
	v14 =	vmul.f32 $5.000000000e-01, v14  }
0x375: {  	v2 =	vmul.f32 v2, v59;
	v54 =	vsub.s32 $0x5F3759DF, v17;
	v15 =	vadd.f32 v37, v15  }
0x376: {  	v61 =	vbroadcast v51, $0x0;
	v16 =	vadd.f32 v9, v53;
	v62 =	vmul.f32 v54, v14  }
0x377: {  	v17 =	vmul.f32 v55, v8;
	v59 =	vperm.xlane v15, v12;
	v37 =	vadd.f32 v2, v63;
	v63 =	vld [tilespmem:$0x1FE90]  }
0x378: {  	v57 =	vperm.xlane v16, v12;
	v11 =	vmul.f32 v54, v62;
	v62 =	vld [tilespmem:s8+$0x40]  }
0x379: {  	v52 =	vmul.f32 v55, v52;
	v53 =	vadd.s32 v25, v61;
	v15 =	vadd.f32 v59, v15;
	v59 =	vld [tilespmem:$0x1FEA0]  }
0x37a: {  	v13 =	vld [tilespmem:s8+$0x70];
	v51 =	vor.u32 $0x2, v53;
	v53 =	vsub.f32 v17, v3;
	v16 =	vadd.f32 v16, v57  }
0x37b: {  	v56 =	vld [tilespmem:s8+$0x50];
	v3 =	vsub.f32 v52, v3;
	v2 =	vsub.f32 $1.500000000e+00, v11  }
0x37c: {  	v55 =	vld [tilespmem:s8+$0x60];
	v57 =	vadd.s32 v26, v61;
	v17 =	vmul.f32 v53, v63;
	v63 =	vperm.xlane v16, v50  }
0x37d: {  	v2 =	vmul.f32 v54, v2;
	v54 =	vperm.xlane v15, v50;
	v53 =	vor.u32 $0x2, v57;
	v57 =	vld [tilespmem:$0x1FED0]  }
0x37e: {  	v16 =	vadd.f32 v16, v63;
	v63 =	vmul.f32 v3, v59;
	v3 =	vadd.f32 v62, v29;
	v62 =	vld [tilespmem:$0x1FEE0];
	_ =	sdelay $0x1  }
0x37f: {  	v15 =	vadd.f32 v54, v15  }
0x380: {  	v59 =	vadd.f32 v56, v30;
	v56 =	vadd.f32 v13, v32  }
0x381: {  	v16 =	vmul.f32 $1.562500000e-02, v16;
	v52 =	vadd.f32 v17, v57;
	v57 =	vadd.f32 v55, v31  }
0x382: {  	v14 =	vmul.f32 v2, v14;
	v13 =	vmul.f32 $1.562500000e-02, v15;
	v54 =	vadd.f32 v63, v62  }
0x383: {  	v15 =	vmul.f32 v16, v16;
	v62 =	vadd.f32 v59, v3;
	v17 =	vadd.f32 v56, v57  }
0x384: {  	v11 =	vadd.s32 v27, v61;
	v14 =	vmul.f32 v14, v2;
	v8 =	vmul.f32 v3, v3  }
0x385: {  	v9 =	vmul.f32 v59, v59;
	v13 =	vsub.f32 v13, v15;
	v15 =	vadd.f32 v17, v62  }
0x386: {  	v14 =	vsub.f32 $1.500000000e+00, v14;
	v18 =	vmul.f32 v56, v56;
	v17 =	vmul.f32 v57, v57  }
0x387: {  	s12 =	sadd.s32 $0xB, s11;
	v55 =	vor.u32 $0x2, v11;
	v11 =	vadd.f32 $9.999999740e-06, v13;
	v13 =	vperm.xlane v15, v38  }
0x388: {  	s13 =	sand.u32 $0x78, s12;
	v62 =	vadd.f32 v9, v8;
	v17 =	vadd.f32 v18, v17  }
0x389: {  	v19 =	vmov s13;
	v14 =	vmul.f32 v14, v2;
	v13 =	vadd.f32 v15, v13  }
0x38a: {  	v63 =	vmul.f32 $5.000000000e-01, v11;
	v15 =	vshrl.u32 v11, $0x1;
	v8 =	vadd.f32 v17, v62  }
0x38b: {  	v21 =	vld [tilespmem:s8+$0x80];
	v9 =	vshrl.u32 v19, $0x3;
	v15 =	vsub.s32 $0x5F3759DF, v15;
	v19 =	vperm.xlane v13, v39  }
0x38c: {  	v61 =	vadd.s32 v28, v61;
	v62 =	vld [tilespmem:$0x1FE70];
	v11 =	vmul.f32 v15, v63;
	v20 =	vperm.xlane v8, v38  }
0x38d: {  	v18 =	vmul.f32 v14, v4;
	v4 =	vmul.f32 v14, v60;
	v13 =	vadd.f32 v13, v19;
	v19 =	vld [tilespmem:s8+$0x90]  }
0x38e: {  	v60 =	vor.u32 $0x2, v61;
	v61 =	vmul.f32 v15, v11;
	v2 =	vadd.f32 v20, v8;
	v20 =	vld [tilespmem:s8+$0xA0]  }
0x38f: {  	v0 =	vmul.f32 v14, v0;
	v17 =	vshll.u32 v9, v23;
	v23 =	vld [tilespmem:s8+$0xB0];
	v22 =	vperm.xlane v13, v12  }
0x390: {  	v1 =	vmul.f32 v14, v1;
	v24 =	vsub.f32 $1.500000000e+00, v61;
	v8 =	vperm.xlane v2, v39;
	v61 =	vld [tilespmem:$0x1FEB0]  }
0x391: {  	v14 =	vmul.f32 v14, v58;
	v4 =	vsub.f32 v4, v18;
	v11 =	vld [tilespmem:$0x1FE80];
	v13 =	vadd.f32 v13, v22  }
0x392: {  	v22 =	vsub.f32 v0, v18;
	v15 =	vmul.f32 v15, v24;
	v8 =	vadd.f32 v8, v2  }
0x393: {  	v4 =	vmul.f32 v4, v62;
	v2 =	vadd.f32 v19, v30;
	v0 =	vadd.f32 v20, v31  }
0x394: {  	v24 =	vperm.xlane v13, v50;
	v19 =	vmul.f32 v15, v63;
	v63 =	vadd.f32 v23, v32  }
0x395: {  	v20 =	vperm.xlane v8, v12;
	v61 =	vadd.f32 v4, v61;
	v4 =	vadd.f32 v21, v29  }
0x396: {  	v22 =	vmul.f32 v22, v11;
	v11 =	vsub.f32 v1, v18;
	v13 =	vadd.f32 v13, v24  }
0x397: {  	v19 =	vmul.f32 v19, v15;
	v23 =	vadd.f32 v63, v0;
	v21 =	vadd.f32 v2, v4  }
0x398: {  	v8 =	vadd.f32 v20, v8;
	v24 =	vmul.f32 v2, v2;
	v9 =	vmul.f32 v63, v63  }
0x399: {  	v20 =	vmul.f32 v4, v4;
	v21 =	vadd.f32 v23, v21;
	v23 =	vmul.f32 v0, v0  }
0x39a: {  	v18 =	vsub.f32 v14, v18;
	v19 =	vsub.f32 $1.500000000e+00, v19  }
0x39b: {  	v14 =	vld [tilespmem:$0x1FEC0];
	v20 =	vadd.f32 v24, v20;
	v1 =	vadd.f32 v9, v23  }
0x39c: {  	v13 =	vmul.f32 $1.562500000e-02, v13;
	v24 =	vperm.xlane v8, v50  }
0x39d: {  	v15 =	vmul.f32 v19, v15;
	v9 =	vld [tilespmem:s8+$0xC0];
	v1 =	vadd.f32 v1, v20;
	v20 =	vperm.xlane v21, v38  }
0x39e: {  	v58 =	vmul.f32 v13, v13;
	v8 =	vadd.f32 v24, v8  }
0x39f: {  	v16 =	vmul.f32 v15, v16;
	v20 =	vadd.f32 v21, v20;
	v21 =	vperm.xlane v1, v38  }
0x3a0: {  	v14 =	vadd.f32 v22, v14;
	v6 =	vmul.f32 v15, v6;
	v8 =	vmul.f32 $1.562500000e-02, v8  }
0x3a1: {  	v24 =	vld [tilespmem:s8+$0xF0];
	v7 =	vmul.f32 v15, v7;
	v21 =	vadd.f32 v21, v1;
	v22 =	vperm.xlane v20, v39  }
0x3a2: {  	v10 =	vmul.f32 v15, v10;
	v8 =	vsub.f32 v8, v58;
	v58 =	vadd.f32 v9, v29  }
0x3a3: {  	v9 =	vmul.f32 v15, v5;
	v5 =	vadd.f32 v20, v22;
	v15 =	vperm.xlane v21, v39;
	_ =	sdelay $0x1  }
0x3a4: {  	v19 =	vld [tilespmem:s8+$0xD0];
	v15 =	vadd.f32 v15, v21;
	v21 =	vperm.xlane v5, v12  }
0x3a5: {  	v29 =	vadd.f32 v24, v32;
	v32 =	vld [tilespmem:$0x1FE90]  }
0x3a6: {  	v23 =	vld [tilespmem:s8+$0xE0];
	v5 =	vadd.f32 v5, v21;
	v21 =	vperm.xlane v15, v12;
	_ =	sdelay $0x1  }
0x3a7: {  	v15 =	vadd.f32 v21, v15;
	_ =	sdelay $0x1  }
0x3a8: {  	v30 =	vadd.f32 v19, v30;
	v11 =	vmul.f32 v11, v32;
	v32 =	vperm.xlane v15, v50  }
0x3a9: {  	v1 =	vadd.f32 v23, v31  }
0x3aa: {  	v23 =	vmul.f32 v30, v30;
	v15 =	vadd.f32 v32, v15;
	v32 =	vld [tilespmem:$0x1FEA0]  }
0x3ab: {  	v19 =	vadd.f32 v30, v58;
	v31 =	vmul.f32 v29, v29;
	v20 =	vadd.f32 v29, v1  }
0x3ac: {  	v22 =	vmul.f32 v58, v58;
	v24 =	vmul.f32 v1, v1  }
0x3ad: {  	v19 =	vadd.f32 v20, v19  }
0x3ae: {  	v22 =	vadd.f32 v23, v22;
	v23 =	vadd.f32 v31, v24  }
0x3af: {  	v18 =	vmul.f32 v18, v32;
	v32 =	vld [tilespmem:$0x1FEE0]  }
0x3b0: {  	v8 =	vadd.f32 $9.999999740e-06, v8;
	v22 =	vadd.f32 v23, v22;
	v23 =	vperm.xlane v19, v38  }
0x3b1: {  	v31 =	vperm.xlane v5, v50  }
0x3b2: {  	v20 =	vshrl.u32 v8, $0x1;
	v19 =	vadd.f32 v19, v23;
	v23 =	vperm.xlane v22, v38  }
0x3b3: {  	v8 =	vmul.f32 $5.000000000e-01, v8;
	v20 =	vsub.s32 $0x5F3759DF, v20;
	v31 =	vadd.f32 v5, v31;
	v5 =	vld [tilespmem:$0x1FED0]  }
0x3b4: {  	v22 =	vadd.f32 v23, v22;
	v23 =	vperm.xlane v19, v39;
	v18 =	vadd.f32 v18, v32;
	v32 =	vld [tilespmem:$0x1FE70]  }
0x3b5: {  	v24 =	vmul.f32 v20, v8  }
0x3b6: {  	v19 =	vadd.f32 v19, v23;
	v23 =	vperm.xlane v22, v39  }
0x3b7: {  	v17 =	vbroadcast v17, $0x0;
	v6 =	vsub.f32 v6, v16;
	v24 =	vmul.f32 v20, v24  }
0x3b8: {  	v31 =	vmul.f32 $1.562500000e-02, v31;
	v22 =	vadd.f32 v23, v22;
	v5 =	vadd.f32 v11, v5  }
0x3b9: {  	v11 =	vsub.f32 $1.500000000e+00, v24;
	v24 =	vadd.s32 v27, v17;
	v6 =	vmul.f32 v6, v32;
	v32 =	vld [tilespmem:$0x1FFC0]  }
0x3ba: {  	s16 =	sadd.s32 $0xC, s11;
	v15 =	vmul.f32 $1.562500000e-02, v15;
	v23 =	vor.u32 $0x3, v24;
	v24 =	vmul.f32 v31, v31  }
0x3bb: {  	s13 =	sand.u32 $0x78, s16  }
0x3bc: {  	v15 =	vsub.f32 v15, v24;
	v24 =	vmov s13  }
0x3bd: {  	v24 =	vshrl.u32 v24, $0x3  }
0x3be: {  	v24 =	vshll.u32 v24, v32;
	v32 =	vld [tilespmem:$0x1FEB0];
	_ =	sdelay $0x4  }
0x3bf: {  	v6 =	vadd.f32 v6, v32;
	v32 =	vld [tilespmem:$0x1FE80];
	_ =	sdelay $0x2  }
0x3c0: {  	v40 =	vbroadcast v34, $0x0;
	v7 =	vsub.f32 v7, v16;
	_ =	sdelay $0x1  }
0x3c1: {  	v36 =	vadd.s32 v40, v25;
	v7 =	vmul.f32 v7, v32;
	v32 =	vld [tilespmem:$0x1FC60];
	_ =	sdelay $0x4  }
0x3c2: {  	[tilespmem:v36+s2+$0x0] =	vst.idx.msk $0xffff, v32;
	v36 =	vld [tilespmem:$0x1FEC0]  }
0x3c3: {  	v11 =	vmul.f32 v20, v11;
	_ =	sdelay $0x1  }
0x3c4: {  	v8 =	vmul.f32 v11, v8;
	_ =	sdelay $0x1  }
0x3c5: {  	v34 =	vadd.s32 v40, v26;
	v8 =	vmul.f32 v8, v11;
	v7 =	vadd.f32 v7, v36;
	v36 =	vld [tilespmem:$0x1FC70];
	_ =	sdelay $0x1  }
0x3c6: {  	v15 =	vadd.f32 $9.999999740e-06, v15;
	v8 =	vsub.f32 $1.500000000e+00, v8;
	_ =	sdelay $0x1  }
0x3c7: {  	v8 =	vmul.f32 v8, v11;
	v11 =	vshrl.u32 v15, $0x1;
	v15 =	vmul.f32 $5.000000000e-01, v15  }
0x3c8: {  	v11 =	vsub.s32 $0x5F3759DF, v11;
	[tilespmem:v34+s2+$0x0] =	vst.idx.msk $0xffff, v36;
	v36 =	vld [tilespmem:$0x1FE90]  }
0x3c9: {  	v10 =	vsub.f32 v10, v16;
	v9 =	vsub.f32 v9, v16;
	v16 =	vmul.f32 v11, v15;
	_ =	sdelay $0x1  }
0x3ca: {  	v16 =	vmul.f32 v11, v16  }
0x3cb: {  	v20 =	vperm.xlane v19, v12  }
0x3cc: {  	v16 =	vsub.f32 $1.500000000e+00, v16;
	v10 =	vmul.f32 v10, v36;
	v36 =	vld [tilespmem:$0x1FEA0]  }
0x3cd: {  	v19 =	vadd.f32 v19, v20;
	v20 =	vperm.xlane v22, v12  }
0x3ce: {  	v11 =	vmul.f32 v11, v16  }
0x3cf: {  	v20 =	vadd.f32 v20, v22;
	v22 =	vperm.xlane v19, v50  }
0x3d0: {  	v33 =	vadd.s32 v40, v27;
	v15 =	vmul.f32 v11, v15  }
0x3d1: {  	v19 =	vadd.f32 v19, v22;
	v22 =	vperm.xlane v20, v50;
	v9 =	vmul.f32 v9, v36;
	v36 =	vld [tilespmem:$0x1FC80]  }
0x3d2: {  	[tilespmem:v42+s2+$0x0] =	vst.idx.msk $0xffff, v41;
	v41 =	vld [tilespmem:$0x1FE70];
	v15 =	vmul.f32 v15, v11  }
0x3d3: {  	v20 =	vadd.f32 v22, v20;
	v13 =	vmul.f32 v8, v13;
	v3 =	vmul.f32 v8, v3  }
0x3d4: {  	v40 =	vadd.s32 v40, v28;
	v62 =	vadd.s32 v25, v17;
	v15 =	vsub.f32 $1.500000000e+00, v15  }
0x3d5: {  	v19 =	vmul.f32 $1.562500000e-02, v19;
	v20 =	vmul.f32 $1.562500000e-02, v20;
	v3 =	vsub.f32 v3, v13  }
0x3d6: {  	v62 =	vor.u32 $0x3, v62;
	v59 =	vmul.f32 v8, v59;
	v11 =	vmul.f32 v15, v11;
	[tilespmem:v33+s2+$0x0] =	vst.idx.msk $0xffff, v36;
	v36 =	vld [tilespmem:$0x1FED0]  }
0x3d7: {  	v21 =	vadd.s32 v26, v17;
	v3 =	vmul.f32 v3, v41;
	v24 =	vbroadcast v24, $0x0  }
0x3d8: {  	v17 =	vadd.s32 v28, v17;
	v31 =	vmul.f32 v11, v31;
	v4 =	vmul.f32 v11, v4  }
0x3d9: {  	s18 =	sadd.s32 $0xD, s11;
	v42 =	vld [tilespmem:$0x1FE80];
	v22 =	vadd.s32 v25, v24;
	v2 =	vmul.f32 v11, v2;
	v0 =	vmul.f32 v11, v0  }
0x3da: {  	v21 =	vor.u32 $0x3, v21;
	s13 =	sand.u32 $0x78, s18;
	v11 =	vmul.f32 v11, v63;
	v32 =	vmul.f32 v19, v19;
	[tilespmem:v40+s2+$0x0] =	vst.idx.msk $0xffff, v35;
	v40 =	vld [tilespmem:$0x1FEE0]  }
0x3db: {  	[tilespmem:v45+s2+$0x0] =	vst.idx.msk $0xffff, v43;
	v45 =	vld [tilespmem:$0x1FEC0];
	v4 =	vsub.f32 v4, v31;
	v10 =	vadd.f32 v10, v36;
	v36 =	vmov s13  }
0x3dc: {  	[tilespmem:v47+s2+$0x0] =	vst.idx.msk $0xffff, v46;
	v2 =	vsub.f32 v2, v31;
	v20 =	vsub.f32 v20, v32;
	v16 =	vshrl.u32 v36, $0x3;
	v36 =	vld [tilespmem:$0x1FFC0]  }
0x3dd: {  	v43 =	vld [tilespmem:$0x1FE90];
	[tilespmem:v48+s2+$0x0] =	vst.idx.msk $0xffff, v44;
	v22 =	vor.u32 $0x4, v22;
	v0 =	vsub.f32 v0, v31;
	v11 =	vsub.f32 v11, v31  }
0x3de: {  	v44 =	vld [tilespmem:$0x1FEB0];
	[tilespmem:v51+s2+$0x0] =	vst.idx.msk $0xffff, v49;
	v4 =	vmul.f32 v4, v41;
	v32 =	vadd.s32 v26, v24;
	v20 =	vadd.f32 $9.999999740e-06, v20  }
0x3df: {  	v46 =	vld [tilespmem:$0x1FEA0];
	[tilespmem:v53+s2+$0x0] =	vst.idx.msk $0xffff, v37;
	v32 =	vor.u32 $0x4, v32;
	v9 =	vadd.f32 v9, v40;
	v40 =	vmul.f32 v8, v57  }
0x3e0: {  	v51 =	vld [tilespmem:$0x1FED0];
	[tilespmem:v62+s2+$0x0] =	vst.idx.msk $0xffff, v61;
	v8 =	vmul.f32 v8, v56;
	v56 =	vshrl.u32 v20, $0x1;
	v20 =	vmul.f32 $5.000000000e-01, v20  }
0x3e1: {  	v53 =	vld [tilespmem:$0x1FEE0];
	[tilespmem:v21+s2+$0x0] =	vst.idx.msk $0xffff, v14;
	v34 =	vsub.f32 v59, v13;
	v16 =	vshll.u32 v16, v36;
	v36 =	vsub.s32 $0x5F3759DF, v56  }
0x3e2: {  	v35 =	vsub.f32 v40, v13;
	v8 =	vsub.f32 v8, v13;
	v13 =	vmul.f32 v36, v20  }
0x3e3: {  	v3 =	vadd.f32 v3, v44;
	v2 =	vmul.f32 v2, v42;
	v0 =	vmul.f32 v0, v43  }
0x3e4: {  	s29 =	sadd.s32 $0xF, s11;
	v11 =	vmul.f32 v11, v46;
	v4 =	vadd.f32 v4, v44;
	v13 =	vmul.f32 v36, v13  }
0x3e5: {  	s19 =	sadd.s32 $0xE, s11;
	s11 =	sand.u32 $0x78, s29;
	v17 =	vor.u32 $0x3, v17;
	[tilespmem:v22+s2+$0x0] =	vst.idx.msk $0xffff, v6;
	v2 =	vadd.f32 v2, v45;
	v0 =	vadd.f32 v0, v51  }
0x3e6: {  	v11 =	vadd.f32 v11, v53;
	[tilespmem:v32+s2+$0x0] =	vst.idx.msk $0xffff, v7;
	v32 =	vmov s11;
	v13 =	vsub.f32 $1.500000000e+00, v13  }
0x3e7: {  	[tilespmem:v23+s2+$0x0] =	vst.idx.msk $0xffff, v5;
	v23 =	vld [tilespmem:$0x1FFC0];
	v47 =	vshrl.u32 v32, $0x3;
	v34 =	vmul.f32 v34, v42;
	v16 =	vbroadcast v16, $0x0  }
0x3e8: {  	v33 =	vadd.s32 v27, v24;
	v24 =	vadd.s32 v28, v24;
	v13 =	vmul.f32 v36, v13  }
0x3e9: {  	v33 =	vor.u32 $0x4, v33;
	s13 =	sand.u32 $0x78, s19;
	v8 =	vmul.f32 v8, v46;
	v15 =	vadd.s32 v25, v16  }
0x3ea: {  	[tilespmem:v55+s2+$0x0] =	vst.idx.msk $0xffff, v52;
	v14 =	vmov s13;
	v15 =	vor.u32 $0x5, v15;
	v20 =	vmul.f32 v13, v20  }
0x3eb: {  	[tilespmem:v60+s2+$0x0] =	vst.idx.msk $0xffff, v54;
	v24 =	vor.u32 $0x4, v24;
	v61 =	vshrl.u32 v14, $0x3;
	v60 =	vadd.f32 v8, v53  }
0x3ec: {  	v8 =	vshll.u32 v61, v23;
	v57 =	vadd.s32 v26, v16;
	v14 =	vmul.f32 v20, v13  }
0x3ed: {  	[tilespmem:v17+s2+$0x0] =	vst.idx.msk $0xffff, v18;
	v34 =	vadd.f32 v34, v45;
	v8 =	vbroadcast v8, $0x0;
	v37 =	vor.u32 $0x5, v57  }
0x3ee: {  	[tilespmem:v33+s2+$0x0] =	vst.idx.msk $0xffff, v10;
	v59 =	vadd.s32 v27, v16;
	v16 =	vadd.s32 v28, v16;
	v14 =	vsub.f32 $1.500000000e+00, v14  }
0x3ef: {  	v35 =	vmul.f32 v35, v43;
	v62 =	vor.u32 $0x5, v16;
	v36 =	vor.u32 $0x5, v59;
	[tilespmem:v15+s2+$0x0] =	vst.idx.msk $0xffff, v3  }
0x3f0: {  	v3 =	vshll.u32 v47, v23;
	v13 =	vmul.f32 v14, v13;
	v14 =	vadd.s32 v25, v8  }
0x3f1: {  	[tilespmem:v24+s2+$0x0] =	vst.idx.msk $0xffff, v9;
	v3 =	vbroadcast v3, $0x0;
	v63 =	vor.u32 $0x6, v14;
	v14 =	vadd.s32 v26, v8  }
0x3f2: {  	v35 =	vadd.f32 v35, v51;
	[tilespmem:v37+s2+$0x0] =	vst.idx.msk $0xffff, v34;
	v31 =	vor.u32 $0x6, v14;
	v14 =	vmul.f32 v13, v19  }
0x3f3: {  	v52 =	vadd.s32 v25, v3;
	v33 =	vmul.f32 v13, v58;
	v40 =	vmul.f32 v13, v30  }
0x3f4: {  	v1 =	vmul.f32 v13, v1;
	v48 =	vmul.f32 v13, v29;
	v13 =	vadd.s32 v27, v8  }
0x3f5: {  	[tilespmem:v36+s2+$0x0] =	vst.idx.msk $0xffff, v35;
	v56 =	vadd.s32 v26, v3;
	v8 =	vadd.s32 v28, v8;
	v13 =	vor.u32 $0x6, v13  }
0x3f6: {  	[tilespmem:v62+s2+$0x0] =	vst.idx.msk $0xffff, v60;
	v54 =	vor.u32 $0x7, v52;
	v8 =	vor.u32 $0x6, v8;
	v15 =	vsub.f32 v33, v14  }
0x3f7: {  	v58 =	vadd.s32 v27, v3;
	v3 =	vadd.s32 v28, v3;
	v49 =	vsub.f32 v40, v14  }
0x3f8: {  	v57 =	vor.u32 $0x7, v56;
	v1 =	vsub.f32 v1, v14;
	v15 =	vmul.f32 v15, v41;
	[tilespmem:v63+s2+$0x0] =	vst.idx.msk $0xffff, v4  }
0x3f9: {  	v59 =	vor.u32 $0x7, v58;
	v60 =	vsub.f32 v48, v14;
	v55 =	vmul.f32 v49, v42;
	[tilespmem:v31+s2+$0x0] =	vst.idx.msk $0xffff, v2  }
0x3fa: {  	p0 =	slt.u32 s9, $0xF8;
	v3 =	vor.u32 $0x7, v3;
	v1 =	vmul.f32 v1, v43;
	[tilespmem:v13+s2+$0x0] =	vst.idx.msk $0xffff, v0;
	v61 =	vadd.f32 v15, v44  }
.Ltmp5:
0x3fb: {  	v7 =	vmul.f32 v60, v46;
	v6 =	vadd.f32 v55, v45;
	[tilespmem:v8+s2+$0x0] =	vst.idx.msk $0xffff, v11;
	(pc) =	sbr.rel @p0 .LBB2_13-.Ltmp5, $4  }
0x3fc: {  	v21 =	vld [tilespmem:$0x1FFF0];
	v62 =	vadd.f32 v1, v51;
	[tilespmem:v54+s2+$0x0] =	vst.idx.msk $0xffff, v61  }
0x3fd: {  	v22 =	vld [tilespmem:$0x1FF90];
	v63 =	vadd.f32 v7, v53;
	[tilespmem:v57+s2+$0x0] =	vst.idx.msk $0xffff, v6  }
0x3fe: {  	v24 =	vld [tilespmem:$0x1FFD0];
	[tilespmem:v59+s2+$0x0] =	vst.idx.msk $0xffff, v62  }
0x3ff: {  	s8 =	sadd.s32 $0x200, s8;
	s11 =	smov.u32 s9;
	v20 =	vld [tilespmem:$0x1FFE0];
	[tilespmem:v3+s2+$0x0] =	vst.idx.msk $0xffff, v63  }
0x400: {  	s8 =	sshll.u32 s31, $0x14  }
0x401: {  	s9 =	sadd.s32 s14, s8  }
0x402: {  	s9 =	sshrl.u32 s9, $0x3  }
0x403: {  	s29 =	simm.s32 $0x14800;
	s11 =	sadd.s32 s4, s9  }
0x404: {  	[hbm4b:s11+s5] =	stream.linear.scatter [tilespmem:s29], [sflag:$0x3], $0x80, $0x38;
	[tilespmem:$0x1D180] =	vst v63  }
0x405: {  	s12 =	simm.s32 $0x14888;
	s13 =	sadd.s32 $0x10, s11  }
0x406: {  	[hbm4b:s13+s5] =	stream.linear.scatter [tilespmem:s12], [sflag:$0x3], $0x80, $0x38;
	[tilespmem:$0x1D180] =	vst v63  }
0x407: {  	s16 =	sadd.s32 $0x20, s11;
	s13 =	simm.s32 $0x14910  }
0x408: {  	[hbm4b:s16+s5] =	stream.linear.scatter [tilespmem:s13], [sflag:$0x3], $0x80, $0x38;
	[tilespmem:$0x1D180] =	vst v63  }
0x409: {  	s18 =	simm.s32 $0x14998;
	s19 =	sadd.s32 $0x30, s11  }
0x40a: {  	[hbm4b:s19+s5] =	stream.linear.scatter [tilespmem:s18], [sflag:$0x3], $0x80, $0x38;
	[tilespmem:$0x1D180] =	vst v63  }
0x40b: {  	s29 =	simm.s32 $0x14A20;
	s12 =	sadd.s32 $0x40, s11  }
0x40c: {  	[hbm4b:s12+s5] =	stream.linear.scatter [tilespmem:s29], [sflag:$0x3], $0x80, $0x38;
	[tilespmem:$0x1D180] =	vst v63  }
0x40d: {  	s9 =	simm.s32 $0x440;
	s16 =	simm.s32 $0x14AA8;
	s18 =	sadd.s32 $0x50, s11  }
0x40e: {  	[hbm4b:s18+s5] =	stream.linear.scatter [tilespmem:s16], [sflag:$0x3], $0x80, $0x38;
	[tilespmem:$0x1D180] =	vst v63  }
0x40f: {  	s13 =	simm.s32 $0x2200;
	s19 =	simm.s32 $0x14B30;
	s29 =	sadd.s32 $0x60, s11  }
0x410: {  	[hbm4b:s29+s5] =	stream.linear.scatter [tilespmem:s19], [sflag:$0x3], $0x80, $0x38;
	[tilespmem:$0x1D180] =	vst v63  }
0x411: {  	s18 =	simm.s32 $0x14BB8;
	s19 =	sadd.s32 $0x70, s11;
	s11 =	sadd.s32 $0x1000, s11  }
.LBB2_15:
0x412: {  	[hbm4b:s19+s5] =	stream.linear.scatter [tilespmem:s18], [sflag:$0x3], $0x80, $0x38;
	[tilespmem:$0x1D180] =	vst v63  }
0x413: {  	s18 =	smov.u32 s9;
	s9 =	smov.u32 s13  }
0x414: {  	s29 =	sadd.s32 $0x1100, s13;
	s9 =	sshra.s32 s9, $0x2;
	s19 =	sadd.s32 $0x14800, s18  }
0x415: {  	[hbm4b:s11+s5] =	stream.linear.scatter [tilespmem:s19], [sflag:$0x3], $0x80, $0x38;
	[tilespmem:$0x1D180] =	vst v63  }
0x416: {  	p0 =	sne.s32 s13, $0xFF00;
	s13 =	sadd.s32 $0x14888, s18;
	s19 =	sadd.s32 $0x10, s11  }
0x417: {  	[hbm4b:s19+s5] =	stream.linear.scatter [tilespmem:s13], [sflag:$0x3], $0x80, $0x38;
	[tilespmem:$0x1D180] =	vst v63  }
0x418: {  	s13 =	sadd.s32 $0x14910, s18;
	s19 =	sadd.s32 $0x20, s11  }
0x419: {  	[hbm4b:s19+s5] =	stream.linear.scatter [tilespmem:s13], [sflag:$0x3], $0x80, $0x38;
	[tilespmem:$0x1D180] =	vst v63  }
0x41a: {  	s13 =	sadd.s32 $0x14998, s18;
	s19 =	sadd.s32 $0x30, s11  }
0x41b: {  	[hbm4b:s19+s5] =	stream.linear.scatter [tilespmem:s13], [sflag:$0x3], $0x80, $0x38;
	[tilespmem:$0x1D180] =	vst v63  }
0x41c: {  	s13 =	sadd.s32 $0x14A20, s18;
	s19 =	sadd.s32 $0x40, s11  }
0x41d: {  	[hbm4b:s19+s5] =	stream.linear.scatter [tilespmem:s13], [sflag:$0x3], $0x80, $0x38;
	[tilespmem:$0x1D180] =	vst v63  }
.Ltmp6:
0x41e: {  	s13 =	sadd.s32 $0x14AA8, s18;
	s19 =	sadd.s32 $0x50, s11;
	(pc) =	sbr.rel @p0 .LBB2_15-.Ltmp6, $4  }
0x41f: {  	[hbm4b:s19+s5] =	stream.linear.scatter [tilespmem:s13], [sflag:$0x3], $0x80, $0x38;
	[tilespmem:$0x1D180] =	vst v63  }
0x420: {  	s13 =	sadd.s32 $0x14B30, s18;
	s19 =	sadd.s32 $0x60, s11;
	s18 =	sadd.s32 $0x14BB8, s18  }
0x421: {  	[hbm4b:s19+s5] =	stream.linear.scatter [tilespmem:s13], [sflag:$0x3], $0x80, $0x38;
	[tilespmem:$0x1D180] =	vst v63  }
0x422: {  	s19 =	sadd.s32 $0x70, s11;
	s11 =	sadd.s32 $0x1000, s11;
	s13 =	smov.u32 s29  }
0x423: {  	[hbm4b:s19+s5] =	stream.linear.scatter [tilespmem:s18], [sflag:$0x3], $0x80, $0x38;
	[tilespmem:$0x1D180] =	vst v63  }
0x424: {  	s13 =	sadd.s32 $0x14800, s9  }
0x425: {  	[hbm4b:s11+s5] =	stream.linear.scatter [tilespmem:s13], [sflag:$0x3], $0x80, $0x38;
	[tilespmem:$0x1D180] =	vst v63  }
0x426: {  	s12 =	sadd.s32 $0x14888, s9;
	s16 =	sadd.s32 $0x10, s11  }
0x427: {  	[hbm4b:s16+s5] =	stream.linear.scatter [tilespmem:s12], [sflag:$0x3], $0x80, $0x38;
	[tilespmem:$0x1D180] =	vst v63  }
0x428: {  	s19 =	sadd.s32 $0x14910, s9;
	s29 =	sadd.s32 $0x20, s11  }
0x429: {  	[hbm4b:s29+s5] =	stream.linear.scatter [tilespmem:s19], [sflag:$0x3], $0x80, $0x38;
	[tilespmem:$0x1D180] =	vst v63  }
0x42a: {  	s12 =	sadd.s32 $0x14998, s9;
	s16 =	sadd.s32 $0x30, s11  }
0x42b: {  	[hbm4b:s16+s5] =	stream.linear.scatter [tilespmem:s12], [sflag:$0x3], $0x80, $0x38;
	[tilespmem:$0x1D180] =	vst v63  }
0x42c: {  	s19 =	sadd.s32 $0x14A20, s9;
	s29 =	sadd.s32 $0x40, s11  }
0x42d: {  	[hbm4b:s29+s5] =	stream.linear.scatter [tilespmem:s19], [sflag:$0x3], $0x80, $0x38;
	[tilespmem:$0x1D180] =	vst v63  }
0x42e: {  	s12 =	sadd.s32 $0x14AA8, s9;
	s16 =	sadd.s32 $0x50, s11  }
0x42f: {  	[hbm4b:s16+s5] =	stream.linear.scatter [tilespmem:s12], [sflag:$0x3], $0x80, $0x38;
	[tilespmem:$0x1D180] =	vst v63  }
0x430: {  	s19 =	sadd.s32 $0x14B30, s9;
	s12 =	sadd.s32 $0x14BB8, s9;
	s9 =	sshll.u32 s31, $0x2  }
0x431: {  	s29 =	sadd.s32 $0x60, s11;
	s16 =	sadd.s32 $0x8, s9  }
0x432: {  	[hbm4b:s29+s5] =	stream.linear.scatter [tilespmem:s19], [sflag:$0x3], $0x80, $0x38;
	[tilespmem:$0x1D180] =	vst v63  }
0x433: {  	s18 =	sshll.u32 s16, $0x7  }
0x434: {  	s13 =	sadd.s32 $0x70, s11;
	s11 =	sand.u32 $0x3FFFFE00, s18  }
0x435: {  	[hbm4b:s13+s5] =	stream.linear.scatter [tilespmem:s12], [sflag:$0x3], $0x80, $0x38;
	[tilespmem:$0x1D180] =	vst v63  }
0x436: {  	s19 =	sshll.u32 s31, $0x9;
	s11 =	sadd.s32 $0x6400, s11  }
0x437: {  	[tilespmem:s24], [sflag:$0x1] =	stream.indirect.gather [hbm4b:s6+s22], $0x40, s11, s22, $0xb8;
	[tilespmem:$0x1D180] =	vst v63  }
0x438: {  	s11 =	sand.u32 $0x3FFFFE00, s19  }
0x439: {  	s13 =	sshll.u32 s16, $0x3;
	s29 =	sadd.s32 $0x6880, s11  }
0x43a: {  	[tilespmem:s26], [sflag:$0x1] =	stream.indirect.gather [hbm4b:s6+s22], $0x40, s29, s22, $0xb8;
	[tilespmem:$0x1D180] =	vst v63  }
0x43b: {  	s13 =	sadd.s32 s7, s13  }
0x43c: {  	[tilespmem:s28], [sflag:$0x1] =	stream.linear.gather [hbm4b:s13+s5], $0x80, $0x38;
	[tilespmem:$0x1D180] =	vst v63  }
0x43d: {  	_ =	swait.ge [sflag:s23], $0x4000  }
0x43e: {  	[sflag:s23] =	ssyncset.done $0x0  }
0x43f: {  	[sflag:s23] =	ssyncadd.s32 $0xFFFFC000  }
0x440: {  	_ =	swait.ge [sflag:s23], $0x80  }
0x441: {  	[sflag:s23] =	ssyncset.done $0x0  }
0x442: {  	[sflag:s23] =	ssyncadd.s32 $0xFFFFFF80  }
0x443: {  	_ =	swait.ge [sflag:s21], $0x4000  }
0x444: {  	v38 =	vld [tilespmem:$0x1FF70]  }
0x445: {  	v39 =	vld [tilespmem:$0x1FF80]  }
0x446: {  	[sflag:s21] =	ssyncset.done $0x0;
	v12 =	vld [tilespmem:$0x1FFA0]  }
0x447: {  	s18 =	simm.s32 $0xFFFFFFF8;
	s13 =	simm.s32 $0x10900;
	v40 =	vld [tilespmem:$0x1FFB0];
	[sflag:s21] =	ssyncadd.s32 $0xFFFFC000  }
.LBB2_17:
0x448: {  	v0 =	vld [tilespmem:s13+$0xFFFFFF00]  }
0x449: {  	s19 =	sadd.s32 $0x8, s18;
	v1 =	vld [tilespmem:s13+$0xFFFFFF10]  }
0x44a: {  	v2 =	vld [tilespmem:s13+$0xFFFFFF20];
	s29 =	sshrl.u32 s19, $0x1  }
0x44b: {  	v3 =	vld [tilespmem:s13+$0xFFFFFF30];
	s29 =	sand.u32 $0x3FFFFFC0, s29  }
0x44c: {  	v29 =	vld [tilespmem:s29+$0x1D080]  }
0x44d: {  	v30 =	vld [tilespmem:s29+$0x1D090]  }
0x44e: {  	v31 =	vld [tilespmem:s29+$0x1D0A0]  }
0x44f: {  	v32 =	vld [tilespmem:s29+$0x1D0B0];
	_ =	sdelay $0x3  }
0x450: {  	v8 =	vadd.f32 v29, v0;
	v6 =	vadd.f32 v30, v1  }
0x451: {  	v1 =	vadd.f32 v31, v2;
	v0 =	vadd.f32 v32, v3  }
0x452: {  	v16 =	vmul.f32 v8, v8;
	v17 =	vmul.f32 v6, v6  }
0x453: {  	v4 =	vmul.f32 v1, v1;
	v5 =	vmul.f32 v0, v0  }
0x454: {  	v7 =	vadd.f32 v6, v8;
	v9 =	vadd.f32 v0, v1  }
0x455: {  	v2 =	vadd.f32 v17, v16;
	v18 =	vadd.f32 v5, v4  }
0x456: {  	v19 =	vadd.f32 v9, v7  }
0x457: {  	v2 =	vadd.f32 v18, v2  }
0x458: {  	v28 =	vperm.xlane v19, v38  }
0x459: {  	v33 =	vperm.xlane v2, v38  }
0x45a: {  	v3 =	vadd.f32 v19, v28  }
0x45b: {  	v2 =	vadd.f32 v33, v2  }
0x45c: {  	v34 =	vld [tilespmem:s13+$0xFFFFFF40];
	v4 =	vperm.xlane v3, v39  }
0x45d: {  	v35 =	vld [tilespmem:s13+$0xFFFFFF50];
	v5 =	vperm.xlane v2, v39  }
0x45e: {  	v36 =	vld [tilespmem:s13+$0xFFFFFF60];
	v3 =	vadd.f32 v3, v4  }
0x45f: {  	v10 =	vld [tilespmem:s13+$0xFFFFFF70];
	v2 =	vadd.f32 v5, v2  }
0x460: {  	v37 =	vperm.xlane v3, v12  }
0x461: {  	v11 =	vperm.xlane v2, v12  }
0x462: {  	v7 =	vadd.f32 v34, v29;
	v13 =	vadd.f32 v3, v37  }
0x463: {  	v5 =	vadd.f32 v35, v30;
	v2 =	vadd.f32 v11, v2  }
0x464: {  	v4 =	vadd.f32 v36, v31;
	v3 =	vadd.f32 v10, v32;
	v47 =	vperm.xlane v13, v40  }
0x465: {  	v49 =	vmul.f32 v7, v7;
	v15 =	vadd.f32 v5, v7;
	v14 =	vperm.xlane v2, v40  }
0x466: {  	v50 =	vmul.f32 v5, v5;
	v16 =	vadd.f32 v3, v4;
	v48 =	vadd.f32 v13, v47  }
0x467: {  	v13 =	vmul.f32 v4, v4;
	v2 =	vadd.f32 v14, v2;
	v14 =	vmul.f32 v3, v3  }
0x468: {  	v10 =	vadd.f32 v50, v49;
	v9 =	vmul.f32 $1.562500000e-02, v48  }
0x469: {  	v52 =	vadd.f32 v14, v13;
	v13 =	vadd.f32 v16, v15  }
0x46a: {  	v2 =	vmul.f32 $1.562500000e-02, v2;
	v14 =	vmul.f32 v9, v9  }
0x46b: {  	v10 =	vadd.f32 v52, v10;
	v54 =	vperm.xlane v13, v38  }
0x46c: {  	v2 =	vsub.f32 v2, v14  }
0x46d: {  	v14 =	vperm.xlane v10, v38;
	v11 =	vadd.f32 v13, v54  }
0x46e: {  	v2 =	vadd.f32 $9.999999740e-06, v2  }
0x46f: {  	v10 =	vadd.f32 v14, v10;
	v13 =	vperm.xlane v11, v39  }
0x470: {  	v14 =	vshrl.u32 v2, $0x1;
	v2 =	vmul.f32 $5.000000000e-01, v2  }
0x471: {  	v56 =	vld [tilespmem:s13+$0xFFFFFFA0];
	v14 =	vsub.s32 $0x5F3759DF, v14;
	v15 =	vperm.xlane v10, v39;
	v11 =	vadd.f32 v11, v13  }
0x472: {  	v17 =	vld [tilespmem:s13+$0xFFFFFF80];
	v13 =	vmul.f32 v14, v2  }
0x473: {  	v19 =	vld [tilespmem:s13+$0xFFFFFFB0];
	v10 =	vadd.f32 v15, v10;
	v15 =	vperm.xlane v11, v12  }
0x474: {  	v13 =	vmul.f32 v14, v13  }
0x475: {  	v55 =	vperm.xlane v10, v12;
	v11 =	vadd.f32 v11, v15;
	v15 =	vld [tilespmem:s13+$0xFFFFFF90]  }
0x476: {  	v50 =	vadd.f32 v56, v31;
	v13 =	vsub.f32 $1.500000000e+00, v13  }
0x477: {  	v48 =	vadd.f32 v17, v29;
	v10 =	vadd.f32 v55, v10;
	v18 =	vperm.xlane v11, v40  }
0x478: {  	v20 =	vmul.f32 v50, v50;
	v52 =	vadd.f32 v19, v32;
	v13 =	vmul.f32 v14, v13  }
0x479: {  	v60 =	vmul.f32 v48, v48;
	v14 =	vperm.xlane v10, v40;
	v11 =	vadd.f32 v11, v18  }
0x47a: {  	v21 =	vmul.f32 v52, v52;
	v57 =	vmul.f32 v13, v2;
	v2 =	vadd.f32 v15, v30  }
0x47b: {  	v59 =	vadd.f32 v52, v50;
	v10 =	vadd.f32 v14, v10;
	v11 =	vmul.f32 $1.562500000e-02, v11  }
0x47c: {  	v63 =	vadd.f32 v21, v20;
	v14 =	vmul.f32 v57, v13;
	v61 =	vmul.f32 v2, v2  }
0x47d: {  	v58 =	vadd.f32 v2, v48;
	v10 =	vmul.f32 $1.562500000e-02, v10;
	v15 =	vmul.f32 v11, v11  }
0x47e: {  	v14 =	vsub.f32 $1.500000000e+00, v14;
	v62 =	vadd.f32 v61, v60  }
0x47f: {  	v10 =	vsub.f32 v10, v15;
	v15 =	vadd.f32 v59, v58  }
0x480: {  	v13 =	vmul.f32 v14, v13;
	v14 =	vadd.f32 v63, v62  }
0x481: {  	v10 =	vadd.f32 $9.999999740e-06, v10;
	v28 =	vperm.xlane v15, v38  }
0x482: {  	v34 =	vperm.xlane v14, v38  }
0x483: {  	v33 =	vshrl.u32 v10, $0x1;
	v10 =	vmul.f32 $5.000000000e-01, v10;
	v15 =	vadd.f32 v15, v28  }
0x484: {  	v17 =	vsub.s32 $0x5F3759DF, v33;
	v14 =	vadd.f32 v34, v14  }
0x485: {  	s16 =	sshrl.u32 s19, $0x7;
	v35 =	vmul.f32 v17, v10;
	v36 =	vperm.xlane v15, v39  }
0x486: {  	v49 =	vmov s16;
	v47 =	vperm.xlane v14, v39  }
0x487: {  	s12 =	sand.u32 $0x78, s19;
	v54 =	vmul.u32 $0x2200, v49;
	v37 =	vmul.f32 v17, v35;
	v15 =	vadd.f32 v15, v36  }
0x488: {  	v20 =	vmov s12;
	v9 =	vmul.f32 v13, v9;
	v14 =	vadd.f32 v47, v14  }
0x489: {  	v8 =	vmul.f32 v13, v8;
	v16 =	vsub.f32 $1.500000000e+00, v37;
	v21 =	vperm.xlane v15, v12  }
0x48a: {  	v55 =	vshrl.u32 v20, $0x3;
	v6 =	vmul.f32 v13, v6;
	v18 =	vperm.xlane v14, v12  }
0x48b: {  	v1 =	vmul.f32 v13, v1;
	v16 =	vmul.f32 v17, v16;
	v15 =	vadd.f32 v15, v21  }
0x48c: {  	v0 =	vmul.f32 v13, v0;
	v8 =	vsub.f32 v8, v9;
	v14 =	vadd.f32 v18, v14  }
0x48d: {  	v6 =	vsub.f32 v6, v9;
	v10 =	vmul.f32 v16, v10;
	v56 =	vperm.xlane v15, v40  }
0x48e: {  	v1 =	vsub.f32 v1, v9;
	v0 =	vsub.f32 v0, v9;
	v18 =	vperm.xlane v14, v40  }
0x48f: {  	v8 =	vmul.f32 v8, v41;
	v10 =	vmul.f32 v10, v16;
	v15 =	vadd.f32 v15, v56  }
0x490: {  	v6 =	vmul.f32 v6, v42;
	v1 =	vmul.f32 v1, v43;
	v14 =	vadd.f32 v18, v14  }
0x491: {  	v59 =	vld [tilespmem:s13+$0xFFFFFFD0];
	v0 =	vmul.f32 v0, v46;
	v10 =	vsub.f32 $1.500000000e+00, v10;
	v15 =	vmul.f32 $1.562500000e-02, v15  }
0x492: {  	v42 =	vld [tilespmem:s13+$0xFFFFFFF0];
	v36 =	vadd.f32 v8, v44;
	v8 =	vbroadcast v54, $0x0;
	v58 =	vmul.f32 $1.562500000e-02, v14  }
0x493: {  	v6 =	vadd.f32 v6, v45;
	v14 =	vld [tilespmem:s13+$0xFFFFFFC0];
	v10 =	vmul.f32 v10, v16;
	v13 =	vmul.f32 v15, v15  }
0x494: {  	v43 =	vld [tilespmem:$0x1FFE0];
	v1 =	vadd.f32 v1, v51;
	v25 =	vadd.s32 v22, v8;
	v26 =	vadd.s32 v24, v8  }
0x495: {  	[tilespmem:$0x1FC40] =	vst v6;
	v11 =	vmul.f32 v10, v11;
	v7 =	vmul.f32 v10, v7;
	v6 =	vsub.f32 v58, v13;
	v13 =	vld [tilespmem:s13+$0xFFFFFFE0]  }
0x496: {  	v37 =	vadd.f32 v0, v53;
	v0 =	vadd.f32 v59, v30;
	v17 =	vshll.u32 v55, v23  }
0x497: {  	v17 =	vbroadcast v17, $0x0;
	v58 =	vadd.f32 v42, v32;
	v47 =	vsub.f32 v7, v11  }
0x498: {  	v49 =	vld [tilespmem:$0x1FFF0];
	v6 =	vadd.f32 $9.999999740e-06, v6;
	v60 =	vadd.f32 v14, v29;
	v14 =	vmul.f32 v0, v0  }
0x499: {  	s29 =	sadd.s32 $0x9, s18;
	v27 =	vadd.s32 v43, v8;
	v43 =	vmul.f32 v58, v58;
	v7 =	vmul.f32 v47, v41  }
0x49a: {  	s12 =	sand.u32 $0x78, s29;
	[tilespmem:$0x1FC50] =	vst v1;
	v54 =	vshrl.u32 v6, $0x1;
	v6 =	vmul.f32 $5.000000000e-01, v6;
	v1 =	vadd.f32 v13, v31  }
0x49b: {  	v41 =	vmov s12;
	v55 =	vsub.s32 $0x5F3759DF, v54;
	v13 =	vmul.f32 v60, v60  }
0x49c: {  	v16 =	vshrl.u32 v41, $0x3;
	v63 =	vmul.f32 v55, v6;
	v42 =	vmul.f32 v1, v1  }
0x49d: {  	v28 =	vadd.s32 v49, v8;
	v57 =	vadd.s32 v17, v25;
	v16 =	vshll.u32 v16, v23  }
0x49e: {  	v13 =	vadd.f32 v14, v13;
	v9 =	vmul.f32 v55, v63;
	v14 =	vadd.f32 v43, v42  }
0x49f: {  	v47 =	vadd.f32 v0, v60;
	v20 =	vadd.f32 v58, v1;
	v16 =	vbroadcast v16, $0x0  }
0x4a0: {  	v5 =	vmul.f32 v10, v5;
	v9 =	vsub.f32 $1.500000000e+00, v9;
	v13 =	vadd.f32 v14, v13  }
0x4a1: {  	v3 =	vmul.f32 v10, v3;
	v49 =	vadd.f32 v20, v47;
	v14 =	vadd.s32 v25, v16  }
0x4a2: {  	v8 =	vmul.f32 v55, v9;
	v42 =	vor.u32 $0x1, v14;
	v14 =	vld [tilespmem:$0x1FE80];
	v55 =	vperm.xlane v13, v38  }
0x4a3: {  	v4 =	vmul.f32 v10, v4;
	v3 =	vsub.f32 v3, v11;
	v54 =	vperm.xlane v49, v38  }
0x4a4: {  	v5 =	vsub.f32 v5, v11;
	v6 =	vmul.f32 v8, v6;
	v9 =	vadd.f32 v55, v13  }
0x4a5: {  	v62 =	vld [tilespmem:s13+$0x20];
	v3 =	vmul.f32 v3, v46;
	v41 =	vadd.f32 v7, v44;
	v7 =	vadd.f32 v49, v54  }
0x4a6: {  	v61 =	vld [tilespmem:$0x1FE90];
	[tilespmem:$0x1FC30] =	vst v57;
	v6 =	vmul.f32 v6, v8;
	v57 =	vperm.xlane v9, v39  }
0x4a7: {  	v56 =	vperm.xlane v7, v39;
	v13 =	vld [tilespmem:s13+$0x0];
	v5 =	vmul.f32 v5, v14  }
0x4a8: {  	v59 =	vld [tilespmem:s13+$0x10];
	v14 =	vadd.s32 v26, v16;
	v6 =	vsub.f32 $1.500000000e+00, v6;
	v9 =	vadd.f32 v57, v9  }
0x4a9: {  	v43 =	vadd.f32 v5, v45;
	v5 =	vadd.f32 v7, v56;
	v45 =	vor.u32 $0x1, v14;
	v14 =	vld [tilespmem:s13+$0x30]  }
0x4aa: {  	v10 =	vadd.f32 v62, v31;
	v4 =	vsub.f32 v4, v11;
	v54 =	vperm.xlane v9, v12  }
0x4ab: {  	v44 =	vadd.f32 v3, v53;
	v8 =	vmul.f32 v6, v8;
	v63 =	vperm.xlane v5, v12  }
0x4ac: {  	v4 =	vmul.f32 v4, v61;
	v6 =	vadd.f32 v13, v29;
	v9 =	vadd.f32 v54, v9  }
0x4ad: {  	v7 =	vadd.f32 v59, v30;
	v3 =	vmul.f32 v8, v15;
	v55 =	vadd.f32 v5, v63  }
0x4ae: {  	v56 =	vmul.f32 v6, v6;
	v5 =	vadd.f32 v14, v32;
	v13 =	vperm.xlane v9, v40  }
0x4af: {  	v14 =	vmul.f32 v7, v7;
	v11 =	vperm.xlane v55, v40  }
0x4b0: {  	v15 =	vmul.f32 v5, v5;
	v9 =	vadd.f32 v13, v9;
	v13 =	vmul.f32 v10, v10  }
0x4b1: {  	v46 =	vadd.f32 v4, v51;
	v4 =	vadd.f32 v55, v11  }
0x4b2: {  	v11 =	vadd.f32 v14, v56;
	v13 =	vadd.f32 v15, v13;
	_ =	sdelay $0x1  }
0x4b3: {  	v11 =	vadd.f32 v13, v11;
	v13 =	vld [tilespmem:$0x1FE70]  }
0x4b4: {  	v57 =	vmul.f32 v8, v48;
	v59 =	vadd.f32 v7, v6;
	v61 =	vadd.f32 v5, v10  }
0x4b5: {  	v54 =	vld [tilespmem:$0x1FEB0]  }
0x4b6: {  	v62 =	vadd.f32 v61, v59;
	v15 =	vsub.f32 v57, v3  }
0x4b7: {  	v14 =	vadd.s32 v28, v16  }
0x4b8: {  	v48 =	vor.u32 $0x1, v14;
	v14 =	vperm.xlane v62, v38;
	v13 =	vmul.f32 v15, v13  }
0x4b9: {  	s16 =	sadd.s32 $0xA, s18;
	v49 =	vadd.s32 v27, v16;
	v4 =	vmul.f32 $1.562500000e-02, v4  }
0x4ba: {  	s12 =	sand.u32 $0x78, s16;
	v47 =	vor.u32 $0x1, v49;
	v49 =	vadd.f32 v13, v54;
	v13 =	vadd.f32 v62, v14  }
0x4bb: {  	v9 =	vmul.f32 $1.562500000e-02, v9;
	v63 =	vmul.f32 v4, v4;
	v15 =	vmov s12  }
0x4bc: {  	v14 =	vshrl.u32 v15, $0x3;
	v15 =	vperm.xlane v13, v39  }
0x4bd: {  	v9 =	vsub.f32 v9, v63;
	v53 =	vperm.xlane v11, v38  }
0x4be: {  	v2 =	vmul.f32 v8, v2;
	v13 =	vadd.f32 v13, v15;
	v15 =	vld [tilespmem:$0x1FE80]  }
0x4bf: {  	v35 =	vadd.s32 v17, v26;
	v9 =	vadd.f32 $9.999999740e-06, v9;
	v11 =	vadd.f32 v53, v11  }
0x4c0: {  	v33 =	vadd.s32 v17, v27;
	v34 =	vadd.s32 v17, v28;
	v2 =	vsub.f32 v2, v3  }
0x4c1: {  	v21 =	vld [tilespmem:$0x1FE90];
	v55 =	vshrl.u32 v9, $0x1;
	v9 =	vmul.f32 $5.000000000e-01, v9;
	v17 =	vperm.xlane v11, v39  }
0x4c2: {  	v20 =	vld [tilespmem:$0x1FEC0];
	v57 =	vmul.f32 v8, v50;
	v16 =	vsub.s32 $0x5F3759DF, v55;
	v59 =	vperm.xlane v13, v12  }
0x4c3: {  	v11 =	vadd.f32 v17, v11;
	v2 =	vmul.f32 v2, v15;
	v15 =	vmul.f32 v16, v9  }
0x4c4: {  	v22 =	vld [tilespmem:s13+$0x70];
	v62 =	vsub.f32 v57, v3;
	v14 =	vshll.u32 v14, v23  }
0x4c5: {  	v63 =	vld [tilespmem:s13+$0x50];
	v13 =	vadd.f32 v13, v59;
	v61 =	vmul.f32 v16, v15;
	v15 =	vperm.xlane v11, v12  }
0x4c6: {  	v14 =	vbroadcast v14, $0x0;
	v17 =	vmul.f32 v62, v21;
	v59 =	vld [tilespmem:$0x1FED0]  }
0x4c7: {  	v21 =	vperm.xlane v13, v40;
	v50 =	vadd.f32 v2, v20;
	v20 =	vld [tilespmem:s13+$0x40];
	v11 =	vadd.f32 v15, v11  }
0x4c8: {  	v8 =	vmul.f32 v8, v52;
	v2 =	vsub.f32 $1.500000000e+00, v61;
	v61 =	vld [tilespmem:$0x1FEA0]  }
0x4c9: {  	v56 =	vadd.s32 v25, v14;
	v13 =	vadd.f32 v13, v21;
	v15 =	vld [tilespmem:s13+$0x60];
	v57 =	vperm.xlane v11, v40  }
0x4ca: {  	v3 =	vsub.f32 v8, v3;
	v51 =	vor.u32 $0x2, v56;
	v56 =	vadd.s32 v26, v14  }
0x4cb: {  	v2 =	vmul.f32 v16, v2;
	v8 =	vadd.f32 v57, v11;
	v11 =	vmul.f32 $1.562500000e-02, v13;
	v13 =	vld [tilespmem:$0x1FEE0]  }
0x4cc: {  	v53 =	vor.u32 $0x2, v56;
	v52 =	vadd.f32 v17, v59;
	v59 =	vadd.f32 v63, v30  }
0x4cd: {  	v9 =	vmul.f32 v2, v9;
	v16 =	vmul.f32 v3, v61;
	v3 =	vadd.f32 v20, v29  }
0x4ce: {  	v56 =	vadd.f32 v22, v32;
	v57 =	vadd.f32 v15, v31;
	v15 =	vadd.s32 v27, v14  }
0x4cf: {  	v9 =	vmul.f32 v9, v2;
	v8 =	vmul.f32 $1.562500000e-02, v8;
	v62 =	vadd.f32 v59, v3  }
0x4d0: {  	v63 =	vadd.f32 v56, v57;
	v54 =	vadd.f32 v16, v13;
	v13 =	vmul.f32 v11, v11  }
0x4d1: {  	v55 =	vor.u32 $0x2, v15;
	v15 =	vmul.f32 v3, v3;
	v9 =	vsub.f32 $1.500000000e+00, v9  }
0x4d2: {  	v61 =	vmul.f32 v57, v57;
	v8 =	vsub.f32 v8, v13;
	v13 =	vadd.f32 v63, v62  }
0x4d3: {  	v16 =	vmul.f32 v59, v59;
	v62 =	vmul.f32 v56, v56  }
0x4d4: {  	s29 =	sadd.s32 $0xB, s18;
	v9 =	vmul.f32 v9, v2;
	v2 =	vadd.f32 $9.999999740e-06, v8;
	v8 =	vperm.xlane v13, v38  }
0x4d5: {  	s12 =	sand.u32 $0x78, s29;
	v15 =	vadd.f32 v16, v15;
	v61 =	vadd.f32 v62, v61  }
0x4d6: {  	v63 =	vmov s12;
	v8 =	vadd.f32 v13, v8  }
0x4d7: {  	v13 =	vshrl.u32 v2, $0x1;
	v18 =	vmul.f32 $5.000000000e-01, v2;
	v2 =	vadd.f32 v61, v15  }
0x4d8: {  	v15 =	vshrl.u32 v63, $0x3  }
0x4d9: {  	v13 =	vsub.s32 $0x5F3759DF, v13;
	v63 =	vperm.xlane v8, v39;
	v20 =	vperm.xlane v2, v38  }
0x4da: {  	v14 =	vadd.s32 v28, v14;
	v15 =	vshll.u32 v15, v23;
	v23 =	vld [tilespmem:s13+$0xB0];
	v19 =	vmul.f32 v13, v18  }
0x4db: {  	v17 =	vmul.f32 v9, v4;
	v8 =	vadd.f32 v8, v63;
	v2 =	vadd.f32 v20, v2;
	v20 =	vld [tilespmem:$0x1FE70]  }
0x4dc: {  	v16 =	vld [tilespmem:s13+$0x90];
	v62 =	vmul.f32 v9, v60;
	v60 =	vor.u32 $0x2, v14;
	v14 =	vmul.f32 v13, v19  }
0x4dd: {  	v21 =	vld [tilespmem:s13+$0x80];
	v0 =	vmul.f32 v9, v0;
	v22 =	vperm.xlane v8, v12  }
0x4de: {  	v4 =	vsub.f32 v62, v17;
	v61 =	vld [tilespmem:$0x1FEB0];
	v15 =	vbroadcast v15, $0x0;
	v14 =	vsub.f32 $1.500000000e+00, v14  }
0x4df: {  	v19 =	vld [tilespmem:s13+$0xA0];
	v24 =	vperm.xlane v2, v39;
	v63 =	vadd.f32 v23, v32;
	v8 =	vadd.f32 v8, v22  }
0x4e0: {  	v13 =	vmul.f32 v13, v14;
	v4 =	vmul.f32 v4, v20;
	v20 =	vadd.s32 v25, v15  }
0x4e1: {  	v14 =	vadd.f32 v24, v2;
	v2 =	vadd.f32 v16, v30;
	v62 =	vor.u32 $0x3, v20  }
0x4e2: {  	v20 =	vsub.f32 v0, v17;
	v22 =	vperm.xlane v8, v40;
	v16 =	vmul.f32 v13, v18  }
0x4e3: {  	v18 =	vperm.xlane v14, v12;
	v61 =	vadd.f32 v4, v61;
	v4 =	vadd.f32 v21, v29  }
0x4e4: {  	v0 =	vadd.f32 v19, v31;
	v8 =	vadd.f32 v8, v22  }
0x4e5: {  	v24 =	vld [tilespmem:$0x1FE80];
	v14 =	vadd.f32 v18, v14;
	v22 =	vmul.f32 v2, v2;
	v18 =	vmul.f32 v4, v4  }
0x4e6: {  	v21 =	vadd.f32 v63, v0;
	v19 =	vadd.f32 v2, v4  }
0x4e7: {  	v1 =	vmul.f32 v9, v1;
	v18 =	vadd.f32 v22, v18;
	v22 =	vperm.xlane v14, v40  }
0x4e8: {  	v23 =	vmul.f32 v63, v63;
	v19 =	vadd.f32 v21, v19;
	v21 =	vmul.f32 v0, v0  }
0x4e9: {  	v9 =	vmul.f32 v9, v58;
	v16 =	vmul.f32 v16, v13;
	v14 =	vadd.f32 v22, v14  }
0x4ea: {  	v20 =	vmul.f32 v20, v24;
	v24 =	vsub.f32 v1, v17;
	v1 =	vadd.f32 v23, v21  }
0x4eb: {  	v9 =	vsub.f32 v9, v17;
	v16 =	vsub.f32 $1.500000000e+00, v16;
	v17 =	vmul.f32 $1.562500000e-02, v14;
	v14 =	vld [tilespmem:$0x1FEC0]  }
0x4ec: {  	v1 =	vadd.f32 v1, v18;
	v18 =	vperm.xlane v19, v38  }
0x4ed: {  	v8 =	vmul.f32 $1.562500000e-02, v8;
	v13 =	vmul.f32 v16, v13;
	v16 =	vld [tilespmem:s13+$0xD0]  }
0x4ee: {  	v21 =	vld [tilespmem:s13+$0xC0];
	v18 =	vadd.f32 v19, v18  }
0x4ef: {  	v58 =	vmul.f32 v8, v8;
	v23 =	vld [tilespmem:s13+$0xF0];
	v19 =	vperm.xlane v1, v38  }
0x4f0: {  	v11 =	vmul.f32 v13, v11;
	v14 =	vadd.f32 v20, v14;
	v20 =	vperm.xlane v18, v39  }
0x4f1: {  	v6 =	vmul.f32 v13, v6;
	v7 =	vmul.f32 v13, v7;
	v19 =	vadd.f32 v19, v1  }
0x4f2: {  	v10 =	vmul.f32 v13, v10;
	v13 =	vmul.f32 v13, v5;
	v5 =	vadd.f32 v18, v20  }
0x4f3: {  	v17 =	vsub.f32 v17, v58;
	v30 =	vadd.f32 v16, v30;
	v16 =	vperm.xlane v19, v39  }
0x4f4: {  	v58 =	vadd.f32 v21, v29;
	v29 =	vadd.f32 v23, v32;
	v32 =	vperm.xlane v5, v12  }
0x4f5: {  	v16 =	vadd.f32 v16, v19  }
0x4f6: {  	v5 =	vadd.f32 v5, v32;
	v32 =	vld [tilespmem:$0x1FE90]  }
0x4f7: {  	v19 =	vperm.xlane v16, v12  }
0x4f8: {  	v22 =	vld [tilespmem:s13+$0xE0]  }
0x4f9: {  	v16 =	vadd.f32 v19, v16;
	_ =	sdelay $0x1  }
0x4fa: {  	v24 =	vmul.f32 v24, v32;
	v32 =	vperm.xlane v16, v40;
	_ =	sdelay $0x1  }
0x4fb: {  	v1 =	vadd.f32 v22, v31;
	v22 =	vmul.f32 v30, v30;
	v16 =	vadd.f32 v32, v16;
	v32 =	vld [tilespmem:$0x1FEA0]  }
0x4fc: {  	v21 =	vmul.f32 v58, v58;
	v31 =	vmul.f32 v29, v29  }
0x4fd: {  	v23 =	vmul.f32 v1, v1;
	v18 =	vadd.f32 v30, v58;
	v20 =	vadd.f32 v29, v1  }
0x4fe: {  	v21 =	vadd.f32 v22, v21  }
0x4ff: {  	v22 =	vadd.f32 v31, v23;
	v18 =	vadd.f32 v20, v18  }
0x500: {  	v9 =	vmul.f32 v9, v32;
	v32 =	vld [tilespmem:$0x1FEE0]  }
0x501: {  	v21 =	vadd.f32 v22, v21;
	v22 =	vperm.xlane v18, v38  }
0x502: {  	v31 =	vperm.xlane v5, v40  }
0x503: {  	v18 =	vadd.f32 v18, v22;
	v22 =	vperm.xlane v21, v38  }
0x504: {  	v31 =	vadd.f32 v5, v31;
	v5 =	vld [tilespmem:$0x1FED0]  }
0x505: {  	v21 =	vadd.f32 v22, v21;
	v22 =	vperm.xlane v18, v39;
	v9 =	vadd.f32 v9, v32;
	v32 =	vld [tilespmem:$0x1FE70];
	_ =	sdelay $0x1  }
0x506: {  	v18 =	vadd.f32 v18, v22;
	v22 =	vperm.xlane v21, v39  }
0x507: {  	v6 =	vsub.f32 v6, v11  }
0x508: {  	v31 =	vmul.f32 $1.562500000e-02, v31;
	v21 =	vadd.f32 v22, v21  }
0x509: {  	v5 =	vadd.f32 v24, v5;
	v24 =	vadd.s32 v27, v15;
	v6 =	vmul.f32 v6, v32;
	v32 =	vld [tilespmem:$0x1FFC0]  }
0x50a: {  	s16 =	sadd.s32 $0xC, s18;
	v16 =	vmul.f32 $1.562500000e-02, v16;
	v22 =	vor.u32 $0x3, v24;
	v24 =	vmul.f32 v31, v31  }
0x50b: {  	s12 =	sand.u32 $0x78, s16  }
0x50c: {  	v16 =	vsub.f32 v16, v24;
	v24 =	vmov s12  }
0x50d: {  	v24 =	vshrl.u32 v24, $0x3  }
0x50e: {  	v24 =	vshll.u32 v24, v32;
	v32 =	vld [tilespmem:$0x1FEB0];
	_ =	sdelay $0x4  }
0x50f: {  	v6 =	vadd.f32 v6, v32;
	v32 =	vld [tilespmem:$0x1FE80];
	_ =	sdelay $0x2  }
0x510: {  	v7 =	vsub.f32 v7, v11;
	v17 =	vadd.f32 $9.999999740e-06, v17;
	_ =	sdelay $0x1  }
0x511: {  	v20 =	vshrl.u32 v17, $0x1;
	v17 =	vmul.f32 $5.000000000e-01, v17;
	v7 =	vmul.f32 v7, v32;
	v32 =	vld [tilespmem:$0x1FC30]  }
0x512: {  	v20 =	vsub.s32 $0x5F3759DF, v20  }
0x513: {  	v23 =	vmul.f32 v20, v17;
	_ =	sdelay $0x1  }
0x514: {  	v23 =	vmul.f32 v20, v23;
	_ =	sdelay $0x1  }
0x515: {  	v23 =	vsub.f32 $1.500000000e+00, v23;
	_ =	sdelay $0x1  }
0x516: {  	v20 =	vmul.f32 v20, v23;
	[tilespmem:v32+s25+$0x0] =	vst.idx.msk $0xffff, v36;
	v36 =	vld [tilespmem:$0x1FEC0];
	_ =	sdelay $0x1  }
0x517: {  	v17 =	vmul.f32 v20, v17;
	_ =	sdelay $0x1  }
0x518: {  	v17 =	vmul.f32 v17, v20  }
0x519: {  	v7 =	vadd.f32 v7, v36;
	v36 =	vld [tilespmem:$0x1FC40]  }
0x51a: {  	v17 =	vsub.f32 $1.500000000e+00, v17;
	v16 =	vadd.f32 $9.999999740e-06, v16;
	_ =	sdelay $0x1  }
0x51b: {  	v17 =	vmul.f32 v17, v20;
	v20 =	vshrl.u32 v16, $0x1;
	v16 =	vmul.f32 $5.000000000e-01, v16  }
0x51c: {  	v10 =	vsub.f32 v10, v11;
	v20 =	vsub.s32 $0x5F3759DF, v20  }
0x51d: {  	v11 =	vsub.f32 v13, v11;
	v13 =	vmul.f32 v20, v16;
	[tilespmem:v35+s25+$0x0] =	vst.idx.msk $0xffff, v36;
	v36 =	vld [tilespmem:$0x1FE90]  }
0x51e: {  	[tilespmem:v42+s25+$0x0] =	vst.idx.msk $0xffff, v41  }
0x51f: {  	[tilespmem:v45+s25+$0x0] =	vst.idx.msk $0xffff, v43;
	v13 =	vmul.f32 v20, v13  }
0x520: {  	[tilespmem:v47+s25+$0x0] =	vst.idx.msk $0xffff, v46;
	v23 =	vperm.xlane v18, v12  }
0x521: {  	[tilespmem:v48+s25+$0x0] =	vst.idx.msk $0xffff, v44;
	v13 =	vsub.f32 $1.500000000e+00, v13  }
0x522: {  	v18 =	vadd.f32 v18, v23;
	v23 =	vperm.xlane v21, v12;
	v10 =	vmul.f32 v10, v36;
	v36 =	vld [tilespmem:$0x1FEA0]  }
0x523: {  	[tilespmem:v51+s25+$0x0] =	vst.idx.msk $0xffff, v49;
	v19 =	vadd.s32 v26, v15;
	v13 =	vmul.f32 v20, v13  }
0x524: {  	v41 =	vld [tilespmem:$0x1FE70];
	v21 =	vadd.f32 v23, v21;
	v23 =	vperm.xlane v18, v40;
	v8 =	vmul.f32 v17, v8  }
0x525: {  	[tilespmem:v53+s25+$0x0] =	vst.idx.msk $0xffff, v50;
	v19 =	vor.u32 $0x3, v19;
	v3 =	vmul.f32 v17, v3;
	v16 =	vmul.f32 v13, v16  }
0x526: {  	v44 =	vld [tilespmem:$0x1FEB0];
	v15 =	vadd.s32 v28, v15;
	v18 =	vadd.f32 v18, v23;
	v23 =	vperm.xlane v21, v40  }
0x527: {  	v3 =	vsub.f32 v3, v8;
	v16 =	vmul.f32 v16, v13;
	v11 =	vmul.f32 v11, v36;
	v36 =	vld [tilespmem:$0x1FC50]  }
0x528: {  	s29 =	sadd.s32 $0xD, s18;
	[tilespmem:v55+s25+$0x0] =	vst.idx.msk $0xffff, v52;
	v15 =	vor.u32 $0x3, v15;
	v21 =	vadd.f32 v23, v21;
	v18 =	vmul.f32 $1.562500000e-02, v18  }
0x529: {  	[tilespmem:v60+s25+$0x0] =	vst.idx.msk $0xffff, v54;
	s12 =	sand.u32 $0x78, s29;
	v57 =	vmul.f32 v17, v57;
	v3 =	vmul.f32 v3, v41;
	v16 =	vsub.f32 $1.500000000e+00, v16  }
0x52a: {  	s16 =	sadd.s32 $0xE, s18;
	[tilespmem:v62+s25+$0x0] =	vst.idx.msk $0xffff, v61;
	v21 =	vmul.f32 $1.562500000e-02, v21;
	v20 =	vmov s12;
	v24 =	vbroadcast v24, $0x0  }
0x52b: {  	[tilespmem:v19+s25+$0x0] =	vst.idx.msk $0xffff, v14;
	v3 =	vadd.f32 v3, v44;
	s12 =	sand.u32 $0x78, s16;
	v20 =	vshrl.u32 v20, $0x3;
	v13 =	vmul.f32 v16, v13  }
0x52c: {  	v42 =	vld [tilespmem:$0x1FE80];
	v14 =	vmov s12;
	v23 =	vadd.s32 v25, v24;
	v32 =	vmul.f32 v18, v18;
	[tilespmem:v33+s25+$0x0] =	vst.idx.msk $0xffff, v36  }
0x52d: {  	v60 =	vshrl.u32 v14, $0x3;
	v31 =	vmul.f32 v13, v31;
	v36 =	vadd.s32 v27, v24;
	[tilespmem:v34+s25+$0x0] =	vst.idx.msk $0xffff, v37;
	v37 =	vld [tilespmem:$0x1FED0]  }
0x52e: {  	v4 =	vmul.f32 v13, v4;
	v21 =	vsub.f32 v21, v32;
	v33 =	vor.u32 $0x4, v36;
	v36 =	vld [tilespmem:$0x1FEE0]  }
0x52f: {  	v45 =	vld [tilespmem:$0x1FEC0];
	v23 =	vor.u32 $0x4, v23;
	v2 =	vmul.f32 v13, v2;
	v0 =	vmul.f32 v13, v0  }
0x530: {  	v43 =	vld [tilespmem:$0x1FE90];
	v13 =	vmul.f32 v13, v63;
	v4 =	vsub.f32 v4, v31;
	v21 =	vadd.f32 $9.999999740e-06, v21  }
0x531: {  	v46 =	vld [tilespmem:$0x1FEA0];
	v2 =	vsub.f32 v2, v31;
	v0 =	vsub.f32 v0, v31;
	v34 =	vmul.f32 v17, v59  }
0x532: {  	v59 =	vshrl.u32 v21, $0x1;
	v21 =	vmul.f32 $5.000000000e-01, v21;
	v10 =	vadd.f32 v10, v37;
	v37 =	vld [tilespmem:$0x1FFC0]  }
0x533: {  	v51 =	vld [tilespmem:$0x1FED0];
	v4 =	vmul.f32 v4, v41;
	v11 =	vadd.f32 v11, v36;
	v36 =	vsub.s32 $0x5F3759DF, v59  }
0x534: {  	v53 =	vld [tilespmem:$0x1FEE0];
	v13 =	vsub.f32 v13, v31;
	v17 =	vmul.f32 v17, v56;
	v47 =	vmul.f32 v36, v21  }
0x535: {  	v2 =	vmul.f32 v2, v42;
	v0 =	vmul.f32 v0, v43;
	v35 =	vsub.f32 v57, v8  }
0x536: {  	v34 =	vsub.f32 v34, v8;
	v8 =	vsub.f32 v17, v8;
	v17 =	vmul.f32 v36, v47  }
0x537: {  	v13 =	vmul.f32 v13, v46;
	v4 =	vadd.f32 v4, v44;
	v20 =	vshll.u32 v20, v37  }
0x538: {  	v2 =	vadd.f32 v2, v45;
	v17 =	vsub.f32 $1.500000000e+00, v17;
	v20 =	vbroadcast v20, $0x0  }
0x539: {  	v0 =	vadd.f32 v0, v51;
	v13 =	vadd.f32 v13, v53;
	v32 =	vadd.s32 v26, v24  }
0x53a: {  	v32 =	vor.u32 $0x4, v32;
	v17 =	vmul.f32 v36, v17;
	v50 =	vadd.s32 v25, v20  }
0x53b: {  	v56 =	vadd.s32 v26, v20;
	v57 =	vadd.s32 v27, v20;
	v61 =	vadd.s32 v28, v20;
	v20 =	vld [tilespmem:$0x1FFC0]  }
0x53c: {  	v35 =	vmul.f32 v35, v43;
	v24 =	vadd.s32 v28, v24;
	v21 =	vmul.f32 v17, v21  }
0x53d: {  	s29 =	sadd.s32 $0xF, s18;
	[tilespmem:v23+s25+$0x0] =	vst.idx.msk $0xffff, v6;
	v23 =	vld [tilespmem:$0x1FFC0];
	v34 =	vmul.f32 v34, v42;
	v8 =	vmul.f32 v8, v46;
	v16 =	vor.u32 $0x5, v50  }
0x53e: {  	s12 =	sand.u32 $0x78, s29;
	v35 =	vadd.f32 v35, v51;
	v24 =	vor.u32 $0x4, v24;
	v14 =	vmul.f32 v21, v17  }
0x53f: {  	v34 =	vadd.f32 v34, v45;
	v59 =	vadd.f32 v8, v53;
	v47 =	vmov s12  }
0x540: {  	[tilespmem:v22+s25+$0x0] =	vst.idx.msk $0xffff, v5;
	v48 =	vshrl.u32 v47, $0x3;
	v8 =	vshll.u32 v60, v20;
	v62 =	vsub.f32 $1.500000000e+00, v14  }
0x541: {  	[tilespmem:v15+s25+$0x0] =	vst.idx.msk $0xffff, v9;
	v37 =	vor.u32 $0x5, v56;
	v36 =	vor.u32 $0x5, v57;
	v8 =	vbroadcast v8, $0x0  }
0x542: {  	v63 =	vor.u32 $0x5, v61;
	[tilespmem:v16+s25+$0x0] =	vst.idx.msk $0xffff, v3;
	v3 =	vshll.u32 v48, v23;
	v9 =	vmul.f32 v62, v17  }
0x543: {  	[tilespmem:v32+s25+$0x0] =	vst.idx.msk $0xffff, v7;
	v3 =	vbroadcast v3, $0x0;
	v14 =	vadd.s32 v25, v8;
	v49 =	vadd.s32 v27, v8  }
0x544: {  	[tilespmem:v33+s25+$0x0] =	vst.idx.msk $0xffff, v10;
	v32 =	vor.u32 $0x6, v14;
	v14 =	vadd.s32 v26, v8;
	v15 =	vmul.f32 v9, v58  }
0x545: {  	[tilespmem:v24+s25+$0x0] =	vst.idx.msk $0xffff, v11;
	v17 =	vmul.f32 v9, v30;
	v1 =	vmul.f32 v9, v1;
	v11 =	vor.u32 $0x6, v49  }
0x546: {  	[tilespmem:v37+s25+$0x0] =	vst.idx.msk $0xffff, v34;
	v8 =	vadd.s32 v28, v8;
	v33 =	vor.u32 $0x6, v14;
	v14 =	vmul.f32 v9, v18  }
0x547: {  	v52 =	vadd.s32 v25, v3;
	v56 =	vadd.s32 v26, v3;
	v58 =	vadd.s32 v27, v3  }
0x548: {  	[tilespmem:v36+s25+$0x0] =	vst.idx.msk $0xffff, v35;
	v3 =	vadd.s32 v28, v3;
	v8 =	vor.u32 $0x6, v8;
	v15 =	vsub.f32 v15, v14  }
0x549: {  	[tilespmem:v63+s25+$0x0] =	vst.idx.msk $0xffff, v59;
	v9 =	vmul.f32 v9, v29;
	v54 =	vor.u32 $0x7, v52;
	v50 =	vsub.f32 v17, v14  }
0x54a: {  	v57 =	vor.u32 $0x7, v56;
	v1 =	vsub.f32 v1, v14;
	v15 =	vmul.f32 v15, v41;
	[tilespmem:v32+s25+$0x0] =	vst.idx.msk $0xffff, v4  }
0x54b: {  	v59 =	vor.u32 $0x7, v58;
	v60 =	vsub.f32 v9, v14;
	v55 =	vmul.f32 v50, v42;
	[tilespmem:v33+s25+$0x0] =	vst.idx.msk $0xffff, v2  }
0x54c: {  	p0 =	slt.u32 s19, $0xF8;
	v3 =	vor.u32 $0x7, v3;
	v1 =	vmul.f32 v1, v43;
	[tilespmem:v11+s25+$0x0] =	vst.idx.msk $0xffff, v0;
	v61 =	vadd.f32 v15, v44  }
.Ltmp7:
0x54d: {  	v7 =	vmul.f32 v60, v46;
	v6 =	vadd.f32 v55, v45;
	[tilespmem:v8+s25+$0x0] =	vst.idx.msk $0xffff, v13;
	(pc) =	sbr.rel @p0 .LBB2_17-.Ltmp7, $4  }
0x54e: {  	v62 =	vadd.f32 v1, v51;
	[tilespmem:v54+s25+$0x0] =	vst.idx.msk $0xffff, v61  }
0x54f: {  	v63 =	vadd.f32 v7, v53;
	[tilespmem:v57+s25+$0x0] =	vst.idx.msk $0xffff, v6  }
0x550: {  	v22 =	vld [tilespmem:$0x1FF90];
	[tilespmem:v59+s25+$0x0] =	vst.idx.msk $0xffff, v62  }
0x551: {  	s13 =	sadd.s32 $0x200, s13;
	s18 =	smov.u32 s19;
	v24 =	vld [tilespmem:$0x1FFD0];
	[tilespmem:v3+s25+$0x0] =	vst.idx.msk $0xffff, v63  }
0x552: {  	s8 =	sadd.s32 s15, s8  }
0x553: {  	s8 =	sshrl.u32 s8, $0x3  }
0x554: {  	s13 =	simm.s32 $0x18C00;
	s12 =	sadd.s32 s4, s8  }
0x555: {  	[hbm4b:s12+s5] =	stream.linear.scatter [tilespmem:s13], [sflag:$0x4], $0x80, $0x38;
	[tilespmem:$0x1D180] =	vst v63  }
0x556: {  	s16 =	simm.s32 $0x18C88;
	s13 =	sadd.s32 $0x10, s12  }
0x557: {  	[hbm4b:s13+s5] =	stream.linear.scatter [tilespmem:s16], [sflag:$0x4], $0x80, $0x38;
	[tilespmem:$0x1D180] =	vst v63  }
0x558: {  	s18 =	simm.s32 $0x18D10;
	s19 =	sadd.s32 $0x20, s12  }
0x559: {  	[hbm4b:s19+s5] =	stream.linear.scatter [tilespmem:s18], [sflag:$0x4], $0x80, $0x38;
	[tilespmem:$0x1D180] =	vst v63  }
0x55a: {  	s13 =	simm.s32 $0x18D98;
	s16 =	sadd.s32 $0x30, s12  }
0x55b: {  	[hbm4b:s16+s5] =	stream.linear.scatter [tilespmem:s13], [sflag:$0x4], $0x80, $0x38;
	[tilespmem:$0x1D180] =	vst v63  }
0x55c: {  	s18 =	simm.s32 $0x18E20;
	s19 =	sadd.s32 $0x40, s12  }
0x55d: {  	[hbm4b:s19+s5] =	stream.linear.scatter [tilespmem:s18], [sflag:$0x4], $0x80, $0x38;
	[tilespmem:$0x1D180] =	vst v63  }
0x55e: {  	s8 =	simm.s32 $0x440;
	s13 =	simm.s32 $0x18EA8;
	s16 =	sadd.s32 $0x50, s12  }
0x55f: {  	[hbm4b:s16+s5] =	stream.linear.scatter [tilespmem:s13], [sflag:$0x4], $0x80, $0x38;
	[tilespmem:$0x1D180] =	vst v63  }
0x560: {  	s29 =	sadd.s32 $0x70, s12;
	s18 =	simm.s32 $0x18F30;
	s19 =	sadd.s32 $0x60, s12  }
0x561: {  	[hbm4b:s19+s5] =	stream.linear.scatter [tilespmem:s18], [sflag:$0x4], $0x80, $0x38;
	[tilespmem:$0x1D180] =	vst v63  }
0x562: {  	s13 =	sadd.s32 $0x1000, s12;
	s18 =	simm.s32 $0x2200;
	s19 =	simm.s32 $0x18FB8  }
.LBB2_19:
0x563: {  	[hbm4b:s29+s5] =	stream.linear.scatter [tilespmem:s19], [sflag:$0x4], $0x80, $0x38;
	[tilespmem:$0x1D180] =	vst v63  }
0x564: {  	s12 =	smov.u32 s8;
	s8 =	smov.u32 s18  }
0x565: {  	s16 =	sadd.s32 $0x1100, s18;
	s8 =	sshra.s32 s8, $0x2;
	s19 =	sadd.s32 $0x18C00, s12  }
0x566: {  	[hbm4b:s13+s5] =	stream.linear.scatter [tilespmem:s19], [sflag:$0x4], $0x80, $0x38;
	[tilespmem:$0x1D180] =	vst v63  }
0x567: {  	p0 =	sne.s32 s18, $0xFF00;
	s18 =	sadd.s32 $0x18C88, s12;
	s19 =	sadd.s32 $0x10, s13  }
0x568: {  	[hbm4b:s19+s5] =	stream.linear.scatter [tilespmem:s18], [sflag:$0x4], $0x80, $0x38;
	[tilespmem:$0x1D180] =	vst v63  }
0x569: {  	s18 =	sadd.s32 $0x18D10, s12;
	s19 =	sadd.s32 $0x20, s13  }
0x56a: {  	[hbm4b:s19+s5] =	stream.linear.scatter [tilespmem:s18], [sflag:$0x4], $0x80, $0x38;
	[tilespmem:$0x1D180] =	vst v63  }
0x56b: {  	s18 =	sadd.s32 $0x18D98, s12;
	s19 =	sadd.s32 $0x30, s13  }
0x56c: {  	[hbm4b:s19+s5] =	stream.linear.scatter [tilespmem:s18], [sflag:$0x4], $0x80, $0x38;
	[tilespmem:$0x1D180] =	vst v63  }
0x56d: {  	s18 =	sadd.s32 $0x18E20, s12;
	s19 =	sadd.s32 $0x40, s13  }
0x56e: {  	[hbm4b:s19+s5] =	stream.linear.scatter [tilespmem:s18], [sflag:$0x4], $0x80, $0x38;
	[tilespmem:$0x1D180] =	vst v63  }
.Ltmp8:
0x56f: {  	s18 =	sadd.s32 $0x18EA8, s12;
	s19 =	sadd.s32 $0x50, s13;
	(pc) =	sbr.rel @p0 .LBB2_19-.Ltmp8, $4  }
0x570: {  	[hbm4b:s19+s5] =	stream.linear.scatter [tilespmem:s18], [sflag:$0x4], $0x80, $0x38;
	[tilespmem:$0x1D180] =	vst v63  }
0x571: {  	s29 =	sadd.s32 $0x70, s13;
	s18 =	sadd.s32 $0x18F30, s12;
	s19 =	sadd.s32 $0x60, s13  }
0x572: {  	[hbm4b:s19+s5] =	stream.linear.scatter [tilespmem:s18], [sflag:$0x4], $0x80, $0x38;
	[tilespmem:$0x1D180] =	vst v63  }
0x573: {  	s13 =	sadd.s32 $0x1000, s13;
	s19 =	sadd.s32 $0x18FB8, s12;
	s18 =	smov.u32 s16  }
0x574: {  	[hbm4b:s29+s5] =	stream.linear.scatter [tilespmem:s19], [sflag:$0x4], $0x80, $0x38;
	[tilespmem:$0x1D180] =	vst v63  }
0x575: {  	s12 =	sadd.s32 $0x18C00, s8  }
0x576: {  	[hbm4b:s13+s5] =	stream.linear.scatter [tilespmem:s12], [sflag:$0x4], $0x80, $0x38;
	[tilespmem:$0x1D180] =	vst v63  }
0x577: {  	s18 =	sadd.s32 $0x18C88, s8;
	s16 =	sadd.s32 $0x10, s13  }
0x578: {  	[hbm4b:s16+s5] =	stream.linear.scatter [tilespmem:s18], [sflag:$0x4], $0x80, $0x38;
	[tilespmem:$0x1D180] =	vst v63  }
0x579: {  	s19 =	sadd.s32 $0x18D10, s8;
	s29 =	sadd.s32 $0x20, s13  }
0x57a: {  	[hbm4b:s29+s5] =	stream.linear.scatter [tilespmem:s19], [sflag:$0x4], $0x80, $0x38;
	[tilespmem:$0x1D180] =	vst v63  }
0x57b: {  	s16 =	sadd.s32 $0x18D98, s8;
	s18 =	sadd.s32 $0x30, s13  }
0x57c: {  	[hbm4b:s18+s5] =	stream.linear.scatter [tilespmem:s16], [sflag:$0x4], $0x80, $0x38;
	[tilespmem:$0x1D180] =	vst v63  }
0x57d: {  	s19 =	sadd.s32 $0x18E20, s8;
	s29 =	sadd.s32 $0x40, s13  }
0x57e: {  	[hbm4b:s29+s5] =	stream.linear.scatter [tilespmem:s19], [sflag:$0x4], $0x80, $0x38;
	[tilespmem:$0x1D180] =	vst v63  }
0x57f: {  	s16 =	sadd.s32 $0x18EA8, s8;
	s18 =	sadd.s32 $0x50, s13  }
0x580: {  	[hbm4b:s18+s5] =	stream.linear.scatter [tilespmem:s16], [sflag:$0x4], $0x80, $0x38;
	[tilespmem:$0x1D180] =	vst v63  }
0x581: {  	s19 =	sadd.s32 $0x18F30, s8;
	s29 =	sadd.s32 $0x60, s13  }
0x582: {  	[hbm4b:s29+s5] =	stream.linear.scatter [tilespmem:s19], [sflag:$0x4], $0x80, $0x38;
	[tilespmem:$0x1D180] =	vst v63  }
0x583: {  	s19 =	sadd.s32 $0xA, s9  }
0x584: {  	s16 =	sadd.s32 $0x18FB8, s8;
	s18 =	sadd.s32 $0x70, s13;
	s9 =	sshll.u32 s19, $0x7  }
0x585: {  	[hbm4b:s18+s5] =	stream.linear.scatter [tilespmem:s16], [sflag:$0x4], $0x80, $0x38;
	[tilespmem:$0x1D180] =	vst v63  }
0x586: {  	s31 =	sadd.s32 $0x1, s31;
	s9 =	sand.u32 $0x3FFFFF80, s9  }
0x587: {  	p0 =	sne.s32 s31, $0x30;
	s9 =	sadd.s32 $0x6400, s9  }
0x588: {  	[tilespmem:s30], [sflag:$0x2] =	stream.indirect.gather [hbm4b:s6+s22], $0x40, s9, s22, $0xb8;
	[tilespmem:$0x1D180] =	vst v63  }
.Ltmp9:
0x589: {  	_ = 	snop;
	(pc) =	sbr.rel @p0 .LBB2_12-.Ltmp9, $4  }
0x58a: {  	s29 =	sadd.s32 $0x6980, s11;
	s8 =	sshll.u32 s19, $0x3  }
0x58b: {  	[tilespmem:s3], [sflag:$0x2] =	stream.indirect.gather [hbm4b:s6+s22], $0x40, s29, s22, $0xb8;
	[tilespmem:$0x1D180] =	vst v63  }
0x58c: {  	v20 =	vld [tilespmem:$0x1FFE0];
	s8 =	sadd.s32 s7, s8  }
0x58d: {  	v21 =	vld [tilespmem:$0x1FFF0];
	[tilespmem:s0], [sflag:$0x2] =	stream.linear.gather [hbm4b:s8+s5], $0x80, $0x38  }
0x58e: {  	_ =	swait.ge [sflag:s1], $0x4000  }
0x58f: {  	[sflag:s1] =	ssyncset.done $0x0  }
0x590: {  	[sflag:s1] =	ssyncadd.s32 $0xFFFFC000  }
0x591: {  	_ =	swait.ge [sflag:s1], $0x80  }
0x592: {  	[sflag:s1] =	ssyncset.done $0x0  }
0x593: {  	[sflag:s1] =	ssyncadd.s32 $0xFFFFFF80  }
0x594: {  	_ =	swait.ge [sflag:s20], $0x4000  }
0x595: {  	v38 =	vld [tilespmem:$0x1FF70]  }
0x596: {  	v39 =	vld [tilespmem:$0x1FF80]  }
0x597: {  	[sflag:s20] =	ssyncset.done $0x0;
	v12 =	vld [tilespmem:$0x1FFA0]  }
0x598: {  	s11 =	simm.s32 $0xFFFFFFF8;
	s8 =	simm.s32 $0xC900;
	v40 =	vld [tilespmem:$0x1FFB0];
	[sflag:s20] =	ssyncadd.s32 $0xFFFFC000  }
.LBB2_22:
0x599: {  	v0 =	vld [tilespmem:s8+$0xFFFFFF00]  }
0x59a: {  	s9 =	sadd.s32 $0x8, s11;
	v1 =	vld [tilespmem:s8+$0xFFFFFF10]  }
0x59b: {  	v2 =	vld [tilespmem:s8+$0xFFFFFF20];
	s12 =	sshrl.u32 s9, $0x1  }
0x59c: {  	v3 =	vld [tilespmem:s8+$0xFFFFFF30];
	s12 =	sand.u32 $0x3FFFFFC0, s12  }
0x59d: {  	v29 =	vld [tilespmem:s12+$0x1D000]  }
0x59e: {  	v30 =	vld [tilespmem:s12+$0x1D010]  }
0x59f: {  	v31 =	vld [tilespmem:s12+$0x1D020]  }
0x5a0: {  	v32 =	vld [tilespmem:s12+$0x1D030];
	_ =	sdelay $0x3  }
0x5a1: {  	v8 =	vadd.f32 v29, v0;
	v6 =	vadd.f32 v30, v1  }
0x5a2: {  	v1 =	vadd.f32 v31, v2;
	v0 =	vadd.f32 v32, v3  }
0x5a3: {  	v16 =	vmul.f32 v8, v8;
	v17 =	vmul.f32 v6, v6  }
0x5a4: {  	v4 =	vmul.f32 v1, v1;
	v5 =	vmul.f32 v0, v0  }
0x5a5: {  	v7 =	vadd.f32 v6, v8;
	v9 =	vadd.f32 v0, v1  }
0x5a6: {  	v2 =	vadd.f32 v17, v16;
	v18 =	vadd.f32 v5, v4  }
0x5a7: {  	v19 =	vadd.f32 v9, v7  }
0x5a8: {  	v2 =	vadd.f32 v18, v2  }
0x5a9: {  	v28 =	vperm.xlane v19, v38  }
0x5aa: {  	v33 =	vperm.xlane v2, v38  }
0x5ab: {  	v3 =	vadd.f32 v19, v28  }
0x5ac: {  	v2 =	vadd.f32 v33, v2  }
0x5ad: {  	v34 =	vld [tilespmem:s8+$0xFFFFFF40];
	v4 =	vperm.xlane v3, v39  }
0x5ae: {  	v35 =	vld [tilespmem:s8+$0xFFFFFF50];
	v5 =	vperm.xlane v2, v39  }
0x5af: {  	v36 =	vld [tilespmem:s8+$0xFFFFFF60];
	v3 =	vadd.f32 v3, v4  }
0x5b0: {  	v10 =	vld [tilespmem:s8+$0xFFFFFF70];
	v2 =	vadd.f32 v5, v2  }
0x5b1: {  	v37 =	vperm.xlane v3, v12  }
0x5b2: {  	v11 =	vperm.xlane v2, v12  }
0x5b3: {  	v7 =	vadd.f32 v34, v29;
	v13 =	vadd.f32 v3, v37  }
0x5b4: {  	v5 =	vadd.f32 v35, v30;
	v2 =	vadd.f32 v11, v2  }
0x5b5: {  	v4 =	vadd.f32 v36, v31;
	v3 =	vadd.f32 v10, v32;
	v47 =	vperm.xlane v13, v40  }
0x5b6: {  	v49 =	vmul.f32 v7, v7;
	v15 =	vadd.f32 v5, v7;
	v14 =	vperm.xlane v2, v40  }
0x5b7: {  	v50 =	vmul.f32 v5, v5;
	v16 =	vadd.f32 v3, v4;
	v48 =	vadd.f32 v13, v47  }
0x5b8: {  	v13 =	vmul.f32 v4, v4;
	v2 =	vadd.f32 v14, v2;
	v14 =	vmul.f32 v3, v3  }
0x5b9: {  	v10 =	vadd.f32 v50, v49;
	v9 =	vmul.f32 $1.562500000e-02, v48  }
0x5ba: {  	v52 =	vadd.f32 v14, v13;
	v13 =	vadd.f32 v16, v15  }
0x5bb: {  	v2 =	vmul.f32 $1.562500000e-02, v2;
	v14 =	vmul.f32 v9, v9  }
0x5bc: {  	v10 =	vadd.f32 v52, v10;
	v54 =	vperm.xlane v13, v38  }
0x5bd: {  	v2 =	vsub.f32 v2, v14  }
0x5be: {  	v14 =	vperm.xlane v10, v38;
	v11 =	vadd.f32 v13, v54  }
0x5bf: {  	v2 =	vadd.f32 $9.999999740e-06, v2  }
0x5c0: {  	v10 =	vadd.f32 v14, v10;
	v13 =	vperm.xlane v11, v39  }
0x5c1: {  	v14 =	vshrl.u32 v2, $0x1;
	v2 =	vmul.f32 $5.000000000e-01, v2  }
0x5c2: {  	v56 =	vld [tilespmem:s8+$0xFFFFFFA0];
	v14 =	vsub.s32 $0x5F3759DF, v14;
	v15 =	vperm.xlane v10, v39;
	v11 =	vadd.f32 v11, v13  }
0x5c3: {  	v17 =	vld [tilespmem:s8+$0xFFFFFF80];
	v13 =	vmul.f32 v14, v2  }
0x5c4: {  	v19 =	vld [tilespmem:s8+$0xFFFFFFB0];
	v10 =	vadd.f32 v15, v10;
	v15 =	vperm.xlane v11, v12  }
0x5c5: {  	v13 =	vmul.f32 v14, v13  }
0x5c6: {  	v55 =	vperm.xlane v10, v12;
	v11 =	vadd.f32 v11, v15;
	v15 =	vld [tilespmem:s8+$0xFFFFFF90]  }
0x5c7: {  	v50 =	vadd.f32 v56, v31;
	v13 =	vsub.f32 $1.500000000e+00, v13  }
0x5c8: {  	v48 =	vadd.f32 v17, v29;
	v10 =	vadd.f32 v55, v10;
	v18 =	vperm.xlane v11, v40  }
0x5c9: {  	v20 =	vmul.f32 v50, v50;
	v52 =	vadd.f32 v19, v32;
	v13 =	vmul.f32 v14, v13  }
0x5ca: {  	v60 =	vmul.f32 v48, v48;
	v14 =	vperm.xlane v10, v40;
	v11 =	vadd.f32 v11, v18  }
0x5cb: {  	v21 =	vmul.f32 v52, v52;
	v57 =	vmul.f32 v13, v2;
	v2 =	vadd.f32 v15, v30  }
0x5cc: {  	v59 =	vadd.f32 v52, v50;
	v10 =	vadd.f32 v14, v10;
	v11 =	vmul.f32 $1.562500000e-02, v11  }
0x5cd: {  	v63 =	vadd.f32 v21, v20;
	v14 =	vmul.f32 v57, v13;
	v61 =	vmul.f32 v2, v2  }
0x5ce: {  	v58 =	vadd.f32 v2, v48;
	v10 =	vmul.f32 $1.562500000e-02, v10;
	v15 =	vmul.f32 v11, v11  }
0x5cf: {  	v14 =	vsub.f32 $1.500000000e+00, v14;
	v62 =	vadd.f32 v61, v60  }
0x5d0: {  	v10 =	vsub.f32 v10, v15;
	v15 =	vadd.f32 v59, v58  }
0x5d1: {  	v13 =	vmul.f32 v14, v13;
	v14 =	vadd.f32 v63, v62  }
0x5d2: {  	v10 =	vadd.f32 $9.999999740e-06, v10;
	v28 =	vperm.xlane v15, v38  }
0x5d3: {  	v34 =	vperm.xlane v14, v38  }
0x5d4: {  	v33 =	vshrl.u32 v10, $0x1;
	v10 =	vmul.f32 $5.000000000e-01, v10;
	v15 =	vadd.f32 v15, v28  }
0x5d5: {  	v17 =	vsub.s32 $0x5F3759DF, v33;
	v14 =	vadd.f32 v34, v14  }
0x5d6: {  	s29 =	sshrl.u32 s9, $0x7;
	v35 =	vmul.f32 v17, v10;
	v36 =	vperm.xlane v15, v39  }
0x5d7: {  	v49 =	vmov s29;
	v47 =	vperm.xlane v14, v39  }
0x5d8: {  	s13 =	sand.u32 $0x78, s9;
	v54 =	vmul.u32 $0x2200, v49;
	v37 =	vmul.f32 v17, v35;
	v15 =	vadd.f32 v15, v36  }
0x5d9: {  	v20 =	vmov s13;
	v9 =	vmul.f32 v13, v9;
	v14 =	vadd.f32 v47, v14  }
0x5da: {  	v8 =	vmul.f32 v13, v8;
	v16 =	vsub.f32 $1.500000000e+00, v37;
	v21 =	vperm.xlane v15, v12  }
0x5db: {  	v55 =	vshrl.u32 v20, $0x3;
	v6 =	vmul.f32 v13, v6;
	v18 =	vperm.xlane v14, v12  }
0x5dc: {  	v1 =	vmul.f32 v13, v1;
	v16 =	vmul.f32 v17, v16;
	v15 =	vadd.f32 v15, v21  }
0x5dd: {  	v0 =	vmul.f32 v13, v0;
	v8 =	vsub.f32 v8, v9;
	v14 =	vadd.f32 v18, v14  }
0x5de: {  	v6 =	vsub.f32 v6, v9;
	v10 =	vmul.f32 v16, v10;
	v56 =	vperm.xlane v15, v40  }
0x5df: {  	v1 =	vsub.f32 v1, v9;
	v0 =	vsub.f32 v0, v9;
	v18 =	vperm.xlane v14, v40  }
0x5e0: {  	v8 =	vmul.f32 v8, v41;
	v10 =	vmul.f32 v10, v16;
	v15 =	vadd.f32 v15, v56  }
0x5e1: {  	v6 =	vmul.f32 v6, v42;
	v1 =	vmul.f32 v1, v43;
	v14 =	vadd.f32 v18, v14  }
0x5e2: {  	v59 =	vld [tilespmem:s8+$0xFFFFFFD0];
	v0 =	vmul.f32 v0, v46;
	v10 =	vsub.f32 $1.500000000e+00, v10;
	v15 =	vmul.f32 $1.562500000e-02, v15  }
0x5e3: {  	v42 =	vld [tilespmem:s8+$0xFFFFFFF0];
	v36 =	vadd.f32 v8, v44;
	v8 =	vbroadcast v54, $0x0;
	v58 =	vmul.f32 $1.562500000e-02, v14  }
0x5e4: {  	v6 =	vadd.f32 v6, v45;
	v14 =	vld [tilespmem:s8+$0xFFFFFFC0];
	v10 =	vmul.f32 v10, v16;
	v13 =	vmul.f32 v15, v15  }
0x5e5: {  	v43 =	vld [tilespmem:$0x1FFE0];
	v1 =	vadd.f32 v1, v51;
	v25 =	vadd.s32 v22, v8;
	v26 =	vadd.s32 v24, v8  }
0x5e6: {  	[tilespmem:$0x1FC10] =	vst v6;
	v11 =	vmul.f32 v10, v11;
	v7 =	vmul.f32 v10, v7;
	v6 =	vsub.f32 v58, v13;
	v13 =	vld [tilespmem:s8+$0xFFFFFFE0]  }
0x5e7: {  	v37 =	vadd.f32 v0, v53;
	v0 =	vadd.f32 v59, v30;
	v17 =	vshll.u32 v55, v23  }
0x5e8: {  	v17 =	vbroadcast v17, $0x0;
	v58 =	vadd.f32 v42, v32;
	v47 =	vsub.f32 v7, v11  }
0x5e9: {  	v49 =	vld [tilespmem:$0x1FFF0];
	v6 =	vadd.f32 $9.999999740e-06, v6;
	v60 =	vadd.f32 v14, v29;
	v14 =	vmul.f32 v0, v0  }
0x5ea: {  	s31 =	sadd.s32 $0x9, s11;
	v27 =	vadd.s32 v43, v8;
	v43 =	vmul.f32 v58, v58;
	v7 =	vmul.f32 v47, v41  }
0x5eb: {  	s12 =	sand.u32 $0x78, s31;
	[tilespmem:$0x1FC20] =	vst v1;
	v54 =	vshrl.u32 v6, $0x1;
	v6 =	vmul.f32 $5.000000000e-01, v6;
	v1 =	vadd.f32 v13, v31  }
0x5ec: {  	v41 =	vmov s12;
	v55 =	vsub.s32 $0x5F3759DF, v54;
	v13 =	vmul.f32 v60, v60  }
0x5ed: {  	v16 =	vshrl.u32 v41, $0x3;
	v63 =	vmul.f32 v55, v6;
	v42 =	vmul.f32 v1, v1  }
0x5ee: {  	v28 =	vadd.s32 v49, v8;
	v57 =	vadd.s32 v17, v25;
	v16 =	vshll.u32 v16, v23  }
0x5ef: {  	v13 =	vadd.f32 v14, v13;
	v9 =	vmul.f32 v55, v63;
	v14 =	vadd.f32 v43, v42  }
0x5f0: {  	v47 =	vadd.f32 v0, v60;
	v20 =	vadd.f32 v58, v1;
	v16 =	vbroadcast v16, $0x0  }
0x5f1: {  	v5 =	vmul.f32 v10, v5;
	v9 =	vsub.f32 $1.500000000e+00, v9;
	v13 =	vadd.f32 v14, v13  }
0x5f2: {  	v3 =	vmul.f32 v10, v3;
	v49 =	vadd.f32 v20, v47;
	v14 =	vadd.s32 v25, v16  }
0x5f3: {  	v8 =	vmul.f32 v55, v9;
	v42 =	vor.u32 $0x1, v14;
	v14 =	vld [tilespmem:$0x1FE80];
	v55 =	vperm.xlane v13, v38  }
0x5f4: {  	v4 =	vmul.f32 v10, v4;
	v3 =	vsub.f32 v3, v11;
	v54 =	vperm.xlane v49, v38  }
0x5f5: {  	v5 =	vsub.f32 v5, v11;
	v6 =	vmul.f32 v8, v6;
	v9 =	vadd.f32 v55, v13  }
0x5f6: {  	v62 =	vld [tilespmem:s8+$0x20];
	v3 =	vmul.f32 v3, v46;
	v41 =	vadd.f32 v7, v44;
	v7 =	vadd.f32 v49, v54  }
0x5f7: {  	v61 =	vld [tilespmem:$0x1FE90];
	[tilespmem:$0x1FC00] =	vst v57;
	v6 =	vmul.f32 v6, v8;
	v57 =	vperm.xlane v9, v39  }
0x5f8: {  	v56 =	vperm.xlane v7, v39;
	v13 =	vld [tilespmem:s8+$0x0];
	v5 =	vmul.f32 v5, v14  }
0x5f9: {  	v59 =	vld [tilespmem:s8+$0x10];
	v14 =	vadd.s32 v26, v16;
	v6 =	vsub.f32 $1.500000000e+00, v6;
	v9 =	vadd.f32 v57, v9  }
0x5fa: {  	v43 =	vadd.f32 v5, v45;
	v5 =	vadd.f32 v7, v56;
	v45 =	vor.u32 $0x1, v14;
	v14 =	vld [tilespmem:s8+$0x30]  }
0x5fb: {  	v10 =	vadd.f32 v62, v31;
	v4 =	vsub.f32 v4, v11;
	v54 =	vperm.xlane v9, v12  }
0x5fc: {  	v44 =	vadd.f32 v3, v53;
	v8 =	vmul.f32 v6, v8;
	v63 =	vperm.xlane v5, v12  }
0x5fd: {  	v4 =	vmul.f32 v4, v61;
	v6 =	vadd.f32 v13, v29;
	v9 =	vadd.f32 v54, v9  }
0x5fe: {  	v7 =	vadd.f32 v59, v30;
	v3 =	vmul.f32 v8, v15;
	v55 =	vadd.f32 v5, v63  }
0x5ff: {  	v56 =	vmul.f32 v6, v6;
	v5 =	vadd.f32 v14, v32;
	v13 =	vperm.xlane v9, v40  }
0x600: {  	v14 =	vmul.f32 v7, v7;
	v11 =	vperm.xlane v55, v40  }
0x601: {  	v15 =	vmul.f32 v5, v5;
	v9 =	vadd.f32 v13, v9;
	v13 =	vmul.f32 v10, v10  }
0x602: {  	v46 =	vadd.f32 v4, v51;
	v4 =	vadd.f32 v55, v11  }
0x603: {  	v11 =	vadd.f32 v14, v56;
	v13 =	vadd.f32 v15, v13;
	_ =	sdelay $0x1  }
0x604: {  	v11 =	vadd.f32 v13, v11;
	v13 =	vld [tilespmem:$0x1FE70]  }
0x605: {  	v57 =	vmul.f32 v8, v48;
	v59 =	vadd.f32 v7, v6;
	v61 =	vadd.f32 v5, v10  }
0x606: {  	v54 =	vld [tilespmem:$0x1FEB0]  }
0x607: {  	v62 =	vadd.f32 v61, v59;
	v15 =	vsub.f32 v57, v3  }
0x608: {  	v14 =	vadd.s32 v28, v16  }
0x609: {  	v48 =	vor.u32 $0x1, v14;
	v14 =	vperm.xlane v62, v38;
	v13 =	vmul.f32 v15, v13  }
0x60a: {  	s13 =	sadd.s32 $0xA, s11;
	v49 =	vadd.s32 v27, v16;
	v4 =	vmul.f32 $1.562500000e-02, v4  }
0x60b: {  	s12 =	sand.u32 $0x78, s13;
	v47 =	vor.u32 $0x1, v49;
	v49 =	vadd.f32 v13, v54;
	v13 =	vadd.f32 v62, v14  }
0x60c: {  	v9 =	vmul.f32 $1.562500000e-02, v9;
	v63 =	vmul.f32 v4, v4;
	v15 =	vmov s12  }
0x60d: {  	v14 =	vshrl.u32 v15, $0x3;
	v15 =	vperm.xlane v13, v39  }
0x60e: {  	v9 =	vsub.f32 v9, v63;
	v53 =	vperm.xlane v11, v38  }
0x60f: {  	v2 =	vmul.f32 v8, v2;
	v13 =	vadd.f32 v13, v15;
	v15 =	vld [tilespmem:$0x1FE80]  }
0x610: {  	v35 =	vadd.s32 v17, v26;
	v9 =	vadd.f32 $9.999999740e-06, v9;
	v11 =	vadd.f32 v53, v11  }
0x611: {  	v33 =	vadd.s32 v17, v27;
	v34 =	vadd.s32 v17, v28;
	v2 =	vsub.f32 v2, v3  }
0x612: {  	v21 =	vld [tilespmem:$0x1FE90];
	v55 =	vshrl.u32 v9, $0x1;
	v9 =	vmul.f32 $5.000000000e-01, v9;
	v17 =	vperm.xlane v11, v39  }
0x613: {  	v20 =	vld [tilespmem:$0x1FEC0];
	v57 =	vmul.f32 v8, v50;
	v16 =	vsub.s32 $0x5F3759DF, v55;
	v59 =	vperm.xlane v13, v12  }
0x614: {  	v11 =	vadd.f32 v17, v11;
	v2 =	vmul.f32 v2, v15;
	v15 =	vmul.f32 v16, v9  }
0x615: {  	v22 =	vld [tilespmem:s8+$0x70];
	v62 =	vsub.f32 v57, v3;
	v14 =	vshll.u32 v14, v23  }
0x616: {  	v63 =	vld [tilespmem:s8+$0x50];
	v13 =	vadd.f32 v13, v59;
	v61 =	vmul.f32 v16, v15;
	v15 =	vperm.xlane v11, v12  }
0x617: {  	v14 =	vbroadcast v14, $0x0;
	v17 =	vmul.f32 v62, v21;
	v59 =	vld [tilespmem:$0x1FED0]  }
0x618: {  	v21 =	vperm.xlane v13, v40;
	v50 =	vadd.f32 v2, v20;
	v20 =	vld [tilespmem:s8+$0x40];
	v11 =	vadd.f32 v15, v11  }
0x619: {  	v8 =	vmul.f32 v8, v52;
	v2 =	vsub.f32 $1.500000000e+00, v61;
	v61 =	vld [tilespmem:$0x1FEA0]  }
0x61a: {  	v56 =	vadd.s32 v25, v14;
	v13 =	vadd.f32 v13, v21;
	v15 =	vld [tilespmem:s8+$0x60];
	v57 =	vperm.xlane v11, v40  }
0x61b: {  	v3 =	vsub.f32 v8, v3;
	v51 =	vor.u32 $0x2, v56;
	v56 =	vadd.s32 v26, v14  }
0x61c: {  	v2 =	vmul.f32 v16, v2;
	v8 =	vadd.f32 v57, v11;
	v11 =	vmul.f32 $1.562500000e-02, v13;
	v13 =	vld [tilespmem:$0x1FEE0]  }
0x61d: {  	v53 =	vor.u32 $0x2, v56;
	v52 =	vadd.f32 v17, v59;
	v59 =	vadd.f32 v63, v30  }
0x61e: {  	v9 =	vmul.f32 v2, v9;
	v16 =	vmul.f32 v3, v61;
	v3 =	vadd.f32 v20, v29  }
0x61f: {  	v56 =	vadd.f32 v22, v32;
	v57 =	vadd.f32 v15, v31;
	v15 =	vadd.s32 v27, v14  }
0x620: {  	v9 =	vmul.f32 v9, v2;
	v8 =	vmul.f32 $1.562500000e-02, v8;
	v62 =	vadd.f32 v59, v3  }
0x621: {  	v63 =	vadd.f32 v56, v57;
	v54 =	vadd.f32 v16, v13;
	v13 =	vmul.f32 v11, v11  }
0x622: {  	v55 =	vor.u32 $0x2, v15;
	v15 =	vmul.f32 v3, v3;
	v9 =	vsub.f32 $1.500000000e+00, v9  }
0x623: {  	v61 =	vmul.f32 v57, v57;
	v8 =	vsub.f32 v8, v13;
	v13 =	vadd.f32 v63, v62  }
0x624: {  	v16 =	vmul.f32 v59, v59;
	v62 =	vmul.f32 v56, v56  }
0x625: {  	s16 =	sadd.s32 $0xB, s11;
	v9 =	vmul.f32 v9, v2;
	v2 =	vadd.f32 $9.999999740e-06, v8;
	v8 =	vperm.xlane v13, v38  }
0x626: {  	s12 =	sand.u32 $0x78, s16;
	v15 =	vadd.f32 v16, v15;
	v61 =	vadd.f32 v62, v61  }
0x627: {  	v63 =	vmov s12;
	v8 =	vadd.f32 v13, v8  }
0x628: {  	v13 =	vshrl.u32 v2, $0x1;
	v18 =	vmul.f32 $5.000000000e-01, v2;
	v2 =	vadd.f32 v61, v15  }
0x629: {  	v15 =	vshrl.u32 v63, $0x3  }
0x62a: {  	v13 =	vsub.s32 $0x5F3759DF, v13;
	v63 =	vperm.xlane v8, v39;
	v20 =	vperm.xlane v2, v38  }
0x62b: {  	v14 =	vadd.s32 v28, v14;
	v15 =	vshll.u32 v15, v23;
	v23 =	vld [tilespmem:s8+$0xB0];
	v19 =	vmul.f32 v13, v18  }
0x62c: {  	v17 =	vmul.f32 v9, v4;
	v8 =	vadd.f32 v8, v63;
	v2 =	vadd.f32 v20, v2;
	v20 =	vld [tilespmem:$0x1FE70]  }
0x62d: {  	v16 =	vld [tilespmem:s8+$0x90];
	v62 =	vmul.f32 v9, v60;
	v60 =	vor.u32 $0x2, v14;
	v14 =	vmul.f32 v13, v19  }
0x62e: {  	v21 =	vld [tilespmem:s8+$0x80];
	v0 =	vmul.f32 v9, v0;
	v22 =	vperm.xlane v8, v12  }
0x62f: {  	v4 =	vsub.f32 v62, v17;
	v61 =	vld [tilespmem:$0x1FEB0];
	v15 =	vbroadcast v15, $0x0;
	v14 =	vsub.f32 $1.500000000e+00, v14  }
0x630: {  	v19 =	vld [tilespmem:s8+$0xA0];
	v24 =	vperm.xlane v2, v39;
	v63 =	vadd.f32 v23, v32;
	v8 =	vadd.f32 v8, v22  }
0x631: {  	v13 =	vmul.f32 v13, v14;
	v4 =	vmul.f32 v4, v20;
	v20 =	vadd.s32 v25, v15  }
0x632: {  	v14 =	vadd.f32 v24, v2;
	v2 =	vadd.f32 v16, v30;
	v62 =	vor.u32 $0x3, v20  }
0x633: {  	v20 =	vsub.f32 v0, v17;
	v22 =	vperm.xlane v8, v40;
	v16 =	vmul.f32 v13, v18  }
0x634: {  	v18 =	vperm.xlane v14, v12;
	v61 =	vadd.f32 v4, v61;
	v4 =	vadd.f32 v21, v29  }
0x635: {  	v0 =	vadd.f32 v19, v31;
	v8 =	vadd.f32 v8, v22  }
0x636: {  	v24 =	vld [tilespmem:$0x1FE80];
	v14 =	vadd.f32 v18, v14;
	v22 =	vmul.f32 v2, v2;
	v18 =	vmul.f32 v4, v4  }
0x637: {  	v21 =	vadd.f32 v63, v0;
	v19 =	vadd.f32 v2, v4  }
0x638: {  	v1 =	vmul.f32 v9, v1;
	v18 =	vadd.f32 v22, v18;
	v22 =	vperm.xlane v14, v40  }
0x639: {  	v23 =	vmul.f32 v63, v63;
	v19 =	vadd.f32 v21, v19;
	v21 =	vmul.f32 v0, v0  }
0x63a: {  	v9 =	vmul.f32 v9, v58;
	v16 =	vmul.f32 v16, v13;
	v14 =	vadd.f32 v22, v14  }
0x63b: {  	v20 =	vmul.f32 v20, v24;
	v24 =	vsub.f32 v1, v17;
	v1 =	vadd.f32 v23, v21  }
0x63c: {  	v9 =	vsub.f32 v9, v17;
	v16 =	vsub.f32 $1.500000000e+00, v16;
	v17 =	vmul.f32 $1.562500000e-02, v14;
	v14 =	vld [tilespmem:$0x1FEC0]  }
0x63d: {  	v1 =	vadd.f32 v1, v18;
	v18 =	vperm.xlane v19, v38  }
0x63e: {  	v8 =	vmul.f32 $1.562500000e-02, v8;
	v13 =	vmul.f32 v16, v13;
	v16 =	vld [tilespmem:s8+$0xD0]  }
0x63f: {  	v21 =	vld [tilespmem:s8+$0xC0];
	v18 =	vadd.f32 v19, v18  }
0x640: {  	v58 =	vmul.f32 v8, v8;
	v23 =	vld [tilespmem:s8+$0xF0];
	v19 =	vperm.xlane v1, v38  }
0x641: {  	v11 =	vmul.f32 v13, v11;
	v14 =	vadd.f32 v20, v14;
	v20 =	vperm.xlane v18, v39  }
0x642: {  	v6 =	vmul.f32 v13, v6;
	v7 =	vmul.f32 v13, v7;
	v19 =	vadd.f32 v19, v1  }
0x643: {  	v10 =	vmul.f32 v13, v10;
	v13 =	vmul.f32 v13, v5;
	v5 =	vadd.f32 v18, v20  }
0x644: {  	v17 =	vsub.f32 v17, v58;
	v30 =	vadd.f32 v16, v30;
	v16 =	vperm.xlane v19, v39  }
0x645: {  	v58 =	vadd.f32 v21, v29;
	v29 =	vadd.f32 v23, v32;
	v32 =	vperm.xlane v5, v12  }
0x646: {  	v16 =	vadd.f32 v16, v19  }
0x647: {  	v5 =	vadd.f32 v5, v32;
	v32 =	vld [tilespmem:$0x1FE90]  }
0x648: {  	v19 =	vperm.xlane v16, v12  }
0x649: {  	v22 =	vld [tilespmem:s8+$0xE0]  }
0x64a: {  	v16 =	vadd.f32 v19, v16;
	_ =	sdelay $0x1  }
0x64b: {  	v24 =	vmul.f32 v24, v32;
	v32 =	vperm.xlane v16, v40;
	_ =	sdelay $0x1  }
0x64c: {  	v1 =	vadd.f32 v22, v31;
	v22 =	vmul.f32 v30, v30;
	v16 =	vadd.f32 v32, v16;
	v32 =	vld [tilespmem:$0x1FEA0]  }
0x64d: {  	v21 =	vmul.f32 v58, v58;
	v31 =	vmul.f32 v29, v29  }
0x64e: {  	v23 =	vmul.f32 v1, v1;
	v18 =	vadd.f32 v30, v58;
	v20 =	vadd.f32 v29, v1  }
0x64f: {  	v21 =	vadd.f32 v22, v21  }
0x650: {  	v22 =	vadd.f32 v31, v23;
	v18 =	vadd.f32 v20, v18  }
0x651: {  	v9 =	vmul.f32 v9, v32;
	v32 =	vld [tilespmem:$0x1FEE0]  }
0x652: {  	v21 =	vadd.f32 v22, v21;
	v22 =	vperm.xlane v18, v38  }
0x653: {  	v31 =	vperm.xlane v5, v40  }
0x654: {  	v18 =	vadd.f32 v18, v22;
	v22 =	vperm.xlane v21, v38  }
0x655: {  	v31 =	vadd.f32 v5, v31;
	v5 =	vld [tilespmem:$0x1FED0]  }
0x656: {  	v21 =	vadd.f32 v22, v21;
	v22 =	vperm.xlane v18, v39;
	v9 =	vadd.f32 v9, v32;
	v32 =	vld [tilespmem:$0x1FE70];
	_ =	sdelay $0x1  }
0x657: {  	v18 =	vadd.f32 v18, v22;
	v22 =	vperm.xlane v21, v39  }
0x658: {  	v6 =	vsub.f32 v6, v11  }
0x659: {  	v31 =	vmul.f32 $1.562500000e-02, v31;
	v21 =	vadd.f32 v22, v21  }
0x65a: {  	v5 =	vadd.f32 v24, v5;
	v24 =	vadd.s32 v27, v15;
	v6 =	vmul.f32 v6, v32;
	v32 =	vld [tilespmem:$0x1FFC0]  }
0x65b: {  	s18 =	sadd.s32 $0xC, s11;
	v16 =	vmul.f32 $1.562500000e-02, v16;
	v22 =	vor.u32 $0x3, v24;
	v24 =	vmul.f32 v31, v31  }
0x65c: {  	s12 =	sand.u32 $0x78, s18  }
0x65d: {  	v16 =	vsub.f32 v16, v24;
	v24 =	vmov s12  }
0x65e: {  	v24 =	vshrl.u32 v24, $0x3  }
0x65f: {  	v24 =	vshll.u32 v24, v32;
	v32 =	vld [tilespmem:$0x1FEB0];
	_ =	sdelay $0x4  }
0x660: {  	v6 =	vadd.f32 v6, v32;
	v32 =	vld [tilespmem:$0x1FE80];
	_ =	sdelay $0x2  }
0x661: {  	v7 =	vsub.f32 v7, v11;
	v17 =	vadd.f32 $9.999999740e-06, v17;
	_ =	sdelay $0x1  }
0x662: {  	v20 =	vshrl.u32 v17, $0x1;
	v17 =	vmul.f32 $5.000000000e-01, v17;
	v7 =	vmul.f32 v7, v32;
	v32 =	vld [tilespmem:$0x1FC00]  }
0x663: {  	v20 =	vsub.s32 $0x5F3759DF, v20  }
0x664: {  	v23 =	vmul.f32 v20, v17;
	_ =	sdelay $0x1  }
0x665: {  	v23 =	vmul.f32 v20, v23;
	_ =	sdelay $0x1  }
0x666: {  	v23 =	vsub.f32 $1.500000000e+00, v23;
	_ =	sdelay $0x1  }
0x667: {  	v20 =	vmul.f32 v20, v23;
	[tilespmem:v32+s2+$0x0] =	vst.idx.msk $0xffff, v36;
	v36 =	vld [tilespmem:$0x1FEC0];
	_ =	sdelay $0x1  }
0x668: {  	v17 =	vmul.f32 v20, v17;
	_ =	sdelay $0x1  }
0x669: {  	v17 =	vmul.f32 v17, v20  }
0x66a: {  	v7 =	vadd.f32 v7, v36;
	v36 =	vld [tilespmem:$0x1FC10]  }
0x66b: {  	v17 =	vsub.f32 $1.500000000e+00, v17;
	v16 =	vadd.f32 $9.999999740e-06, v16;
	_ =	sdelay $0x1  }
0x66c: {  	v17 =	vmul.f32 v17, v20;
	v20 =	vshrl.u32 v16, $0x1;
	v16 =	vmul.f32 $5.000000000e-01, v16  }
0x66d: {  	v10 =	vsub.f32 v10, v11;
	v20 =	vsub.s32 $0x5F3759DF, v20  }
0x66e: {  	v11 =	vsub.f32 v13, v11;
	v13 =	vmul.f32 v20, v16;
	[tilespmem:v35+s2+$0x0] =	vst.idx.msk $0xffff, v36;
	v36 =	vld [tilespmem:$0x1FE90]  }
0x66f: {  	[tilespmem:v42+s2+$0x0] =	vst.idx.msk $0xffff, v41  }
0x670: {  	[tilespmem:v45+s2+$0x0] =	vst.idx.msk $0xffff, v43;
	v13 =	vmul.f32 v20, v13  }
0x671: {  	[tilespmem:v47+s2+$0x0] =	vst.idx.msk $0xffff, v46;
	v23 =	vperm.xlane v18, v12  }
0x672: {  	[tilespmem:v48+s2+$0x0] =	vst.idx.msk $0xffff, v44;
	v13 =	vsub.f32 $1.500000000e+00, v13  }
0x673: {  	v18 =	vadd.f32 v18, v23;
	v23 =	vperm.xlane v21, v12;
	v10 =	vmul.f32 v10, v36;
	v36 =	vld [tilespmem:$0x1FEA0]  }
0x674: {  	[tilespmem:v51+s2+$0x0] =	vst.idx.msk $0xffff, v49;
	v19 =	vadd.s32 v26, v15;
	v13 =	vmul.f32 v20, v13  }
0x675: {  	v41 =	vld [tilespmem:$0x1FE70];
	v21 =	vadd.f32 v23, v21;
	v23 =	vperm.xlane v18, v40;
	v8 =	vmul.f32 v17, v8  }
0x676: {  	[tilespmem:v53+s2+$0x0] =	vst.idx.msk $0xffff, v50;
	v19 =	vor.u32 $0x3, v19;
	v3 =	vmul.f32 v17, v3;
	v16 =	vmul.f32 v13, v16  }
0x677: {  	v44 =	vld [tilespmem:$0x1FEB0];
	v15 =	vadd.s32 v28, v15;
	v18 =	vadd.f32 v18, v23;
	v23 =	vperm.xlane v21, v40  }
0x678: {  	v3 =	vsub.f32 v3, v8;
	v16 =	vmul.f32 v16, v13;
	v11 =	vmul.f32 v11, v36;
	v36 =	vld [tilespmem:$0x1FC20]  }
0x679: {  	s19 =	sadd.s32 $0xD, s11;
	[tilespmem:v55+s2+$0x0] =	vst.idx.msk $0xffff, v52;
	v15 =	vor.u32 $0x3, v15;
	v21 =	vadd.f32 v23, v21;
	v18 =	vmul.f32 $1.562500000e-02, v18  }
0x67a: {  	[tilespmem:v60+s2+$0x0] =	vst.idx.msk $0xffff, v54;
	s12 =	sand.u32 $0x78, s19;
	v57 =	vmul.f32 v17, v57;
	v3 =	vmul.f32 v3, v41;
	v16 =	vsub.f32 $1.500000000e+00, v16  }
0x67b: {  	s29 =	sadd.s32 $0xE, s11;
	[tilespmem:v62+s2+$0x0] =	vst.idx.msk $0xffff, v61;
	v21 =	vmul.f32 $1.562500000e-02, v21;
	v20 =	vmov s12;
	v24 =	vbroadcast v24, $0x0  }
0x67c: {  	[tilespmem:v19+s2+$0x0] =	vst.idx.msk $0xffff, v14;
	v3 =	vadd.f32 v3, v44;
	s12 =	sand.u32 $0x78, s29;
	v20 =	vshrl.u32 v20, $0x3;
	v13 =	vmul.f32 v16, v13  }
0x67d: {  	v42 =	vld [tilespmem:$0x1FE80];
	v14 =	vmov s12;
	v23 =	vadd.s32 v25, v24;
	v32 =	vmul.f32 v18, v18;
	[tilespmem:v33+s2+$0x0] =	vst.idx.msk $0xffff, v36  }
0x67e: {  	v60 =	vshrl.u32 v14, $0x3;
	v31 =	vmul.f32 v13, v31;
	v36 =	vadd.s32 v27, v24;
	[tilespmem:v34+s2+$0x0] =	vst.idx.msk $0xffff, v37;
	v37 =	vld [tilespmem:$0x1FED0]  }
0x67f: {  	v4 =	vmul.f32 v13, v4;
	v21 =	vsub.f32 v21, v32;
	v33 =	vor.u32 $0x4, v36;
	v36 =	vld [tilespmem:$0x1FEE0]  }
0x680: {  	v45 =	vld [tilespmem:$0x1FEC0];
	v23 =	vor.u32 $0x4, v23;
	v2 =	vmul.f32 v13, v2;
	v0 =	vmul.f32 v13, v0  }
0x681: {  	v43 =	vld [tilespmem:$0x1FE90];
	v13 =	vmul.f32 v13, v63;
	v4 =	vsub.f32 v4, v31;
	v21 =	vadd.f32 $9.999999740e-06, v21  }
0x682: {  	v46 =	vld [tilespmem:$0x1FEA0];
	v2 =	vsub.f32 v2, v31;
	v0 =	vsub.f32 v0, v31;
	v34 =	vmul.f32 v17, v59  }
0x683: {  	v59 =	vshrl.u32 v21, $0x1;
	v21 =	vmul.f32 $5.000000000e-01, v21;
	v10 =	vadd.f32 v10, v37;
	v37 =	vld [tilespmem:$0x1FFC0]  }
0x684: {  	v51 =	vld [tilespmem:$0x1FED0];
	v4 =	vmul.f32 v4, v41;
	v11 =	vadd.f32 v11, v36;
	v36 =	vsub.s32 $0x5F3759DF, v59  }
0x685: {  	v53 =	vld [tilespmem:$0x1FEE0];
	v13 =	vsub.f32 v13, v31;
	v17 =	vmul.f32 v17, v56;
	v47 =	vmul.f32 v36, v21  }
0x686: {  	v2 =	vmul.f32 v2, v42;
	v0 =	vmul.f32 v0, v43;
	v35 =	vsub.f32 v57, v8  }
0x687: {  	v34 =	vsub.f32 v34, v8;
	v8 =	vsub.f32 v17, v8;
	v17 =	vmul.f32 v36, v47  }
0x688: {  	v13 =	vmul.f32 v13, v46;
	v4 =	vadd.f32 v4, v44;
	v20 =	vshll.u32 v20, v37  }
0x689: {  	v2 =	vadd.f32 v2, v45;
	v17 =	vsub.f32 $1.500000000e+00, v17;
	v20 =	vbroadcast v20, $0x0  }
0x68a: {  	v0 =	vadd.f32 v0, v51;
	v13 =	vadd.f32 v13, v53;
	v32 =	vadd.s32 v26, v24  }
0x68b: {  	v32 =	vor.u32 $0x4, v32;
	v17 =	vmul.f32 v36, v17;
	v50 =	vadd.s32 v25, v20  }
0x68c: {  	v56 =	vadd.s32 v26, v20;
	v57 =	vadd.s32 v27, v20;
	v61 =	vadd.s32 v28, v20;
	v20 =	vld [tilespmem:$0x1FFC0]  }
0x68d: {  	v35 =	vmul.f32 v35, v43;
	v24 =	vadd.s32 v28, v24;
	v21 =	vmul.f32 v17, v21  }
0x68e: {  	s31 =	sadd.s32 $0xF, s11;
	[tilespmem:v23+s2+$0x0] =	vst.idx.msk $0xffff, v6;
	v23 =	vld [tilespmem:$0x1FFC0];
	v34 =	vmul.f32 v34, v42;
	v8 =	vmul.f32 v8, v46;
	v16 =	vor.u32 $0x5, v50  }
0x68f: {  	s11 =	sand.u32 $0x78, s31;
	v35 =	vadd.f32 v35, v51;
	v24 =	vor.u32 $0x4, v24;
	v14 =	vmul.f32 v21, v17  }
0x690: {  	v34 =	vadd.f32 v34, v45;
	v59 =	vadd.f32 v8, v53;
	v47 =	vmov s11  }
0x691: {  	[tilespmem:v22+s2+$0x0] =	vst.idx.msk $0xffff, v5;
	v48 =	vshrl.u32 v47, $0x3;
	v8 =	vshll.u32 v60, v20;
	v62 =	vsub.f32 $1.500000000e+00, v14  }
0x692: {  	[tilespmem:v15+s2+$0x0] =	vst.idx.msk $0xffff, v9;
	v37 =	vor.u32 $0x5, v56;
	v36 =	vor.u32 $0x5, v57;
	v8 =	vbroadcast v8, $0x0  }
0x693: {  	v63 =	vor.u32 $0x5, v61;
	[tilespmem:v16+s2+$0x0] =	vst.idx.msk $0xffff, v3;
	v3 =	vshll.u32 v48, v23;
	v9 =	vmul.f32 v62, v17  }
0x694: {  	[tilespmem:v32+s2+$0x0] =	vst.idx.msk $0xffff, v7;
	v3 =	vbroadcast v3, $0x0;
	v14 =	vadd.s32 v25, v8;
	v49 =	vadd.s32 v27, v8  }
0x695: {  	[tilespmem:v33+s2+$0x0] =	vst.idx.msk $0xffff, v10;
	v32 =	vor.u32 $0x6, v14;
	v14 =	vadd.s32 v26, v8;
	v15 =	vmul.f32 v9, v58  }
0x696: {  	[tilespmem:v24+s2+$0x0] =	vst.idx.msk $0xffff, v11;
	v17 =	vmul.f32 v9, v30;
	v1 =	vmul.f32 v9, v1;
	v11 =	vor.u32 $0x6, v49  }
0x697: {  	[tilespmem:v37+s2+$0x0] =	vst.idx.msk $0xffff, v34;
	v8 =	vadd.s32 v28, v8;
	v33 =	vor.u32 $0x6, v14;
	v14 =	vmul.f32 v9, v18  }
0x698: {  	v52 =	vadd.s32 v25, v3;
	v56 =	vadd.s32 v26, v3;
	v58 =	vadd.s32 v27, v3  }
0x699: {  	[tilespmem:v36+s2+$0x0] =	vst.idx.msk $0xffff, v35;
	v3 =	vadd.s32 v28, v3;
	v8 =	vor.u32 $0x6, v8;
	v15 =	vsub.f32 v15, v14  }
0x69a: {  	[tilespmem:v63+s2+$0x0] =	vst.idx.msk $0xffff, v59;
	v9 =	vmul.f32 v9, v29;
	v54 =	vor.u32 $0x7, v52;
	v50 =	vsub.f32 v17, v14  }
0x69b: {  	v57 =	vor.u32 $0x7, v56;
	v1 =	vsub.f32 v1, v14;
	v15 =	vmul.f32 v15, v41;
	[tilespmem:v32+s2+$0x0] =	vst.idx.msk $0xffff, v4  }
0x69c: {  	v59 =	vor.u32 $0x7, v58;
	v60 =	vsub.f32 v9, v14;
	v55 =	vmul.f32 v50, v42;
	[tilespmem:v33+s2+$0x0] =	vst.idx.msk $0xffff, v2  }
0x69d: {  	p0 =	slt.u32 s9, $0xF8;
	v3 =	vor.u32 $0x7, v3;
	v1 =	vmul.f32 v1, v43;
	[tilespmem:v11+s2+$0x0] =	vst.idx.msk $0xffff, v0;
	v61 =	vadd.f32 v15, v44  }
.Ltmp10:
0x69e: {  	v7 =	vmul.f32 v60, v46;
	v6 =	vadd.f32 v55, v45;
	[tilespmem:v8+s2+$0x0] =	vst.idx.msk $0xffff, v13;
	(pc) =	sbr.rel @p0 .LBB2_22-.Ltmp10, $4  }
0x69f: {  	v62 =	vadd.f32 v1, v51;
	[tilespmem:v54+s2+$0x0] =	vst.idx.msk $0xffff, v61  }
0x6a0: {  	v63 =	vadd.f32 v7, v53;
	[tilespmem:v57+s2+$0x0] =	vst.idx.msk $0xffff, v6  }
0x6a1: {  	v22 =	vld [tilespmem:$0x1FF90];
	[tilespmem:v59+s2+$0x0] =	vst.idx.msk $0xffff, v62  }
0x6a2: {  	s8 =	sadd.s32 $0x200, s8;
	v24 =	vld [tilespmem:$0x1FFD0];
	s11 =	smov.u32 s9;
	[tilespmem:v3+s2+$0x0] =	vst.idx.msk $0xffff, v63  }
0x6a3: {  	s8 =	simm.s32 $0x14800;
	s12 =	rddreg [dreg:$0xa]  }
0x6a4: {  	[hbm4b:s12+s5] =	stream.linear.scatter [tilespmem:s8], [sflag:$0x3], $0x80, $0x38;
	[tilespmem:$0x1D180] =	vst v63  }
0x6a5: {  	s19 =	simm.s32 $0x14888;
	s9 =	sadd.s32 $0x10, s12  }
0x6a6: {  	[hbm4b:s9+s5] =	stream.linear.scatter [tilespmem:s19], [sflag:$0x3], $0x80, $0x38;
	[tilespmem:$0x1D180] =	vst v63  }
0x6a7: {  	s29 =	simm.s32 $0x14910;
	s13 =	simm.s32 $0x14A20;
	s31 =	sadd.s32 $0x20, s12  }
0x6a8: {  	[hbm4b:s31+s5] =	stream.linear.scatter [tilespmem:s29], [sflag:$0x3], $0x80, $0x38;
	[tilespmem:$0x1D180] =	vst v63  }
0x6a9: {  	s18 =	simm.s32 $0x14AA8;
	s11 =	sadd.s32 $0x30, s12;
	s9 =	simm.s32 $0x14998  }
0x6aa: {  	[hbm4b:s11+s5] =	stream.linear.scatter [tilespmem:s9], [sflag:$0x3], $0x80, $0x38;
	[tilespmem:$0x1D180] =	vst v63  }
0x6ab: {  	s16 =	sadd.s32 $0x40, s12;
	s8 =	simm.s32 $0x440;
	s19 =	sadd.s32 $0x50, s12  }
0x6ac: {  	[hbm4b:s16+s5] =	stream.linear.scatter [tilespmem:s13], [sflag:$0x3], $0x80, $0x38;
	[tilespmem:$0x1D180] =	vst v63  }
0x6ad: {  	s29 =	simm.s32 $0x14B30;
	s31 =	sadd.s32 $0x60, s12;
	s11 =	simm.s32 $0x2200  }
0x6ae: {  	[hbm4b:s19+s5] =	stream.linear.scatter [tilespmem:s18], [sflag:$0x3], $0x80, $0x38;
	[tilespmem:$0x1D180] =	vst v63  }
0x6af: {  	s9 =	sadd.s32 $0x1000, s12;
	s13 =	simm.s32 $0x14BB8;
	s18 =	sadd.s32 $0x70, s12  }
0x6b0: {  	[hbm4b:s31+s5] =	stream.linear.scatter [tilespmem:s29], [sflag:$0x3], $0x80, $0x38;
	[tilespmem:$0x1D180] =	vst v63  }
.LBB2_24:
0x6b1: {  	[hbm4b:s18+s5] =	stream.linear.scatter [tilespmem:s13], [sflag:$0x3], $0x80, $0x38;
	[tilespmem:$0x1D180] =	vst v63  }
0x6b2: {  	s12 =	smov.u32 s8;
	s8 =	smov.u32 s11  }
0x6b3: {  	s16 =	sadd.s32 $0x1100, s11;
	s8 =	sshra.s32 s8, $0x2;
	s13 =	sadd.s32 $0x14800, s12  }
0x6b4: {  	[hbm4b:s9+s5] =	stream.linear.scatter [tilespmem:s13], [sflag:$0x3], $0x80, $0x38;
	[tilespmem:$0x1D180] =	vst v63  }
0x6b5: {  	p0 =	sne.s32 s11, $0xFF00;
	s11 =	sadd.s32 $0x14888, s12;
	s13 =	sadd.s32 $0x10, s9  }
0x6b6: {  	[hbm4b:s13+s5] =	stream.linear.scatter [tilespmem:s11], [sflag:$0x3], $0x80, $0x38;
	[tilespmem:$0x1D180] =	vst v63  }
0x6b7: {  	s11 =	sadd.s32 $0x14910, s12;
	s13 =	sadd.s32 $0x20, s9  }
0x6b8: {  	[hbm4b:s13+s5] =	stream.linear.scatter [tilespmem:s11], [sflag:$0x3], $0x80, $0x38;
	[tilespmem:$0x1D180] =	vst v63  }
0x6b9: {  	s11 =	sadd.s32 $0x14998, s12;
	s13 =	sadd.s32 $0x30, s9  }
0x6ba: {  	[hbm4b:s13+s5] =	stream.linear.scatter [tilespmem:s11], [sflag:$0x3], $0x80, $0x38;
	[tilespmem:$0x1D180] =	vst v63  }
0x6bb: {  	s11 =	sadd.s32 $0x14A20, s12;
	s13 =	sadd.s32 $0x40, s9  }
0x6bc: {  	[hbm4b:s13+s5] =	stream.linear.scatter [tilespmem:s11], [sflag:$0x3], $0x80, $0x38;
	[tilespmem:$0x1D180] =	vst v63  }
.Ltmp11:
0x6bd: {  	s11 =	sadd.s32 $0x14AA8, s12;
	s13 =	sadd.s32 $0x50, s9;
	(pc) =	sbr.rel @p0 .LBB2_24-.Ltmp11, $4  }
0x6be: {  	[hbm4b:s13+s5] =	stream.linear.scatter [tilespmem:s11], [sflag:$0x3], $0x80, $0x38;
	[tilespmem:$0x1D180] =	vst v63  }
0x6bf: {  	s18 =	sadd.s32 $0x70, s9;
	s11 =	sadd.s32 $0x14B30, s12;
	s13 =	sadd.s32 $0x60, s9  }
0x6c0: {  	[hbm4b:s13+s5] =	stream.linear.scatter [tilespmem:s11], [sflag:$0x3], $0x80, $0x38;
	[tilespmem:$0x1D180] =	vst v63  }
0x6c1: {  	s9 =	sadd.s32 $0x1000, s9;
	s13 =	sadd.s32 $0x14BB8, s12;
	s11 =	smov.u32 s16  }
0x6c2: {  	[hbm4b:s18+s5] =	stream.linear.scatter [tilespmem:s13], [sflag:$0x3], $0x80, $0x38;
	[tilespmem:$0x1D180] =	vst v63  }
0x6c3: {  	s11 =	sadd.s32 $0x14800, s8  }
0x6c4: {  	[hbm4b:s9+s5] =	stream.linear.scatter [tilespmem:s11], [sflag:$0x3], $0x80, $0x38;
	[tilespmem:$0x1D180] =	vst v63  }
0x6c5: {  	s31 =	sadd.s32 $0x14888, s8;
	s12 =	sadd.s32 $0x10, s9  }
0x6c6: {  	[hbm4b:s12+s5] =	stream.linear.scatter [tilespmem:s31], [sflag:$0x3], $0x80, $0x38;
	[tilespmem:$0x1D180] =	vst v63  }
0x6c7: {  	s13 =	sadd.s32 $0x14910, s8;
	s16 =	sadd.s32 $0x20, s9  }
0x6c8: {  	[hbm4b:s16+s5] =	stream.linear.scatter [tilespmem:s13], [sflag:$0x3], $0x80, $0x38;
	[tilespmem:$0x1D180] =	vst v63  }
0x6c9: {  	s18 =	sadd.s32 $0x14998, s8;
	s19 =	sadd.s32 $0x30, s9  }
0x6ca: {  	[hbm4b:s19+s5] =	stream.linear.scatter [tilespmem:s18], [sflag:$0x3], $0x80, $0x38;
	[tilespmem:$0x1D180] =	vst v63  }
0x6cb: {  	s29 =	sadd.s32 $0x14A20, s8;
	s31 =	sadd.s32 $0x40, s9  }
0x6cc: {  	[hbm4b:s31+s5] =	stream.linear.scatter [tilespmem:s29], [sflag:$0x3], $0x80, $0x38;
	[tilespmem:$0x1D180] =	vst v63  }
0x6cd: {  	s13 =	sadd.s32 $0x14AA8, s8;
	s16 =	sadd.s32 $0x50, s9  }
0x6ce: {  	[hbm4b:s16+s5] =	stream.linear.scatter [tilespmem:s13], [sflag:$0x3], $0x80, $0x38;
	[tilespmem:$0x1D180] =	vst v63  }
0x6cf: {  	s18 =	sadd.s32 $0x14B30, s8;
	s19 =	sadd.s32 $0x60, s9  }
0x6d0: {  	[hbm4b:s19+s5] =	stream.linear.scatter [tilespmem:s18], [sflag:$0x3], $0x80, $0x38;
	[tilespmem:$0x1D180] =	vst v63  }
0x6d1: {  	s29 =	sadd.s32 $0x14BB8, s8;
	s31 =	sadd.s32 $0x70, s9  }
0x6d2: {  	[hbm4b:s31+s5] =	stream.linear.scatter [tilespmem:s29], [sflag:$0x3], $0x80, $0x38;
	[tilespmem:$0x1D180] =	vst v63  }
0x6d3: {  	_ =	swait.ge [sflag:s23], $0x4000  }
0x6d4: {  	[sflag:s23] =	ssyncset.done $0x0  }
0x6d5: {  	[sflag:s23] =	ssyncadd.s32 $0xFFFFC000  }
0x6d6: {  	_ =	swait.ge [sflag:s23], $0x80  }
0x6d7: {  	[sflag:s23] =	ssyncset.done $0x0  }
0x6d8: {  	[sflag:s23] =	ssyncadd.s32 $0xFFFFFF80  }
0x6d9: {  	_ =	swait.ge [sflag:s21], $0x4000  }
0x6da: {  	v38 =	vld [tilespmem:$0x1FF70]  }
0x6db: {  	v39 =	vld [tilespmem:$0x1FF80]  }
0x6dc: {  	[sflag:s21] =	ssyncset.done $0x0;
	v12 =	vld [tilespmem:$0x1FFA0]  }
0x6dd: {  	s11 =	simm.s32 $0xFFFFFFF8;
	s8 =	simm.s32 $0x10900;
	v40 =	vld [tilespmem:$0x1FFB0];
	[sflag:s21] =	ssyncadd.s32 $0xFFFFC000  }
.LBB2_26:
0x6de: {  	v0 =	vld [tilespmem:s8+$0xFFFFFF00]  }
0x6df: {  	s9 =	sadd.s32 $0x8, s11;
	v1 =	vld [tilespmem:s8+$0xFFFFFF10]  }
0x6e0: {  	v2 =	vld [tilespmem:s8+$0xFFFFFF20];
	s12 =	sshrl.u32 s9, $0x1  }
0x6e1: {  	v3 =	vld [tilespmem:s8+$0xFFFFFF30];
	s12 =	sand.u32 $0x3FFFFFC0, s12  }
0x6e2: {  	v29 =	vld [tilespmem:s12+$0x1D080]  }
0x6e3: {  	v30 =	vld [tilespmem:s12+$0x1D090]  }
0x6e4: {  	v31 =	vld [tilespmem:s12+$0x1D0A0]  }
0x6e5: {  	v32 =	vld [tilespmem:s12+$0x1D0B0];
	_ =	sdelay $0x3  }
0x6e6: {  	v8 =	vadd.f32 v29, v0;
	v6 =	vadd.f32 v30, v1  }
0x6e7: {  	v1 =	vadd.f32 v31, v2;
	v0 =	vadd.f32 v32, v3  }
0x6e8: {  	v16 =	vmul.f32 v8, v8;
	v17 =	vmul.f32 v6, v6  }
0x6e9: {  	v4 =	vmul.f32 v1, v1;
	v5 =	vmul.f32 v0, v0  }
0x6ea: {  	v7 =	vadd.f32 v6, v8;
	v9 =	vadd.f32 v0, v1  }
0x6eb: {  	v2 =	vadd.f32 v17, v16;
	v18 =	vadd.f32 v5, v4  }
0x6ec: {  	v19 =	vadd.f32 v9, v7  }
0x6ed: {  	v2 =	vadd.f32 v18, v2  }
0x6ee: {  	v28 =	vperm.xlane v19, v38  }
0x6ef: {  	v33 =	vperm.xlane v2, v38  }
0x6f0: {  	v3 =	vadd.f32 v19, v28  }
0x6f1: {  	v2 =	vadd.f32 v33, v2  }
0x6f2: {  	v34 =	vld [tilespmem:s8+$0xFFFFFF40];
	v4 =	vperm.xlane v3, v39  }
0x6f3: {  	v35 =	vld [tilespmem:s8+$0xFFFFFF50];
	v5 =	vperm.xlane v2, v39  }
0x6f4: {  	v36 =	vld [tilespmem:s8+$0xFFFFFF60];
	v3 =	vadd.f32 v3, v4  }
0x6f5: {  	v10 =	vld [tilespmem:s8+$0xFFFFFF70];
	v2 =	vadd.f32 v5, v2  }
0x6f6: {  	v37 =	vperm.xlane v3, v12  }
0x6f7: {  	v11 =	vperm.xlane v2, v12  }
0x6f8: {  	v7 =	vadd.f32 v34, v29;
	v13 =	vadd.f32 v3, v37  }
0x6f9: {  	v5 =	vadd.f32 v35, v30;
	v2 =	vadd.f32 v11, v2  }
0x6fa: {  	v4 =	vadd.f32 v36, v31;
	v3 =	vadd.f32 v10, v32;
	v47 =	vperm.xlane v13, v40  }
0x6fb: {  	v49 =	vmul.f32 v7, v7;
	v15 =	vadd.f32 v5, v7;
	v14 =	vperm.xlane v2, v40  }
0x6fc: {  	v50 =	vmul.f32 v5, v5;
	v16 =	vadd.f32 v3, v4;
	v48 =	vadd.f32 v13, v47  }
0x6fd: {  	v13 =	vmul.f32 v4, v4;
	v2 =	vadd.f32 v14, v2;
	v14 =	vmul.f32 v3, v3  }
0x6fe: {  	v10 =	vadd.f32 v50, v49;
	v9 =	vmul.f32 $1.562500000e-02, v48  }
0x6ff: {  	v52 =	vadd.f32 v14, v13;
	v13 =	vadd.f32 v16, v15  }
0x700: {  	v2 =	vmul.f32 $1.562500000e-02, v2;
	v14 =	vmul.f32 v9, v9  }
0x701: {  	v10 =	vadd.f32 v52, v10;
	v54 =	vperm.xlane v13, v38  }
0x702: {  	v2 =	vsub.f32 v2, v14  }
0x703: {  	v14 =	vperm.xlane v10, v38;
	v11 =	vadd.f32 v13, v54  }
0x704: {  	v2 =	vadd.f32 $9.999999740e-06, v2  }
0x705: {  	v10 =	vadd.f32 v14, v10;
	v13 =	vperm.xlane v11, v39  }
0x706: {  	v14 =	vshrl.u32 v2, $0x1;
	v2 =	vmul.f32 $5.000000000e-01, v2  }
0x707: {  	v56 =	vld [tilespmem:s8+$0xFFFFFFA0];
	v14 =	vsub.s32 $0x5F3759DF, v14;
	v15 =	vperm.xlane v10, v39;
	v11 =	vadd.f32 v11, v13  }
0x708: {  	v17 =	vld [tilespmem:s8+$0xFFFFFF80];
	v13 =	vmul.f32 v14, v2  }
0x709: {  	v19 =	vld [tilespmem:s8+$0xFFFFFFB0];
	v10 =	vadd.f32 v15, v10;
	v15 =	vperm.xlane v11, v12  }
0x70a: {  	v13 =	vmul.f32 v14, v13  }
0x70b: {  	v55 =	vperm.xlane v10, v12;
	v11 =	vadd.f32 v11, v15;
	v15 =	vld [tilespmem:s8+$0xFFFFFF90]  }
0x70c: {  	v50 =	vadd.f32 v56, v31;
	v13 =	vsub.f32 $1.500000000e+00, v13  }
0x70d: {  	v48 =	vadd.f32 v17, v29;
	v10 =	vadd.f32 v55, v10;
	v18 =	vperm.xlane v11, v40  }
0x70e: {  	v20 =	vmul.f32 v50, v50;
	v52 =	vadd.f32 v19, v32;
	v13 =	vmul.f32 v14, v13  }
0x70f: {  	v60 =	vmul.f32 v48, v48;
	v14 =	vperm.xlane v10, v40;
	v11 =	vadd.f32 v11, v18  }
0x710: {  	v21 =	vmul.f32 v52, v52;
	v57 =	vmul.f32 v13, v2;
	v2 =	vadd.f32 v15, v30  }
0x711: {  	v59 =	vadd.f32 v52, v50;
	v10 =	vadd.f32 v14, v10;
	v11 =	vmul.f32 $1.562500000e-02, v11  }
0x712: {  	v63 =	vadd.f32 v21, v20;
	v14 =	vmul.f32 v57, v13;
	v61 =	vmul.f32 v2, v2  }
0x713: {  	v58 =	vadd.f32 v2, v48;
	v10 =	vmul.f32 $1.562500000e-02, v10;
	v15 =	vmul.f32 v11, v11  }
0x714: {  	v14 =	vsub.f32 $1.500000000e+00, v14;
	v62 =	vadd.f32 v61, v60  }
0x715: {  	v10 =	vsub.f32 v10, v15;
	v15 =	vadd.f32 v59, v58  }
0x716: {  	v13 =	vmul.f32 v14, v13;
	v14 =	vadd.f32 v63, v62  }
0x717: {  	v10 =	vadd.f32 $9.999999740e-06, v10;
	v28 =	vperm.xlane v15, v38  }
0x718: {  	v34 =	vperm.xlane v14, v38  }
0x719: {  	v33 =	vshrl.u32 v10, $0x1;
	v10 =	vmul.f32 $5.000000000e-01, v10;
	v15 =	vadd.f32 v15, v28  }
0x71a: {  	v17 =	vsub.s32 $0x5F3759DF, v33;
	v14 =	vadd.f32 v34, v14  }
0x71b: {  	s29 =	sshrl.u32 s9, $0x7;
	v35 =	vmul.f32 v17, v10;
	v36 =	vperm.xlane v15, v39  }
0x71c: {  	v49 =	vmov s29;
	v47 =	vperm.xlane v14, v39  }
0x71d: {  	s13 =	sand.u32 $0x78, s9;
	v54 =	vmul.u32 $0x2200, v49;
	v37 =	vmul.f32 v17, v35;
	v15 =	vadd.f32 v15, v36  }
0x71e: {  	v20 =	vmov s13;
	v9 =	vmul.f32 v13, v9;
	v14 =	vadd.f32 v47, v14  }
0x71f: {  	v8 =	vmul.f32 v13, v8;
	v16 =	vsub.f32 $1.500000000e+00, v37;
	v21 =	vperm.xlane v15, v12  }
0x720: {  	v55 =	vshrl.u32 v20, $0x3;
	v6 =	vmul.f32 v13, v6;
	v18 =	vperm.xlane v14, v12  }
0x721: {  	v1 =	vmul.f32 v13, v1;
	v16 =	vmul.f32 v17, v16;
	v15 =	vadd.f32 v15, v21  }
0x722: {  	v0 =	vmul.f32 v13, v0;
	v8 =	vsub.f32 v8, v9;
	v14 =	vadd.f32 v18, v14  }
0x723: {  	v6 =	vsub.f32 v6, v9;
	v10 =	vmul.f32 v16, v10;
	v56 =	vperm.xlane v15, v40  }
0x724: {  	v1 =	vsub.f32 v1, v9;
	v0 =	vsub.f32 v0, v9;
	v18 =	vperm.xlane v14, v40  }
0x725: {  	v8 =	vmul.f32 v8, v41;
	v10 =	vmul.f32 v10, v16;
	v15 =	vadd.f32 v15, v56  }
0x726: {  	v6 =	vmul.f32 v6, v42;
	v1 =	vmul.f32 v1, v43;
	v14 =	vadd.f32 v18, v14  }
0x727: {  	v59 =	vld [tilespmem:s8+$0xFFFFFFD0];
	v0 =	vmul.f32 v0, v46;
	v10 =	vsub.f32 $1.500000000e+00, v10;
	v15 =	vmul.f32 $1.562500000e-02, v15  }
0x728: {  	v42 =	vld [tilespmem:s8+$0xFFFFFFF0];
	v36 =	vadd.f32 v8, v44;
	v8 =	vbroadcast v54, $0x0;
	v58 =	vmul.f32 $1.562500000e-02, v14  }
0x729: {  	v6 =	vadd.f32 v6, v45;
	v14 =	vld [tilespmem:s8+$0xFFFFFFC0];
	v10 =	vmul.f32 v10, v16;
	v13 =	vmul.f32 v15, v15  }
0x72a: {  	v43 =	vld [tilespmem:$0x1FFE0];
	v1 =	vadd.f32 v1, v51;
	v25 =	vadd.s32 v22, v8;
	v26 =	vadd.s32 v24, v8  }
0x72b: {  	[tilespmem:$0x1FBE0] =	vst v6;
	v11 =	vmul.f32 v10, v11;
	v7 =	vmul.f32 v10, v7;
	v6 =	vsub.f32 v58, v13;
	v13 =	vld [tilespmem:s8+$0xFFFFFFE0]  }
0x72c: {  	v37 =	vadd.f32 v0, v53;
	v0 =	vadd.f32 v59, v30;
	v17 =	vshll.u32 v55, v23  }
0x72d: {  	v17 =	vbroadcast v17, $0x0;
	v58 =	vadd.f32 v42, v32;
	v47 =	vsub.f32 v7, v11  }
0x72e: {  	v49 =	vld [tilespmem:$0x1FFF0];
	v6 =	vadd.f32 $9.999999740e-06, v6;
	v60 =	vadd.f32 v14, v29;
	v14 =	vmul.f32 v0, v0  }
0x72f: {  	s31 =	sadd.s32 $0x9, s11;
	v27 =	vadd.s32 v43, v8;
	v43 =	vmul.f32 v58, v58;
	v7 =	vmul.f32 v47, v41  }
0x730: {  	s12 =	sand.u32 $0x78, s31;
	[tilespmem:$0x1FBF0] =	vst v1;
	v54 =	vshrl.u32 v6, $0x1;
	v6 =	vmul.f32 $5.000000000e-01, v6;
	v1 =	vadd.f32 v13, v31  }
0x731: {  	v41 =	vmov s12;
	v55 =	vsub.s32 $0x5F3759DF, v54;
	v13 =	vmul.f32 v60, v60  }
0x732: {  	v16 =	vshrl.u32 v41, $0x3;
	v63 =	vmul.f32 v55, v6;
	v42 =	vmul.f32 v1, v1  }
0x733: {  	v28 =	vadd.s32 v49, v8;
	v57 =	vadd.s32 v17, v25;
	v16 =	vshll.u32 v16, v23  }
0x734: {  	v13 =	vadd.f32 v14, v13;
	v9 =	vmul.f32 v55, v63;
	v14 =	vadd.f32 v43, v42  }
0x735: {  	v47 =	vadd.f32 v0, v60;
	v20 =	vadd.f32 v58, v1;
	v16 =	vbroadcast v16, $0x0  }
0x736: {  	v5 =	vmul.f32 v10, v5;
	v9 =	vsub.f32 $1.500000000e+00, v9;
	v13 =	vadd.f32 v14, v13  }
0x737: {  	v3 =	vmul.f32 v10, v3;
	v49 =	vadd.f32 v20, v47;
	v14 =	vadd.s32 v25, v16  }
0x738: {  	v8 =	vmul.f32 v55, v9;
	v42 =	vor.u32 $0x1, v14;
	v14 =	vld [tilespmem:$0x1FE80];
	v55 =	vperm.xlane v13, v38  }
0x739: {  	v4 =	vmul.f32 v10, v4;
	v3 =	vsub.f32 v3, v11;
	v54 =	vperm.xlane v49, v38  }
0x73a: {  	v5 =	vsub.f32 v5, v11;
	v6 =	vmul.f32 v8, v6;
	v9 =	vadd.f32 v55, v13  }
0x73b: {  	v62 =	vld [tilespmem:s8+$0x20];
	v3 =	vmul.f32 v3, v46;
	v41 =	vadd.f32 v7, v44;
	v7 =	vadd.f32 v49, v54  }
0x73c: {  	v61 =	vld [tilespmem:$0x1FE90];
	[tilespmem:$0x1FBD0] =	vst v57;
	v6 =	vmul.f32 v6, v8;
	v57 =	vperm.xlane v9, v39  }
0x73d: {  	v56 =	vperm.xlane v7, v39;
	v13 =	vld [tilespmem:s8+$0x0];
	v5 =	vmul.f32 v5, v14  }
0x73e: {  	v59 =	vld [tilespmem:s8+$0x10];
	v14 =	vadd.s32 v26, v16;
	v6 =	vsub.f32 $1.500000000e+00, v6;
	v9 =	vadd.f32 v57, v9  }
0x73f: {  	v43 =	vadd.f32 v5, v45;
	v5 =	vadd.f32 v7, v56;
	v45 =	vor.u32 $0x1, v14;
	v14 =	vld [tilespmem:s8+$0x30]  }
0x740: {  	v10 =	vadd.f32 v62, v31;
	v4 =	vsub.f32 v4, v11;
	v54 =	vperm.xlane v9, v12  }
0x741: {  	v44 =	vadd.f32 v3, v53;
	v8 =	vmul.f32 v6, v8;
	v63 =	vperm.xlane v5, v12  }
0x742: {  	v4 =	vmul.f32 v4, v61;
	v6 =	vadd.f32 v13, v29;
	v9 =	vadd.f32 v54, v9  }
0x743: {  	v7 =	vadd.f32 v59, v30;
	v3 =	vmul.f32 v8, v15;
	v55 =	vadd.f32 v5, v63  }
0x744: {  	v56 =	vmul.f32 v6, v6;
	v5 =	vadd.f32 v14, v32;
	v13 =	vperm.xlane v9, v40  }
0x745: {  	v14 =	vmul.f32 v7, v7;
	v11 =	vperm.xlane v55, v40  }
0x746: {  	v15 =	vmul.f32 v5, v5;
	v9 =	vadd.f32 v13, v9;
	v13 =	vmul.f32 v10, v10  }
0x747: {  	v46 =	vadd.f32 v4, v51;
	v4 =	vadd.f32 v55, v11  }
0x748: {  	v11 =	vadd.f32 v14, v56;
	v13 =	vadd.f32 v15, v13;
	_ =	sdelay $0x1  }
0x749: {  	v11 =	vadd.f32 v13, v11;
	v13 =	vld [tilespmem:$0x1FE70]  }
0x74a: {  	v57 =	vmul.f32 v8, v48;
	v59 =	vadd.f32 v7, v6;
	v61 =	vadd.f32 v5, v10  }
0x74b: {  	v54 =	vld [tilespmem:$0x1FEB0]  }
0x74c: {  	v62 =	vadd.f32 v61, v59;
	v15 =	vsub.f32 v57, v3  }
0x74d: {  	v14 =	vadd.s32 v28, v16  }
0x74e: {  	v48 =	vor.u32 $0x1, v14;
	v14 =	vperm.xlane v62, v38;
	v13 =	vmul.f32 v15, v13  }
0x74f: {  	s13 =	sadd.s32 $0xA, s11;
	v49 =	vadd.s32 v27, v16;
	v4 =	vmul.f32 $1.562500000e-02, v4  }
0x750: {  	s12 =	sand.u32 $0x78, s13;
	v47 =	vor.u32 $0x1, v49;
	v49 =	vadd.f32 v13, v54;
	v13 =	vadd.f32 v62, v14  }
0x751: {  	v9 =	vmul.f32 $1.562500000e-02, v9;
	v63 =	vmul.f32 v4, v4;
	v15 =	vmov s12  }
0x752: {  	v14 =	vshrl.u32 v15, $0x3;
	v15 =	vperm.xlane v13, v39  }
0x753: {  	v9 =	vsub.f32 v9, v63;
	v53 =	vperm.xlane v11, v38  }
0x754: {  	v2 =	vmul.f32 v8, v2;
	v13 =	vadd.f32 v13, v15;
	v15 =	vld [tilespmem:$0x1FE80]  }
0x755: {  	v35 =	vadd.s32 v17, v26;
	v9 =	vadd.f32 $9.999999740e-06, v9;
	v11 =	vadd.f32 v53, v11  }
0x756: {  	v33 =	vadd.s32 v17, v27;
	v34 =	vadd.s32 v17, v28;
	v2 =	vsub.f32 v2, v3  }
0x757: {  	v21 =	vld [tilespmem:$0x1FE90];
	v55 =	vshrl.u32 v9, $0x1;
	v9 =	vmul.f32 $5.000000000e-01, v9;
	v17 =	vperm.xlane v11, v39  }
0x758: {  	v20 =	vld [tilespmem:$0x1FEC0];
	v57 =	vmul.f32 v8, v50;
	v16 =	vsub.s32 $0x5F3759DF, v55;
	v59 =	vperm.xlane v13, v12  }
0x759: {  	v11 =	vadd.f32 v17, v11;
	v2 =	vmul.f32 v2, v15;
	v15 =	vmul.f32 v16, v9  }
0x75a: {  	v22 =	vld [tilespmem:s8+$0x70];
	v62 =	vsub.f32 v57, v3;
	v14 =	vshll.u32 v14, v23  }
0x75b: {  	v63 =	vld [tilespmem:s8+$0x50];
	v13 =	vadd.f32 v13, v59;
	v61 =	vmul.f32 v16, v15;
	v15 =	vperm.xlane v11, v12  }
0x75c: {  	v14 =	vbroadcast v14, $0x0;
	v17 =	vmul.f32 v62, v21;
	v59 =	vld [tilespmem:$0x1FED0]  }
0x75d: {  	v21 =	vperm.xlane v13, v40;
	v50 =	vadd.f32 v2, v20;
	v20 =	vld [tilespmem:s8+$0x40];
	v11 =	vadd.f32 v15, v11  }
0x75e: {  	v8 =	vmul.f32 v8, v52;
	v2 =	vsub.f32 $1.500000000e+00, v61;
	v61 =	vld [tilespmem:$0x1FEA0]  }
0x75f: {  	v56 =	vadd.s32 v25, v14;
	v13 =	vadd.f32 v13, v21;
	v15 =	vld [tilespmem:s8+$0x60];
	v57 =	vperm.xlane v11, v40  }
0x760: {  	v3 =	vsub.f32 v8, v3;
	v51 =	vor.u32 $0x2, v56;
	v56 =	vadd.s32 v26, v14  }
0x761: {  	v2 =	vmul.f32 v16, v2;
	v8 =	vadd.f32 v57, v11;
	v11 =	vmul.f32 $1.562500000e-02, v13;
	v13 =	vld [tilespmem:$0x1FEE0]  }
0x762: {  	v53 =	vor.u32 $0x2, v56;
	v52 =	vadd.f32 v17, v59;
	v59 =	vadd.f32 v63, v30  }
0x763: {  	v9 =	vmul.f32 v2, v9;
	v16 =	vmul.f32 v3, v61;
	v3 =	vadd.f32 v20, v29  }
0x764: {  	v56 =	vadd.f32 v22, v32;
	v57 =	vadd.f32 v15, v31;
	v15 =	vadd.s32 v27, v14  }
0x765: {  	v9 =	vmul.f32 v9, v2;
	v8 =	vmul.f32 $1.562500000e-02, v8;
	v62 =	vadd.f32 v59, v3  }
0x766: {  	v63 =	vadd.f32 v56, v57;
	v54 =	vadd.f32 v16, v13;
	v13 =	vmul.f32 v11, v11  }
0x767: {  	v55 =	vor.u32 $0x2, v15;
	v15 =	vmul.f32 v3, v3;
	v9 =	vsub.f32 $1.500000000e+00, v9  }
0x768: {  	v61 =	vmul.f32 v57, v57;
	v8 =	vsub.f32 v8, v13;
	v13 =	vadd.f32 v63, v62  }
0x769: {  	v16 =	vmul.f32 v59, v59;
	v62 =	vmul.f32 v56, v56  }
0x76a: {  	s16 =	sadd.s32 $0xB, s11;
	v9 =	vmul.f32 v9, v2;
	v2 =	vadd.f32 $9.999999740e-06, v8;
	v8 =	vperm.xlane v13, v38  }
0x76b: {  	s12 =	sand.u32 $0x78, s16;
	v15 =	vadd.f32 v16, v15;
	v61 =	vadd.f32 v62, v61  }
0x76c: {  	v63 =	vmov s12;
	v8 =	vadd.f32 v13, v8  }
0x76d: {  	v13 =	vshrl.u32 v2, $0x1;
	v18 =	vmul.f32 $5.000000000e-01, v2;
	v2 =	vadd.f32 v61, v15  }
0x76e: {  	v15 =	vshrl.u32 v63, $0x3  }
0x76f: {  	v13 =	vsub.s32 $0x5F3759DF, v13;
	v63 =	vperm.xlane v8, v39;
	v20 =	vperm.xlane v2, v38  }
0x770: {  	v14 =	vadd.s32 v28, v14;
	v15 =	vshll.u32 v15, v23;
	v23 =	vld [tilespmem:s8+$0xB0];
	v19 =	vmul.f32 v13, v18  }
0x771: {  	v17 =	vmul.f32 v9, v4;
	v8 =	vadd.f32 v8, v63;
	v2 =	vadd.f32 v20, v2;
	v20 =	vld [tilespmem:$0x1FE70]  }
0x772: {  	v16 =	vld [tilespmem:s8+$0x90];
	v62 =	vmul.f32 v9, v60;
	v60 =	vor.u32 $0x2, v14;
	v14 =	vmul.f32 v13, v19  }
0x773: {  	v21 =	vld [tilespmem:s8+$0x80];
	v0 =	vmul.f32 v9, v0;
	v22 =	vperm.xlane v8, v12  }
0x774: {  	v4 =	vsub.f32 v62, v17;
	v61 =	vld [tilespmem:$0x1FEB0];
	v15 =	vbroadcast v15, $0x0;
	v14 =	vsub.f32 $1.500000000e+00, v14  }
0x775: {  	v19 =	vld [tilespmem:s8+$0xA0];
	v24 =	vperm.xlane v2, v39;
	v63 =	vadd.f32 v23, v32;
	v8 =	vadd.f32 v8, v22  }
0x776: {  	v13 =	vmul.f32 v13, v14;
	v4 =	vmul.f32 v4, v20;
	v20 =	vadd.s32 v25, v15  }
0x777: {  	v14 =	vadd.f32 v24, v2;
	v2 =	vadd.f32 v16, v30;
	v62 =	vor.u32 $0x3, v20  }
0x778: {  	v20 =	vsub.f32 v0, v17;
	v22 =	vperm.xlane v8, v40;
	v16 =	vmul.f32 v13, v18  }
0x779: {  	v18 =	vperm.xlane v14, v12;
	v61 =	vadd.f32 v4, v61;
	v4 =	vadd.f32 v21, v29  }
0x77a: {  	v0 =	vadd.f32 v19, v31;
	v8 =	vadd.f32 v8, v22  }
0x77b: {  	v24 =	vld [tilespmem:$0x1FE80];
	v14 =	vadd.f32 v18, v14;
	v22 =	vmul.f32 v2, v2;
	v18 =	vmul.f32 v4, v4  }
0x77c: {  	v21 =	vadd.f32 v63, v0;
	v19 =	vadd.f32 v2, v4  }
0x77d: {  	v1 =	vmul.f32 v9, v1;
	v18 =	vadd.f32 v22, v18;
	v22 =	vperm.xlane v14, v40  }
0x77e: {  	v23 =	vmul.f32 v63, v63;
	v19 =	vadd.f32 v21, v19;
	v21 =	vmul.f32 v0, v0  }
0x77f: {  	v9 =	vmul.f32 v9, v58;
	v16 =	vmul.f32 v16, v13;
	v14 =	vadd.f32 v22, v14  }
0x780: {  	v20 =	vmul.f32 v20, v24;
	v24 =	vsub.f32 v1, v17;
	v1 =	vadd.f32 v23, v21  }
0x781: {  	v9 =	vsub.f32 v9, v17;
	v16 =	vsub.f32 $1.500000000e+00, v16;
	v17 =	vmul.f32 $1.562500000e-02, v14;
	v14 =	vld [tilespmem:$0x1FEC0]  }
0x782: {  	v1 =	vadd.f32 v1, v18;
	v18 =	vperm.xlane v19, v38  }
0x783: {  	v8 =	vmul.f32 $1.562500000e-02, v8;
	v13 =	vmul.f32 v16, v13;
	v16 =	vld [tilespmem:s8+$0xD0]  }
0x784: {  	v21 =	vld [tilespmem:s8+$0xC0];
	v18 =	vadd.f32 v19, v18  }
0x785: {  	v58 =	vmul.f32 v8, v8;
	v23 =	vld [tilespmem:s8+$0xF0];
	v19 =	vperm.xlane v1, v38  }
0x786: {  	v11 =	vmul.f32 v13, v11;
	v14 =	vadd.f32 v20, v14;
	v20 =	vperm.xlane v18, v39  }
0x787: {  	v6 =	vmul.f32 v13, v6;
	v7 =	vmul.f32 v13, v7;
	v19 =	vadd.f32 v19, v1  }
0x788: {  	v10 =	vmul.f32 v13, v10;
	v13 =	vmul.f32 v13, v5;
	v5 =	vadd.f32 v18, v20  }
0x789: {  	v17 =	vsub.f32 v17, v58;
	v30 =	vadd.f32 v16, v30;
	v16 =	vperm.xlane v19, v39  }
0x78a: {  	v58 =	vadd.f32 v21, v29;
	v29 =	vadd.f32 v23, v32;
	v32 =	vperm.xlane v5, v12  }
0x78b: {  	v16 =	vadd.f32 v16, v19  }
0x78c: {  	v5 =	vadd.f32 v5, v32;
	v32 =	vld [tilespmem:$0x1FE90]  }
0x78d: {  	v19 =	vperm.xlane v16, v12  }
0x78e: {  	v22 =	vld [tilespmem:s8+$0xE0]  }
0x78f: {  	v16 =	vadd.f32 v19, v16;
	_ =	sdelay $0x1  }
0x790: {  	v24 =	vmul.f32 v24, v32;
	v32 =	vperm.xlane v16, v40;
	_ =	sdelay $0x1  }
0x791: {  	v1 =	vadd.f32 v22, v31;
	v22 =	vmul.f32 v30, v30;
	v16 =	vadd.f32 v32, v16;
	v32 =	vld [tilespmem:$0x1FEA0]  }
0x792: {  	v21 =	vmul.f32 v58, v58;
	v31 =	vmul.f32 v29, v29  }
0x793: {  	v23 =	vmul.f32 v1, v1;
	v18 =	vadd.f32 v30, v58;
	v20 =	vadd.f32 v29, v1  }
0x794: {  	v21 =	vadd.f32 v22, v21  }
0x795: {  	v22 =	vadd.f32 v31, v23;
	v18 =	vadd.f32 v20, v18  }
0x796: {  	v9 =	vmul.f32 v9, v32;
	v32 =	vld [tilespmem:$0x1FEE0]  }
0x797: {  	v21 =	vadd.f32 v22, v21;
	v22 =	vperm.xlane v18, v38  }
0x798: {  	v31 =	vperm.xlane v5, v40  }
0x799: {  	v18 =	vadd.f32 v18, v22;
	v22 =	vperm.xlane v21, v38  }
0x79a: {  	v31 =	vadd.f32 v5, v31;
	v5 =	vld [tilespmem:$0x1FED0]  }
0x79b: {  	v21 =	vadd.f32 v22, v21;
	v22 =	vperm.xlane v18, v39;
	v9 =	vadd.f32 v9, v32;
	v32 =	vld [tilespmem:$0x1FE70];
	_ =	sdelay $0x1  }
0x79c: {  	v18 =	vadd.f32 v18, v22;
	v22 =	vperm.xlane v21, v39  }
0x79d: {  	v6 =	vsub.f32 v6, v11  }
0x79e: {  	v31 =	vmul.f32 $1.562500000e-02, v31;
	v21 =	vadd.f32 v22, v21  }
0x79f: {  	v5 =	vadd.f32 v24, v5;
	v24 =	vadd.s32 v27, v15;
	v6 =	vmul.f32 v6, v32;
	v32 =	vld [tilespmem:$0x1FFC0]  }
0x7a0: {  	s18 =	sadd.s32 $0xC, s11;
	v16 =	vmul.f32 $1.562500000e-02, v16;
	v22 =	vor.u32 $0x3, v24;
	v24 =	vmul.f32 v31, v31  }
0x7a1: {  	s12 =	sand.u32 $0x78, s18  }
0x7a2: {  	v16 =	vsub.f32 v16, v24;
	v24 =	vmov s12  }
0x7a3: {  	v24 =	vshrl.u32 v24, $0x3  }
0x7a4: {  	v24 =	vshll.u32 v24, v32;
	v32 =	vld [tilespmem:$0x1FEB0];
	_ =	sdelay $0x4  }
0x7a5: {  	v6 =	vadd.f32 v6, v32;
	v32 =	vld [tilespmem:$0x1FE80];
	_ =	sdelay $0x2  }
0x7a6: {  	v7 =	vsub.f32 v7, v11;
	v17 =	vadd.f32 $9.999999740e-06, v17;
	_ =	sdelay $0x1  }
0x7a7: {  	v20 =	vshrl.u32 v17, $0x1;
	v17 =	vmul.f32 $5.000000000e-01, v17;
	v7 =	vmul.f32 v7, v32;
	v32 =	vld [tilespmem:$0x1FBD0]  }
0x7a8: {  	v20 =	vsub.s32 $0x5F3759DF, v20  }
0x7a9: {  	v23 =	vmul.f32 v20, v17;
	_ =	sdelay $0x1  }
0x7aa: {  	v23 =	vmul.f32 v20, v23;
	_ =	sdelay $0x1  }
0x7ab: {  	v23 =	vsub.f32 $1.500000000e+00, v23;
	_ =	sdelay $0x1  }
0x7ac: {  	v20 =	vmul.f32 v20, v23;
	[tilespmem:v32+s25+$0x0] =	vst.idx.msk $0xffff, v36;
	v36 =	vld [tilespmem:$0x1FEC0];
	_ =	sdelay $0x1  }
0x7ad: {  	v17 =	vmul.f32 v20, v17;
	_ =	sdelay $0x1  }
0x7ae: {  	v17 =	vmul.f32 v17, v20  }
0x7af: {  	v7 =	vadd.f32 v7, v36;
	v36 =	vld [tilespmem:$0x1FBE0]  }
0x7b0: {  	v17 =	vsub.f32 $1.500000000e+00, v17;
	v16 =	vadd.f32 $9.999999740e-06, v16;
	_ =	sdelay $0x1  }
0x7b1: {  	v17 =	vmul.f32 v17, v20;
	v20 =	vshrl.u32 v16, $0x1;
	v16 =	vmul.f32 $5.000000000e-01, v16  }
0x7b2: {  	v10 =	vsub.f32 v10, v11;
	v20 =	vsub.s32 $0x5F3759DF, v20  }
0x7b3: {  	v11 =	vsub.f32 v13, v11;
	v13 =	vmul.f32 v20, v16;
	[tilespmem:v35+s25+$0x0] =	vst.idx.msk $0xffff, v36;
	v36 =	vld [tilespmem:$0x1FE90]  }
0x7b4: {  	[tilespmem:v42+s25+$0x0] =	vst.idx.msk $0xffff, v41  }
0x7b5: {  	[tilespmem:v45+s25+$0x0] =	vst.idx.msk $0xffff, v43;
	v13 =	vmul.f32 v20, v13  }
0x7b6: {  	[tilespmem:v47+s25+$0x0] =	vst.idx.msk $0xffff, v46;
	v23 =	vperm.xlane v18, v12  }
0x7b7: {  	[tilespmem:v48+s25+$0x0] =	vst.idx.msk $0xffff, v44;
	v13 =	vsub.f32 $1.500000000e+00, v13  }
0x7b8: {  	v18 =	vadd.f32 v18, v23;
	v23 =	vperm.xlane v21, v12;
	v10 =	vmul.f32 v10, v36;
	v36 =	vld [tilespmem:$0x1FEA0]  }
0x7b9: {  	[tilespmem:v51+s25+$0x0] =	vst.idx.msk $0xffff, v49;
	v19 =	vadd.s32 v26, v15;
	v13 =	vmul.f32 v20, v13  }
0x7ba: {  	v41 =	vld [tilespmem:$0x1FE70];
	v21 =	vadd.f32 v23, v21;
	v23 =	vperm.xlane v18, v40;
	v8 =	vmul.f32 v17, v8  }
0x7bb: {  	[tilespmem:v53+s25+$0x0] =	vst.idx.msk $0xffff, v50;
	v19 =	vor.u32 $0x3, v19;
	v3 =	vmul.f32 v17, v3;
	v16 =	vmul.f32 v13, v16  }
0x7bc: {  	v44 =	vld [tilespmem:$0x1FEB0];
	v15 =	vadd.s32 v28, v15;
	v18 =	vadd.f32 v18, v23;
	v23 =	vperm.xlane v21, v40  }
0x7bd: {  	v3 =	vsub.f32 v3, v8;
	v16 =	vmul.f32 v16, v13;
	v11 =	vmul.f32 v11, v36;
	v36 =	vld [tilespmem:$0x1FBF0]  }
0x7be: {  	s19 =	sadd.s32 $0xD, s11;
	[tilespmem:v55+s25+$0x0] =	vst.idx.msk $0xffff, v52;
	v15 =	vor.u32 $0x3, v15;
	v21 =	vadd.f32 v23, v21;
	v18 =	vmul.f32 $1.562500000e-02, v18  }
0x7bf: {  	[tilespmem:v60+s25+$0x0] =	vst.idx.msk $0xffff, v54;
	s12 =	sand.u32 $0x78, s19;
	v57 =	vmul.f32 v17, v57;
	v3 =	vmul.f32 v3, v41;
	v16 =	vsub.f32 $1.500000000e+00, v16  }
0x7c0: {  	s29 =	sadd.s32 $0xE, s11;
	[tilespmem:v62+s25+$0x0] =	vst.idx.msk $0xffff, v61;
	v21 =	vmul.f32 $1.562500000e-02, v21;
	v20 =	vmov s12;
	v24 =	vbroadcast v24, $0x0  }
0x7c1: {  	[tilespmem:v19+s25+$0x0] =	vst.idx.msk $0xffff, v14;
	v3 =	vadd.f32 v3, v44;
	s12 =	sand.u32 $0x78, s29;
	v20 =	vshrl.u32 v20, $0x3;
	v13 =	vmul.f32 v16, v13  }
0x7c2: {  	v42 =	vld [tilespmem:$0x1FE80];
	v14 =	vmov s12;
	v23 =	vadd.s32 v25, v24;
	v32 =	vmul.f32 v18, v18;
	[tilespmem:v33+s25+$0x0] =	vst.idx.msk $0xffff, v36  }
0x7c3: {  	v60 =	vshrl.u32 v14, $0x3;
	v31 =	vmul.f32 v13, v31;
	v36 =	vadd.s32 v27, v24;
	[tilespmem:v34+s25+$0x0] =	vst.idx.msk $0xffff, v37;
	v37 =	vld [tilespmem:$0x1FED0]  }
0x7c4: {  	v4 =	vmul.f32 v13, v4;
	v21 =	vsub.f32 v21, v32;
	v33 =	vor.u32 $0x4, v36;
	v36 =	vld [tilespmem:$0x1FEE0]  }
0x7c5: {  	v45 =	vld [tilespmem:$0x1FEC0];
	v23 =	vor.u32 $0x4, v23;
	v2 =	vmul.f32 v13, v2;
	v0 =	vmul.f32 v13, v0  }
0x7c6: {  	v43 =	vld [tilespmem:$0x1FE90];
	v13 =	vmul.f32 v13, v63;
	v4 =	vsub.f32 v4, v31;
	v21 =	vadd.f32 $9.999999740e-06, v21  }
0x7c7: {  	v46 =	vld [tilespmem:$0x1FEA0];
	v2 =	vsub.f32 v2, v31;
	v0 =	vsub.f32 v0, v31;
	v34 =	vmul.f32 v17, v59  }
0x7c8: {  	v59 =	vshrl.u32 v21, $0x1;
	v21 =	vmul.f32 $5.000000000e-01, v21;
	v10 =	vadd.f32 v10, v37;
	v37 =	vld [tilespmem:$0x1FFC0]  }
0x7c9: {  	v51 =	vld [tilespmem:$0x1FED0];
	v4 =	vmul.f32 v4, v41;
	v11 =	vadd.f32 v11, v36;
	v36 =	vsub.s32 $0x5F3759DF, v59  }
0x7ca: {  	v53 =	vld [tilespmem:$0x1FEE0];
	v13 =	vsub.f32 v13, v31;
	v17 =	vmul.f32 v17, v56;
	v47 =	vmul.f32 v36, v21  }
0x7cb: {  	v2 =	vmul.f32 v2, v42;
	v0 =	vmul.f32 v0, v43;
	v35 =	vsub.f32 v57, v8  }
0x7cc: {  	v34 =	vsub.f32 v34, v8;
	v8 =	vsub.f32 v17, v8;
	v17 =	vmul.f32 v36, v47  }
0x7cd: {  	v13 =	vmul.f32 v13, v46;
	v4 =	vadd.f32 v4, v44;
	v20 =	vshll.u32 v20, v37  }
0x7ce: {  	v2 =	vadd.f32 v2, v45;
	v17 =	vsub.f32 $1.500000000e+00, v17;
	v20 =	vbroadcast v20, $0x0  }
0x7cf: {  	v0 =	vadd.f32 v0, v51;
	v13 =	vadd.f32 v13, v53;
	v32 =	vadd.s32 v26, v24  }
0x7d0: {  	v32 =	vor.u32 $0x4, v32;
	v17 =	vmul.f32 v36, v17;
	v50 =	vadd.s32 v25, v20  }
0x7d1: {  	v56 =	vadd.s32 v26, v20;
	v57 =	vadd.s32 v27, v20;
	v61 =	vadd.s32 v28, v20;
	v20 =	vld [tilespmem:$0x1FFC0]  }
0x7d2: {  	v35 =	vmul.f32 v35, v43;
	v24 =	vadd.s32 v28, v24;
	v21 =	vmul.f32 v17, v21  }
0x7d3: {  	s31 =	sadd.s32 $0xF, s11;
	[tilespmem:v23+s25+$0x0] =	vst.idx.msk $0xffff, v6;
	v23 =	vld [tilespmem:$0x1FFC0];
	v34 =	vmul.f32 v34, v42;
	v8 =	vmul.f32 v8, v46;
	v16 =	vor.u32 $0x5, v50  }
0x7d4: {  	s11 =	sand.u32 $0x78, s31;
	v35 =	vadd.f32 v35, v51;
	v24 =	vor.u32 $0x4, v24;
	v14 =	vmul.f32 v21, v17  }
0x7d5: {  	v34 =	vadd.f32 v34, v45;
	v59 =	vadd.f32 v8, v53;
	v47 =	vmov s11  }
0x7d6: {  	[tilespmem:v22+s25+$0x0] =	vst.idx.msk $0xffff, v5;
	v48 =	vshrl.u32 v47, $0x3;
	v8 =	vshll.u32 v60, v20;
	v62 =	vsub.f32 $1.500000000e+00, v14  }
0x7d7: {  	[tilespmem:v15+s25+$0x0] =	vst.idx.msk $0xffff, v9;
	v37 =	vor.u32 $0x5, v56;
	v36 =	vor.u32 $0x5, v57;
	v8 =	vbroadcast v8, $0x0  }
0x7d8: {  	v63 =	vor.u32 $0x5, v61;
	[tilespmem:v16+s25+$0x0] =	vst.idx.msk $0xffff, v3;
	v3 =	vshll.u32 v48, v23;
	v9 =	vmul.f32 v62, v17  }
0x7d9: {  	[tilespmem:v32+s25+$0x0] =	vst.idx.msk $0xffff, v7;
	v3 =	vbroadcast v3, $0x0;
	v14 =	vadd.s32 v25, v8;
	v49 =	vadd.s32 v27, v8  }
0x7da: {  	[tilespmem:v33+s25+$0x0] =	vst.idx.msk $0xffff, v10;
	v32 =	vor.u32 $0x6, v14;
	v14 =	vadd.s32 v26, v8;
	v15 =	vmul.f32 v9, v58  }
0x7db: {  	[tilespmem:v24+s25+$0x0] =	vst.idx.msk $0xffff, v11;
	v17 =	vmul.f32 v9, v30;
	v1 =	vmul.f32 v9, v1;
	v11 =	vor.u32 $0x6, v49  }
0x7dc: {  	[tilespmem:v37+s25+$0x0] =	vst.idx.msk $0xffff, v34;
	v8 =	vadd.s32 v28, v8;
	v33 =	vor.u32 $0x6, v14;
	v14 =	vmul.f32 v9, v18  }
0x7dd: {  	v52 =	vadd.s32 v25, v3;
	v56 =	vadd.s32 v26, v3;
	v58 =	vadd.s32 v27, v3  }
0x7de: {  	[tilespmem:v36+s25+$0x0] =	vst.idx.msk $0xffff, v35;
	v3 =	vadd.s32 v28, v3;
	v8 =	vor.u32 $0x6, v8;
	v15 =	vsub.f32 v15, v14  }
0x7df: {  	[tilespmem:v63+s25+$0x0] =	vst.idx.msk $0xffff, v59;
	v9 =	vmul.f32 v9, v29;
	v54 =	vor.u32 $0x7, v52;
	v50 =	vsub.f32 v17, v14  }
0x7e0: {  	v57 =	vor.u32 $0x7, v56;
	v1 =	vsub.f32 v1, v14;
	v15 =	vmul.f32 v15, v41;
	[tilespmem:v32+s25+$0x0] =	vst.idx.msk $0xffff, v4  }
0x7e1: {  	v59 =	vor.u32 $0x7, v58;
	v60 =	vsub.f32 v9, v14;
	v55 =	vmul.f32 v50, v42;
	[tilespmem:v33+s25+$0x0] =	vst.idx.msk $0xffff, v2  }
0x7e2: {  	p0 =	slt.u32 s9, $0xF8;
	v3 =	vor.u32 $0x7, v3;
	v1 =	vmul.f32 v1, v43;
	[tilespmem:v11+s25+$0x0] =	vst.idx.msk $0xffff, v0;
	v61 =	vadd.f32 v15, v44  }
.Ltmp12:
0x7e3: {  	v7 =	vmul.f32 v60, v46;
	v6 =	vadd.f32 v55, v45;
	[tilespmem:v8+s25+$0x0] =	vst.idx.msk $0xffff, v13;
	(pc) =	sbr.rel @p0 .LBB2_26-.Ltmp12, $4  }
0x7e4: {  	v62 =	vadd.f32 v1, v51;
	[tilespmem:v54+s25+$0x0] =	vst.idx.msk $0xffff, v61  }
0x7e5: {  	v63 =	vadd.f32 v7, v53;
	[tilespmem:v57+s25+$0x0] =	vst.idx.msk $0xffff, v6  }
0x7e6: {  	v22 =	vld [tilespmem:$0x1FF90];
	[tilespmem:v59+s25+$0x0] =	vst.idx.msk $0xffff, v62  }
0x7e7: {  	s8 =	sadd.s32 $0x200, s8;
	v24 =	vld [tilespmem:$0x1FFD0];
	s11 =	smov.u32 s9;
	[tilespmem:v3+s25+$0x0] =	vst.idx.msk $0xffff, v63  }
0x7e8: {  	s8 =	simm.s32 $0x18C00  }
0x7e9: {  	[hbm4b:s17+s5] =	stream.linear.scatter [tilespmem:s8], [sflag:$0x4], $0x80, $0x38;
	[tilespmem:$0x1D180] =	vst v63  }
0x7ea: {  	s19 =	simm.s32 $0x18C88;
	s9 =	sadd.s32 $0x10, s17  }
0x7eb: {  	[hbm4b:s9+s5] =	stream.linear.scatter [tilespmem:s19], [sflag:$0x4], $0x80, $0x38;
	[tilespmem:$0x1D180] =	vst v63  }
0x7ec: {  	s29 =	simm.s32 $0x18D10;
	s31 =	sadd.s32 $0x20, s17;
	s11 =	simm.s32 $0x18D98  }
0x7ed: {  	[hbm4b:s31+s5] =	stream.linear.scatter [tilespmem:s29], [sflag:$0x4], $0x80, $0x38;
	[tilespmem:$0x1D180] =	vst v63  }
0x7ee: {  	s12 =	sadd.s32 $0x30, s17;
	s13 =	simm.s32 $0x18E20;
	s16 =	sadd.s32 $0x40, s17  }
0x7ef: {  	[hbm4b:s12+s5] =	stream.linear.scatter [tilespmem:s11], [sflag:$0x4], $0x80, $0x38;
	[tilespmem:$0x1D180] =	vst v63  }
0x7f0: {  	s18 =	simm.s32 $0x18EA8;
	s8 =	simm.s32 $0x440;
	s19 =	sadd.s32 $0x50, s17  }
0x7f1: {  	[hbm4b:s16+s5] =	stream.linear.scatter [tilespmem:s13], [sflag:$0x4], $0x80, $0x38;
	[tilespmem:$0x1D180] =	vst v63  }
0x7f2: {  	s9 =	sadd.s32 $0x1000, s17;
	s29 =	simm.s32 $0x18F30;
	s31 =	sadd.s32 $0x60, s17  }
0x7f3: {  	[hbm4b:s19+s5] =	stream.linear.scatter [tilespmem:s18], [sflag:$0x4], $0x80, $0x38;
	[tilespmem:$0x1D180] =	vst v63  }
0x7f4: {  	s11 =	simm.s32 $0x2200;
	s13 =	simm.s32 $0x18FB8;
	s18 =	sadd.s32 $0x70, s17  }
0x7f5: {  	[hbm4b:s31+s5] =	stream.linear.scatter [tilespmem:s29], [sflag:$0x4], $0x80, $0x38;
	[tilespmem:$0x1D180] =	vst v63  }
.LBB2_28:
0x7f6: {  	[hbm4b:s18+s5] =	stream.linear.scatter [tilespmem:s13], [sflag:$0x4], $0x80, $0x38;
	[tilespmem:$0x1D180] =	vst v63  }
0x7f7: {  	s12 =	smov.u32 s8;
	s8 =	smov.u32 s11  }
0x7f8: {  	s16 =	sadd.s32 $0x1100, s11;
	s8 =	sshra.s32 s8, $0x2;
	s13 =	sadd.s32 $0x18C00, s12  }
0x7f9: {  	[hbm4b:s9+s5] =	stream.linear.scatter [tilespmem:s13], [sflag:$0x4], $0x80, $0x38;
	[tilespmem:$0x1D180] =	vst v63  }
0x7fa: {  	p0 =	sne.s32 s11, $0xFF00;
	s11 =	sadd.s32 $0x18C88, s12;
	s13 =	sadd.s32 $0x10, s9  }
0x7fb: {  	[hbm4b:s13+s5] =	stream.linear.scatter [tilespmem:s11], [sflag:$0x4], $0x80, $0x38;
	[tilespmem:$0x1D180] =	vst v63  }
0x7fc: {  	s11 =	sadd.s32 $0x18D10, s12;
	s13 =	sadd.s32 $0x20, s9  }
0x7fd: {  	[hbm4b:s13+s5] =	stream.linear.scatter [tilespmem:s11], [sflag:$0x4], $0x80, $0x38;
	[tilespmem:$0x1D180] =	vst v63  }
0x7fe: {  	s11 =	sadd.s32 $0x18D98, s12;
	s13 =	sadd.s32 $0x30, s9  }
0x7ff: {  	[hbm4b:s13+s5] =	stream.linear.scatter [tilespmem:s11], [sflag:$0x4], $0x80, $0x38;
	[tilespmem:$0x1D180] =	vst v63  }
0x800: {  	s11 =	sadd.s32 $0x18E20, s12;
	s13 =	sadd.s32 $0x40, s9  }
0x801: {  	[hbm4b:s13+s5] =	stream.linear.scatter [tilespmem:s11], [sflag:$0x4], $0x80, $0x38;
	[tilespmem:$0x1D180] =	vst v63  }
.Ltmp13:
0x802: {  	s11 =	sadd.s32 $0x18EA8, s12;
	s13 =	sadd.s32 $0x50, s9;
	(pc) =	sbr.rel @p0 .LBB2_28-.Ltmp13, $4  }
0x803: {  	[hbm4b:s13+s5] =	stream.linear.scatter [tilespmem:s11], [sflag:$0x4], $0x80, $0x38;
	[tilespmem:$0x1D180] =	vst v63  }
0x804: {  	s18 =	sadd.s32 $0x70, s9;
	s11 =	sadd.s32 $0x18F30, s12;
	s13 =	sadd.s32 $0x60, s9  }
0x805: {  	[hbm4b:s13+s5] =	stream.linear.scatter [tilespmem:s11], [sflag:$0x4], $0x80, $0x38;
	[tilespmem:$0x1D180] =	vst v63  }
0x806: {  	s9 =	sadd.s32 $0x1000, s9;
	s13 =	sadd.s32 $0x18FB8, s12;
	s11 =	smov.u32 s16  }
0x807: {  	[hbm4b:s18+s5] =	stream.linear.scatter [tilespmem:s13], [sflag:$0x4], $0x80, $0x38;
	[tilespmem:$0x1D180] =	vst v63  }
0x808: {  	s11 =	sadd.s32 $0x18C00, s8  }
0x809: {  	[hbm4b:s9+s5] =	stream.linear.scatter [tilespmem:s11], [sflag:$0x4], $0x80, $0x38;
	[tilespmem:$0x1D180] =	vst v63  }
0x80a: {  	s19 =	sadd.s32 $0x18C88, s8;
	s12 =	sadd.s32 $0x10, s9  }
0x80b: {  	[hbm4b:s12+s5] =	stream.linear.scatter [tilespmem:s19], [sflag:$0x4], $0x80, $0x38;
	[tilespmem:$0x1D180] =	vst v63  }
0x80c: {  	s29 =	sadd.s32 $0x18D10, s8;
	s31 =	sadd.s32 $0x20, s9  }
0x80d: {  	[hbm4b:s31+s5] =	stream.linear.scatter [tilespmem:s29], [sflag:$0x4], $0x80, $0x38;
	[tilespmem:$0x1D180] =	vst v63  }
0x80e: {  	s13 =	sadd.s32 $0x18D98, s8;
	s16 =	sadd.s32 $0x30, s9  }
0x80f: {  	[hbm4b:s16+s5] =	stream.linear.scatter [tilespmem:s13], [sflag:$0x4], $0x80, $0x38;
	[tilespmem:$0x1D180] =	vst v63  }
0x810: {  	s18 =	sadd.s32 $0x18E20, s8;
	s19 =	sadd.s32 $0x40, s9  }
0x811: {  	[hbm4b:s19+s5] =	stream.linear.scatter [tilespmem:s18], [sflag:$0x4], $0x80, $0x38;
	[tilespmem:$0x1D180] =	vst v63  }
0x812: {  	s29 =	sadd.s32 $0x18EA8, s8;
	s31 =	sadd.s32 $0x50, s9  }
0x813: {  	[hbm4b:s31+s5] =	stream.linear.scatter [tilespmem:s29], [sflag:$0x4], $0x80, $0x38;
	[tilespmem:$0x1D180] =	vst v63  }
0x814: {  	s13 =	sadd.s32 $0x18F30, s8;
	s16 =	sadd.s32 $0x60, s9  }
0x815: {  	[hbm4b:s16+s5] =	stream.linear.scatter [tilespmem:s13], [sflag:$0x4], $0x80, $0x38;
	[tilespmem:$0x1D180] =	vst v63  }
0x816: {  	s18 =	sadd.s32 $0x18FB8, s8;
	s19 =	sadd.s32 $0x70, s9  }
0x817: {  	[hbm4b:s19+s5] =	stream.linear.scatter [tilespmem:s18], [sflag:$0x4], $0x80, $0x38;
	[tilespmem:$0x1D180] =	vst v63  }
0x818: {  	_ =	swait.ge [sflag:s20], $0x4000  }
0x819: {  	[sflag:s20] =	ssyncset.done $0x0  }
0x81a: {  	[sflag:s20] =	ssyncadd.s32 $0xFFFFC000  }
0x81b: {  	_ =	swait.ge [sflag:s21], $0x4000  }
0x81c: {  	v8 =	vld [tilespmem:$0x1FEF0]  }
0x81d: {  	v9 =	vld [tilespmem:$0x1FF00]  }
0x81e: {  	v10 =	vld [tilespmem:$0x1FF10]  }
0x81f: {  	s29 =	rddreg [dreg:$0xc];
	v11 =	vld [tilespmem:$0x1FF20]  }
0x820: {  	s31 =	rddreg [dreg:$0xb];
	v13 =	vld [tilespmem:$0x1FF30];
	s9 =	sadd.s32 $0x1, s29  }
0x821: {  	v14 =	vld [tilespmem:$0x1FF40];
	p0 =	sne.s32 s9, s31  }
.Ltmp14:
0x822: {  	v15 =	vld [tilespmem:$0x1FF50];
	(pc) =	sbr.rel @p0 .LBB2_1-.Ltmp14, $4  }
0x823: {  	v7 =	vld [tilespmem:$0x1FF60]  }
0x824: {  	v12 =	vld [tilespmem:$0x1FFB0]  }
0x825: {  	[sflag:s21] =	ssyncset.done $0x0;
	v20 =	vld [tilespmem:$0x1FFE0]  }
0x826: {  	v21 =	vld [tilespmem:$0x1FFF0];
	[sflag:s21] =	ssyncadd.s32 $0xFFFFC000  }
0x827: {  	_ =	sfence.sel $0x180000  }
0x828: {  	[bflag:$0x0] =	sbarrier.arrive $0xFFFF  }
0x829: {  	_ =	strace $0x90000047  }
0x82a: {  	s0 =	stileid.u32;
	[bflag:$0x2] =	sbarrier.arrive $0xFFFF  }
0x82b: {  	p0 =	sne.s32 s0, $0x0;
	s0 =	rddreg [dreg:$0x4]  }
0x82c: {  	s0 =	sadd.s32 @!p0 $0x100000, s0  }
0x82d: {  	[sflag:s0] =	ssyncadd.tile.s32 @!p0 $0x1;
	_ =	shalt  }
.Lfunc_end2:
_tile_overlayer_lowered:
.L_overlay_start_2:
0x82e: {  	(tag) =	ssettag $0x2  }
0x82f: {  	s0 =	rddreg [dreg:$0x0];
	s2 =	stileid.u32  }
0x830: {  	s1 =	rddreg [dreg:$0x1];
	p0 =	sne.s32 s2, $0x0  }
0x831: {  	s3 =	rddreg [dreg:$0x2];
	[bflag:$0x3] =	sbarrier.arrive $0xFFFF;
	s2 =	simm.s32 @!p0 $0x1C05  }
0x832: {  	[timem:s3], [sflag:s2] =	dma.local @!p0 [hbm:s0], s1  }
0x833: {  	s0 =	simm.s32 @!p0 $0x5  }
0x834: {  	_ =	swait.ge @!p0 [sflag:s0], s1  }
0x835: {  	s1 =	ssub.s32 @!p0 $0x0, s1;
	[sflag:s0] =	ssyncset.done @!p0 $0x0  }
0x836: {  	[sflag:s0] =	ssyncadd.s32 @!p0 s1  }
0x837: {  	[bflag:$0x3] =	sbarrier.arrive $0xFFFF  }
0x838: {  	_ =	shalt  }

</sc_bundles>
